<compile_context>
chip_gen: v7x
topology: tpu7x:2x2x1
jax: 0.10.2.dev20260603
libtpu: 0.0.44.dev20260713+nightly
codegen_flags: <defaults>
</compile_context>

<pallas_src>
import jax
import jax.numpy as jnp
import numpy as np
from jax import lax
from jax.experimental import pallas as pl
from jax.experimental.pallas import tpu as pltpu
from jax.experimental.pallas import tpu_sc as plsc

B, L, D = 64, 8192, 64
LANES = 16
CH = L // LANES
NBKT = 256
NPASS = 4
VSTEP = L // LANES
RPC = 32
DP = D // 2

MINI32 = np.int32(-2147483648)


def _srl(x, n):
    return lax.shift_right_logical(x, lax.full(x.shape, np.int32(n), np.int32))


def _sc_body(qt, qe, kt, ke, qt_o, qe_o, kt_o, ke_o,
             tf32, ka, vx, kb, cnt, is0,
             inb0, inb1, orow0, orow1, isem0, isem1, osem0, osem1):
    c = lax.axis_index("c")
    s = lax.axis_index("s")
    lane = lax.iota(jnp.int32, LANES)
    ones = lax.full((LANES,), np.int32(1), np.int32)
    inbs = (inb0, inb1)
    orows = (orow0, orow1)
    isems = (isem0, isem1)
    osems = (osem0, osem1)

    for g, (t_in, e_in, t_out, e_out) in enumerate(
            ((qt, qe, qt_o, qe_o), (kt, ke, kt_o, ke_o))):
        for r in range(2):
            row = c * RPC + s * 2 + r
            slot = is0

            pltpu.sync_copy(t_in.at[row], tf32)

            def premap(i, carry):
                x = tf32[pl.ds(i * LANES, LANES)]
                bits = lax.bitcast_convert_type(x, jnp.int32)
                ka[pl.ds(i * LANES, LANES)] = jnp.where(bits < 0, ~bits,
                                                        bits ^ MINI32)
                return carry
            lax.fori_loop(0, VSTEP, premap, 0)

            bufs = ((ka, None, kb, vx), (kb, vx, ka, slot),
                    (ka, slot, kb, vx), (kb, vx, ka, slot))
            for p in range(NPASS):
                src_k, src_v, dst_k, dst_v = bufs[p]
                shift = 8 * p

                def clear(j, carry):
                    cnt[pl.ds(j * LANES, LANES)] = lax.full(
                        (LANES,), np.int32(0), np.int32)
                    return carry
                lax.fori_loop(0, NBKT, clear, 0)

                def hist(tt, carry):
                    idxv = lane * CH + tt
                    k = plsc.load_gather(src_k, [idxv])
                    d = _srl(k, shift) & 255
                    plsc.addupdate_scatter(cnt, [d * LANES + lane], ones)
                    return carry
                lax.fori_loop(0, CH, hist, 0)

                def scan(j, carry):
                    x = cnt[pl.ds(j * LANES, LANES)]
                    inc = plsc.cumsum(x)
                    cnt[pl.ds(j * LANES, LANES)] = inc - x + carry
                    return carry + jnp.sum(x, axis=0)
                lax.fori_loop(0, NBKT, scan, np.int32(0))

                def permute(tt, carry):
                    idxv = lane * CH + tt
                    k = plsc.load_gather(src_k, [idxv])
                    d = _srl(k, shift) & 255
                    cidx = d * LANES + lane
                    rk = plsc.load_gather(cnt, [cidx])
                    plsc.store_scatter(cnt, [cidx], rk + 1)
                    plsc.store_scatter(dst_k, [rk], k)
                    v = idxv if p == 0 else plsc.load_gather(src_v, [idxv])
                    plsc.store_scatter(dst_v, [rk], v)
                    return carry
                lax.fori_loop(0, CH, permute, 0)

            def unmap(i, carry):
                u = ka[pl.ds(i * LANES, LANES)]
                bits = jnp.where(u < 0, u ^ MINI32, ~u)
                tf32[pl.ds(i * LANES, LANES)] = lax.bitcast_convert_type(
                    bits, jnp.float32)
                return carry
            lax.fori_loop(0, VSTEP, unmap, 0)
            pltpu.sync_copy(tf32, t_out.at[row])

            def in_start(dp, b):
                pltpu.async_copy(e_in.at[row, pl.ds(dp * 2, 2)],
                                 inbs[b], isems[b])

            def in_wait(dp, b):
                pltpu.make_async_copy(e_in.at[row, pl.ds(dp * 2, 2)],
                                      inbs[b], isems[b]).wait()

            def out_start(dp, b):
                pltpu.async_copy(orows[b], e_out.at[row, pl.ds(dp * 2, 2)],
                                 osems[b])

            def out_wait(dp, b):
                pltpu.make_async_copy(orows[b],
                                      e_out.at[row, pl.ds(dp * 2, 2)],
                                      osems[b]).wait()

            def permute_pair(dp, b):
                in_wait(dp, b)

                def step(t, carry):
                    iv = slot[pl.ds(t * LANES, LANES)]
                    svec = lane + t * LANES
                    for r2 in range(2):
                        r2v = lax.full((LANES,), np.int32(r2), np.int32)
                        v = plsc.load_gather(inbs[b], [r2v, iv])
                        plsc.store_scatter(orows[b], [r2v, svec], v)
                    return carry
                lax.fori_loop(0, VSTEP, step, 0)

            in_start(0, 0)
            in_start(1, 1)
            for dp in range(2):
                permute_pair(dp, dp)
                out_start(dp, dp)
                in_start(dp + 2, dp)

            def ring(it, carry):
                for b in range(2):
                    dp = it * 2 + b
                    out_wait(dp - 2, b)
                    permute_pair(dp, b)
                    out_start(dp, b)
                    in_start(dp + 2, b)
                return carry
            lax.fori_loop(1, DP // 2 - 1, ring, 0)
            for b in range(2):
                dp = DP - 2 + b
                out_wait(dp - 2, b)
                permute_pair(dp, b)
                out_start(dp, b)
            for b in range(2):
                out_wait(DP - 2 + b, b)


def kernel(query_time, query_embed, key_time, key_embed):
    qe = query_embed.transpose(0, 2, 1)
    ke = key_embed.transpose(0, 2, 1)
    mesh = plsc.VectorSubcoreMesh(core_axis_name="c", subcore_axis_name="s")
    f = pl.kernel(
        _sc_body,
        out_type=(
            jax.ShapeDtypeStruct((B, L), jnp.float32),
            jax.ShapeDtypeStruct((B, D, L), jnp.float32),
            jax.ShapeDtypeStruct((B, L), jnp.float32),
            jax.ShapeDtypeStruct((B, D, L), jnp.float32),
        ),
        mesh=mesh,
        compiler_params=pltpu.CompilerParams(needs_layout_passes=False),
        scratch_types=[
            pltpu.VMEM((L,), jnp.float32),
            pltpu.VMEM((L,), jnp.int32),
            pltpu.VMEM((L,), jnp.int32),
            pltpu.VMEM((L,), jnp.int32),
            pltpu.VMEM((NBKT * LANES,), jnp.int32),
            pltpu.VMEM((L,), jnp.int32),
            pltpu.VMEM((2, L), jnp.float32),
            pltpu.VMEM((2, L), jnp.float32),
            pltpu.VMEM((2, L), jnp.float32),
            pltpu.VMEM((2, L), jnp.float32),
            pltpu.SemaphoreType.DMA,
            pltpu.SemaphoreType.DMA,
            pltpu.SemaphoreType.DMA,
            pltpu.SemaphoreType.DMA,
        ],
    )
    qt_s, qe_s, kt_s, ke_s = f(query_time, qe, key_time, ke)
    return (qt_s, qe_s.transpose(0, 2, 1),
            kt_s, ke_s.transpose(0, 2, 1))

# --- scband reference (transcript-rebuilt; emitter-appended) ---
"""Pipeline reference for scband-sorter-44315472560476 (READ-ONLY COPY).

The authoritative reference and input builder live on the scoring server;
editing this copy changes nothing except your own understanding.
"""

import jax, jax.numpy as jnp
import numpy as np


def setup_inputs(seed: int = 0) -> dict:
    key = jax.random.key(seed)
    k1, k2, k3, k4 = jax.random.split(key, 4)
    B, L, D = 64, 8192, 64
    return {
        "query_time": jax.random.uniform(k1, (B, L), dtype=jnp.float32),
        "query_embed": jax.random.normal(k2, (B, L, D), dtype=jnp.float32),
        "key_time": jax.random.uniform(k3, (B, L), dtype=jnp.float32),
        "key_embed": jax.random.normal(k4, (B, L, D), dtype=jnp.float32),
    }


def reference(query_time, query_embed, key_time, key_embed):
    # Faithful translation of Sorter.sort_inputs with input_names=['query'],
    # input_sort_field='time'. For each input group ('query', 'key'):
    #   sort_idx = argsort(<name>_time, dim=-1)
    #   <name>_embed  -> gather along dim 1 with idx expanded over feature dim
    #   <name>_time   -> gather along dim 1 (key startswith input_name branch)
    q_idx = jnp.argsort(query_time, axis=-1)
    k_idx = jnp.argsort(key_time, axis=-1)

    query_embed_sorted = jnp.take_along_axis(query_embed, q_idx[:, :, None], axis=1)
    query_time_sorted = jnp.take_along_axis(query_time, q_idx, axis=1)

    key_embed_sorted = jnp.take_along_axis(key_embed, k_idx[:, :, None], axis=1)
    key_time_sorted = jnp.take_along_axis(key_time, k_idx, axis=1)

    return (query_time_sorted, query_embed_sorted, key_time_sorted, key_embed_sorted)

if __name__ == "__main__":
    import jax
    _d = setup_inputs()
    print(jax.jit(kernel)(*tuple(_d.values())))

</pallas_src>

<mosaic_0001>
#map = affine_map<(d0, d1) -> (0, 0)>
#map1 = affine_map<(d0, d1) -> (0, 0, 0)>
module attributes {stable_mosaic.version = 14 : i64} {
  func.func @_sc_body(%arg0: i32, %arg1: i32, %arg2: memref<64x8192xf32, #tpu.memory_space<hbm>>, %arg3: memref<64x64x8192xf32, #tpu.memory_space<hbm>>, %arg4: memref<64x8192xf32, #tpu.memory_space<hbm>>, %arg5: memref<64x64x8192xf32, #tpu.memory_space<hbm>>, %arg6: memref<64x8192xf32, #tpu.memory_space<hbm>>, %arg7: memref<64x64x8192xf32, #tpu.memory_space<hbm>>, %arg8: memref<64x8192xf32, #tpu.memory_space<hbm>>, %arg9: memref<64x64x8192xf32, #tpu.memory_space<hbm>>, %arg10: memref<8192xf32, #tpu.memory_space<vmem>>, %arg11: memref<8192xi32, #tpu.memory_space<vmem>>, %arg12: memref<8192xi32, #tpu.memory_space<vmem>>, %arg13: memref<8192xi32, #tpu.memory_space<vmem>>, %arg14: memref<4096xi32, #tpu.memory_space<vmem>>, %arg15: memref<8192xi32, #tpu.memory_space<vmem>>, %arg16: memref<2x8192xf32, #tpu.memory_space<vmem>>, %arg17: memref<2x8192xf32, #tpu.memory_space<vmem>>, %arg18: memref<2x8192xf32, #tpu.memory_space<vmem>>, %arg19: memref<2x8192xf32, #tpu.memory_space<vmem>>, %arg20: memref<!tpu.dma_semaphore, #tpu.memory_space<semaphore_mem>>, %arg21: memref<!tpu.dma_semaphore, #tpu.memory_space<semaphore_mem>>, %arg22: memref<!tpu.dma_semaphore, #tpu.memory_space<semaphore_mem>>, %arg23: memref<!tpu.dma_semaphore, #tpu.memory_space<semaphore_mem>>) attributes {dimension_semantics = [#tpu.dimension_semantics<core_parallel>, #tpu.dimension_semantics<subcore_parallel>], iteration_bounds = array<i64: 2, 16>, scalar_prefetch = 0 : i64, scratch_operands = 14 : i64, tpu.core_type = #tpu.core_type<sc_vector_subcore>, window_params = [{transform_indices = #map}, {transform_indices = #map1}, {transform_indices = #map}, {transform_indices = #map1}, {transform_indices = #map}, {transform_indices = #map1}, {transform_indices = #map}, {transform_indices = #map1}]} {
    %iota3A = tpu.iota {dimensions = array<i32: 0>} : vector<16xi32>
    %broadcast_in_dim3A = arith.constant 1 : i32
    %broadcast_in_dim3A_0 = vector.broadcast %broadcast_in_dim3A : i32 to vector<16xi32>
    %mul3A = arith.constant 32 : i32
    %mul3A_1 = arith.muli %arg0, %mul3A : i32
    %mul3A_2 = arith.constant 2 : i32
    %mul3A_3 = arith.muli %arg1, %mul3A_2 : i32
    %add3A = arith.addi %mul3A_1, %mul3A_3 : i32
    %add3A_4 = arith.constant 0 : i32
    %add3A_5 = arith.addi %add3A, %add3A_4 : i32
    "tpu.region"() ({
      %run_scoped3A = tpu.sem_alloc : memref<!tpu.dma_semaphore, #tpu.memory_space<semaphore_mem>>
      %dma_start3A_1104 = arith.constant 0 : i32
      %dma_start3A_1105 = tpu.memref_slice %arg2[%add3A_5, %dma_start3A_1104] : memref<64x8192xf32, #tpu.memory_space<hbm>> -> memref<1x8192xf32, #tpu.memory_space<hbm>>
      %dma_start3A_1106 = tpu.memref_squeeze %dma_start3A_1105 : memref<1x8192xf32, #tpu.memory_space<hbm>> -> memref<8192xf32, #tpu.memory_space<hbm>>
      %dma_start3A_1107 = arith.constant 0 : i32
      %dma_start3A_1108 = tpu.memref_slice %arg2[%add3A_5, %dma_start3A_1107] : memref<64x8192xf32, #tpu.memory_space<hbm>> -> memref<1x8192xf32, #tpu.memory_space<hbm>>
      %dma_start3A_1109 = tpu.memref_squeeze %dma_start3A_1108 : memref<1x8192xf32, #tpu.memory_space<hbm>> -> memref<8192xf32, #tpu.memory_space<hbm>>
      tpu.enqueue_dma source(%dma_start3A_1109 : memref<8192xf32, #tpu.memory_space<hbm>>) target(%arg10 : memref<8192xf32, #tpu.memory_space<vmem>>) target_semaphore(%run_scoped3A : memref<!tpu.dma_semaphore, #tpu.memory_space<semaphore_mem>>)
      %dma_wait3A_1110 = arith.constant 0 : i32
      %dma_wait3A_1111 = tpu.memref_slice %arg2[%add3A_5, %dma_wait3A_1110] : memref<64x8192xf32, #tpu.memory_space<hbm>> -> memref<1x8192xf32, #tpu.memory_space<hbm>>
      %dma_wait3A_1112 = tpu.memref_squeeze %dma_wait3A_1111 : memref<1x8192xf32, #tpu.memory_space<hbm>> -> memref<8192xf32, #tpu.memory_space<hbm>>
      %dma_wait3A_1113 = arith.constant 0 : i32
      %dma_wait3A_1114 = tpu.memref_slice %arg2[%add3A_5, %dma_wait3A_1113] : memref<64x8192xf32, #tpu.memory_space<hbm>> -> memref<1x8192xf32, #tpu.memory_space<hbm>>
      %dma_wait3A_1115 = tpu.memref_squeeze %dma_wait3A_1114 : memref<1x8192xf32, #tpu.memory_space<hbm>> -> memref<8192xf32, #tpu.memory_space<hbm>>
      tpu.wait_dma2 semaphore(%run_scoped3A : memref<!tpu.dma_semaphore, #tpu.memory_space<semaphore_mem>>) src(%dma_wait3A_1115 : memref<8192xf32, #tpu.memory_space<hbm>>) dst(%arg10 : memref<8192xf32, #tpu.memory_space<vmem>>)
      tpu.yield
    }) : () -> ()
    %scan3A = arith.constant 0 : i32
    %scan3A_6 = arith.constant 0 : i32
    %scan3A_7 = arith.constant 512 : i32
    %scan3A_8 = arith.addi %scan3A_6, %scan3A_7 : i32
    %scan3A_9 = arith.constant 1 : i32
    scf.for %scan3A_1104 = %scan3A_6 to %scan3A_8 step %scan3A_9  : i32 {
      %mul3A_1105 = arith.constant 16 : i32
      %mul3A_1106 = arith.muli %scan3A_1104, %mul3A_1105 : i32
      %get3A = arith.index_cast %mul3A_1106 : i32 to index
      %get3A_1107 = tpu.vector_load %arg10[%get3A] {strides = array<i32>} : memref<8192xf32, #tpu.memory_space<vmem>>, vector<16xf32>,
      %bitcast_convert_type3A = tpu.bitcast %get3A_1107 : vector<16xf32> -> vector<16xi32>
      %lt3A = arith.constant 0 : i32
      %lt3A_1108 = vector.broadcast %lt3A : i32 to vector<16xi32>
      %lt3A_1109 = arith.cmpi slt, %bitcast_convert_type3A, %lt3A_1108 : vector<16xi32>
      %not3A = arith.constant dense<-1> : vector<16xi32>
      %not3A_1110 = arith.xori %bitcast_convert_type3A, %not3A : vector<16xi32>
      %xor3A = arith.constant -2147483648 : i32
      %xor3A_1111 = vector.broadcast %xor3A : i32 to vector<16xi32>
      %xor3A_1112 = arith.xori %bitcast_convert_type3A, %xor3A_1111 : vector<16xi32>
      %select_n3A = arith.select %lt3A_1109, %not3A_1110, %xor3A_1112 : vector<16xi1>, vector<16xi32>
      %mul3A_1113 = arith.constant 16 : i32
      %mul3A_1114 = arith.muli %scan3A_1104, %mul3A_1113 : i32
      %swap3A = arith.index_cast %mul3A_1114 : i32 to index
      %swap3A_1115 = tpu.vector_load %arg11[%swap3A] {strides = array<i32>} : memref<8192xi32, #tpu.memory_space<vmem>>, vector<16xi32>,
      tpu.vector_store %arg11[%swap3A], %select_n3A {strides = array<i32>} : memref<8192xi32, #tpu.memory_space<vmem>>, vector<16xi32>,
    }
    %scan3A_10 = arith.constant 512 : i32
    %scan3A_11 = arith.constant 0 : i32
    %scan3A_12 = arith.constant 0 : i32
    %scan3A_13 = arith.constant 256 : i32
    %scan3A_14 = arith.addi %scan3A_12, %scan3A_13 : i32
    %scan3A_15 = arith.constant 1 : i32
    scf.for %scan3A_1104 = %scan3A_12 to %scan3A_14 step %scan3A_15  : i32 {
      %broadcast_in_dim3A_1105 = arith.constant 0 : i32
      %broadcast_in_dim3A_1106 = vector.broadcast %broadcast_in_dim3A_1105 : i32 to vector<16xi32>
      %mul3A_1107 = arith.constant 16 : i32
      %mul3A_1108 = arith.muli %scan3A_1104, %mul3A_1107 : i32
      %swap3A = arith.index_cast %mul3A_1108 : i32 to index
      %swap3A_1109 = tpu.vector_load %arg14[%swap3A] {strides = array<i32>} : memref<4096xi32, #tpu.memory_space<vmem>>, vector<16xi32>,
      tpu.vector_store %arg14[%swap3A], %broadcast_in_dim3A_1106 {strides = array<i32>} : memref<4096xi32, #tpu.memory_space<vmem>>, vector<16xi32>,
    }
    %scan3A_16 = arith.constant 256 : i32
    %scan3A_17 = arith.constant 0 : i32
    %scan3A_18 = arith.constant 0 : i32
    %scan3A_19 = arith.constant 512 : i32
    %scan3A_20 = arith.addi %scan3A_18, %scan3A_19 : i32
    %scan3A_21 = arith.constant 1 : i32
    scf.for %scan3A_1104 = %scan3A_18 to %scan3A_20 step %scan3A_21  : i32 {
      %mul3A_1105 = arith.constant 512 : i32
      %mul3A_1106 = vector.broadcast %mul3A_1105 : i32 to vector<16xi32>
      %mul3A_1107 = arith.muli %iota3A, %mul3A_1106 : vector<16xi32>
      %add3A_1108 = vector.broadcast %scan3A_1104 : i32 to vector<16xi32>
      %add3A_1109 = arith.addi %mul3A_1107, %add3A_1108 : vector<16xi32>
      %gather3A = tpu.vector_load_idx %arg11[%add3A_1109] : memref<8192xi32, #tpu.memory_space<vmem>>[vector<16xi32>], vector<16xi32>,
      %broadcast_in_dim3A_1110 = arith.constant 0 : i32
      %broadcast_in_dim3A_1111 = vector.broadcast %broadcast_in_dim3A_1110 : i32 to vector<16xi32>
      %shift_right_logical3A = arith.shrui %gather3A, %broadcast_in_dim3A_1111 : vector<16xi32>
      %and3A = arith.constant 255 : i32
      %and3A_1112 = vector.broadcast %and3A : i32 to vector<16xi32>
      %and3A_1113 = arith.andi %shift_right_logical3A, %and3A_1112 : vector<16xi32>
      %mul3A_1114 = arith.constant 16 : i32
      %mul3A_1115 = vector.broadcast %mul3A_1114 : i32 to vector<16xi32>
      %mul3A_1116 = arith.muli %and3A_1113, %mul3A_1115 : vector<16xi32>
      %add3A_1117 = arith.addi %mul3A_1116, %iota3A : vector<16xi32>
      tpu.vector_store_idx %arg14[%add3A_1117], %broadcast_in_dim3A_0 {add = true} : memref<4096xi32, #tpu.memory_space<vmem>>[vector<16xi32>], vector<16xi32>,
    }
    %scan3A_22 = arith.constant 512 : i32
    %scan3A_23 = arith.constant 0 : i32
    %scan3A_24 = arith.constant 0 : i32
    %scan3A_25 = arith.constant 256 : i32
    %scan3A_26 = arith.addi %scan3A_24, %scan3A_25 : i32
    %scan3A_27 = arith.constant 1 : i32
    %scan3A_28 = scf.for %scan3A_1104 = %scan3A_24 to %scan3A_26 step %scan3A_27 iter_args(%scan3A_1105 = %scan3A_23) -> (i32)  : i32 {
      %mul3A_1106 = arith.constant 16 : i32
      %mul3A_1107 = arith.muli %scan3A_1104, %mul3A_1106 : i32
      %get3A = arith.index_cast %mul3A_1107 : i32 to index
      %get3A_1108 = tpu.vector_load %arg14[%get3A] {strides = array<i32>} : memref<4096xi32, #tpu.memory_space<vmem>>, vector<16xi32>,
      %broadcast_in_dim3A_1109 = arith.constant true
      %broadcast_in_dim3A_1110 = vector.broadcast %broadcast_in_dim3A_1109 : i1 to vector<16xi1>
      %masked_cumsum3A = tpu.scan <sum>, %get3A_1108 masked %broadcast_in_dim3A_1110 : vector<16xi32>, vector<16xi1> -> vector<16xi32>
      %sub3A = arith.subi %masked_cumsum3A, %get3A_1108 : vector<16xi32>
      %add3A_1111 = vector.broadcast %scan3A_1105 : i32 to vector<16xi32>
      %add3A_1112 = arith.addi %sub3A, %add3A_1111 : vector<16xi32>
      %mul3A_1113 = arith.constant 16 : i32
      %mul3A_1114 = arith.muli %scan3A_1104, %mul3A_1113 : i32
      %swap3A = arith.index_cast %mul3A_1114 : i32 to index
      %swap3A_1115 = tpu.vector_load %arg14[%swap3A] {strides = array<i32>} : memref<4096xi32, #tpu.memory_space<vmem>>, vector<16xi32>,
      tpu.vector_store %arg14[%swap3A], %add3A_1112 {strides = array<i32>} : memref<4096xi32, #tpu.memory_space<vmem>>, vector<16xi32>,
      %reduce_sum3A = arith.constant true
      %reduce_sum3A_1116 = vector.broadcast %reduce_sum3A : i1 to vector<16xi1>
      %reduce_sum3A_1117 = tpu.scan <sum>, %get3A_1108 masked %reduce_sum3A_1116 : vector<16xi32>, vector<16xi1> -> vector<16xi32>
      %reduce_sum3A_1118 = vector.extract %reduce_sum3A_1117[15] : i32 from vector<16xi32>
      %add3A_1119 = arith.addi %scan3A_1105, %reduce_sum3A_1118 : i32
      scf.yield %add3A_1119 : i32
    }
    %scan3A_29 = arith.constant 256 : i32
    %scan3A_30 = arith.constant 0 : i32
    %scan3A_31 = arith.constant 0 : i32
    %scan3A_32 = arith.constant 512 : i32
    %scan3A_33 = arith.addi %scan3A_31, %scan3A_32 : i32
    %scan3A_34 = arith.constant 1 : i32
    scf.for %scan3A_1104 = %scan3A_31 to %scan3A_33 step %scan3A_34  : i32 {
      %mul3A_1105 = arith.constant 512 : i32
      %mul3A_1106 = vector.broadcast %mul3A_1105 : i32 to vector<16xi32>
      %mul3A_1107 = arith.muli %iota3A, %mul3A_1106 : vector<16xi32>
      %add3A_1108 = vector.broadcast %scan3A_1104 : i32 to vector<16xi32>
      %add3A_1109 = arith.addi %mul3A_1107, %add3A_1108 : vector<16xi32>
      %gather3A = tpu.vector_load_idx %arg11[%add3A_1109] : memref<8192xi32, #tpu.memory_space<vmem>>[vector<16xi32>], vector<16xi32>,
      %broadcast_in_dim3A_1110 = arith.constant 0 : i32
      %broadcast_in_dim3A_1111 = vector.broadcast %broadcast_in_dim3A_1110 : i32 to vector<16xi32>
      %shift_right_logical3A = arith.shrui %gather3A, %broadcast_in_dim3A_1111 : vector<16xi32>
      %and3A = arith.constant 255 : i32
      %and3A_1112 = vector.broadcast %and3A : i32 to vector<16xi32>
      %and3A_1113 = arith.andi %shift_right_logical3A, %and3A_1112 : vector<16xi32>
      %mul3A_1114 = arith.constant 16 : i32
      %mul3A_1115 = vector.broadcast %mul3A_1114 : i32 to vector<16xi32>
      %mul3A_1116 = arith.muli %and3A_1113, %mul3A_1115 : vector<16xi32>
      %add3A_1117 = arith.addi %mul3A_1116, %iota3A : vector<16xi32>
      %gather3A_1118 = tpu.vector_load_idx %arg14[%add3A_1117] : memref<4096xi32, #tpu.memory_space<vmem>>[vector<16xi32>], vector<16xi32>,
      %add3A_1119 = arith.constant 1 : i32
      %add3A_1120 = vector.broadcast %add3A_1119 : i32 to vector<16xi32>
      %add3A_1121 = arith.addi %gather3A_1118, %add3A_1120 : vector<16xi32>
      tpu.vector_store_idx %arg14[%add3A_1117], %add3A_1121 : memref<4096xi32, #tpu.memory_space<vmem>>[vector<16xi32>], vector<16xi32>,
      tpu.vector_store_idx %arg13[%gather3A_1118], %gather3A : memref<8192xi32, #tpu.memory_space<vmem>>[vector<16xi32>], vector<16xi32>,
      tpu.vector_store_idx %arg12[%gather3A_1118], %add3A_1109 : memref<8192xi32, #tpu.memory_space<vmem>>[vector<16xi32>], vector<16xi32>,
    }
    %scan3A_35 = arith.constant 512 : i32
    %scan3A_36 = arith.constant 0 : i32
    %scan3A_37 = arith.constant 0 : i32
    %scan3A_38 = arith.constant 256 : i32
    %scan3A_39 = arith.addi %scan3A_37, %scan3A_38 : i32
    %scan3A_40 = arith.constant 1 : i32
    scf.for %scan3A_1104 = %scan3A_37 to %scan3A_39 step %scan3A_40  : i32 {
      %broadcast_in_dim3A_1105 = arith.constant 0 : i32
      %broadcast_in_dim3A_1106 = vector.broadcast %broadcast_in_dim3A_1105 : i32 to vector<16xi32>
      %mul3A_1107 = arith.constant 16 : i32
      %mul3A_1108 = arith.muli %scan3A_1104, %mul3A_1107 : i32
      %swap3A = arith.index_cast %mul3A_1108 : i32 to index
      %swap3A_1109 = tpu.vector_load %arg14[%swap3A] {strides = array<i32>} : memref<4096xi32, #tpu.memory_space<vmem>>, vector<16xi32>,
      tpu.vector_store %arg14[%swap3A], %broadcast_in_dim3A_1106 {strides = array<i32>} : memref<4096xi32, #tpu.memory_space<vmem>>, vector<16xi32>,
    }
    %scan3A_41 = arith.constant 256 : i32
    %scan3A_42 = arith.constant 0 : i32
    %scan3A_43 = arith.constant 0 : i32
    %scan3A_44 = arith.constant 512 : i32
    %scan3A_45 = arith.addi %scan3A_43, %scan3A_44 : i32
    %scan3A_46 = arith.constant 1 : i32
    scf.for %scan3A_1104 = %scan3A_43 to %scan3A_45 step %scan3A_46  : i32 {
      %mul3A_1105 = arith.constant 512 : i32
      %mul3A_1106 = vector.broadcast %mul3A_1105 : i32 to vector<16xi32>
      %mul3A_1107 = arith.muli %iota3A, %mul3A_1106 : vector<16xi32>
      %add3A_1108 = vector.broadcast %scan3A_1104 : i32 to vector<16xi32>
      %add3A_1109 = arith.addi %mul3A_1107, %add3A_1108 : vector<16xi32>
      %gather3A = tpu.vector_load_idx %arg13[%add3A_1109] : memref<8192xi32, #tpu.memory_space<vmem>>[vector<16xi32>], vector<16xi32>,
      %broadcast_in_dim3A_1110 = arith.constant 8 : i32
      %broadcast_in_dim3A_1111 = vector.broadcast %broadcast_in_dim3A_1110 : i32 to vector<16xi32>
      %shift_right_logical3A = arith.shrui %gather3A, %broadcast_in_dim3A_1111 : vector<16xi32>
      %and3A = arith.constant 255 : i32
      %and3A_1112 = vector.broadcast %and3A : i32 to vector<16xi32>
      %and3A_1113 = arith.andi %shift_right_logical3A, %and3A_1112 : vector<16xi32>
      %mul3A_1114 = arith.constant 16 : i32
      %mul3A_1115 = vector.broadcast %mul3A_1114 : i32 to vector<16xi32>
      %mul3A_1116 = arith.muli %and3A_1113, %mul3A_1115 : vector<16xi32>
      %add3A_1117 = arith.addi %mul3A_1116, %iota3A : vector<16xi32>
      tpu.vector_store_idx %arg14[%add3A_1117], %broadcast_in_dim3A_0 {add = true} : memref<4096xi32, #tpu.memory_space<vmem>>[vector<16xi32>], vector<16xi32>,
    }
    %scan3A_47 = arith.constant 512 : i32
    %scan3A_48 = arith.constant 0 : i32
    %scan3A_49 = arith.constant 0 : i32
    %scan3A_50 = arith.constant 256 : i32
    %scan3A_51 = arith.addi %scan3A_49, %scan3A_50 : i32
    %scan3A_52 = arith.constant 1 : i32
    %scan3A_53 = scf.for %scan3A_1104 = %scan3A_49 to %scan3A_51 step %scan3A_52 iter_args(%scan3A_1105 = %scan3A_48) -> (i32)  : i32 {
      %mul3A_1106 = arith.constant 16 : i32
      %mul3A_1107 = arith.muli %scan3A_1104, %mul3A_1106 : i32
      %get3A = arith.index_cast %mul3A_1107 : i32 to index
      %get3A_1108 = tpu.vector_load %arg14[%get3A] {strides = array<i32>} : memref<4096xi32, #tpu.memory_space<vmem>>, vector<16xi32>,
      %broadcast_in_dim3A_1109 = arith.constant true
      %broadcast_in_dim3A_1110 = vector.broadcast %broadcast_in_dim3A_1109 : i1 to vector<16xi1>
      %masked_cumsum3A = tpu.scan <sum>, %get3A_1108 masked %broadcast_in_dim3A_1110 : vector<16xi32>, vector<16xi1> -> vector<16xi32>
      %sub3A = arith.subi %masked_cumsum3A, %get3A_1108 : vector<16xi32>
      %add3A_1111 = vector.broadcast %scan3A_1105 : i32 to vector<16xi32>
      %add3A_1112 = arith.addi %sub3A, %add3A_1111 : vector<16xi32>
      %mul3A_1113 = arith.constant 16 : i32
      %mul3A_1114 = arith.muli %scan3A_1104, %mul3A_1113 : i32
      %swap3A = arith.index_cast %mul3A_1114 : i32 to index
      %swap3A_1115 = tpu.vector_load %arg14[%swap3A] {strides = array<i32>} : memref<4096xi32, #tpu.memory_space<vmem>>, vector<16xi32>,
      tpu.vector_store %arg14[%swap3A], %add3A_1112 {strides = array<i32>} : memref<4096xi32, #tpu.memory_space<vmem>>, vector<16xi32>,
      %reduce_sum3A = arith.constant true
      %reduce_sum3A_1116 = vector.broadcast %reduce_sum3A : i1 to vector<16xi1>
      %reduce_sum3A_1117 = tpu.scan <sum>, %get3A_1108 masked %reduce_sum3A_1116 : vector<16xi32>, vector<16xi1> -> vector<16xi32>
      %reduce_sum3A_1118 = vector.extract %reduce_sum3A_1117[15] : i32 from vector<16xi32>
      %add3A_1119 = arith.addi %scan3A_1105, %reduce_sum3A_1118 : i32
      scf.yield %add3A_1119 : i32
    }
    %scan3A_54 = arith.constant 256 : i32
    %scan3A_55 = arith.constant 0 : i32
    %scan3A_56 = arith.constant 0 : i32
    %scan3A_57 = arith.constant 512 : i32
    %scan3A_58 = arith.addi %scan3A_56, %scan3A_57 : i32
    %scan3A_59 = arith.constant 1 : i32
    scf.for %scan3A_1104 = %scan3A_56 to %scan3A_58 step %scan3A_59  : i32 {
      %mul3A_1105 = arith.constant 512 : i32
      %mul3A_1106 = vector.broadcast %mul3A_1105 : i32 to vector<16xi32>
      %mul3A_1107 = arith.muli %iota3A, %mul3A_1106 : vector<16xi32>
      %add3A_1108 = vector.broadcast %scan3A_1104 : i32 to vector<16xi32>
      %add3A_1109 = arith.addi %mul3A_1107, %add3A_1108 : vector<16xi32>
      %gather3A = tpu.vector_load_idx %arg13[%add3A_1109] : memref<8192xi32, #tpu.memory_space<vmem>>[vector<16xi32>], vector<16xi32>,
      %broadcast_in_dim3A_1110 = arith.constant 8 : i32
      %broadcast_in_dim3A_1111 = vector.broadcast %broadcast_in_dim3A_1110 : i32 to vector<16xi32>
      %shift_right_logical3A = arith.shrui %gather3A, %broadcast_in_dim3A_1111 : vector<16xi32>
      %and3A = arith.constant 255 : i32
      %and3A_1112 = vector.broadcast %and3A : i32 to vector<16xi32>
      %and3A_1113 = arith.andi %shift_right_logical3A, %and3A_1112 : vector<16xi32>
      %mul3A_1114 = arith.constant 16 : i32
      %mul3A_1115 = vector.broadcast %mul3A_1114 : i32 to vector<16xi32>
      %mul3A_1116 = arith.muli %and3A_1113, %mul3A_1115 : vector<16xi32>
      %add3A_1117 = arith.addi %mul3A_1116, %iota3A : vector<16xi32>
      %gather3A_1118 = tpu.vector_load_idx %arg14[%add3A_1117] : memref<4096xi32, #tpu.memory_space<vmem>>[vector<16xi32>], vector<16xi32>,
      %add3A_1119 = arith.constant 1 : i32
      %add3A_1120 = vector.broadcast %add3A_1119 : i32 to vector<16xi32>
      %add3A_1121 = arith.addi %gather3A_1118, %add3A_1120 : vector<16xi32>
      tpu.vector_store_idx %arg14[%add3A_1117], %add3A_1121 : memref<4096xi32, #tpu.memory_space<vmem>>[vector<16xi32>], vector<16xi32>,
      tpu.vector_store_idx %arg11[%gather3A_1118], %gather3A : memref<8192xi32, #tpu.memory_space<vmem>>[vector<16xi32>], vector<16xi32>,
      %gather3A_1122 = tpu.vector_load_idx %arg12[%add3A_1109] : memref<8192xi32, #tpu.memory_space<vmem>>[vector<16xi32>], vector<16xi32>,
      tpu.vector_store_idx %arg15[%gather3A_1118], %gather3A_1122 : memref<8192xi32, #tpu.memory_space<vmem>>[vector<16xi32>], vector<16xi32>,
    }
    %scan3A_60 = arith.constant 512 : i32
    %scan3A_61 = arith.constant 0 : i32
    %scan3A_62 = arith.constant 0 : i32
    %scan3A_63 = arith.constant 256 : i32
    %scan3A_64 = arith.addi %scan3A_62, %scan3A_63 : i32
    %scan3A_65 = arith.constant 1 : i32
    scf.for %scan3A_1104 = %scan3A_62 to %scan3A_64 step %scan3A_65  : i32 {
      %broadcast_in_dim3A_1105 = arith.constant 0 : i32
      %broadcast_in_dim3A_1106 = vector.broadcast %broadcast_in_dim3A_1105 : i32 to vector<16xi32>
      %mul3A_1107 = arith.constant 16 : i32
      %mul3A_1108 = arith.muli %scan3A_1104, %mul3A_1107 : i32
      %swap3A = arith.index_cast %mul3A_1108 : i32 to index
      %swap3A_1109 = tpu.vector_load %arg14[%swap3A] {strides = array<i32>} : memref<4096xi32, #tpu.memory_space<vmem>>, vector<16xi32>,
      tpu.vector_store %arg14[%swap3A], %broadcast_in_dim3A_1106 {strides = array<i32>} : memref<4096xi32, #tpu.memory_space<vmem>>, vector<16xi32>,
    }
    %scan3A_66 = arith.constant 256 : i32
    %scan3A_67 = arith.constant 0 : i32
    %scan3A_68 = arith.constant 0 : i32
    %scan3A_69 = arith.constant 512 : i32
    %scan3A_70 = arith.addi %scan3A_68, %scan3A_69 : i32
    %scan3A_71 = arith.constant 1 : i32
    scf.for %scan3A_1104 = %scan3A_68 to %scan3A_70 step %scan3A_71  : i32 {
      %mul3A_1105 = arith.constant 512 : i32
      %mul3A_1106 = vector.broadcast %mul3A_1105 : i32 to vector<16xi32>
      %mul3A_1107 = arith.muli %iota3A, %mul3A_1106 : vector<16xi32>
      %add3A_1108 = vector.broadcast %scan3A_1104 : i32 to vector<16xi32>
      %add3A_1109 = arith.addi %mul3A_1107, %add3A_1108 : vector<16xi32>
      %gather3A = tpu.vector_load_idx %arg11[%add3A_1109] : memref<8192xi32, #tpu.memory_space<vmem>>[vector<16xi32>], vector<16xi32>,
      %broadcast_in_dim3A_1110 = arith.constant 16 : i32
      %broadcast_in_dim3A_1111 = vector.broadcast %broadcast_in_dim3A_1110 : i32 to vector<16xi32>
      %shift_right_logical3A = arith.shrui %gather3A, %broadcast_in_dim3A_1111 : vector<16xi32>
      %and3A = arith.constant 255 : i32
      %and3A_1112 = vector.broadcast %and3A : i32 to vector<16xi32>
      %and3A_1113 = arith.andi %shift_right_logical3A, %and3A_1112 : vector<16xi32>
      %mul3A_1114 = arith.constant 16 : i32
      %mul3A_1115 = vector.broadcast %mul3A_1114 : i32 to vector<16xi32>
      %mul3A_1116 = arith.muli %and3A_1113, %mul3A_1115 : vector<16xi32>
      %add3A_1117 = arith.addi %mul3A_1116, %iota3A : vector<16xi32>
      tpu.vector_store_idx %arg14[%add3A_1117], %broadcast_in_dim3A_0 {add = true} : memref<4096xi32, #tpu.memory_space<vmem>>[vector<16xi32>], vector<16xi32>,
    }
    %scan3A_72 = arith.constant 512 : i32
    %scan3A_73 = arith.constant 0 : i32
    %scan3A_74 = arith.constant 0 : i32
    %scan3A_75 = arith.constant 256 : i32
    %scan3A_76 = arith.addi %scan3A_74, %scan3A_75 : i32
    %scan3A_77 = arith.constant 1 : i32
    %scan3A_78 = scf.for %scan3A_1104 = %scan3A_74 to %scan3A_76 step %scan3A_77 iter_args(%scan3A_1105 = %scan3A_73) -> (i32)  : i32 {
      %mul3A_1106 = arith.constant 16 : i32
      %mul3A_1107 = arith.muli %scan3A_1104, %mul3A_1106 : i32
      %get3A = arith.index_cast %mul3A_1107 : i32 to index
      %get3A_1108 = tpu.vector_load %arg14[%get3A] {strides = array<i32>} : memref<4096xi32, #tpu.memory_space<vmem>>, vector<16xi32>,
      %broadcast_in_dim3A_1109 = arith.constant true
      %broadcast_in_dim3A_1110 = vector.broadcast %broadcast_in_dim3A_1109 : i1 to vector<16xi1>
      %masked_cumsum3A = tpu.scan <sum>, %get3A_1108 masked %broadcast_in_dim3A_1110 : vector<16xi32>, vector<16xi1> -> vector<16xi32>
      %sub3A = arith.subi %masked_cumsum3A, %get3A_1108 : vector<16xi32>
      %add3A_1111 = vector.broadcast %scan3A_1105 : i32 to vector<16xi32>
      %add3A_1112 = arith.addi %sub3A, %add3A_1111 : vector<16xi32>
      %mul3A_1113 = arith.constant 16 : i32
      %mul3A_1114 = arith.muli %scan3A_1104, %mul3A_1113 : i32
      %swap3A = arith.index_cast %mul3A_1114 : i32 to index
      %swap3A_1115 = tpu.vector_load %arg14[%swap3A] {strides = array<i32>} : memref<4096xi32, #tpu.memory_space<vmem>>, vector<16xi32>,
      tpu.vector_store %arg14[%swap3A], %add3A_1112 {strides = array<i32>} : memref<4096xi32, #tpu.memory_space<vmem>>, vector<16xi32>,
      %reduce_sum3A = arith.constant true
      %reduce_sum3A_1116 = vector.broadcast %reduce_sum3A : i1 to vector<16xi1>
      %reduce_sum3A_1117 = tpu.scan <sum>, %get3A_1108 masked %reduce_sum3A_1116 : vector<16xi32>, vector<16xi1> -> vector<16xi32>
      %reduce_sum3A_1118 = vector.extract %reduce_sum3A_1117[15] : i32 from vector<16xi32>
      %add3A_1119 = arith.addi %scan3A_1105, %reduce_sum3A_1118 : i32
      scf.yield %add3A_1119 : i32
    }
    %scan3A_79 = arith.constant 256 : i32
    %scan3A_80 = arith.constant 0 : i32
    %scan3A_81 = arith.constant 0 : i32
    %scan3A_82 = arith.constant 512 : i32
    %scan3A_83 = arith.addi %scan3A_81, %scan3A_82 : i32
    %scan3A_84 = arith.constant 1 : i32
    scf.for %scan3A_1104 = %scan3A_81 to %scan3A_83 step %scan3A_84  : i32 {
      %mul3A_1105 = arith.constant 512 : i32
      %mul3A_1106 = vector.broadcast %mul3A_1105 : i32 to vector<16xi32>
      %mul3A_1107 = arith.muli %iota3A, %mul3A_1106 : vector<16xi32>
      %add3A_1108 = vector.broadcast %scan3A_1104 : i32 to vector<16xi32>
      %add3A_1109 = arith.addi %mul3A_1107, %add3A_1108 : vector<16xi32>
      %gather3A = tpu.vector_load_idx %arg11[%add3A_1109] : memref<8192xi32, #tpu.memory_space<vmem>>[vector<16xi32>], vector<16xi32>,
      %broadcast_in_dim3A_1110 = arith.constant 16 : i32
      %broadcast_in_dim3A_1111 = vector.broadcast %broadcast_in_dim3A_1110 : i32 to vector<16xi32>
      %shift_right_logical3A = arith.shrui %gather3A, %broadcast_in_dim3A_1111 : vector<16xi32>
      %and3A = arith.constant 255 : i32
      %and3A_1112 = vector.broadcast %and3A : i32 to vector<16xi32>
      %and3A_1113 = arith.andi %shift_right_logical3A, %and3A_1112 : vector<16xi32>
      %mul3A_1114 = arith.constant 16 : i32
      %mul3A_1115 = vector.broadcast %mul3A_1114 : i32 to vector<16xi32>
      %mul3A_1116 = arith.muli %and3A_1113, %mul3A_1115 : vector<16xi32>
      %add3A_1117 = arith.addi %mul3A_1116, %iota3A : vector<16xi32>
      %gather3A_1118 = tpu.vector_load_idx %arg14[%add3A_1117] : memref<4096xi32, #tpu.memory_space<vmem>>[vector<16xi32>], vector<16xi32>,
      %add3A_1119 = arith.constant 1 : i32
      %add3A_1120 = vector.broadcast %add3A_1119 : i32 to vector<16xi32>
      %add3A_1121 = arith.addi %gather3A_1118, %add3A_1120 : vector<16xi32>
      tpu.vector_store_idx %arg14[%add3A_1117], %add3A_1121 : memref<4096xi32, #tpu.memory_space<vmem>>[vector<16xi32>], vector<16xi32>,
      tpu.vector_store_idx %arg13[%gather3A_1118], %gather3A : memref<8192xi32, #tpu.memory_space<vmem>>[vector<16xi32>], vector<16xi32>,
      %gather3A_1122 = tpu.vector_load_idx %arg15[%add3A_1109] : memref<8192xi32, #tpu.memory_space<vmem>>[vector<16xi32>], vector<16xi32>,
      tpu.vector_store_idx %arg12[%gather3A_1118], %gather3A_1122 : memref<8192xi32, #tpu.memory_space<vmem>>[vector<16xi32>], vector<16xi32>,
    }
    %scan3A_85 = arith.constant 512 : i32
    %scan3A_86 = arith.constant 0 : i32
    %scan3A_87 = arith.constant 0 : i32
    %scan3A_88 = arith.constant 256 : i32
    %scan3A_89 = arith.addi %scan3A_87, %scan3A_88 : i32
    %scan3A_90 = arith.constant 1 : i32
    scf.for %scan3A_1104 = %scan3A_87 to %scan3A_89 step %scan3A_90  : i32 {
      %broadcast_in_dim3A_1105 = arith.constant 0 : i32
      %broadcast_in_dim3A_1106 = vector.broadcast %broadcast_in_dim3A_1105 : i32 to vector<16xi32>
      %mul3A_1107 = arith.constant 16 : i32
      %mul3A_1108 = arith.muli %scan3A_1104, %mul3A_1107 : i32
      %swap3A = arith.index_cast %mul3A_1108 : i32 to index
      %swap3A_1109 = tpu.vector_load %arg14[%swap3A] {strides = array<i32>} : memref<4096xi32, #tpu.memory_space<vmem>>, vector<16xi32>,
      tpu.vector_store %arg14[%swap3A], %broadcast_in_dim3A_1106 {strides = array<i32>} : memref<4096xi32, #tpu.memory_space<vmem>>, vector<16xi32>,
    }
    %scan3A_91 = arith.constant 256 : i32
    %scan3A_92 = arith.constant 0 : i32
    %scan3A_93 = arith.constant 0 : i32
    %scan3A_94 = arith.constant 512 : i32
    %scan3A_95 = arith.addi %scan3A_93, %scan3A_94 : i32
    %scan3A_96 = arith.constant 1 : i32
    scf.for %scan3A_1104 = %scan3A_93 to %scan3A_95 step %scan3A_96  : i32 {
      %mul3A_1105 = arith.constant 512 : i32
      %mul3A_1106 = vector.broadcast %mul3A_1105 : i32 to vector<16xi32>
      %mul3A_1107 = arith.muli %iota3A, %mul3A_1106 : vector<16xi32>
      %add3A_1108 = vector.broadcast %scan3A_1104 : i32 to vector<16xi32>
      %add3A_1109 = arith.addi %mul3A_1107, %add3A_1108 : vector<16xi32>
      %gather3A = tpu.vector_load_idx %arg13[%add3A_1109] : memref<8192xi32, #tpu.memory_space<vmem>>[vector<16xi32>], vector<16xi32>,
      %broadcast_in_dim3A_1110 = arith.constant 24 : i32
      %broadcast_in_dim3A_1111 = vector.broadcast %broadcast_in_dim3A_1110 : i32 to vector<16xi32>
      %shift_right_logical3A = arith.shrui %gather3A, %broadcast_in_dim3A_1111 : vector<16xi32>
      %and3A = arith.constant 255 : i32
      %and3A_1112 = vector.broadcast %and3A : i32 to vector<16xi32>
      %and3A_1113 = arith.andi %shift_right_logical3A, %and3A_1112 : vector<16xi32>
      %mul3A_1114 = arith.constant 16 : i32
      %mul3A_1115 = vector.broadcast %mul3A_1114 : i32 to vector<16xi32>
      %mul3A_1116 = arith.muli %and3A_1113, %mul3A_1115 : vector<16xi32>
      %add3A_1117 = arith.addi %mul3A_1116, %iota3A : vector<16xi32>
      tpu.vector_store_idx %arg14[%add3A_1117], %broadcast_in_dim3A_0 {add = true} : memref<4096xi32, #tpu.memory_space<vmem>>[vector<16xi32>], vector<16xi32>,
    }
    %scan3A_97 = arith.constant 512 : i32
    %scan3A_98 = arith.constant 0 : i32
    %scan3A_99 = arith.constant 0 : i32
    %scan3A_100 = arith.constant 256 : i32
    %scan3A_101 = arith.addi %scan3A_99, %scan3A_100 : i32
    %scan3A_102 = arith.constant 1 : i32
    %scan3A_103 = scf.for %scan3A_1104 = %scan3A_99 to %scan3A_101 step %scan3A_102 iter_args(%scan3A_1105 = %scan3A_98) -> (i32)  : i32 {
      %mul3A_1106 = arith.constant 16 : i32
      %mul3A_1107 = arith.muli %scan3A_1104, %mul3A_1106 : i32
      %get3A = arith.index_cast %mul3A_1107 : i32 to index
      %get3A_1108 = tpu.vector_load %arg14[%get3A] {strides = array<i32>} : memref<4096xi32, #tpu.memory_space<vmem>>, vector<16xi32>,
      %broadcast_in_dim3A_1109 = arith.constant true
      %broadcast_in_dim3A_1110 = vector.broadcast %broadcast_in_dim3A_1109 : i1 to vector<16xi1>
      %masked_cumsum3A = tpu.scan <sum>, %get3A_1108 masked %broadcast_in_dim3A_1110 : vector<16xi32>, vector<16xi1> -> vector<16xi32>
      %sub3A = arith.subi %masked_cumsum3A, %get3A_1108 : vector<16xi32>
      %add3A_1111 = vector.broadcast %scan3A_1105 : i32 to vector<16xi32>
      %add3A_1112 = arith.addi %sub3A, %add3A_1111 : vector<16xi32>
      %mul3A_1113 = arith.constant 16 : i32
      %mul3A_1114 = arith.muli %scan3A_1104, %mul3A_1113 : i32
      %swap3A = arith.index_cast %mul3A_1114 : i32 to index
      %swap3A_1115 = tpu.vector_load %arg14[%swap3A] {strides = array<i32>} : memref<4096xi32, #tpu.memory_space<vmem>>, vector<16xi32>,
      tpu.vector_store %arg14[%swap3A], %add3A_1112 {strides = array<i32>} : memref<4096xi32, #tpu.memory_space<vmem>>, vector<16xi32>,
      %reduce_sum3A = arith.constant true
      %reduce_sum3A_1116 = vector.broadcast %reduce_sum3A : i1 to vector<16xi1>
      %reduce_sum3A_1117 = tpu.scan <sum>, %get3A_1108 masked %reduce_sum3A_1116 : vector<16xi32>, vector<16xi1> -> vector<16xi32>
      %reduce_sum3A_1118 = vector.extract %reduce_sum3A_1117[15] : i32 from vector<16xi32>
      %add3A_1119 = arith.addi %scan3A_1105, %reduce_sum3A_1118 : i32
      scf.yield %add3A_1119 : i32
    }
    %scan3A_104 = arith.constant 256 : i32
    %scan3A_105 = arith.constant 0 : i32
    %scan3A_106 = arith.constant 0 : i32
    %scan3A_107 = arith.constant 512 : i32
    %scan3A_108 = arith.addi %scan3A_106, %scan3A_107 : i32
    %scan3A_109 = arith.constant 1 : i32
    scf.for %scan3A_1104 = %scan3A_106 to %scan3A_108 step %scan3A_109  : i32 {
      %mul3A_1105 = arith.constant 512 : i32
      %mul3A_1106 = vector.broadcast %mul3A_1105 : i32 to vector<16xi32>
      %mul3A_1107 = arith.muli %iota3A, %mul3A_1106 : vector<16xi32>
      %add3A_1108 = vector.broadcast %scan3A_1104 : i32 to vector<16xi32>
      %add3A_1109 = arith.addi %mul3A_1107, %add3A_1108 : vector<16xi32>
      %gather3A = tpu.vector_load_idx %arg13[%add3A_1109] : memref<8192xi32, #tpu.memory_space<vmem>>[vector<16xi32>], vector<16xi32>,
      %broadcast_in_dim3A_1110 = arith.constant 24 : i32
      %broadcast_in_dim3A_1111 = vector.broadcast %broadcast_in_dim3A_1110 : i32 to vector<16xi32>
      %shift_right_logical3A = arith.shrui %gather3A, %broadcast_in_dim3A_1111 : vector<16xi32>
      %and3A = arith.constant 255 : i32
      %and3A_1112 = vector.broadcast %and3A : i32 to vector<16xi32>
      %and3A_1113 = arith.andi %shift_right_logical3A, %and3A_1112 : vector<16xi32>
      %mul3A_1114 = arith.constant 16 : i32
      %mul3A_1115 = vector.broadcast %mul3A_1114 : i32 to vector<16xi32>
      %mul3A_1116 = arith.muli %and3A_1113, %mul3A_1115 : vector<16xi32>
      %add3A_1117 = arith.addi %mul3A_1116, %iota3A : vector<16xi32>
      %gather3A_1118 = tpu.vector_load_idx %arg14[%add3A_1117] : memref<4096xi32, #tpu.memory_space<vmem>>[vector<16xi32>], vector<16xi32>,
      %add3A_1119 = arith.constant 1 : i32
      %add3A_1120 = vector.broadcast %add3A_1119 : i32 to vector<16xi32>
      %add3A_1121 = arith.addi %gather3A_1118, %add3A_1120 : vector<16xi32>
      tpu.vector_store_idx %arg14[%add3A_1117], %add3A_1121 : memref<4096xi32, #tpu.memory_space<vmem>>[vector<16xi32>], vector<16xi32>,
      tpu.vector_store_idx %arg11[%gather3A_1118], %gather3A : memref<8192xi32, #tpu.memory_space<vmem>>[vector<16xi32>], vector<16xi32>,
      %gather3A_1122 = tpu.vector_load_idx %arg12[%add3A_1109] : memref<8192xi32, #tpu.memory_space<vmem>>[vector<16xi32>], vector<16xi32>,
      tpu.vector_store_idx %arg15[%gather3A_1118], %gather3A_1122 : memref<8192xi32, #tpu.memory_space<vmem>>[vector<16xi32>], vector<16xi32>,
    }
    %scan3A_110 = arith.constant 512 : i32
    %scan3A_111 = arith.constant 0 : i32
    %scan3A_112 = arith.constant 0 : i32
    %scan3A_113 = arith.constant 512 : i32
    %scan3A_114 = arith.addi %scan3A_112, %scan3A_113 : i32
    %scan3A_115 = arith.constant 1 : i32
    scf.for %scan3A_1104 = %scan3A_112 to %scan3A_114 step %scan3A_115  : i32 {
      %mul3A_1105 = arith.constant 16 : i32
      %mul3A_1106 = arith.muli %scan3A_1104, %mul3A_1105 : i32
      %get3A = arith.index_cast %mul3A_1106 : i32 to index
      %get3A_1107 = tpu.vector_load %arg11[%get3A] {strides = array<i32>} : memref<8192xi32, #tpu.memory_space<vmem>>, vector<16xi32>,
      %lt3A = arith.constant 0 : i32
      %lt3A_1108 = vector.broadcast %lt3A : i32 to vector<16xi32>
      %lt3A_1109 = arith.cmpi slt, %get3A_1107, %lt3A_1108 : vector<16xi32>
      %xor3A = arith.constant -2147483648 : i32
      %xor3A_1110 = vector.broadcast %xor3A : i32 to vector<16xi32>
      %xor3A_1111 = arith.xori %get3A_1107, %xor3A_1110 : vector<16xi32>
      %not3A = arith.constant dense<-1> : vector<16xi32>
      %not3A_1112 = arith.xori %get3A_1107, %not3A : vector<16xi32>
      %select_n3A = arith.select %lt3A_1109, %xor3A_1111, %not3A_1112 : vector<16xi1>, vector<16xi32>
      %bitcast_convert_type3A = tpu.bitcast %select_n3A : vector<16xi32> -> vector<16xf32>
      %mul3A_1113 = arith.constant 16 : i32
      %mul3A_1114 = arith.muli %scan3A_1104, %mul3A_1113 : i32
      %swap3A = arith.index_cast %mul3A_1114 : i32 to index
      %swap3A_1115 = tpu.vector_load %arg10[%swap3A] {strides = array<i32>} : memref<8192xf32, #tpu.memory_space<vmem>>, vector<16xf32>,
      tpu.vector_store %arg10[%swap3A], %bitcast_convert_type3A {strides = array<i32>} : memref<8192xf32, #tpu.memory_space<vmem>>, vector<16xf32>,
    }
    %scan3A_116 = arith.constant 512 : i32
    "tpu.region"() ({
      %run_scoped3A = tpu.sem_alloc : memref<!tpu.dma_semaphore, #tpu.memory_space<semaphore_mem>>
      %dma_start3A_1104 = arith.constant 0 : i32
      %dma_start3A_1105 = tpu.memref_slice %arg6[%add3A_5, %dma_start3A_1104] : memref<64x8192xf32, #tpu.memory_space<hbm>> -> memref<1x8192xf32, #tpu.memory_space<hbm>>
      %dma_start3A_1106 = tpu.memref_squeeze %dma_start3A_1105 : memref<1x8192xf32, #tpu.memory_space<hbm>> -> memref<8192xf32, #tpu.memory_space<hbm>>
      %dma_start3A_1107 = arith.constant 0 : i32
      %dma_start3A_1108 = tpu.memref_slice %arg6[%add3A_5, %dma_start3A_1107] : memref<64x8192xf32, #tpu.memory_space<hbm>> -> memref<1x8192xf32, #tpu.memory_space<hbm>>
      %dma_start3A_1109 = tpu.memref_squeeze %dma_start3A_1108 : memref<1x8192xf32, #tpu.memory_space<hbm>> -> memref<8192xf32, #tpu.memory_space<hbm>>
      tpu.enqueue_dma source(%arg10 : memref<8192xf32, #tpu.memory_space<vmem>>) target(%dma_start3A_1109 : memref<8192xf32, #tpu.memory_space<hbm>>) target_semaphore(%run_scoped3A : memref<!tpu.dma_semaphore, #tpu.memory_space<semaphore_mem>>)
      %dma_wait3A_1110 = arith.constant 0 : i32
      %dma_wait3A_1111 = tpu.memref_slice %arg6[%add3A_5, %dma_wait3A_1110] : memref<64x8192xf32, #tpu.memory_space<hbm>> -> memref<1x8192xf32, #tpu.memory_space<hbm>>
      %dma_wait3A_1112 = tpu.memref_squeeze %dma_wait3A_1111 : memref<1x8192xf32, #tpu.memory_space<hbm>> -> memref<8192xf32, #tpu.memory_space<hbm>>
      %dma_wait3A_1113 = arith.constant 0 : i32
      %dma_wait3A_1114 = tpu.memref_slice %arg6[%add3A_5, %dma_wait3A_1113] : memref<64x8192xf32, #tpu.memory_space<hbm>> -> memref<1x8192xf32, #tpu.memory_space<hbm>>
      %dma_wait3A_1115 = tpu.memref_squeeze %dma_wait3A_1114 : memref<1x8192xf32, #tpu.memory_space<hbm>> -> memref<8192xf32, #tpu.memory_space<hbm>>
      tpu.wait_dma2 semaphore(%run_scoped3A : memref<!tpu.dma_semaphore, #tpu.memory_space<semaphore_mem>>) src(%arg10 : memref<8192xf32, #tpu.memory_space<vmem>>) dst(%dma_wait3A_1115 : memref<8192xf32, #tpu.memory_space<hbm>>)
      tpu.yield
    }) : () -> ()
    %dma_start3A = arith.constant 0 : i32
    %dma_start3A_117 = arith.constant 0 : i32
    %dma_start3A_118 = tpu.memref_slice %arg3[%add3A_5, %dma_start3A, %dma_start3A_117] : memref<64x64x8192xf32, #tpu.memory_space<hbm>> -> memref<1x2x8192xf32, #tpu.memory_space<hbm>>
    %dma_start3A_119 = tpu.memref_squeeze %dma_start3A_118 : memref<1x2x8192xf32, #tpu.memory_space<hbm>> -> memref<2x8192xf32, #tpu.memory_space<hbm>>
    %dma_start3A_120 = arith.constant 0 : i32
    %dma_start3A_121 = arith.constant 0 : i32
    %dma_start3A_122 = tpu.memref_slice %arg3[%add3A_5, %dma_start3A_120, %dma_start3A_121] : memref<64x64x8192xf32, #tpu.memory_space<hbm>> -> memref<1x2x8192xf32, #tpu.memory_space<hbm>>
    %dma_start3A_123 = tpu.memref_squeeze %dma_start3A_122 : memref<1x2x8192xf32, #tpu.memory_space<hbm>> -> memref<2x8192xf32, #tpu.memory_space<hbm>>
    tpu.enqueue_dma source(%dma_start3A_123 : memref<2x8192xf32, #tpu.memory_space<hbm>>) target(%arg16 : memref<2x8192xf32, #tpu.memory_space<vmem>>) target_semaphore(%arg20 : memref<!tpu.dma_semaphore, #tpu.memory_space<semaphore_mem>>)
    %dma_start3A_124 = arith.constant 2 : i32
    %dma_start3A_125 = arith.constant 0 : i32
    %dma_start3A_126 = tpu.memref_slice %arg3[%add3A_5, %dma_start3A_124, %dma_start3A_125] : memref<64x64x8192xf32, #tpu.memory_space<hbm>> -> memref<1x2x8192xf32, #tpu.memory_space<hbm>>
    %dma_start3A_127 = tpu.memref_squeeze %dma_start3A_126 : memref<1x2x8192xf32, #tpu.memory_space<hbm>> -> memref<2x8192xf32, #tpu.memory_space<hbm>>
    %dma_start3A_128 = arith.constant 2 : i32
    %dma_start3A_129 = arith.constant 0 : i32
    %dma_start3A_130 = tpu.memref_slice %arg3[%add3A_5, %dma_start3A_128, %dma_start3A_129] : memref<64x64x8192xf32, #tpu.memory_space<hbm>> -> memref<1x2x8192xf32, #tpu.memory_space<hbm>>
    %dma_start3A_131 = tpu.memref_squeeze %dma_start3A_130 : memref<1x2x8192xf32, #tpu.memory_space<hbm>> -> memref<2x8192xf32, #tpu.memory_space<hbm>>
    tpu.enqueue_dma source(%dma_start3A_131 : memref<2x8192xf32, #tpu.memory_space<hbm>>) target(%arg17 : memref<2x8192xf32, #tpu.memory_space<vmem>>) target_semaphore(%arg21 : memref<!tpu.dma_semaphore, #tpu.memory_space<semaphore_mem>>)
    %dma_wait3A = arith.constant 0 : i32
    %dma_wait3A_132 = arith.constant 0 : i32
    %dma_wait3A_133 = tpu.memref_slice %arg3[%add3A_5, %dma_wait3A, %dma_wait3A_132] : memref<64x64x8192xf32, #tpu.memory_space<hbm>> -> memref<1x2x8192xf32, #tpu.memory_space<hbm>>
    %dma_wait3A_134 = tpu.memref_squeeze %dma_wait3A_133 : memref<1x2x8192xf32, #tpu.memory_space<hbm>> -> memref<2x8192xf32, #tpu.memory_space<hbm>>
    %dma_wait3A_135 = arith.constant 0 : i32
    %dma_wait3A_136 = arith.constant 0 : i32
    %dma_wait3A_137 = tpu.memref_slice %arg3[%add3A_5, %dma_wait3A_135, %dma_wait3A_136] : memref<64x64x8192xf32, #tpu.memory_space<hbm>> -> memref<1x2x8192xf32, #tpu.memory_space<hbm>>
    %dma_wait3A_138 = tpu.memref_squeeze %dma_wait3A_137 : memref<1x2x8192xf32, #tpu.memory_space<hbm>> -> memref<2x8192xf32, #tpu.memory_space<hbm>>
    tpu.wait_dma2 semaphore(%arg20 : memref<!tpu.dma_semaphore, #tpu.memory_space<semaphore_mem>>) src(%dma_wait3A_138 : memref<2x8192xf32, #tpu.memory_space<hbm>>) dst(%arg16 : memref<2x8192xf32, #tpu.memory_space<vmem>>)
    %scan3A_139 = arith.constant 0 : i32
    %scan3A_140 = arith.constant 0 : i32
    %scan3A_141 = arith.constant 512 : i32
    %scan3A_142 = arith.addi %scan3A_140, %scan3A_141 : i32
    %scan3A_143 = arith.constant 1 : i32
    scf.for %scan3A_1104 = %scan3A_140 to %scan3A_142 step %scan3A_143  : i32 {
      %mul3A_1105 = arith.constant 16 : i32
      %mul3A_1106 = arith.muli %scan3A_1104, %mul3A_1105 : i32
      %get3A = arith.index_cast %mul3A_1106 : i32 to index
      %get3A_1107 = tpu.vector_load %arg15[%get3A] {strides = array<i32>} : memref<8192xi32, #tpu.memory_space<vmem>>, vector<16xi32>,
      %mul3A_1108 = arith.constant 16 : i32
      %mul3A_1109 = arith.muli %scan3A_1104, %mul3A_1108 : i32
      %add3A_1110 = vector.broadcast %mul3A_1109 : i32 to vector<16xi32>
      %add3A_1111 = arith.addi %iota3A, %add3A_1110 : vector<16xi32>
      %broadcast_in_dim3A_1112 = arith.constant 0 : i32
      %broadcast_in_dim3A_1113 = vector.broadcast %broadcast_in_dim3A_1112 : i32 to vector<16xi32>
      %gather3A = tpu.vector_load_idx %arg16[%broadcast_in_dim3A_1113, %get3A_1107] : memref<2x8192xf32, #tpu.memory_space<vmem>>[vector<16xi32>, vector<16xi32>], vector<16xf32>,
      tpu.vector_store_idx %arg18[%broadcast_in_dim3A_1113, %add3A_1111], %gather3A : memref<2x8192xf32, #tpu.memory_space<vmem>>[vector<16xi32>, vector<16xi32>], vector<16xf32>,
      %broadcast_in_dim3A_1114 = arith.constant 1 : i32
      %broadcast_in_dim3A_1115 = vector.broadcast %broadcast_in_dim3A_1114 : i32 to vector<16xi32>
      %gather3A_1116 = tpu.vector_load_idx %arg16[%broadcast_in_dim3A_1115, %get3A_1107] : memref<2x8192xf32, #tpu.memory_space<vmem>>[vector<16xi32>, vector<16xi32>], vector<16xf32>,
      tpu.vector_store_idx %arg18[%broadcast_in_dim3A_1115, %add3A_1111], %gather3A_1116 : memref<2x8192xf32, #tpu.memory_space<vmem>>[vector<16xi32>, vector<16xi32>], vector<16xf32>,
    }
    %scan3A_144 = arith.constant 512 : i32
    %dma_start3A_145 = arith.constant 0 : i32
    %dma_start3A_146 = arith.constant 0 : i32
    %dma_start3A_147 = tpu.memref_slice %arg7[%add3A_5, %dma_start3A_145, %dma_start3A_146] : memref<64x64x8192xf32, #tpu.memory_space<hbm>> -> memref<1x2x8192xf32, #tpu.memory_space<hbm>>
    %dma_start3A_148 = tpu.memref_squeeze %dma_start3A_147 : memref<1x2x8192xf32, #tpu.memory_space<hbm>> -> memref<2x8192xf32, #tpu.memory_space<hbm>>
    %dma_start3A_149 = arith.constant 0 : i32
    %dma_start3A_150 = arith.constant 0 : i32
    %dma_start3A_151 = tpu.memref_slice %arg7[%add3A_5, %dma_start3A_149, %dma_start3A_150] : memref<64x64x8192xf32, #tpu.memory_space<hbm>> -> memref<1x2x8192xf32, #tpu.memory_space<hbm>>
    %dma_start3A_152 = tpu.memref_squeeze %dma_start3A_151 : memref<1x2x8192xf32, #tpu.memory_space<hbm>> -> memref<2x8192xf32, #tpu.memory_space<hbm>>
    tpu.enqueue_dma source(%arg18 : memref<2x8192xf32, #tpu.memory_space<vmem>>) target(%dma_start3A_152 : memref<2x8192xf32, #tpu.memory_space<hbm>>) target_semaphore(%arg22 : memref<!tpu.dma_semaphore, #tpu.memory_space<semaphore_mem>>)
    %dma_start3A_153 = arith.constant 4 : i32
    %dma_start3A_154 = arith.constant 0 : i32
    %dma_start3A_155 = tpu.memref_slice %arg3[%add3A_5, %dma_start3A_153, %dma_start3A_154] : memref<64x64x8192xf32, #tpu.memory_space<hbm>> -> memref<1x2x8192xf32, #tpu.memory_space<hbm>>
    %dma_start3A_156 = tpu.memref_squeeze %dma_start3A_155 : memref<1x2x8192xf32, #tpu.memory_space<hbm>> -> memref<2x8192xf32, #tpu.memory_space<hbm>>
    %dma_start3A_157 = arith.constant 4 : i32
    %dma_start3A_158 = arith.constant 0 : i32
    %dma_start3A_159 = tpu.memref_slice %arg3[%add3A_5, %dma_start3A_157, %dma_start3A_158] : memref<64x64x8192xf32, #tpu.memory_space<hbm>> -> memref<1x2x8192xf32, #tpu.memory_space<hbm>>
    %dma_start3A_160 = tpu.memref_squeeze %dma_start3A_159 : memref<1x2x8192xf32, #tpu.memory_space<hbm>> -> memref<2x8192xf32, #tpu.memory_space<hbm>>
    tpu.enqueue_dma source(%dma_start3A_160 : memref<2x8192xf32, #tpu.memory_space<hbm>>) target(%arg16 : memref<2x8192xf32, #tpu.memory_space<vmem>>) target_semaphore(%arg20 : memref<!tpu.dma_semaphore, #tpu.memory_space<semaphore_mem>>)
    %dma_wait3A_161 = arith.constant 2 : i32
    %dma_wait3A_162 = arith.constant 0 : i32
    %dma_wait3A_163 = tpu.memref_slice %arg3[%add3A_5, %dma_wait3A_161, %dma_wait3A_162] : memref<64x64x8192xf32, #tpu.memory_space<hbm>> -> memref<1x2x8192xf32, #tpu.memory_space<hbm>>
    %dma_wait3A_164 = tpu.memref_squeeze %dma_wait3A_163 : memref<1x2x8192xf32, #tpu.memory_space<hbm>> -> memref<2x8192xf32, #tpu.memory_space<hbm>>
    %dma_wait3A_165 = arith.constant 2 : i32
    %dma_wait3A_166 = arith.constant 0 : i32
    %dma_wait3A_167 = tpu.memref_slice %arg3[%add3A_5, %dma_wait3A_165, %dma_wait3A_166] : memref<64x64x8192xf32, #tpu.memory_space<hbm>> -> memref<1x2x8192xf32, #tpu.memory_space<hbm>>
    %dma_wait3A_168 = tpu.memref_squeeze %dma_wait3A_167 : memref<1x2x8192xf32, #tpu.memory_space<hbm>> -> memref<2x8192xf32, #tpu.memory_space<hbm>>
    tpu.wait_dma2 semaphore(%arg21 : memref<!tpu.dma_semaphore, #tpu.memory_space<semaphore_mem>>) src(%dma_wait3A_168 : memref<2x8192xf32, #tpu.memory_space<hbm>>) dst(%arg17 : memref<2x8192xf32, #tpu.memory_space<vmem>>)
    %scan3A_169 = arith.constant 0 : i32
    %scan3A_170 = arith.constant 0 : i32
    %scan3A_171 = arith.constant 512 : i32
    %scan3A_172 = arith.addi %scan3A_170, %scan3A_171 : i32
    %scan3A_173 = arith.constant 1 : i32
    scf.for %scan3A_1104 = %scan3A_170 to %scan3A_172 step %scan3A_173  : i32 {
      %mul3A_1105 = arith.constant 16 : i32
      %mul3A_1106 = arith.muli %scan3A_1104, %mul3A_1105 : i32
      %get3A = arith.index_cast %mul3A_1106 : i32 to index
      %get3A_1107 = tpu.vector_load %arg15[%get3A] {strides = array<i32>} : memref<8192xi32, #tpu.memory_space<vmem>>, vector<16xi32>,
      %mul3A_1108 = arith.constant 16 : i32
      %mul3A_1109 = arith.muli %scan3A_1104, %mul3A_1108 : i32
      %add3A_1110 = vector.broadcast %mul3A_1109 : i32 to vector<16xi32>
      %add3A_1111 = arith.addi %iota3A, %add3A_1110 : vector<16xi32>
      %broadcast_in_dim3A_1112 = arith.constant 0 : i32
      %broadcast_in_dim3A_1113 = vector.broadcast %broadcast_in_dim3A_1112 : i32 to vector<16xi32>
      %gather3A = tpu.vector_load_idx %arg17[%broadcast_in_dim3A_1113, %get3A_1107] : memref<2x8192xf32, #tpu.memory_space<vmem>>[vector<16xi32>, vector<16xi32>], vector<16xf32>,
      tpu.vector_store_idx %arg19[%broadcast_in_dim3A_1113, %add3A_1111], %gather3A : memref<2x8192xf32, #tpu.memory_space<vmem>>[vector<16xi32>, vector<16xi32>], vector<16xf32>,
      %broadcast_in_dim3A_1114 = arith.constant 1 : i32
      %broadcast_in_dim3A_1115 = vector.broadcast %broadcast_in_dim3A_1114 : i32 to vector<16xi32>
      %gather3A_1116 = tpu.vector_load_idx %arg17[%broadcast_in_dim3A_1115, %get3A_1107] : memref<2x8192xf32, #tpu.memory_space<vmem>>[vector<16xi32>, vector<16xi32>], vector<16xf32>,
      tpu.vector_store_idx %arg19[%broadcast_in_dim3A_1115, %add3A_1111], %gather3A_1116 : memref<2x8192xf32, #tpu.memory_space<vmem>>[vector<16xi32>, vector<16xi32>], vector<16xf32>,
    }
    %scan3A_174 = arith.constant 512 : i32
    %dma_start3A_175 = arith.constant 2 : i32
    %dma_start3A_176 = arith.constant 0 : i32
    %dma_start3A_177 = tpu.memref_slice %arg7[%add3A_5, %dma_start3A_175, %dma_start3A_176] : memref<64x64x8192xf32, #tpu.memory_space<hbm>> -> memref<1x2x8192xf32, #tpu.memory_space<hbm>>
    %dma_start3A_178 = tpu.memref_squeeze %dma_start3A_177 : memref<1x2x8192xf32, #tpu.memory_space<hbm>> -> memref<2x8192xf32, #tpu.memory_space<hbm>>
    %dma_start3A_179 = arith.constant 2 : i32
    %dma_start3A_180 = arith.constant 0 : i32
    %dma_start3A_181 = tpu.memref_slice %arg7[%add3A_5, %dma_start3A_179, %dma_start3A_180] : memref<64x64x8192xf32, #tpu.memory_space<hbm>> -> memref<1x2x8192xf32, #tpu.memory_space<hbm>>
    %dma_start3A_182 = tpu.memref_squeeze %dma_start3A_181 : memref<1x2x8192xf32, #tpu.memory_space<hbm>> -> memref<2x8192xf32, #tpu.memory_space<hbm>>
    tpu.enqueue_dma source(%arg19 : memref<2x8192xf32, #tpu.memory_space<vmem>>) target(%dma_start3A_182 : memref<2x8192xf32, #tpu.memory_space<hbm>>) target_semaphore(%arg23 : memref<!tpu.dma_semaphore, #tpu.memory_space<semaphore_mem>>)
    %dma_start3A_183 = arith.constant 6 : i32
    %dma_start3A_184 = arith.constant 0 : i32
    %dma_start3A_185 = tpu.memref_slice %arg3[%add3A_5, %dma_start3A_183, %dma_start3A_184] : memref<64x64x8192xf32, #tpu.memory_space<hbm>> -> memref<1x2x8192xf32, #tpu.memory_space<hbm>>
    %dma_start3A_186 = tpu.memref_squeeze %dma_start3A_185 : memref<1x2x8192xf32, #tpu.memory_space<hbm>> -> memref<2x8192xf32, #tpu.memory_space<hbm>>
    %dma_start3A_187 = arith.constant 6 : i32
    %dma_start3A_188 = arith.constant 0 : i32
    %dma_start3A_189 = tpu.memref_slice %arg3[%add3A_5, %dma_start3A_187, %dma_start3A_188] : memref<64x64x8192xf32, #tpu.memory_space<hbm>> -> memref<1x2x8192xf32, #tpu.memory_space<hbm>>
    %dma_start3A_190 = tpu.memref_squeeze %dma_start3A_189 : memref<1x2x8192xf32, #tpu.memory_space<hbm>> -> memref<2x8192xf32, #tpu.memory_space<hbm>>
    tpu.enqueue_dma source(%dma_start3A_190 : memref<2x8192xf32, #tpu.memory_space<hbm>>) target(%arg17 : memref<2x8192xf32, #tpu.memory_space<vmem>>) target_semaphore(%arg21 : memref<!tpu.dma_semaphore, #tpu.memory_space<semaphore_mem>>)
    %scan3A_191 = arith.constant 0 : i32
    %scan3A_192 = arith.constant 1 : i32
    %scan3A_193 = arith.constant 14 : i32
    %scan3A_194 = arith.addi %scan3A_192, %scan3A_193 : i32
    %scan3A_195 = arith.constant 1 : i32
    scf.for %scan3A_1104 = %scan3A_192 to %scan3A_194 step %scan3A_195  : i32 {
      %mul3A_1105 = arith.constant 2 : i32
      %mul3A_1106 = arith.muli %scan3A_1104, %mul3A_1105 : i32
      %add3A_1107 = arith.constant 0 : i32
      %add3A_1108 = arith.addi %mul3A_1106, %add3A_1107 : i32
      %sub3A = arith.constant 2 : i32
      %sub3A_1109 = arith.subi %add3A_1108, %sub3A : i32
      %mul3A_1110 = arith.constant 2 : i32
      %mul3A_1111 = arith.muli %sub3A_1109, %mul3A_1110 : i32
      %dma_wait3A_1112 = arith.constant 0 : i32
      %dma_wait3A_1113 = tpu.memref_slice %arg7[%add3A_5, %mul3A_1111, %dma_wait3A_1112] : memref<64x64x8192xf32, #tpu.memory_space<hbm>> -> memref<1x2x8192xf32, #tpu.memory_space<hbm>>
      %dma_wait3A_1114 = tpu.memref_squeeze %dma_wait3A_1113 : memref<1x2x8192xf32, #tpu.memory_space<hbm>> -> memref<2x8192xf32, #tpu.memory_space<hbm>>
      %dma_wait3A_1115 = arith.constant 0 : i32
      %dma_wait3A_1116 = tpu.memref_slice %arg7[%add3A_5, %mul3A_1111, %dma_wait3A_1115] : memref<64x64x8192xf32, #tpu.memory_space<hbm>> -> memref<1x2x8192xf32, #tpu.memory_space<hbm>>
      %dma_wait3A_1117 = tpu.memref_squeeze %dma_wait3A_1116 : memref<1x2x8192xf32, #tpu.memory_space<hbm>> -> memref<2x8192xf32, #tpu.memory_space<hbm>>
      tpu.wait_dma2 semaphore(%arg22 : memref<!tpu.dma_semaphore, #tpu.memory_space<semaphore_mem>>) src(%arg18 : memref<2x8192xf32, #tpu.memory_space<vmem>>) dst(%dma_wait3A_1117 : memref<2x8192xf32, #tpu.memory_space<hbm>>)
      %mul3A_1118 = arith.constant 2 : i32
      %mul3A_1119 = arith.muli %add3A_1108, %mul3A_1118 : i32
      %dma_wait3A_1120 = arith.constant 0 : i32
      %dma_wait3A_1121 = tpu.memref_slice %arg3[%add3A_5, %mul3A_1119, %dma_wait3A_1120] : memref<64x64x8192xf32, #tpu.memory_space<hbm>> -> memref<1x2x8192xf32, #tpu.memory_space<hbm>>
      %dma_wait3A_1122 = tpu.memref_squeeze %dma_wait3A_1121 : memref<1x2x8192xf32, #tpu.memory_space<hbm>> -> memref<2x8192xf32, #tpu.memory_space<hbm>>
      %dma_wait3A_1123 = arith.constant 0 : i32
      %dma_wait3A_1124 = tpu.memref_slice %arg3[%add3A_5, %mul3A_1119, %dma_wait3A_1123] : memref<64x64x8192xf32, #tpu.memory_space<hbm>> -> memref<1x2x8192xf32, #tpu.memory_space<hbm>>
      %dma_wait3A_1125 = tpu.memref_squeeze %dma_wait3A_1124 : memref<1x2x8192xf32, #tpu.memory_space<hbm>> -> memref<2x8192xf32, #tpu.memory_space<hbm>>
      tpu.wait_dma2 semaphore(%arg20 : memref<!tpu.dma_semaphore, #tpu.memory_space<semaphore_mem>>) src(%dma_wait3A_1125 : memref<2x8192xf32, #tpu.memory_space<hbm>>) dst(%arg16 : memref<2x8192xf32, #tpu.memory_space<vmem>>)
      %scan3A_1126 = arith.constant 0 : i32
      %scan3A_1127 = arith.constant 0 : i32
      %scan3A_1128 = arith.constant 512 : i32
      %scan3A_1129 = arith.addi %scan3A_1127, %scan3A_1128 : i32
      %scan3A_1130 = arith.constant 1 : i32
      scf.for %scan3A_1196 = %scan3A_1127 to %scan3A_1129 step %scan3A_1130  : i32 {
        %mul3A_1197 = arith.constant 16 : i32
        %mul3A_1198 = arith.muli %scan3A_1196, %mul3A_1197 : i32
        %get3A = arith.index_cast %mul3A_1198 : i32 to index
        %get3A_1199 = tpu.vector_load %arg15[%get3A] {strides = array<i32>} : memref<8192xi32, #tpu.memory_space<vmem>>, vector<16xi32>,
        %mul3A_1200 = arith.constant 16 : i32
        %mul3A_1201 = arith.muli %scan3A_1196, %mul3A_1200 : i32
        %add3A_1202 = vector.broadcast %mul3A_1201 : i32 to vector<16xi32>
        %add3A_1203 = arith.addi %iota3A, %add3A_1202 : vector<16xi32>
        %broadcast_in_dim3A_1204 = arith.constant 0 : i32
        %broadcast_in_dim3A_1205 = vector.broadcast %broadcast_in_dim3A_1204 : i32 to vector<16xi32>
        %gather3A = tpu.vector_load_idx %arg16[%broadcast_in_dim3A_1205, %get3A_1199] : memref<2x8192xf32, #tpu.memory_space<vmem>>[vector<16xi32>, vector<16xi32>], vector<16xf32>,
        tpu.vector_store_idx %arg18[%broadcast_in_dim3A_1205, %add3A_1203], %gather3A : memref<2x8192xf32, #tpu.memory_space<vmem>>[vector<16xi32>, vector<16xi32>], vector<16xf32>,
        %broadcast_in_dim3A_1206 = arith.constant 1 : i32
        %broadcast_in_dim3A_1207 = vector.broadcast %broadcast_in_dim3A_1206 : i32 to vector<16xi32>
        %gather3A_1208 = tpu.vector_load_idx %arg16[%broadcast_in_dim3A_1207, %get3A_1199] : memref<2x8192xf32, #tpu.memory_space<vmem>>[vector<16xi32>, vector<16xi32>], vector<16xf32>,
        tpu.vector_store_idx %arg18[%broadcast_in_dim3A_1207, %add3A_1203], %gather3A_1208 : memref<2x8192xf32, #tpu.memory_space<vmem>>[vector<16xi32>, vector<16xi32>], vector<16xf32>,
      }
      %scan3A_1131 = arith.constant 512 : i32
      %mul3A_1132 = arith.constant 2 : i32
      %mul3A_1133 = arith.muli %add3A_1108, %mul3A_1132 : i32
      %dma_start3A_1134 = arith.constant 0 : i32
      %dma_start3A_1135 = tpu.memref_slice %arg7[%add3A_5, %mul3A_1133, %dma_start3A_1134] : memref<64x64x8192xf32, #tpu.memory_space<hbm>> -> memref<1x2x8192xf32, #tpu.memory_space<hbm>>
      %dma_start3A_1136 = tpu.memref_squeeze %dma_start3A_1135 : memref<1x2x8192xf32, #tpu.memory_space<hbm>> -> memref<2x8192xf32, #tpu.memory_space<hbm>>
      %dma_start3A_1137 = arith.constant 0 : i32
      %dma_start3A_1138 = tpu.memref_slice %arg7[%add3A_5, %mul3A_1133, %dma_start3A_1137] : memref<64x64x8192xf32, #tpu.memory_space<hbm>> -> memref<1x2x8192xf32, #tpu.memory_space<hbm>>
      %dma_start3A_1139 = tpu.memref_squeeze %dma_start3A_1138 : memref<1x2x8192xf32, #tpu.memory_space<hbm>> -> memref<2x8192xf32, #tpu.memory_space<hbm>>
      tpu.enqueue_dma source(%arg18 : memref<2x8192xf32, #tpu.memory_space<vmem>>) target(%dma_start3A_1139 : memref<2x8192xf32, #tpu.memory_space<hbm>>) target_semaphore(%arg22 : memref<!tpu.dma_semaphore, #tpu.memory_space<semaphore_mem>>)
      %add3A_1140 = arith.constant 2 : i32
      %add3A_1141 = arith.addi %add3A_1108, %add3A_1140 : i32
      %mul3A_1142 = arith.constant 2 : i32
      %mul3A_1143 = arith.muli %add3A_1141, %mul3A_1142 : i32
      %dma_start3A_1144 = arith.constant 0 : i32
      %dma_start3A_1145 = tpu.memref_slice %arg3[%add3A_5, %mul3A_1143, %dma_start3A_1144] : memref<64x64x8192xf32, #tpu.memory_space<hbm>> -> memref<1x2x8192xf32, #tpu.memory_space<hbm>>
      %dma_start3A_1146 = tpu.memref_squeeze %dma_start3A_1145 : memref<1x2x8192xf32, #tpu.memory_space<hbm>> -> memref<2x8192xf32, #tpu.memory_space<hbm>>
      %dma_start3A_1147 = arith.constant 0 : i32
      %dma_start3A_1148 = tpu.memref_slice %arg3[%add3A_5, %mul3A_1143, %dma_start3A_1147] : memref<64x64x8192xf32, #tpu.memory_space<hbm>> -> memref<1x2x8192xf32, #tpu.memory_space<hbm>>
      %dma_start3A_1149 = tpu.memref_squeeze %dma_start3A_1148 : memref<1x2x8192xf32, #tpu.memory_space<hbm>> -> memref<2x8192xf32, #tpu.memory_space<hbm>>
      tpu.enqueue_dma source(%dma_start3A_1149 : memref<2x8192xf32, #tpu.memory_space<hbm>>) target(%arg16 : memref<2x8192xf32, #tpu.memory_space<vmem>>) target_semaphore(%arg20 : memref<!tpu.dma_semaphore, #tpu.memory_space<semaphore_mem>>)
      %mul3A_1150 = arith.constant 2 : i32
      %mul3A_1151 = arith.muli %scan3A_1104, %mul3A_1150 : i32
      %add3A_1152 = arith.constant 1 : i32
      %add3A_1153 = arith.addi %mul3A_1151, %add3A_1152 : i32
      %sub3A_1154 = arith.constant 2 : i32
      %sub3A_1155 = arith.subi %add3A_1153, %sub3A_1154 : i32
      %mul3A_1156 = arith.constant 2 : i32
      %mul3A_1157 = arith.muli %sub3A_1155, %mul3A_1156 : i32
      %dma_wait3A_1158 = arith.constant 0 : i32
      %dma_wait3A_1159 = tpu.memref_slice %arg7[%add3A_5, %mul3A_1157, %dma_wait3A_1158] : memref<64x64x8192xf32, #tpu.memory_space<hbm>> -> memref<1x2x8192xf32, #tpu.memory_space<hbm>>
      %dma_wait3A_1160 = tpu.memref_squeeze %dma_wait3A_1159 : memref<1x2x8192xf32, #tpu.memory_space<hbm>> -> memref<2x8192xf32, #tpu.memory_space<hbm>>
      %dma_wait3A_1161 = arith.constant 0 : i32
      %dma_wait3A_1162 = tpu.memref_slice %arg7[%add3A_5, %mul3A_1157, %dma_wait3A_1161] : memref<64x64x8192xf32, #tpu.memory_space<hbm>> -> memref<1x2x8192xf32, #tpu.memory_space<hbm>>
      %dma_wait3A_1163 = tpu.memref_squeeze %dma_wait3A_1162 : memref<1x2x8192xf32, #tpu.memory_space<hbm>> -> memref<2x8192xf32, #tpu.memory_space<hbm>>
      tpu.wait_dma2 semaphore(%arg23 : memref<!tpu.dma_semaphore, #tpu.memory_space<semaphore_mem>>) src(%arg19 : memref<2x8192xf32, #tpu.memory_space<vmem>>) dst(%dma_wait3A_1163 : memref<2x8192xf32, #tpu.memory_space<hbm>>)
      %mul3A_1164 = arith.constant 2 : i32
      %mul3A_1165 = arith.muli %add3A_1153, %mul3A_1164 : i32
      %dma_wait3A_1166 = arith.constant 0 : i32
      %dma_wait3A_1167 = tpu.memref_slice %arg3[%add3A_5, %mul3A_1165, %dma_wait3A_1166] : memref<64x64x8192xf32, #tpu.memory_space<hbm>> -> memref<1x2x8192xf32, #tpu.memory_space<hbm>>
      %dma_wait3A_1168 = tpu.memref_squeeze %dma_wait3A_1167 : memref<1x2x8192xf32, #tpu.memory_space<hbm>> -> memref<2x8192xf32, #tpu.memory_space<hbm>>
      %dma_wait3A_1169 = arith.constant 0 : i32
      %dma_wait3A_1170 = tpu.memref_slice %arg3[%add3A_5, %mul3A_1165, %dma_wait3A_1169] : memref<64x64x8192xf32, #tpu.memory_space<hbm>> -> memref<1x2x8192xf32, #tpu.memory_space<hbm>>
      %dma_wait3A_1171 = tpu.memref_squeeze %dma_wait3A_1170 : memref<1x2x8192xf32, #tpu.memory_space<hbm>> -> memref<2x8192xf32, #tpu.memory_space<hbm>>
      tpu.wait_dma2 semaphore(%arg21 : memref<!tpu.dma_semaphore, #tpu.memory_space<semaphore_mem>>) src(%dma_wait3A_1171 : memref<2x8192xf32, #tpu.memory_space<hbm>>) dst(%arg17 : memref<2x8192xf32, #tpu.memory_space<vmem>>)
      %scan3A_1172 = arith.constant 0 : i32
      %scan3A_1173 = arith.constant 0 : i32
      %scan3A_1174 = arith.constant 512 : i32
      %scan3A_1175 = arith.addi %scan3A_1173, %scan3A_1174 : i32
      %scan3A_1176 = arith.constant 1 : i32
      scf.for %scan3A_1196 = %scan3A_1173 to %scan3A_1175 step %scan3A_1176  : i32 {
        %mul3A_1197 = arith.constant 16 : i32
        %mul3A_1198 = arith.muli %scan3A_1196, %mul3A_1197 : i32
        %get3A = arith.index_cast %mul3A_1198 : i32 to index
        %get3A_1199 = tpu.vector_load %arg15[%get3A] {strides = array<i32>} : memref<8192xi32, #tpu.memory_space<vmem>>, vector<16xi32>,
        %mul3A_1200 = arith.constant 16 : i32
        %mul3A_1201 = arith.muli %scan3A_1196, %mul3A_1200 : i32
        %add3A_1202 = vector.broadcast %mul3A_1201 : i32 to vector<16xi32>
        %add3A_1203 = arith.addi %iota3A, %add3A_1202 : vector<16xi32>
        %broadcast_in_dim3A_1204 = arith.constant 0 : i32
        %broadcast_in_dim3A_1205 = vector.broadcast %broadcast_in_dim3A_1204 : i32 to vector<16xi32>
        %gather3A = tpu.vector_load_idx %arg17[%broadcast_in_dim3A_1205, %get3A_1199] : memref<2x8192xf32, #tpu.memory_space<vmem>>[vector<16xi32>, vector<16xi32>], vector<16xf32>,
        tpu.vector_store_idx %arg19[%broadcast_in_dim3A_1205, %add3A_1203], %gather3A : memref<2x8192xf32, #tpu.memory_space<vmem>>[vector<16xi32>, vector<16xi32>], vector<16xf32>,
        %broadcast_in_dim3A_1206 = arith.constant 1 : i32
        %broadcast_in_dim3A_1207 = vector.broadcast %broadcast_in_dim3A_1206 : i32 to vector<16xi32>
        %gather3A_1208 = tpu.vector_load_idx %arg17[%broadcast_in_dim3A_1207, %get3A_1199] : memref<2x8192xf32, #tpu.memory_space<vmem>>[vector<16xi32>, vector<16xi32>], vector<16xf32>,
        tpu.vector_store_idx %arg19[%broadcast_in_dim3A_1207, %add3A_1203], %gather3A_1208 : memref<2x8192xf32, #tpu.memory_space<vmem>>[vector<16xi32>, vector<16xi32>], vector<16xf32>,
      }
      %scan3A_1177 = arith.constant 512 : i32
      %mul3A_1178 = arith.constant 2 : i32
      %mul3A_1179 = arith.muli %add3A_1153, %mul3A_1178 : i32
      %dma_start3A_1180 = arith.constant 0 : i32
      %dma_start3A_1181 = tpu.memref_slice %arg7[%add3A_5, %mul3A_1179, %dma_start3A_1180] : memref<64x64x8192xf32, #tpu.memory_space<hbm>> -> memref<1x2x8192xf32, #tpu.memory_space<hbm>>
      %dma_start3A_1182 = tpu.memref_squeeze %dma_start3A_1181 : memref<1x2x8192xf32, #tpu.memory_space<hbm>> -> memref<2x8192xf32, #tpu.memory_space<hbm>>
      %dma_start3A_1183 = arith.constant 0 : i32
      %dma_start3A_1184 = tpu.memref_slice %arg7[%add3A_5, %mul3A_1179, %dma_start3A_1183] : memref<64x64x8192xf32, #tpu.memory_space<hbm>> -> memref<1x2x8192xf32, #tpu.memory_space<hbm>>
      %dma_start3A_1185 = tpu.memref_squeeze %dma_start3A_1184 : memref<1x2x8192xf32, #tpu.memory_space<hbm>> -> memref<2x8192xf32, #tpu.memory_space<hbm>>
      tpu.enqueue_dma source(%arg19 : memref<2x8192xf32, #tpu.memory_space<vmem>>) target(%dma_start3A_1185 : memref<2x8192xf32, #tpu.memory_space<hbm>>) target_semaphore(%arg23 : memref<!tpu.dma_semaphore, #tpu.memory_space<semaphore_mem>>)
      %add3A_1186 = arith.constant 2 : i32
      %add3A_1187 = arith.addi %add3A_1153, %add3A_1186 : i32
      %mul3A_1188 = arith.constant 2 : i32
      %mul3A_1189 = arith.muli %add3A_1187, %mul3A_1188 : i32
      %dma_start3A_1190 = arith.constant 0 : i32
      %dma_start3A_1191 = tpu.memref_slice %arg3[%add3A_5, %mul3A_1189, %dma_start3A_1190] : memref<64x64x8192xf32, #tpu.memory_space<hbm>> -> memref<1x2x8192xf32, #tpu.memory_space<hbm>>
      %dma_start3A_1192 = tpu.memref_squeeze %dma_start3A_1191 : memref<1x2x8192xf32, #tpu.memory_space<hbm>> -> memref<2x8192xf32, #tpu.memory_space<hbm>>
      %dma_start3A_1193 = arith.constant 0 : i32
      %dma_start3A_1194 = tpu.memref_slice %arg3[%add3A_5, %mul3A_1189, %dma_start3A_1193] : memref<64x64x8192xf32, #tpu.memory_space<hbm>> -> memref<1x2x8192xf32, #tpu.memory_space<hbm>>
      %dma_start3A_1195 = tpu.memref_squeeze %dma_start3A_1194 : memref<1x2x8192xf32, #tpu.memory_space<hbm>> -> memref<2x8192xf32, #tpu.memory_space<hbm>>
      tpu.enqueue_dma source(%dma_start3A_1195 : memref<2x8192xf32, #tpu.memory_space<hbm>>) target(%arg17 : memref<2x8192xf32, #tpu.memory_space<vmem>>) target_semaphore(%arg21 : memref<!tpu.dma_semaphore, #tpu.memory_space<semaphore_mem>>)
    }
    %scan3A_196 = arith.constant 14 : i32
    %dma_wait3A_197 = arith.constant 56 : i32
    %dma_wait3A_198 = arith.constant 0 : i32
    %dma_wait3A_199 = tpu.memref_slice %arg7[%add3A_5, %dma_wait3A_197, %dma_wait3A_198] : memref<64x64x8192xf32, #tpu.memory_space<hbm>> -> memref<1x2x8192xf32, #tpu.memory_space<hbm>>
    %dma_wait3A_200 = tpu.memref_squeeze %dma_wait3A_199 : memref<1x2x8192xf32, #tpu.memory_space<hbm>> -> memref<2x8192xf32, #tpu.memory_space<hbm>>
    %dma_wait3A_201 = arith.constant 56 : i32
    %dma_wait3A_202 = arith.constant 0 : i32
    %dma_wait3A_203 = tpu.memref_slice %arg7[%add3A_5, %dma_wait3A_201, %dma_wait3A_202] : memref<64x64x8192xf32, #tpu.memory_space<hbm>> -> memref<1x2x8192xf32, #tpu.memory_space<hbm>>
    %dma_wait3A_204 = tpu.memref_squeeze %dma_wait3A_203 : memref<1x2x8192xf32, #tpu.memory_space<hbm>> -> memref<2x8192xf32, #tpu.memory_space<hbm>>
    tpu.wait_dma2 semaphore(%arg22 : memref<!tpu.dma_semaphore, #tpu.memory_space<semaphore_mem>>) src(%arg18 : memref<2x8192xf32, #tpu.memory_space<vmem>>) dst(%dma_wait3A_204 : memref<2x8192xf32, #tpu.memory_space<hbm>>)
    %dma_wait3A_205 = arith.constant 60 : i32
    %dma_wait3A_206 = arith.constant 0 : i32
    %dma_wait3A_207 = tpu.memref_slice %arg3[%add3A_5, %dma_wait3A_205, %dma_wait3A_206] : memref<64x64x8192xf32, #tpu.memory_space<hbm>> -> memref<1x2x8192xf32, #tpu.memory_space<hbm>>
    %dma_wait3A_208 = tpu.memref_squeeze %dma_wait3A_207 : memref<1x2x8192xf32, #tpu.memory_space<hbm>> -> memref<2x8192xf32, #tpu.memory_space<hbm>>
    %dma_wait3A_209 = arith.constant 60 : i32
    %dma_wait3A_210 = arith.constant 0 : i32
    %dma_wait3A_211 = tpu.memref_slice %arg3[%add3A_5, %dma_wait3A_209, %dma_wait3A_210] : memref<64x64x8192xf32, #tpu.memory_space<hbm>> -> memref<1x2x8192xf32, #tpu.memory_space<hbm>>
    %dma_wait3A_212 = tpu.memref_squeeze %dma_wait3A_211 : memref<1x2x8192xf32, #tpu.memory_space<hbm>> -> memref<2x8192xf32, #tpu.memory_space<hbm>>
    tpu.wait_dma2 semaphore(%arg20 : memref<!tpu.dma_semaphore, #tpu.memory_space<semaphore_mem>>) src(%dma_wait3A_212 : memref<2x8192xf32, #tpu.memory_space<hbm>>) dst(%arg16 : memref<2x8192xf32, #tpu.memory_space<vmem>>)
    %scan3A_213 = arith.constant 0 : i32
    %scan3A_214 = arith.constant 0 : i32
    %scan3A_215 = arith.constant 512 : i32
    %scan3A_216 = arith.addi %scan3A_214, %scan3A_215 : i32
    %scan3A_217 = arith.constant 1 : i32
    scf.for %scan3A_1104 = %scan3A_214 to %scan3A_216 step %scan3A_217  : i32 {
      %mul3A_1105 = arith.constant 16 : i32
      %mul3A_1106 = arith.muli %scan3A_1104, %mul3A_1105 : i32
      %get3A = arith.index_cast %mul3A_1106 : i32 to index
      %get3A_1107 = tpu.vector_load %arg15[%get3A] {strides = array<i32>} : memref<8192xi32, #tpu.memory_space<vmem>>, vector<16xi32>,
      %mul3A_1108 = arith.constant 16 : i32
      %mul3A_1109 = arith.muli %scan3A_1104, %mul3A_1108 : i32
      %add3A_1110 = vector.broadcast %mul3A_1109 : i32 to vector<16xi32>
      %add3A_1111 = arith.addi %iota3A, %add3A_1110 : vector<16xi32>
      %broadcast_in_dim3A_1112 = arith.constant 0 : i32
      %broadcast_in_dim3A_1113 = vector.broadcast %broadcast_in_dim3A_1112 : i32 to vector<16xi32>
      %gather3A = tpu.vector_load_idx %arg16[%broadcast_in_dim3A_1113, %get3A_1107] : memref<2x8192xf32, #tpu.memory_space<vmem>>[vector<16xi32>, vector<16xi32>], vector<16xf32>,
      tpu.vector_store_idx %arg18[%broadcast_in_dim3A_1113, %add3A_1111], %gather3A : memref<2x8192xf32, #tpu.memory_space<vmem>>[vector<16xi32>, vector<16xi32>], vector<16xf32>,
      %broadcast_in_dim3A_1114 = arith.constant 1 : i32
      %broadcast_in_dim3A_1115 = vector.broadcast %broadcast_in_dim3A_1114 : i32 to vector<16xi32>
      %gather3A_1116 = tpu.vector_load_idx %arg16[%broadcast_in_dim3A_1115, %get3A_1107] : memref<2x8192xf32, #tpu.memory_space<vmem>>[vector<16xi32>, vector<16xi32>], vector<16xf32>,
      tpu.vector_store_idx %arg18[%broadcast_in_dim3A_1115, %add3A_1111], %gather3A_1116 : memref<2x8192xf32, #tpu.memory_space<vmem>>[vector<16xi32>, vector<16xi32>], vector<16xf32>,
    }
    %scan3A_218 = arith.constant 512 : i32
    %dma_start3A_219 = arith.constant 60 : i32
    %dma_start3A_220 = arith.constant 0 : i32
    %dma_start3A_221 = tpu.memref_slice %arg7[%add3A_5, %dma_start3A_219, %dma_start3A_220] : memref<64x64x8192xf32, #tpu.memory_space<hbm>> -> memref<1x2x8192xf32, #tpu.memory_space<hbm>>
    %dma_start3A_222 = tpu.memref_squeeze %dma_start3A_221 : memref<1x2x8192xf32, #tpu.memory_space<hbm>> -> memref<2x8192xf32, #tpu.memory_space<hbm>>
    %dma_start3A_223 = arith.constant 60 : i32
    %dma_start3A_224 = arith.constant 0 : i32
    %dma_start3A_225 = tpu.memref_slice %arg7[%add3A_5, %dma_start3A_223, %dma_start3A_224] : memref<64x64x8192xf32, #tpu.memory_space<hbm>> -> memref<1x2x8192xf32, #tpu.memory_space<hbm>>
    %dma_start3A_226 = tpu.memref_squeeze %dma_start3A_225 : memref<1x2x8192xf32, #tpu.memory_space<hbm>> -> memref<2x8192xf32, #tpu.memory_space<hbm>>
    tpu.enqueue_dma source(%arg18 : memref<2x8192xf32, #tpu.memory_space<vmem>>) target(%dma_start3A_226 : memref<2x8192xf32, #tpu.memory_space<hbm>>) target_semaphore(%arg22 : memref<!tpu.dma_semaphore, #tpu.memory_space<semaphore_mem>>)
    %dma_wait3A_227 = arith.constant 58 : i32
    %dma_wait3A_228 = arith.constant 0 : i32
    %dma_wait3A_229 = tpu.memref_slice %arg7[%add3A_5, %dma_wait3A_227, %dma_wait3A_228] : memref<64x64x8192xf32, #tpu.memory_space<hbm>> -> memref<1x2x8192xf32, #tpu.memory_space<hbm>>
    %dma_wait3A_230 = tpu.memref_squeeze %dma_wait3A_229 : memref<1x2x8192xf32, #tpu.memory_space<hbm>> -> memref<2x8192xf32, #tpu.memory_space<hbm>>
    %dma_wait3A_231 = arith.constant 58 : i32
    %dma_wait3A_232 = arith.constant 0 : i32
    %dma_wait3A_233 = tpu.memref_slice %arg7[%add3A_5, %dma_wait3A_231, %dma_wait3A_232] : memref<64x64x8192xf32, #tpu.memory_space<hbm>> -> memref<1x2x8192xf32, #tpu.memory_space<hbm>>
    %dma_wait3A_234 = tpu.memref_squeeze %dma_wait3A_233 : memref<1x2x8192xf32, #tpu.memory_space<hbm>> -> memref<2x8192xf32, #tpu.memory_space<hbm>>
    tpu.wait_dma2 semaphore(%arg23 : memref<!tpu.dma_semaphore, #tpu.memory_space<semaphore_mem>>) src(%arg19 : memref<2x8192xf32, #tpu.memory_space<vmem>>) dst(%dma_wait3A_234 : memref<2x8192xf32, #tpu.memory_space<hbm>>)
    %dma_wait3A_235 = arith.constant 62 : i32
    %dma_wait3A_236 = arith.constant 0 : i32
    %dma_wait3A_237 = tpu.memref_slice %arg3[%add3A_5, %dma_wait3A_235, %dma_wait3A_236] : memref<64x64x8192xf32, #tpu.memory_space<hbm>> -> memref<1x2x8192xf32, #tpu.memory_space<hbm>>
    %dma_wait3A_238 = tpu.memref_squeeze %dma_wait3A_237 : memref<1x2x8192xf32, #tpu.memory_space<hbm>> -> memref<2x8192xf32, #tpu.memory_space<hbm>>
    %dma_wait3A_239 = arith.constant 62 : i32
    %dma_wait3A_240 = arith.constant 0 : i32
    %dma_wait3A_241 = tpu.memref_slice %arg3[%add3A_5, %dma_wait3A_239, %dma_wait3A_240] : memref<64x64x8192xf32, #tpu.memory_space<hbm>> -> memref<1x2x8192xf32, #tpu.memory_space<hbm>>
    %dma_wait3A_242 = tpu.memref_squeeze %dma_wait3A_241 : memref<1x2x8192xf32, #tpu.memory_space<hbm>> -> memref<2x8192xf32, #tpu.memory_space<hbm>>
    tpu.wait_dma2 semaphore(%arg21 : memref<!tpu.dma_semaphore, #tpu.memory_space<semaphore_mem>>) src(%dma_wait3A_242 : memref<2x8192xf32, #tpu.memory_space<hbm>>) dst(%arg17 : memref<2x8192xf32, #tpu.memory_space<vmem>>)
    %scan3A_243 = arith.constant 0 : i32
    %scan3A_244 = arith.constant 0 : i32
    %scan3A_245 = arith.constant 512 : i32
    %scan3A_246 = arith.addi %scan3A_244, %scan3A_245 : i32
    %scan3A_247 = arith.constant 1 : i32
    scf.for %scan3A_1104 = %scan3A_244 to %scan3A_246 step %scan3A_247  : i32 {
      %mul3A_1105 = arith.constant 16 : i32
      %mul3A_1106 = arith.muli %scan3A_1104, %mul3A_1105 : i32
      %get3A = arith.index_cast %mul3A_1106 : i32 to index
      %get3A_1107 = tpu.vector_load %arg15[%get3A] {strides = array<i32>} : memref<8192xi32, #tpu.memory_space<vmem>>, vector<16xi32>,
      %mul3A_1108 = arith.constant 16 : i32
      %mul3A_1109 = arith.muli %scan3A_1104, %mul3A_1108 : i32
      %add3A_1110 = vector.broadcast %mul3A_1109 : i32 to vector<16xi32>
      %add3A_1111 = arith.addi %iota3A, %add3A_1110 : vector<16xi32>
      %broadcast_in_dim3A_1112 = arith.constant 0 : i32
      %broadcast_in_dim3A_1113 = vector.broadcast %broadcast_in_dim3A_1112 : i32 to vector<16xi32>
      %gather3A = tpu.vector_load_idx %arg17[%broadcast_in_dim3A_1113, %get3A_1107] : memref<2x8192xf32, #tpu.memory_space<vmem>>[vector<16xi32>, vector<16xi32>], vector<16xf32>,
      tpu.vector_store_idx %arg19[%broadcast_in_dim3A_1113, %add3A_1111], %gather3A : memref<2x8192xf32, #tpu.memory_space<vmem>>[vector<16xi32>, vector<16xi32>], vector<16xf32>,
      %broadcast_in_dim3A_1114 = arith.constant 1 : i32
      %broadcast_in_dim3A_1115 = vector.broadcast %broadcast_in_dim3A_1114 : i32 to vector<16xi32>
      %gather3A_1116 = tpu.vector_load_idx %arg17[%broadcast_in_dim3A_1115, %get3A_1107] : memref<2x8192xf32, #tpu.memory_space<vmem>>[vector<16xi32>, vector<16xi32>], vector<16xf32>,
      tpu.vector_store_idx %arg19[%broadcast_in_dim3A_1115, %add3A_1111], %gather3A_1116 : memref<2x8192xf32, #tpu.memory_space<vmem>>[vector<16xi32>, vector<16xi32>], vector<16xf32>,
    }
    %scan3A_248 = arith.constant 512 : i32
    %dma_start3A_249 = arith.constant 62 : i32
    %dma_start3A_250 = arith.constant 0 : i32
    %dma_start3A_251 = tpu.memref_slice %arg7[%add3A_5, %dma_start3A_249, %dma_start3A_250] : memref<64x64x8192xf32, #tpu.memory_space<hbm>> -> memref<1x2x8192xf32, #tpu.memory_space<hbm>>
    %dma_start3A_252 = tpu.memref_squeeze %dma_start3A_251 : memref<1x2x8192xf32, #tpu.memory_space<hbm>> -> memref<2x8192xf32, #tpu.memory_space<hbm>>
    %dma_start3A_253 = arith.constant 62 : i32
    %dma_start3A_254 = arith.constant 0 : i32
    %dma_start3A_255 = tpu.memref_slice %arg7[%add3A_5, %dma_start3A_253, %dma_start3A_254] : memref<64x64x8192xf32, #tpu.memory_space<hbm>> -> memref<1x2x8192xf32, #tpu.memory_space<hbm>>
    %dma_start3A_256 = tpu.memref_squeeze %dma_start3A_255 : memref<1x2x8192xf32, #tpu.memory_space<hbm>> -> memref<2x8192xf32, #tpu.memory_space<hbm>>
    tpu.enqueue_dma source(%arg19 : memref<2x8192xf32, #tpu.memory_space<vmem>>) target(%dma_start3A_256 : memref<2x8192xf32, #tpu.memory_space<hbm>>) target_semaphore(%arg23 : memref<!tpu.dma_semaphore, #tpu.memory_space<semaphore_mem>>)
    %dma_wait3A_257 = arith.constant 60 : i32
    %dma_wait3A_258 = arith.constant 0 : i32
    %dma_wait3A_259 = tpu.memref_slice %arg7[%add3A_5, %dma_wait3A_257, %dma_wait3A_258] : memref<64x64x8192xf32, #tpu.memory_space<hbm>> -> memref<1x2x8192xf32, #tpu.memory_space<hbm>>
    %dma_wait3A_260 = tpu.memref_squeeze %dma_wait3A_259 : memref<1x2x8192xf32, #tpu.memory_space<hbm>> -> memref<2x8192xf32, #tpu.memory_space<hbm>>
    %dma_wait3A_261 = arith.constant 60 : i32
    %dma_wait3A_262 = arith.constant 0 : i32
    %dma_wait3A_263 = tpu.memref_slice %arg7[%add3A_5, %dma_wait3A_261, %dma_wait3A_262] : memref<64x64x8192xf32, #tpu.memory_space<hbm>> -> memref<1x2x8192xf32, #tpu.memory_space<hbm>>
    %dma_wait3A_264 = tpu.memref_squeeze %dma_wait3A_263 : memref<1x2x8192xf32, #tpu.memory_space<hbm>> -> memref<2x8192xf32, #tpu.memory_space<hbm>>
    tpu.wait_dma2 semaphore(%arg22 : memref<!tpu.dma_semaphore, #tpu.memory_space<semaphore_mem>>) src(%arg18 : memref<2x8192xf32, #tpu.memory_space<vmem>>) dst(%dma_wait3A_264 : memref<2x8192xf32, #tpu.memory_space<hbm>>)
    %dma_wait3A_265 = arith.constant 62 : i32
    %dma_wait3A_266 = arith.constant 0 : i32
    %dma_wait3A_267 = tpu.memref_slice %arg7[%add3A_5, %dma_wait3A_265, %dma_wait3A_266] : memref<64x64x8192xf32, #tpu.memory_space<hbm>> -> memref<1x2x8192xf32, #tpu.memory_space<hbm>>
    %dma_wait3A_268 = tpu.memref_squeeze %dma_wait3A_267 : memref<1x2x8192xf32, #tpu.memory_space<hbm>> -> memref<2x8192xf32, #tpu.memory_space<hbm>>
    %dma_wait3A_269 = arith.constant 62 : i32
    %dma_wait3A_270 = arith.constant 0 : i32
    %dma_wait3A_271 = tpu.memref_slice %arg7[%add3A_5, %dma_wait3A_269, %dma_wait3A_270] : memref<64x64x8192xf32, #tpu.memory_space<hbm>> -> memref<1x2x8192xf32, #tpu.memory_space<hbm>>
    %dma_wait3A_272 = tpu.memref_squeeze %dma_wait3A_271 : memref<1x2x8192xf32, #tpu.memory_space<hbm>> -> memref<2x8192xf32, #tpu.memory_space<hbm>>
    tpu.wait_dma2 semaphore(%arg23 : memref<!tpu.dma_semaphore, #tpu.memory_space<semaphore_mem>>) src(%arg19 : memref<2x8192xf32, #tpu.memory_space<vmem>>) dst(%dma_wait3A_272 : memref<2x8192xf32, #tpu.memory_space<hbm>>)
    %mul3A_273 = arith.constant 32 : i32
    %mul3A_274 = arith.muli %arg0, %mul3A_273 : i32
    %mul3A_275 = arith.constant 2 : i32
    %mul3A_276 = arith.muli %arg1, %mul3A_275 : i32
    %add3A_277 = arith.addi %mul3A_274, %mul3A_276 : i32
    %add3A_278 = arith.constant 1 : i32
    %add3A_279 = arith.addi %add3A_277, %add3A_278 : i32
    "tpu.region"() ({
      %run_scoped3A = tpu.sem_alloc : memref<!tpu.dma_semaphore, #tpu.memory_space<semaphore_mem>>
      %dma_start3A_1104 = arith.constant 0 : i32
      %dma_start3A_1105 = tpu.memref_slice %arg2[%add3A_279, %dma_start3A_1104] : memref<64x8192xf32, #tpu.memory_space<hbm>> -> memref<1x8192xf32, #tpu.memory_space<hbm>>
      %dma_start3A_1106 = tpu.memref_squeeze %dma_start3A_1105 : memref<1x8192xf32, #tpu.memory_space<hbm>> -> memref<8192xf32, #tpu.memory_space<hbm>>
      %dma_start3A_1107 = arith.constant 0 : i32
      %dma_start3A_1108 = tpu.memref_slice %arg2[%add3A_279, %dma_start3A_1107] : memref<64x8192xf32, #tpu.memory_space<hbm>> -> memref<1x8192xf32, #tpu.memory_space<hbm>>
      %dma_start3A_1109 = tpu.memref_squeeze %dma_start3A_1108 : memref<1x8192xf32, #tpu.memory_space<hbm>> -> memref<8192xf32, #tpu.memory_space<hbm>>
      tpu.enqueue_dma source(%dma_start3A_1109 : memref<8192xf32, #tpu.memory_space<hbm>>) target(%arg10 : memref<8192xf32, #tpu.memory_space<vmem>>) target_semaphore(%run_scoped3A : memref<!tpu.dma_semaphore, #tpu.memory_space<semaphore_mem>>)
      %dma_wait3A_1110 = arith.constant 0 : i32
      %dma_wait3A_1111 = tpu.memref_slice %arg2[%add3A_279, %dma_wait3A_1110] : memref<64x8192xf32, #tpu.memory_space<hbm>> -> memref<1x8192xf32, #tpu.memory_space<hbm>>
      %dma_wait3A_1112 = tpu.memref_squeeze %dma_wait3A_1111 : memref<1x8192xf32, #tpu.memory_space<hbm>> -> memref<8192xf32, #tpu.memory_space<hbm>>
      %dma_wait3A_1113 = arith.constant 0 : i32
      %dma_wait3A_1114 = tpu.memref_slice %arg2[%add3A_279, %dma_wait3A_1113] : memref<64x8192xf32, #tpu.memory_space<hbm>> -> memref<1x8192xf32, #tpu.memory_space<hbm>>
      %dma_wait3A_1115 = tpu.memref_squeeze %dma_wait3A_1114 : memref<1x8192xf32, #tpu.memory_space<hbm>> -> memref<8192xf32, #tpu.memory_space<hbm>>
      tpu.wait_dma2 semaphore(%run_scoped3A : memref<!tpu.dma_semaphore, #tpu.memory_space<semaphore_mem>>) src(%dma_wait3A_1115 : memref<8192xf32, #tpu.memory_space<hbm>>) dst(%arg10 : memref<8192xf32, #tpu.memory_space<vmem>>)
      tpu.yield
    }) : () -> ()
    %scan3A_280 = arith.constant 0 : i32
    %scan3A_281 = arith.constant 0 : i32
    %scan3A_282 = arith.constant 512 : i32
    %scan3A_283 = arith.addi %scan3A_281, %scan3A_282 : i32
    %scan3A_284 = arith.constant 1 : i32
    scf.for %scan3A_1104 = %scan3A_281 to %scan3A_283 step %scan3A_284  : i32 {
      %mul3A_1105 = arith.constant 16 : i32
      %mul3A_1106 = arith.muli %scan3A_1104, %mul3A_1105 : i32
      %get3A = arith.index_cast %mul3A_1106 : i32 to index
      %get3A_1107 = tpu.vector_load %arg10[%get3A] {strides = array<i32>} : memref<8192xf32, #tpu.memory_space<vmem>>, vector<16xf32>,
      %bitcast_convert_type3A = tpu.bitcast %get3A_1107 : vector<16xf32> -> vector<16xi32>
      %lt3A = arith.constant 0 : i32
      %lt3A_1108 = vector.broadcast %lt3A : i32 to vector<16xi32>
      %lt3A_1109 = arith.cmpi slt, %bitcast_convert_type3A, %lt3A_1108 : vector<16xi32>
      %not3A = arith.constant dense<-1> : vector<16xi32>
      %not3A_1110 = arith.xori %bitcast_convert_type3A, %not3A : vector<16xi32>
      %xor3A = arith.constant -2147483648 : i32
      %xor3A_1111 = vector.broadcast %xor3A : i32 to vector<16xi32>
      %xor3A_1112 = arith.xori %bitcast_convert_type3A, %xor3A_1111 : vector<16xi32>
      %select_n3A = arith.select %lt3A_1109, %not3A_1110, %xor3A_1112 : vector<16xi1>, vector<16xi32>
      %mul3A_1113 = arith.constant 16 : i32
      %mul3A_1114 = arith.muli %scan3A_1104, %mul3A_1113 : i32
      %swap3A = arith.index_cast %mul3A_1114 : i32 to index
      %swap3A_1115 = tpu.vector_load %arg11[%swap3A] {strides = array<i32>} : memref<8192xi32, #tpu.memory_space<vmem>>, vector<16xi32>,
      tpu.vector_store %arg11[%swap3A], %select_n3A {strides = array<i32>} : memref<8192xi32, #tpu.memory_space<vmem>>, vector<16xi32>,
    }
    %scan3A_285 = arith.constant 512 : i32
    %scan3A_286 = arith.constant 0 : i32
    %scan3A_287 = arith.constant 0 : i32
    %scan3A_288 = arith.constant 256 : i32
    %scan3A_289 = arith.addi %scan3A_287, %scan3A_288 : i32
    %scan3A_290 = arith.constant 1 : i32
    scf.for %scan3A_1104 = %scan3A_287 to %scan3A_289 step %scan3A_290  : i32 {
      %broadcast_in_dim3A_1105 = arith.constant 0 : i32
      %broadcast_in_dim3A_1106 = vector.broadcast %broadcast_in_dim3A_1105 : i32 to vector<16xi32>
      %mul3A_1107 = arith.constant 16 : i32
      %mul3A_1108 = arith.muli %scan3A_1104, %mul3A_1107 : i32
      %swap3A = arith.index_cast %mul3A_1108 : i32 to index
      %swap3A_1109 = tpu.vector_load %arg14[%swap3A] {strides = array<i32>} : memref<4096xi32, #tpu.memory_space<vmem>>, vector<16xi32>,
      tpu.vector_store %arg14[%swap3A], %broadcast_in_dim3A_1106 {strides = array<i32>} : memref<4096xi32, #tpu.memory_space<vmem>>, vector<16xi32>,
    }
    %scan3A_291 = arith.constant 256 : i32
    %scan3A_292 = arith.constant 0 : i32
    %scan3A_293 = arith.constant 0 : i32
    %scan3A_294 = arith.constant 512 : i32
    %scan3A_295 = arith.addi %scan3A_293, %scan3A_294 : i32
    %scan3A_296 = arith.constant 1 : i32
    scf.for %scan3A_1104 = %scan3A_293 to %scan3A_295 step %scan3A_296  : i32 {
      %mul3A_1105 = arith.constant 512 : i32
      %mul3A_1106 = vector.broadcast %mul3A_1105 : i32 to vector<16xi32>
      %mul3A_1107 = arith.muli %iota3A, %mul3A_1106 : vector<16xi32>
      %add3A_1108 = vector.broadcast %scan3A_1104 : i32 to vector<16xi32>
      %add3A_1109 = arith.addi %mul3A_1107, %add3A_1108 : vector<16xi32>
      %gather3A = tpu.vector_load_idx %arg11[%add3A_1109] : memref<8192xi32, #tpu.memory_space<vmem>>[vector<16xi32>], vector<16xi32>,
      %broadcast_in_dim3A_1110 = arith.constant 0 : i32
      %broadcast_in_dim3A_1111 = vector.broadcast %broadcast_in_dim3A_1110 : i32 to vector<16xi32>
      %shift_right_logical3A = arith.shrui %gather3A, %broadcast_in_dim3A_1111 : vector<16xi32>
      %and3A = arith.constant 255 : i32
      %and3A_1112 = vector.broadcast %and3A : i32 to vector<16xi32>
      %and3A_1113 = arith.andi %shift_right_logical3A, %and3A_1112 : vector<16xi32>
      %mul3A_1114 = arith.constant 16 : i32
      %mul3A_1115 = vector.broadcast %mul3A_1114 : i32 to vector<16xi32>
      %mul3A_1116 = arith.muli %and3A_1113, %mul3A_1115 : vector<16xi32>
      %add3A_1117 = arith.addi %mul3A_1116, %iota3A : vector<16xi32>
      tpu.vector_store_idx %arg14[%add3A_1117], %broadcast_in_dim3A_0 {add = true} : memref<4096xi32, #tpu.memory_space<vmem>>[vector<16xi32>], vector<16xi32>,
    }
    %scan3A_297 = arith.constant 512 : i32
    %scan3A_298 = arith.constant 0 : i32
    %scan3A_299 = arith.constant 0 : i32
    %scan3A_300 = arith.constant 256 : i32
    %scan3A_301 = arith.addi %scan3A_299, %scan3A_300 : i32
    %scan3A_302 = arith.constant 1 : i32
    %scan3A_303 = scf.for %scan3A_1104 = %scan3A_299 to %scan3A_301 step %scan3A_302 iter_args(%scan3A_1105 = %scan3A_298) -> (i32)  : i32 {
      %mul3A_1106 = arith.constant 16 : i32
      %mul3A_1107 = arith.muli %scan3A_1104, %mul3A_1106 : i32
      %get3A = arith.index_cast %mul3A_1107 : i32 to index
      %get3A_1108 = tpu.vector_load %arg14[%get3A] {strides = array<i32>} : memref<4096xi32, #tpu.memory_space<vmem>>, vector<16xi32>,
      %broadcast_in_dim3A_1109 = arith.constant true
      %broadcast_in_dim3A_1110 = vector.broadcast %broadcast_in_dim3A_1109 : i1 to vector<16xi1>
      %masked_cumsum3A = tpu.scan <sum>, %get3A_1108 masked %broadcast_in_dim3A_1110 : vector<16xi32>, vector<16xi1> -> vector<16xi32>
      %sub3A = arith.subi %masked_cumsum3A, %get3A_1108 : vector<16xi32>
      %add3A_1111 = vector.broadcast %scan3A_1105 : i32 to vector<16xi32>
      %add3A_1112 = arith.addi %sub3A, %add3A_1111 : vector<16xi32>
      %mul3A_1113 = arith.constant 16 : i32
      %mul3A_1114 = arith.muli %scan3A_1104, %mul3A_1113 : i32
      %swap3A = arith.index_cast %mul3A_1114 : i32 to index
      %swap3A_1115 = tpu.vector_load %arg14[%swap3A] {strides = array<i32>} : memref<4096xi32, #tpu.memory_space<vmem>>, vector<16xi32>,
      tpu.vector_store %arg14[%swap3A], %add3A_1112 {strides = array<i32>} : memref<4096xi32, #tpu.memory_space<vmem>>, vector<16xi32>,
      %reduce_sum3A = arith.constant true
      %reduce_sum3A_1116 = vector.broadcast %reduce_sum3A : i1 to vector<16xi1>
      %reduce_sum3A_1117 = tpu.scan <sum>, %get3A_1108 masked %reduce_sum3A_1116 : vector<16xi32>, vector<16xi1> -> vector<16xi32>
      %reduce_sum3A_1118 = vector.extract %reduce_sum3A_1117[15] : i32 from vector<16xi32>
      %add3A_1119 = arith.addi %scan3A_1105, %reduce_sum3A_1118 : i32
      scf.yield %add3A_1119 : i32
    }
    %scan3A_304 = arith.constant 256 : i32
    %scan3A_305 = arith.constant 0 : i32
    %scan3A_306 = arith.constant 0 : i32
    %scan3A_307 = arith.constant 512 : i32
    %scan3A_308 = arith.addi %scan3A_306, %scan3A_307 : i32
    %scan3A_309 = arith.constant 1 : i32
    scf.for %scan3A_1104 = %scan3A_306 to %scan3A_308 step %scan3A_309  : i32 {
      %mul3A_1105 = arith.constant 512 : i32
      %mul3A_1106 = vector.broadcast %mul3A_1105 : i32 to vector<16xi32>
      %mul3A_1107 = arith.muli %iota3A, %mul3A_1106 : vector<16xi32>
      %add3A_1108 = vector.broadcast %scan3A_1104 : i32 to vector<16xi32>
      %add3A_1109 = arith.addi %mul3A_1107, %add3A_1108 : vector<16xi32>
      %gather3A = tpu.vector_load_idx %arg11[%add3A_1109] : memref<8192xi32, #tpu.memory_space<vmem>>[vector<16xi32>], vector<16xi32>,
      %broadcast_in_dim3A_1110 = arith.constant 0 : i32
      %broadcast_in_dim3A_1111 = vector.broadcast %broadcast_in_dim3A_1110 : i32 to vector<16xi32>
      %shift_right_logical3A = arith.shrui %gather3A, %broadcast_in_dim3A_1111 : vector<16xi32>
      %and3A = arith.constant 255 : i32
      %and3A_1112 = vector.broadcast %and3A : i32 to vector<16xi32>
      %and3A_1113 = arith.andi %shift_right_logical3A, %and3A_1112 : vector<16xi32>
      %mul3A_1114 = arith.constant 16 : i32
      %mul3A_1115 = vector.broadcast %mul3A_1114 : i32 to vector<16xi32>
      %mul3A_1116 = arith.muli %and3A_1113, %mul3A_1115 : vector<16xi32>
      %add3A_1117 = arith.addi %mul3A_1116, %iota3A : vector<16xi32>
      %gather3A_1118 = tpu.vector_load_idx %arg14[%add3A_1117] : memref<4096xi32, #tpu.memory_space<vmem>>[vector<16xi32>], vector<16xi32>,
      %add3A_1119 = arith.constant 1 : i32
      %add3A_1120 = vector.broadcast %add3A_1119 : i32 to vector<16xi32>
      %add3A_1121 = arith.addi %gather3A_1118, %add3A_1120 : vector<16xi32>
      tpu.vector_store_idx %arg14[%add3A_1117], %add3A_1121 : memref<4096xi32, #tpu.memory_space<vmem>>[vector<16xi32>], vector<16xi32>,
      tpu.vector_store_idx %arg13[%gather3A_1118], %gather3A : memref<8192xi32, #tpu.memory_space<vmem>>[vector<16xi32>], vector<16xi32>,
      tpu.vector_store_idx %arg12[%gather3A_1118], %add3A_1109 : memref<8192xi32, #tpu.memory_space<vmem>>[vector<16xi32>], vector<16xi32>,
    }
    %scan3A_310 = arith.constant 512 : i32
    %scan3A_311 = arith.constant 0 : i32
    %scan3A_312 = arith.constant 0 : i32
    %scan3A_313 = arith.constant 256 : i32
    %scan3A_314 = arith.addi %scan3A_312, %scan3A_313 : i32
    %scan3A_315 = arith.constant 1 : i32
    scf.for %scan3A_1104 = %scan3A_312 to %scan3A_314 step %scan3A_315  : i32 {
      %broadcast_in_dim3A_1105 = arith.constant 0 : i32
      %broadcast_in_dim3A_1106 = vector.broadcast %broadcast_in_dim3A_1105 : i32 to vector<16xi32>
      %mul3A_1107 = arith.constant 16 : i32
      %mul3A_1108 = arith.muli %scan3A_1104, %mul3A_1107 : i32
      %swap3A = arith.index_cast %mul3A_1108 : i32 to index
      %swap3A_1109 = tpu.vector_load %arg14[%swap3A] {strides = array<i32>} : memref<4096xi32, #tpu.memory_space<vmem>>, vector<16xi32>,
      tpu.vector_store %arg14[%swap3A], %broadcast_in_dim3A_1106 {strides = array<i32>} : memref<4096xi32, #tpu.memory_space<vmem>>, vector<16xi32>,
    }
    %scan3A_316 = arith.constant 256 : i32
    %scan3A_317 = arith.constant 0 : i32
    %scan3A_318 = arith.constant 0 : i32
    %scan3A_319 = arith.constant 512 : i32
    %scan3A_320 = arith.addi %scan3A_318, %scan3A_319 : i32
    %scan3A_321 = arith.constant 1 : i32
    scf.for %scan3A_1104 = %scan3A_318 to %scan3A_320 step %scan3A_321  : i32 {
      %mul3A_1105 = arith.constant 512 : i32
      %mul3A_1106 = vector.broadcast %mul3A_1105 : i32 to vector<16xi32>
      %mul3A_1107 = arith.muli %iota3A, %mul3A_1106 : vector<16xi32>
      %add3A_1108 = vector.broadcast %scan3A_1104 : i32 to vector<16xi32>
      %add3A_1109 = arith.addi %mul3A_1107, %add3A_1108 : vector<16xi32>
      %gather3A = tpu.vector_load_idx %arg13[%add3A_1109] : memref<8192xi32, #tpu.memory_space<vmem>>[vector<16xi32>], vector<16xi32>,
      %broadcast_in_dim3A_1110 = arith.constant 8 : i32
      %broadcast_in_dim3A_1111 = vector.broadcast %broadcast_in_dim3A_1110 : i32 to vector<16xi32>
      %shift_right_logical3A = arith.shrui %gather3A, %broadcast_in_dim3A_1111 : vector<16xi32>
      %and3A = arith.constant 255 : i32
      %and3A_1112 = vector.broadcast %and3A : i32 to vector<16xi32>
      %and3A_1113 = arith.andi %shift_right_logical3A, %and3A_1112 : vector<16xi32>
      %mul3A_1114 = arith.constant 16 : i32
      %mul3A_1115 = vector.broadcast %mul3A_1114 : i32 to vector<16xi32>
      %mul3A_1116 = arith.muli %and3A_1113, %mul3A_1115 : vector<16xi32>
      %add3A_1117 = arith.addi %mul3A_1116, %iota3A : vector<16xi32>
      tpu.vector_store_idx %arg14[%add3A_1117], %broadcast_in_dim3A_0 {add = true} : memref<4096xi32, #tpu.memory_space<vmem>>[vector<16xi32>], vector<16xi32>,
    }
    %scan3A_322 = arith.constant 512 : i32
    %scan3A_323 = arith.constant 0 : i32
    %scan3A_324 = arith.constant 0 : i32
    %scan3A_325 = arith.constant 256 : i32
    %scan3A_326 = arith.addi %scan3A_324, %scan3A_325 : i32
    %scan3A_327 = arith.constant 1 : i32
    %scan3A_328 = scf.for %scan3A_1104 = %scan3A_324 to %scan3A_326 step %scan3A_327 iter_args(%scan3A_1105 = %scan3A_323) -> (i32)  : i32 {
      %mul3A_1106 = arith.constant 16 : i32
      %mul3A_1107 = arith.muli %scan3A_1104, %mul3A_1106 : i32
      %get3A = arith.index_cast %mul3A_1107 : i32 to index
      %get3A_1108 = tpu.vector_load %arg14[%get3A] {strides = array<i32>} : memref<4096xi32, #tpu.memory_space<vmem>>, vector<16xi32>,
      %broadcast_in_dim3A_1109 = arith.constant true
      %broadcast_in_dim3A_1110 = vector.broadcast %broadcast_in_dim3A_1109 : i1 to vector<16xi1>
      %masked_cumsum3A = tpu.scan <sum>, %get3A_1108 masked %broadcast_in_dim3A_1110 : vector<16xi32>, vector<16xi1> -> vector<16xi32>
      %sub3A = arith.subi %masked_cumsum3A, %get3A_1108 : vector<16xi32>
      %add3A_1111 = vector.broadcast %scan3A_1105 : i32 to vector<16xi32>
      %add3A_1112 = arith.addi %sub3A, %add3A_1111 : vector<16xi32>
      %mul3A_1113 = arith.constant 16 : i32
      %mul3A_1114 = arith.muli %scan3A_1104, %mul3A_1113 : i32
      %swap3A = arith.index_cast %mul3A_1114 : i32 to index
      %swap3A_1115 = tpu.vector_load %arg14[%swap3A] {strides = array<i32>} : memref<4096xi32, #tpu.memory_space<vmem>>, vector<16xi32>,
      tpu.vector_store %arg14[%swap3A], %add3A_1112 {strides = array<i32>} : memref<4096xi32, #tpu.memory_space<vmem>>, vector<16xi32>,
      %reduce_sum3A = arith.constant true
      %reduce_sum3A_1116 = vector.broadcast %reduce_sum3A : i1 to vector<16xi1>
      %reduce_sum3A_1117 = tpu.scan <sum>, %get3A_1108 masked %reduce_sum3A_1116 : vector<16xi32>, vector<16xi1> -> vector<16xi32>
      %reduce_sum3A_1118 = vector.extract %reduce_sum3A_1117[15] : i32 from vector<16xi32>
      %add3A_1119 = arith.addi %scan3A_1105, %reduce_sum3A_1118 : i32
      scf.yield %add3A_1119 : i32
    }
    %scan3A_329 = arith.constant 256 : i32
    %scan3A_330 = arith.constant 0 : i32
    %scan3A_331 = arith.constant 0 : i32
    %scan3A_332 = arith.constant 512 : i32
    %scan3A_333 = arith.addi %scan3A_331, %scan3A_332 : i32
    %scan3A_334 = arith.constant 1 : i32
    scf.for %scan3A_1104 = %scan3A_331 to %scan3A_333 step %scan3A_334  : i32 {
      %mul3A_1105 = arith.constant 512 : i32
      %mul3A_1106 = vector.broadcast %mul3A_1105 : i32 to vector<16xi32>
      %mul3A_1107 = arith.muli %iota3A, %mul3A_1106 : vector<16xi32>
      %add3A_1108 = vector.broadcast %scan3A_1104 : i32 to vector<16xi32>
      %add3A_1109 = arith.addi %mul3A_1107, %add3A_1108 : vector<16xi32>
      %gather3A = tpu.vector_load_idx %arg13[%add3A_1109] : memref<8192xi32, #tpu.memory_space<vmem>>[vector<16xi32>], vector<16xi32>,
      %broadcast_in_dim3A_1110 = arith.constant 8 : i32
      %broadcast_in_dim3A_1111 = vector.broadcast %broadcast_in_dim3A_1110 : i32 to vector<16xi32>
      %shift_right_logical3A = arith.shrui %gather3A, %broadcast_in_dim3A_1111 : vector<16xi32>
      %and3A = arith.constant 255 : i32
      %and3A_1112 = vector.broadcast %and3A : i32 to vector<16xi32>
      %and3A_1113 = arith.andi %shift_right_logical3A, %and3A_1112 : vector<16xi32>
      %mul3A_1114 = arith.constant 16 : i32
      %mul3A_1115 = vector.broadcast %mul3A_1114 : i32 to vector<16xi32>
      %mul3A_1116 = arith.muli %and3A_1113, %mul3A_1115 : vector<16xi32>
      %add3A_1117 = arith.addi %mul3A_1116, %iota3A : vector<16xi32>
      %gather3A_1118 = tpu.vector_load_idx %arg14[%add3A_1117] : memref<4096xi32, #tpu.memory_space<vmem>>[vector<16xi32>], vector<16xi32>,
      %add3A_1119 = arith.constant 1 : i32
      %add3A_1120 = vector.broadcast %add3A_1119 : i32 to vector<16xi32>
      %add3A_1121 = arith.addi %gather3A_1118, %add3A_1120 : vector<16xi32>
      tpu.vector_store_idx %arg14[%add3A_1117], %add3A_1121 : memref<4096xi32, #tpu.memory_space<vmem>>[vector<16xi32>], vector<16xi32>,
      tpu.vector_store_idx %arg11[%gather3A_1118], %gather3A : memref<8192xi32, #tpu.memory_space<vmem>>[vector<16xi32>], vector<16xi32>,
      %gather3A_1122 = tpu.vector_load_idx %arg12[%add3A_1109] : memref<8192xi32, #tpu.memory_space<vmem>>[vector<16xi32>], vector<16xi32>,
      tpu.vector_store_idx %arg15[%gather3A_1118], %gather3A_1122 : memref<8192xi32, #tpu.memory_space<vmem>>[vector<16xi32>], vector<16xi32>,
    }
    %scan3A_335 = arith.constant 512 : i32
    %scan3A_336 = arith.constant 0 : i32
    %scan3A_337 = arith.constant 0 : i32
    %scan3A_338 = arith.constant 256 : i32
    %scan3A_339 = arith.addi %scan3A_337, %scan3A_338 : i32
    %scan3A_340 = arith.constant 1 : i32
    scf.for %scan3A_1104 = %scan3A_337 to %scan3A_339 step %scan3A_340  : i32 {
      %broadcast_in_dim3A_1105 = arith.constant 0 : i32
      %broadcast_in_dim3A_1106 = vector.broadcast %broadcast_in_dim3A_1105 : i32 to vector<16xi32>
      %mul3A_1107 = arith.constant 16 : i32
      %mul3A_1108 = arith.muli %scan3A_1104, %mul3A_1107 : i32
      %swap3A = arith.index_cast %mul3A_1108 : i32 to index
      %swap3A_1109 = tpu.vector_load %arg14[%swap3A] {strides = array<i32>} : memref<4096xi32, #tpu.memory_space<vmem>>, vector<16xi32>,
      tpu.vector_store %arg14[%swap3A], %broadcast_in_dim3A_1106 {strides = array<i32>} : memref<4096xi32, #tpu.memory_space<vmem>>, vector<16xi32>,
    }
    %scan3A_341 = arith.constant 256 : i32
    %scan3A_342 = arith.constant 0 : i32
    %scan3A_343 = arith.constant 0 : i32
    %scan3A_344 = arith.constant 512 : i32
    %scan3A_345 = arith.addi %scan3A_343, %scan3A_344 : i32
    %scan3A_346 = arith.constant 1 : i32
    scf.for %scan3A_1104 = %scan3A_343 to %scan3A_345 step %scan3A_346  : i32 {
      %mul3A_1105 = arith.constant 512 : i32
      %mul3A_1106 = vector.broadcast %mul3A_1105 : i32 to vector<16xi32>
      %mul3A_1107 = arith.muli %iota3A, %mul3A_1106 : vector<16xi32>
      %add3A_1108 = vector.broadcast %scan3A_1104 : i32 to vector<16xi32>
      %add3A_1109 = arith.addi %mul3A_1107, %add3A_1108 : vector<16xi32>
      %gather3A = tpu.vector_load_idx %arg11[%add3A_1109] : memref<8192xi32, #tpu.memory_space<vmem>>[vector<16xi32>], vector<16xi32>,
      %broadcast_in_dim3A_1110 = arith.constant 16 : i32
      %broadcast_in_dim3A_1111 = vector.broadcast %broadcast_in_dim3A_1110 : i32 to vector<16xi32>
      %shift_right_logical3A = arith.shrui %gather3A, %broadcast_in_dim3A_1111 : vector<16xi32>
      %and3A = arith.constant 255 : i32
      %and3A_1112 = vector.broadcast %and3A : i32 to vector<16xi32>
      %and3A_1113 = arith.andi %shift_right_logical3A, %and3A_1112 : vector<16xi32>
      %mul3A_1114 = arith.constant 16 : i32
      %mul3A_1115 = vector.broadcast %mul3A_1114 : i32 to vector<16xi32>
      %mul3A_1116 = arith.muli %and3A_1113, %mul3A_1115 : vector<16xi32>
      %add3A_1117 = arith.addi %mul3A_1116, %iota3A : vector<16xi32>
      tpu.vector_store_idx %arg14[%add3A_1117], %broadcast_in_dim3A_0 {add = true} : memref<4096xi32, #tpu.memory_space<vmem>>[vector<16xi32>], vector<16xi32>,
    }
    %scan3A_347 = arith.constant 512 : i32
    %scan3A_348 = arith.constant 0 : i32
    %scan3A_349 = arith.constant 0 : i32
    %scan3A_350 = arith.constant 256 : i32
    %scan3A_351 = arith.addi %scan3A_349, %scan3A_350 : i32
    %scan3A_352 = arith.constant 1 : i32
    %scan3A_353 = scf.for %scan3A_1104 = %scan3A_349 to %scan3A_351 step %scan3A_352 iter_args(%scan3A_1105 = %scan3A_348) -> (i32)  : i32 {
      %mul3A_1106 = arith.constant 16 : i32
      %mul3A_1107 = arith.muli %scan3A_1104, %mul3A_1106 : i32
      %get3A = arith.index_cast %mul3A_1107 : i32 to index
      %get3A_1108 = tpu.vector_load %arg14[%get3A] {strides = array<i32>} : memref<4096xi32, #tpu.memory_space<vmem>>, vector<16xi32>,
      %broadcast_in_dim3A_1109 = arith.constant true
      %broadcast_in_dim3A_1110 = vector.broadcast %broadcast_in_dim3A_1109 : i1 to vector<16xi1>
      %masked_cumsum3A = tpu.scan <sum>, %get3A_1108 masked %broadcast_in_dim3A_1110 : vector<16xi32>, vector<16xi1> -> vector<16xi32>
      %sub3A = arith.subi %masked_cumsum3A, %get3A_1108 : vector<16xi32>
      %add3A_1111 = vector.broadcast %scan3A_1105 : i32 to vector<16xi32>
      %add3A_1112 = arith.addi %sub3A, %add3A_1111 : vector<16xi32>
      %mul3A_1113 = arith.constant 16 : i32
      %mul3A_1114 = arith.muli %scan3A_1104, %mul3A_1113 : i32
      %swap3A = arith.index_cast %mul3A_1114 : i32 to index
      %swap3A_1115 = tpu.vector_load %arg14[%swap3A] {strides = array<i32>} : memref<4096xi32, #tpu.memory_space<vmem>>, vector<16xi32>,
      tpu.vector_store %arg14[%swap3A], %add3A_1112 {strides = array<i32>} : memref<4096xi32, #tpu.memory_space<vmem>>, vector<16xi32>,
      %reduce_sum3A = arith.constant true
      %reduce_sum3A_1116 = vector.broadcast %reduce_sum3A : i1 to vector<16xi1>
      %reduce_sum3A_1117 = tpu.scan <sum>, %get3A_1108 masked %reduce_sum3A_1116 : vector<16xi32>, vector<16xi1> -> vector<16xi32>
      %reduce_sum3A_1118 = vector.extract %reduce_sum3A_1117[15] : i32 from vector<16xi32>
      %add3A_1119 = arith.addi %scan3A_1105, %reduce_sum3A_1118 : i32
      scf.yield %add3A_1119 : i32
    }
    %scan3A_354 = arith.constant 256 : i32
    %scan3A_355 = arith.constant 0 : i32
    %scan3A_356 = arith.constant 0 : i32
    %scan3A_357 = arith.constant 512 : i32
    %scan3A_358 = arith.addi %scan3A_356, %scan3A_357 : i32
    %scan3A_359 = arith.constant 1 : i32
    scf.for %scan3A_1104 = %scan3A_356 to %scan3A_358 step %scan3A_359  : i32 {
      %mul3A_1105 = arith.constant 512 : i32
      %mul3A_1106 = vector.broadcast %mul3A_1105 : i32 to vector<16xi32>
      %mul3A_1107 = arith.muli %iota3A, %mul3A_1106 : vector<16xi32>
      %add3A_1108 = vector.broadcast %scan3A_1104 : i32 to vector<16xi32>
      %add3A_1109 = arith.addi %mul3A_1107, %add3A_1108 : vector<16xi32>
      %gather3A = tpu.vector_load_idx %arg11[%add3A_1109] : memref<8192xi32, #tpu.memory_space<vmem>>[vector<16xi32>], vector<16xi32>,
      %broadcast_in_dim3A_1110 = arith.constant 16 : i32
      %broadcast_in_dim3A_1111 = vector.broadcast %broadcast_in_dim3A_1110 : i32 to vector<16xi32>
      %shift_right_logical3A = arith.shrui %gather3A, %broadcast_in_dim3A_1111 : vector<16xi32>
      %and3A = arith.constant 255 : i32
      %and3A_1112 = vector.broadcast %and3A : i32 to vector<16xi32>
      %and3A_1113 = arith.andi %shift_right_logical3A, %and3A_1112 : vector<16xi32>
      %mul3A_1114 = arith.constant 16 : i32
      %mul3A_1115 = vector.broadcast %mul3A_1114 : i32 to vector<16xi32>
      %mul3A_1116 = arith.muli %and3A_1113, %mul3A_1115 : vector<16xi32>
      %add3A_1117 = arith.addi %mul3A_1116, %iota3A : vector<16xi32>
      %gather3A_1118 = tpu.vector_load_idx %arg14[%add3A_1117] : memref<4096xi32, #tpu.memory_space<vmem>>[vector<16xi32>], vector<16xi32>,
      %add3A_1119 = arith.constant 1 : i32
      %add3A_1120 = vector.broadcast %add3A_1119 : i32 to vector<16xi32>
      %add3A_1121 = arith.addi %gather3A_1118, %add3A_1120 : vector<16xi32>
      tpu.vector_store_idx %arg14[%add3A_1117], %add3A_1121 : memref<4096xi32, #tpu.memory_space<vmem>>[vector<16xi32>], vector<16xi32>,
      tpu.vector_store_idx %arg13[%gather3A_1118], %gather3A : memref<8192xi32, #tpu.memory_space<vmem>>[vector<16xi32>], vector<16xi32>,
      %gather3A_1122 = tpu.vector_load_idx %arg15[%add3A_1109] : memref<8192xi32, #tpu.memory_space<vmem>>[vector<16xi32>], vector<16xi32>,
      tpu.vector_store_idx %arg12[%gather3A_1118], %gather3A_1122 : memref<8192xi32, #tpu.memory_space<vmem>>[vector<16xi32>], vector<16xi32>,
    }
    %scan3A_360 = arith.constant 512 : i32
    %scan3A_361 = arith.constant 0 : i32
    %scan3A_362 = arith.constant 0 : i32
    %scan3A_363 = arith.constant 256 : i32
    %scan3A_364 = arith.addi %scan3A_362, %scan3A_363 : i32
    %scan3A_365 = arith.constant 1 : i32
    scf.for %scan3A_1104 = %scan3A_362 to %scan3A_364 step %scan3A_365  : i32 {
      %broadcast_in_dim3A_1105 = arith.constant 0 : i32
      %broadcast_in_dim3A_1106 = vector.broadcast %broadcast_in_dim3A_1105 : i32 to vector<16xi32>
      %mul3A_1107 = arith.constant 16 : i32
      %mul3A_1108 = arith.muli %scan3A_1104, %mul3A_1107 : i32
      %swap3A = arith.index_cast %mul3A_1108 : i32 to index
      %swap3A_1109 = tpu.vector_load %arg14[%swap3A] {strides = array<i32>} : memref<4096xi32, #tpu.memory_space<vmem>>, vector<16xi32>,
      tpu.vector_store %arg14[%swap3A], %broadcast_in_dim3A_1106 {strides = array<i32>} : memref<4096xi32, #tpu.memory_space<vmem>>, vector<16xi32>,
    }
    %scan3A_366 = arith.constant 256 : i32
    %scan3A_367 = arith.constant 0 : i32
    %scan3A_368 = arith.constant 0 : i32
    %scan3A_369 = arith.constant 512 : i32
    %scan3A_370 = arith.addi %scan3A_368, %scan3A_369 : i32
    %scan3A_371 = arith.constant 1 : i32
    scf.for %scan3A_1104 = %scan3A_368 to %scan3A_370 step %scan3A_371  : i32 {
      %mul3A_1105 = arith.constant 512 : i32
      %mul3A_1106 = vector.broadcast %mul3A_1105 : i32 to vector<16xi32>
      %mul3A_1107 = arith.muli %iota3A, %mul3A_1106 : vector<16xi32>
      %add3A_1108 = vector.broadcast %scan3A_1104 : i32 to vector<16xi32>
      %add3A_1109 = arith.addi %mul3A_1107, %add3A_1108 : vector<16xi32>
      %gather3A = tpu.vector_load_idx %arg13[%add3A_1109] : memref<8192xi32, #tpu.memory_space<vmem>>[vector<16xi32>], vector<16xi32>,
      %broadcast_in_dim3A_1110 = arith.constant 24 : i32
      %broadcast_in_dim3A_1111 = vector.broadcast %broadcast_in_dim3A_1110 : i32 to vector<16xi32>
      %shift_right_logical3A = arith.shrui %gather3A, %broadcast_in_dim3A_1111 : vector<16xi32>
      %and3A = arith.constant 255 : i32
      %and3A_1112 = vector.broadcast %and3A : i32 to vector<16xi32>
      %and3A_1113 = arith.andi %shift_right_logical3A, %and3A_1112 : vector<16xi32>
      %mul3A_1114 = arith.constant 16 : i32
      %mul3A_1115 = vector.broadcast %mul3A_1114 : i32 to vector<16xi32>
      %mul3A_1116 = arith.muli %and3A_1113, %mul3A_1115 : vector<16xi32>
      %add3A_1117 = arith.addi %mul3A_1116, %iota3A : vector<16xi32>
      tpu.vector_store_idx %arg14[%add3A_1117], %broadcast_in_dim3A_0 {add = true} : memref<4096xi32, #tpu.memory_space<vmem>>[vector<16xi32>], vector<16xi32>,
    }
    %scan3A_372 = arith.constant 512 : i32
    %scan3A_373 = arith.constant 0 : i32
    %scan3A_374 = arith.constant 0 : i32
    %scan3A_375 = arith.constant 256 : i32
    %scan3A_376 = arith.addi %scan3A_374, %scan3A_375 : i32
    %scan3A_377 = arith.constant 1 : i32
    %scan3A_378 = scf.for %scan3A_1104 = %scan3A_374 to %scan3A_376 step %scan3A_377 iter_args(%scan3A_1105 = %scan3A_373) -> (i32)  : i32 {
      %mul3A_1106 = arith.constant 16 : i32
      %mul3A_1107 = arith.muli %scan3A_1104, %mul3A_1106 : i32
      %get3A = arith.index_cast %mul3A_1107 : i32 to index
      %get3A_1108 = tpu.vector_load %arg14[%get3A] {strides = array<i32>} : memref<4096xi32, #tpu.memory_space<vmem>>, vector<16xi32>,
      %broadcast_in_dim3A_1109 = arith.constant true
      %broadcast_in_dim3A_1110 = vector.broadcast %broadcast_in_dim3A_1109 : i1 to vector<16xi1>
      %masked_cumsum3A = tpu.scan <sum>, %get3A_1108 masked %broadcast_in_dim3A_1110 : vector<16xi32>, vector<16xi1> -> vector<16xi32>
      %sub3A = arith.subi %masked_cumsum3A, %get3A_1108 : vector<16xi32>
      %add3A_1111 = vector.broadcast %scan3A_1105 : i32 to vector<16xi32>
      %add3A_1112 = arith.addi %sub3A, %add3A_1111 : vector<16xi32>
      %mul3A_1113 = arith.constant 16 : i32
      %mul3A_1114 = arith.muli %scan3A_1104, %mul3A_1113 : i32
      %swap3A = arith.index_cast %mul3A_1114 : i32 to index
      %swap3A_1115 = tpu.vector_load %arg14[%swap3A] {strides = array<i32>} : memref<4096xi32, #tpu.memory_space<vmem>>, vector<16xi32>,
      tpu.vector_store %arg14[%swap3A], %add3A_1112 {strides = array<i32>} : memref<4096xi32, #tpu.memory_space<vmem>>, vector<16xi32>,
      %reduce_sum3A = arith.constant true
      %reduce_sum3A_1116 = vector.broadcast %reduce_sum3A : i1 to vector<16xi1>
      %reduce_sum3A_1117 = tpu.scan <sum>, %get3A_1108 masked %reduce_sum3A_1116 : vector<16xi32>, vector<16xi1> -> vector<16xi32>
      %reduce_sum3A_1118 = vector.extract %reduce_sum3A_1117[15] : i32 from vector<16xi32>
      %add3A_1119 = arith.addi %scan3A_1105, %reduce_sum3A_1118 : i32
      scf.yield %add3A_1119 : i32
    }
    %scan3A_379 = arith.constant 256 : i32
    %scan3A_380 = arith.constant 0 : i32
    %scan3A_381 = arith.constant 0 : i32
    %scan3A_382 = arith.constant 512 : i32
    %scan3A_383 = arith.addi %scan3A_381, %scan3A_382 : i32
    %scan3A_384 = arith.constant 1 : i32
    scf.for %scan3A_1104 = %scan3A_381 to %scan3A_383 step %scan3A_384  : i32 {
      %mul3A_1105 = arith.constant 512 : i32
      %mul3A_1106 = vector.broadcast %mul3A_1105 : i32 to vector<16xi32>
      %mul3A_1107 = arith.muli %iota3A, %mul3A_1106 : vector<16xi32>
      %add3A_1108 = vector.broadcast %scan3A_1104 : i32 to vector<16xi32>
      %add3A_1109 = arith.addi %mul3A_1107, %add3A_1108 : vector<16xi32>
      %gather3A = tpu.vector_load_idx %arg13[%add3A_1109] : memref<8192xi32, #tpu.memory_space<vmem>>[vector<16xi32>], vector<16xi32>,
      %broadcast_in_dim3A_1110 = arith.constant 24 : i32
      %broadcast_in_dim3A_1111 = vector.broadcast %broadcast_in_dim3A_1110 : i32 to vector<16xi32>
      %shift_right_logical3A = arith.shrui %gather3A, %broadcast_in_dim3A_1111 : vector<16xi32>
      %and3A = arith.constant 255 : i32
      %and3A_1112 = vector.broadcast %and3A : i32 to vector<16xi32>
      %and3A_1113 = arith.andi %shift_right_logical3A, %and3A_1112 : vector<16xi32>
      %mul3A_1114 = arith.constant 16 : i32
      %mul3A_1115 = vector.broadcast %mul3A_1114 : i32 to vector<16xi32>
      %mul3A_1116 = arith.muli %and3A_1113, %mul3A_1115 : vector<16xi32>
      %add3A_1117 = arith.addi %mul3A_1116, %iota3A : vector<16xi32>
      %gather3A_1118 = tpu.vector_load_idx %arg14[%add3A_1117] : memref<4096xi32, #tpu.memory_space<vmem>>[vector<16xi32>], vector<16xi32>,
      %add3A_1119 = arith.constant 1 : i32
      %add3A_1120 = vector.broadcast %add3A_1119 : i32 to vector<16xi32>
      %add3A_1121 = arith.addi %gather3A_1118, %add3A_1120 : vector<16xi32>
      tpu.vector_store_idx %arg14[%add3A_1117], %add3A_1121 : memref<4096xi32, #tpu.memory_space<vmem>>[vector<16xi32>], vector<16xi32>,
      tpu.vector_store_idx %arg11[%gather3A_1118], %gather3A : memref<8192xi32, #tpu.memory_space<vmem>>[vector<16xi32>], vector<16xi32>,
      %gather3A_1122 = tpu.vector_load_idx %arg12[%add3A_1109] : memref<8192xi32, #tpu.memory_space<vmem>>[vector<16xi32>], vector<16xi32>,
      tpu.vector_store_idx %arg15[%gather3A_1118], %gather3A_1122 : memref<8192xi32, #tpu.memory_space<vmem>>[vector<16xi32>], vector<16xi32>,
    }
    %scan3A_385 = arith.constant 512 : i32
    %scan3A_386 = arith.constant 0 : i32
    %scan3A_387 = arith.constant 0 : i32
    %scan3A_388 = arith.constant 512 : i32
    %scan3A_389 = arith.addi %scan3A_387, %scan3A_388 : i32
    %scan3A_390 = arith.constant 1 : i32
    scf.for %scan3A_1104 = %scan3A_387 to %scan3A_389 step %scan3A_390  : i32 {
      %mul3A_1105 = arith.constant 16 : i32
      %mul3A_1106 = arith.muli %scan3A_1104, %mul3A_1105 : i32
      %get3A = arith.index_cast %mul3A_1106 : i32 to index
      %get3A_1107 = tpu.vector_load %arg11[%get3A] {strides = array<i32>} : memref<8192xi32, #tpu.memory_space<vmem>>, vector<16xi32>,
      %lt3A = arith.constant 0 : i32
      %lt3A_1108 = vector.broadcast %lt3A : i32 to vector<16xi32>
      %lt3A_1109 = arith.cmpi slt, %get3A_1107, %lt3A_1108 : vector<16xi32>
      %xor3A = arith.constant -2147483648 : i32
      %xor3A_1110 = vector.broadcast %xor3A : i32 to vector<16xi32>
      %xor3A_1111 = arith.xori %get3A_1107, %xor3A_1110 : vector<16xi32>
      %not3A = arith.constant dense<-1> : vector<16xi32>
      %not3A_1112 = arith.xori %get3A_1107, %not3A : vector<16xi32>
      %select_n3A = arith.select %lt3A_1109, %xor3A_1111, %not3A_1112 : vector<16xi1>, vector<16xi32>
      %bitcast_convert_type3A = tpu.bitcast %select_n3A : vector<16xi32> -> vector<16xf32>
      %mul3A_1113 = arith.constant 16 : i32
      %mul3A_1114 = arith.muli %scan3A_1104, %mul3A_1113 : i32
      %swap3A = arith.index_cast %mul3A_1114 : i32 to index
      %swap3A_1115 = tpu.vector_load %arg10[%swap3A] {strides = array<i32>} : memref<8192xf32, #tpu.memory_space<vmem>>, vector<16xf32>,
      tpu.vector_store %arg10[%swap3A], %bitcast_convert_type3A {strides = array<i32>} : memref<8192xf32, #tpu.memory_space<vmem>>, vector<16xf32>,
    }
    %scan3A_391 = arith.constant 512 : i32
    "tpu.region"() ({
      %run_scoped3A = tpu.sem_alloc : memref<!tpu.dma_semaphore, #tpu.memory_space<semaphore_mem>>
      %dma_start3A_1104 = arith.constant 0 : i32
      %dma_start3A_1105 = tpu.memref_slice %arg6[%add3A_279, %dma_start3A_1104] : memref<64x8192xf32, #tpu.memory_space<hbm>> -> memref<1x8192xf32, #tpu.memory_space<hbm>>
      %dma_start3A_1106 = tpu.memref_squeeze %dma_start3A_1105 : memref<1x8192xf32, #tpu.memory_space<hbm>> -> memref<8192xf32, #tpu.memory_space<hbm>>
      %dma_start3A_1107 = arith.constant 0 : i32
      %dma_start3A_1108 = tpu.memref_slice %arg6[%add3A_279, %dma_start3A_1107] : memref<64x8192xf32, #tpu.memory_space<hbm>> -> memref<1x8192xf32, #tpu.memory_space<hbm>>
      %dma_start3A_1109 = tpu.memref_squeeze %dma_start3A_1108 : memref<1x8192xf32, #tpu.memory_space<hbm>> -> memref<8192xf32, #tpu.memory_space<hbm>>
      tpu.enqueue_dma source(%arg10 : memref<8192xf32, #tpu.memory_space<vmem>>) target(%dma_start3A_1109 : memref<8192xf32, #tpu.memory_space<hbm>>) target_semaphore(%run_scoped3A : memref<!tpu.dma_semaphore, #tpu.memory_space<semaphore_mem>>)
      %dma_wait3A_1110 = arith.constant 0 : i32
      %dma_wait3A_1111 = tpu.memref_slice %arg6[%add3A_279, %dma_wait3A_1110] : memref<64x8192xf32, #tpu.memory_space<hbm>> -> memref<1x8192xf32, #tpu.memory_space<hbm>>
      %dma_wait3A_1112 = tpu.memref_squeeze %dma_wait3A_1111 : memref<1x8192xf32, #tpu.memory_space<hbm>> -> memref<8192xf32, #tpu.memory_space<hbm>>
      %dma_wait3A_1113 = arith.constant 0 : i32
      %dma_wait3A_1114 = tpu.memref_slice %arg6[%add3A_279, %dma_wait3A_1113] : memref<64x8192xf32, #tpu.memory_space<hbm>> -> memref<1x8192xf32, #tpu.memory_space<hbm>>
      %dma_wait3A_1115 = tpu.memref_squeeze %dma_wait3A_1114 : memref<1x8192xf32, #tpu.memory_space<hbm>> -> memref<8192xf32, #tpu.memory_space<hbm>>
      tpu.wait_dma2 semaphore(%run_scoped3A : memref<!tpu.dma_semaphore, #tpu.memory_space<semaphore_mem>>) src(%arg10 : memref<8192xf32, #tpu.memory_space<vmem>>) dst(%dma_wait3A_1115 : memref<8192xf32, #tpu.memory_space<hbm>>)
      tpu.yield
    }) : () -> ()
    %dma_start3A_392 = arith.constant 0 : i32
    %dma_start3A_393 = arith.constant 0 : i32
    %dma_start3A_394 = tpu.memref_slice %arg3[%add3A_279, %dma_start3A_392, %dma_start3A_393] : memref<64x64x8192xf32, #tpu.memory_space<hbm>> -> memref<1x2x8192xf32, #tpu.memory_space<hbm>>
    %dma_start3A_395 = tpu.memref_squeeze %dma_start3A_394 : memref<1x2x8192xf32, #tpu.memory_space<hbm>> -> memref<2x8192xf32, #tpu.memory_space<hbm>>
    %dma_start3A_396 = arith.constant 0 : i32
    %dma_start3A_397 = arith.constant 0 : i32
    %dma_start3A_398 = tpu.memref_slice %arg3[%add3A_279, %dma_start3A_396, %dma_start3A_397] : memref<64x64x8192xf32, #tpu.memory_space<hbm>> -> memref<1x2x8192xf32, #tpu.memory_space<hbm>>
    %dma_start3A_399 = tpu.memref_squeeze %dma_start3A_398 : memref<1x2x8192xf32, #tpu.memory_space<hbm>> -> memref<2x8192xf32, #tpu.memory_space<hbm>>
    tpu.enqueue_dma source(%dma_start3A_399 : memref<2x8192xf32, #tpu.memory_space<hbm>>) target(%arg16 : memref<2x8192xf32, #tpu.memory_space<vmem>>) target_semaphore(%arg20 : memref<!tpu.dma_semaphore, #tpu.memory_space<semaphore_mem>>)
    %dma_start3A_400 = arith.constant 2 : i32
    %dma_start3A_401 = arith.constant 0 : i32
    %dma_start3A_402 = tpu.memref_slice %arg3[%add3A_279, %dma_start3A_400, %dma_start3A_401] : memref<64x64x8192xf32, #tpu.memory_space<hbm>> -> memref<1x2x8192xf32, #tpu.memory_space<hbm>>
    %dma_start3A_403 = tpu.memref_squeeze %dma_start3A_402 : memref<1x2x8192xf32, #tpu.memory_space<hbm>> -> memref<2x8192xf32, #tpu.memory_space<hbm>>
    %dma_start3A_404 = arith.constant 2 : i32
    %dma_start3A_405 = arith.constant 0 : i32
    %dma_start3A_406 = tpu.memref_slice %arg3[%add3A_279, %dma_start3A_404, %dma_start3A_405] : memref<64x64x8192xf32, #tpu.memory_space<hbm>> -> memref<1x2x8192xf32, #tpu.memory_space<hbm>>
    %dma_start3A_407 = tpu.memref_squeeze %dma_start3A_406 : memref<1x2x8192xf32, #tpu.memory_space<hbm>> -> memref<2x8192xf32, #tpu.memory_space<hbm>>
    tpu.enqueue_dma source(%dma_start3A_407 : memref<2x8192xf32, #tpu.memory_space<hbm>>) target(%arg17 : memref<2x8192xf32, #tpu.memory_space<vmem>>) target_semaphore(%arg21 : memref<!tpu.dma_semaphore, #tpu.memory_space<semaphore_mem>>)
    %dma_wait3A_408 = arith.constant 0 : i32
    %dma_wait3A_409 = arith.constant 0 : i32
    %dma_wait3A_410 = tpu.memref_slice %arg3[%add3A_279, %dma_wait3A_408, %dma_wait3A_409] : memref<64x64x8192xf32, #tpu.memory_space<hbm>> -> memref<1x2x8192xf32, #tpu.memory_space<hbm>>
    %dma_wait3A_411 = tpu.memref_squeeze %dma_wait3A_410 : memref<1x2x8192xf32, #tpu.memory_space<hbm>> -> memref<2x8192xf32, #tpu.memory_space<hbm>>
    %dma_wait3A_412 = arith.constant 0 : i32
    %dma_wait3A_413 = arith.constant 0 : i32
    %dma_wait3A_414 = tpu.memref_slice %arg3[%add3A_279, %dma_wait3A_412, %dma_wait3A_413] : memref<64x64x8192xf32, #tpu.memory_space<hbm>> -> memref<1x2x8192xf32, #tpu.memory_space<hbm>>
    %dma_wait3A_415 = tpu.memref_squeeze %dma_wait3A_414 : memref<1x2x8192xf32, #tpu.memory_space<hbm>> -> memref<2x8192xf32, #tpu.memory_space<hbm>>
    tpu.wait_dma2 semaphore(%arg20 : memref<!tpu.dma_semaphore, #tpu.memory_space<semaphore_mem>>) src(%dma_wait3A_415 : memref<2x8192xf32, #tpu.memory_space<hbm>>) dst(%arg16 : memref<2x8192xf32, #tpu.memory_space<vmem>>)
    %scan3A_416 = arith.constant 0 : i32
    %scan3A_417 = arith.constant 0 : i32
    %scan3A_418 = arith.constant 512 : i32
    %scan3A_419 = arith.addi %scan3A_417, %scan3A_418 : i32
    %scan3A_420 = arith.constant 1 : i32
    scf.for %scan3A_1104 = %scan3A_417 to %scan3A_419 step %scan3A_420  : i32 {
      %mul3A_1105 = arith.constant 16 : i32
      %mul3A_1106 = arith.muli %scan3A_1104, %mul3A_1105 : i32
      %get3A = arith.index_cast %mul3A_1106 : i32 to index
      %get3A_1107 = tpu.vector_load %arg15[%get3A] {strides = array<i32>} : memref<8192xi32, #tpu.memory_space<vmem>>, vector<16xi32>,
      %mul3A_1108 = arith.constant 16 : i32
      %mul3A_1109 = arith.muli %scan3A_1104, %mul3A_1108 : i32
      %add3A_1110 = vector.broadcast %mul3A_1109 : i32 to vector<16xi32>
      %add3A_1111 = arith.addi %iota3A, %add3A_1110 : vector<16xi32>
      %broadcast_in_dim3A_1112 = arith.constant 0 : i32
      %broadcast_in_dim3A_1113 = vector.broadcast %broadcast_in_dim3A_1112 : i32 to vector<16xi32>
      %gather3A = tpu.vector_load_idx %arg16[%broadcast_in_dim3A_1113, %get3A_1107] : memref<2x8192xf32, #tpu.memory_space<vmem>>[vector<16xi32>, vector<16xi32>], vector<16xf32>,
      tpu.vector_store_idx %arg18[%broadcast_in_dim3A_1113, %add3A_1111], %gather3A : memref<2x8192xf32, #tpu.memory_space<vmem>>[vector<16xi32>, vector<16xi32>], vector<16xf32>,
      %broadcast_in_dim3A_1114 = arith.constant 1 : i32
      %broadcast_in_dim3A_1115 = vector.broadcast %broadcast_in_dim3A_1114 : i32 to vector<16xi32>
      %gather3A_1116 = tpu.vector_load_idx %arg16[%broadcast_in_dim3A_1115, %get3A_1107] : memref<2x8192xf32, #tpu.memory_space<vmem>>[vector<16xi32>, vector<16xi32>], vector<16xf32>,
      tpu.vector_store_idx %arg18[%broadcast_in_dim3A_1115, %add3A_1111], %gather3A_1116 : memref<2x8192xf32, #tpu.memory_space<vmem>>[vector<16xi32>, vector<16xi32>], vector<16xf32>,
    }
    %scan3A_421 = arith.constant 512 : i32
    %dma_start3A_422 = arith.constant 0 : i32
    %dma_start3A_423 = arith.constant 0 : i32
    %dma_start3A_424 = tpu.memref_slice %arg7[%add3A_279, %dma_start3A_422, %dma_start3A_423] : memref<64x64x8192xf32, #tpu.memory_space<hbm>> -> memref<1x2x8192xf32, #tpu.memory_space<hbm>>
    %dma_start3A_425 = tpu.memref_squeeze %dma_start3A_424 : memref<1x2x8192xf32, #tpu.memory_space<hbm>> -> memref<2x8192xf32, #tpu.memory_space<hbm>>
    %dma_start3A_426 = arith.constant 0 : i32
    %dma_start3A_427 = arith.constant 0 : i32
    %dma_start3A_428 = tpu.memref_slice %arg7[%add3A_279, %dma_start3A_426, %dma_start3A_427] : memref<64x64x8192xf32, #tpu.memory_space<hbm>> -> memref<1x2x8192xf32, #tpu.memory_space<hbm>>
    %dma_start3A_429 = tpu.memref_squeeze %dma_start3A_428 : memref<1x2x8192xf32, #tpu.memory_space<hbm>> -> memref<2x8192xf32, #tpu.memory_space<hbm>>
    tpu.enqueue_dma source(%arg18 : memref<2x8192xf32, #tpu.memory_space<vmem>>) target(%dma_start3A_429 : memref<2x8192xf32, #tpu.memory_space<hbm>>) target_semaphore(%arg22 : memref<!tpu.dma_semaphore, #tpu.memory_space<semaphore_mem>>)
    %dma_start3A_430 = arith.constant 4 : i32
    %dma_start3A_431 = arith.constant 0 : i32
    %dma_start3A_432 = tpu.memref_slice %arg3[%add3A_279, %dma_start3A_430, %dma_start3A_431] : memref<64x64x8192xf32, #tpu.memory_space<hbm>> -> memref<1x2x8192xf32, #tpu.memory_space<hbm>>
    %dma_start3A_433 = tpu.memref_squeeze %dma_start3A_432 : memref<1x2x8192xf32, #tpu.memory_space<hbm>> -> memref<2x8192xf32, #tpu.memory_space<hbm>>
    %dma_start3A_434 = arith.constant 4 : i32
    %dma_start3A_435 = arith.constant 0 : i32
    %dma_start3A_436 = tpu.memref_slice %arg3[%add3A_279, %dma_start3A_434, %dma_start3A_435] : memref<64x64x8192xf32, #tpu.memory_space<hbm>> -> memref<1x2x8192xf32, #tpu.memory_space<hbm>>
    %dma_start3A_437 = tpu.memref_squeeze %dma_start3A_436 : memref<1x2x8192xf32, #tpu.memory_space<hbm>> -> memref<2x8192xf32, #tpu.memory_space<hbm>>
    tpu.enqueue_dma source(%dma_start3A_437 : memref<2x8192xf32, #tpu.memory_space<hbm>>) target(%arg16 : memref<2x8192xf32, #tpu.memory_space<vmem>>) target_semaphore(%arg20 : memref<!tpu.dma_semaphore, #tpu.memory_space<semaphore_mem>>)
    %dma_wait3A_438 = arith.constant 2 : i32
    %dma_wait3A_439 = arith.constant 0 : i32
    %dma_wait3A_440 = tpu.memref_slice %arg3[%add3A_279, %dma_wait3A_438, %dma_wait3A_439] : memref<64x64x8192xf32, #tpu.memory_space<hbm>> -> memref<1x2x8192xf32, #tpu.memory_space<hbm>>
    %dma_wait3A_441 = tpu.memref_squeeze %dma_wait3A_440 : memref<1x2x8192xf32, #tpu.memory_space<hbm>> -> memref<2x8192xf32, #tpu.memory_space<hbm>>
    %dma_wait3A_442 = arith.constant 2 : i32
    %dma_wait3A_443 = arith.constant 0 : i32
    %dma_wait3A_444 = tpu.memref_slice %arg3[%add3A_279, %dma_wait3A_442, %dma_wait3A_443] : memref<64x64x8192xf32, #tpu.memory_space<hbm>> -> memref<1x2x8192xf32, #tpu.memory_space<hbm>>
    %dma_wait3A_445 = tpu.memref_squeeze %dma_wait3A_444 : memref<1x2x8192xf32, #tpu.memory_space<hbm>> -> memref<2x8192xf32, #tpu.memory_space<hbm>>
    tpu.wait_dma2 semaphore(%arg21 : memref<!tpu.dma_semaphore, #tpu.memory_space<semaphore_mem>>) src(%dma_wait3A_445 : memref<2x8192xf32, #tpu.memory_space<hbm>>) dst(%arg17 : memref<2x8192xf32, #tpu.memory_space<vmem>>)
    %scan3A_446 = arith.constant 0 : i32
    %scan3A_447 = arith.constant 0 : i32
    %scan3A_448 = arith.constant 512 : i32
    %scan3A_449 = arith.addi %scan3A_447, %scan3A_448 : i32
    %scan3A_450 = arith.constant 1 : i32
    scf.for %scan3A_1104 = %scan3A_447 to %scan3A_449 step %scan3A_450  : i32 {
      %mul3A_1105 = arith.constant 16 : i32
      %mul3A_1106 = arith.muli %scan3A_1104, %mul3A_1105 : i32
      %get3A = arith.index_cast %mul3A_1106 : i32 to index
      %get3A_1107 = tpu.vector_load %arg15[%get3A] {strides = array<i32>} : memref<8192xi32, #tpu.memory_space<vmem>>, vector<16xi32>,
      %mul3A_1108 = arith.constant 16 : i32
      %mul3A_1109 = arith.muli %scan3A_1104, %mul3A_1108 : i32
      %add3A_1110 = vector.broadcast %mul3A_1109 : i32 to vector<16xi32>
      %add3A_1111 = arith.addi %iota3A, %add3A_1110 : vector<16xi32>
      %broadcast_in_dim3A_1112 = arith.constant 0 : i32
      %broadcast_in_dim3A_1113 = vector.broadcast %broadcast_in_dim3A_1112 : i32 to vector<16xi32>
      %gather3A = tpu.vector_load_idx %arg17[%broadcast_in_dim3A_1113, %get3A_1107] : memref<2x8192xf32, #tpu.memory_space<vmem>>[vector<16xi32>, vector<16xi32>], vector<16xf32>,
      tpu.vector_store_idx %arg19[%broadcast_in_dim3A_1113, %add3A_1111], %gather3A : memref<2x8192xf32, #tpu.memory_space<vmem>>[vector<16xi32>, vector<16xi32>], vector<16xf32>,
      %broadcast_in_dim3A_1114 = arith.constant 1 : i32
      %broadcast_in_dim3A_1115 = vector.broadcast %broadcast_in_dim3A_1114 : i32 to vector<16xi32>
      %gather3A_1116 = tpu.vector_load_idx %arg17[%broadcast_in_dim3A_1115, %get3A_1107] : memref<2x8192xf32, #tpu.memory_space<vmem>>[vector<16xi32>, vector<16xi32>], vector<16xf32>,
      tpu.vector_store_idx %arg19[%broadcast_in_dim3A_1115, %add3A_1111], %gather3A_1116 : memref<2x8192xf32, #tpu.memory_space<vmem>>[vector<16xi32>, vector<16xi32>], vector<16xf32>,
    }
    %scan3A_451 = arith.constant 512 : i32
    %dma_start3A_452 = arith.constant 2 : i32
    %dma_start3A_453 = arith.constant 0 : i32
    %dma_start3A_454 = tpu.memref_slice %arg7[%add3A_279, %dma_start3A_452, %dma_start3A_453] : memref<64x64x8192xf32, #tpu.memory_space<hbm>> -> memref<1x2x8192xf32, #tpu.memory_space<hbm>>
    %dma_start3A_455 = tpu.memref_squeeze %dma_start3A_454 : memref<1x2x8192xf32, #tpu.memory_space<hbm>> -> memref<2x8192xf32, #tpu.memory_space<hbm>>
    %dma_start3A_456 = arith.constant 2 : i32
    %dma_start3A_457 = arith.constant 0 : i32
    %dma_start3A_458 = tpu.memref_slice %arg7[%add3A_279, %dma_start3A_456, %dma_start3A_457] : memref<64x64x8192xf32, #tpu.memory_space<hbm>> -> memref<1x2x8192xf32, #tpu.memory_space<hbm>>
    %dma_start3A_459 = tpu.memref_squeeze %dma_start3A_458 : memref<1x2x8192xf32, #tpu.memory_space<hbm>> -> memref<2x8192xf32, #tpu.memory_space<hbm>>
    tpu.enqueue_dma source(%arg19 : memref<2x8192xf32, #tpu.memory_space<vmem>>) target(%dma_start3A_459 : memref<2x8192xf32, #tpu.memory_space<hbm>>) target_semaphore(%arg23 : memref<!tpu.dma_semaphore, #tpu.memory_space<semaphore_mem>>)
    %dma_start3A_460 = arith.constant 6 : i32
    %dma_start3A_461 = arith.constant 0 : i32
    %dma_start3A_462 = tpu.memref_slice %arg3[%add3A_279, %dma_start3A_460, %dma_start3A_461] : memref<64x64x8192xf32, #tpu.memory_space<hbm>> -> memref<1x2x8192xf32, #tpu.memory_space<hbm>>
    %dma_start3A_463 = tpu.memref_squeeze %dma_start3A_462 : memref<1x2x8192xf32, #tpu.memory_space<hbm>> -> memref<2x8192xf32, #tpu.memory_space<hbm>>
    %dma_start3A_464 = arith.constant 6 : i32
    %dma_start3A_465 = arith.constant 0 : i32
    %dma_start3A_466 = tpu.memref_slice %arg3[%add3A_279, %dma_start3A_464, %dma_start3A_465] : memref<64x64x8192xf32, #tpu.memory_space<hbm>> -> memref<1x2x8192xf32, #tpu.memory_space<hbm>>
    %dma_start3A_467 = tpu.memref_squeeze %dma_start3A_466 : memref<1x2x8192xf32, #tpu.memory_space<hbm>> -> memref<2x8192xf32, #tpu.memory_space<hbm>>
    tpu.enqueue_dma source(%dma_start3A_467 : memref<2x8192xf32, #tpu.memory_space<hbm>>) target(%arg17 : memref<2x8192xf32, #tpu.memory_space<vmem>>) target_semaphore(%arg21 : memref<!tpu.dma_semaphore, #tpu.memory_space<semaphore_mem>>)
    %scan3A_468 = arith.constant 0 : i32
    %scan3A_469 = arith.constant 1 : i32
    %scan3A_470 = arith.constant 14 : i32
    %scan3A_471 = arith.addi %scan3A_469, %scan3A_470 : i32
    %scan3A_472 = arith.constant 1 : i32
    scf.for %scan3A_1104 = %scan3A_469 to %scan3A_471 step %scan3A_472  : i32 {
      %mul3A_1105 = arith.constant 2 : i32
      %mul3A_1106 = arith.muli %scan3A_1104, %mul3A_1105 : i32
      %add3A_1107 = arith.constant 0 : i32
      %add3A_1108 = arith.addi %mul3A_1106, %add3A_1107 : i32
      %sub3A = arith.constant 2 : i32
      %sub3A_1109 = arith.subi %add3A_1108, %sub3A : i32
      %mul3A_1110 = arith.constant 2 : i32
      %mul3A_1111 = arith.muli %sub3A_1109, %mul3A_1110 : i32
      %dma_wait3A_1112 = arith.constant 0 : i32
      %dma_wait3A_1113 = tpu.memref_slice %arg7[%add3A_279, %mul3A_1111, %dma_wait3A_1112] : memref<64x64x8192xf32, #tpu.memory_space<hbm>> -> memref<1x2x8192xf32, #tpu.memory_space<hbm>>
      %dma_wait3A_1114 = tpu.memref_squeeze %dma_wait3A_1113 : memref<1x2x8192xf32, #tpu.memory_space<hbm>> -> memref<2x8192xf32, #tpu.memory_space<hbm>>
      %dma_wait3A_1115 = arith.constant 0 : i32
      %dma_wait3A_1116 = tpu.memref_slice %arg7[%add3A_279, %mul3A_1111, %dma_wait3A_1115] : memref<64x64x8192xf32, #tpu.memory_space<hbm>> -> memref<1x2x8192xf32, #tpu.memory_space<hbm>>
      %dma_wait3A_1117 = tpu.memref_squeeze %dma_wait3A_1116 : memref<1x2x8192xf32, #tpu.memory_space<hbm>> -> memref<2x8192xf32, #tpu.memory_space<hbm>>
      tpu.wait_dma2 semaphore(%arg22 : memref<!tpu.dma_semaphore, #tpu.memory_space<semaphore_mem>>) src(%arg18 : memref<2x8192xf32, #tpu.memory_space<vmem>>) dst(%dma_wait3A_1117 : memref<2x8192xf32, #tpu.memory_space<hbm>>)
      %mul3A_1118 = arith.constant 2 : i32
      %mul3A_1119 = arith.muli %add3A_1108, %mul3A_1118 : i32
      %dma_wait3A_1120 = arith.constant 0 : i32
      %dma_wait3A_1121 = tpu.memref_slice %arg3[%add3A_279, %mul3A_1119, %dma_wait3A_1120] : memref<64x64x8192xf32, #tpu.memory_space<hbm>> -> memref<1x2x8192xf32, #tpu.memory_space<hbm>>
      %dma_wait3A_1122 = tpu.memref_squeeze %dma_wait3A_1121 : memref<1x2x8192xf32, #tpu.memory_space<hbm>> -> memref<2x8192xf32, #tpu.memory_space<hbm>>
      %dma_wait3A_1123 = arith.constant 0 : i32
      %dma_wait3A_1124 = tpu.memref_slice %arg3[%add3A_279, %mul3A_1119, %dma_wait3A_1123] : memref<64x64x8192xf32, #tpu.memory_space<hbm>> -> memref<1x2x8192xf32, #tpu.memory_space<hbm>>
      %dma_wait3A_1125 = tpu.memref_squeeze %dma_wait3A_1124 : memref<1x2x8192xf32, #tpu.memory_space<hbm>> -> memref<2x8192xf32, #tpu.memory_space<hbm>>
      tpu.wait_dma2 semaphore(%arg20 : memref<!tpu.dma_semaphore, #tpu.memory_space<semaphore_mem>>) src(%dma_wait3A_1125 : memref<2x8192xf32, #tpu.memory_space<hbm>>) dst(%arg16 : memref<2x8192xf32, #tpu.memory_space<vmem>>)
      %scan3A_1126 = arith.constant 0 : i32
      %scan3A_1127 = arith.constant 0 : i32
      %scan3A_1128 = arith.constant 512 : i32
      %scan3A_1129 = arith.addi %scan3A_1127, %scan3A_1128 : i32
      %scan3A_1130 = arith.constant 1 : i32
      scf.for %scan3A_1196 = %scan3A_1127 to %scan3A_1129 step %scan3A_1130  : i32 {
        %mul3A_1197 = arith.constant 16 : i32
        %mul3A_1198 = arith.muli %scan3A_1196, %mul3A_1197 : i32
        %get3A = arith.index_cast %mul3A_1198 : i32 to index
        %get3A_1199 = tpu.vector_load %arg15[%get3A] {strides = array<i32>} : memref<8192xi32, #tpu.memory_space<vmem>>, vector<16xi32>,
        %mul3A_1200 = arith.constant 16 : i32
        %mul3A_1201 = arith.muli %scan3A_1196, %mul3A_1200 : i32
        %add3A_1202 = vector.broadcast %mul3A_1201 : i32 to vector<16xi32>
        %add3A_1203 = arith.addi %iota3A, %add3A_1202 : vector<16xi32>
        %broadcast_in_dim3A_1204 = arith.constant 0 : i32
        %broadcast_in_dim3A_1205 = vector.broadcast %broadcast_in_dim3A_1204 : i32 to vector<16xi32>
        %gather3A = tpu.vector_load_idx %arg16[%broadcast_in_dim3A_1205, %get3A_1199] : memref<2x8192xf32, #tpu.memory_space<vmem>>[vector<16xi32>, vector<16xi32>], vector<16xf32>,
        tpu.vector_store_idx %arg18[%broadcast_in_dim3A_1205, %add3A_1203], %gather3A : memref<2x8192xf32, #tpu.memory_space<vmem>>[vector<16xi32>, vector<16xi32>], vector<16xf32>,
        %broadcast_in_dim3A_1206 = arith.constant 1 : i32
        %broadcast_in_dim3A_1207 = vector.broadcast %broadcast_in_dim3A_1206 : i32 to vector<16xi32>
        %gather3A_1208 = tpu.vector_load_idx %arg16[%broadcast_in_dim3A_1207, %get3A_1199] : memref<2x8192xf32, #tpu.memory_space<vmem>>[vector<16xi32>, vector<16xi32>], vector<16xf32>,
        tpu.vector_store_idx %arg18[%broadcast_in_dim3A_1207, %add3A_1203], %gather3A_1208 : memref<2x8192xf32, #tpu.memory_space<vmem>>[vector<16xi32>, vector<16xi32>], vector<16xf32>,
      }
      %scan3A_1131 = arith.constant 512 : i32
      %mul3A_1132 = arith.constant 2 : i32
      %mul3A_1133 = arith.muli %add3A_1108, %mul3A_1132 : i32
      %dma_start3A_1134 = arith.constant 0 : i32
      %dma_start3A_1135 = tpu.memref_slice %arg7[%add3A_279, %mul3A_1133, %dma_start3A_1134] : memref<64x64x8192xf32, #tpu.memory_space<hbm>> -> memref<1x2x8192xf32, #tpu.memory_space<hbm>>
      %dma_start3A_1136 = tpu.memref_squeeze %dma_start3A_1135 : memref<1x2x8192xf32, #tpu.memory_space<hbm>> -> memref<2x8192xf32, #tpu.memory_space<hbm>>
      %dma_start3A_1137 = arith.constant 0 : i32
      %dma_start3A_1138 = tpu.memref_slice %arg7[%add3A_279, %mul3A_1133, %dma_start3A_1137] : memref<64x64x8192xf32, #tpu.memory_space<hbm>> -> memref<1x2x8192xf32, #tpu.memory_space<hbm>>
      %dma_start3A_1139 = tpu.memref_squeeze %dma_start3A_1138 : memref<1x2x8192xf32, #tpu.memory_space<hbm>> -> memref<2x8192xf32, #tpu.memory_space<hbm>>
      tpu.enqueue_dma source(%arg18 : memref<2x8192xf32, #tpu.memory_space<vmem>>) target(%dma_start3A_1139 : memref<2x8192xf32, #tpu.memory_space<hbm>>) target_semaphore(%arg22 : memref<!tpu.dma_semaphore, #tpu.memory_space<semaphore_mem>>)
      %add3A_1140 = arith.constant 2 : i32
      %add3A_1141 = arith.addi %add3A_1108, %add3A_1140 : i32
      %mul3A_1142 = arith.constant 2 : i32
      %mul3A_1143 = arith.muli %add3A_1141, %mul3A_1142 : i32
      %dma_start3A_1144 = arith.constant 0 : i32
      %dma_start3A_1145 = tpu.memref_slice %arg3[%add3A_279, %mul3A_1143, %dma_start3A_1144] : memref<64x64x8192xf32, #tpu.memory_space<hbm>> -> memref<1x2x8192xf32, #tpu.memory_space<hbm>>
      %dma_start3A_1146 = tpu.memref_squeeze %dma_start3A_1145 : memref<1x2x8192xf32, #tpu.memory_space<hbm>> -> memref<2x8192xf32, #tpu.memory_space<hbm>>
      %dma_start3A_1147 = arith.constant 0 : i32
      %dma_start3A_1148 = tpu.memref_slice %arg3[%add3A_279, %mul3A_1143, %dma_start3A_1147] : memref<64x64x8192xf32, #tpu.memory_space<hbm>> -> memref<1x2x8192xf32, #tpu.memory_space<hbm>>
      %dma_start3A_1149 = tpu.memref_squeeze %dma_start3A_1148 : memref<1x2x8192xf32, #tpu.memory_space<hbm>> -> memref<2x8192xf32, #tpu.memory_space<hbm>>
      tpu.enqueue_dma source(%dma_start3A_1149 : memref<2x8192xf32, #tpu.memory_space<hbm>>) target(%arg16 : memref<2x8192xf32, #tpu.memory_space<vmem>>) target_semaphore(%arg20 : memref<!tpu.dma_semaphore, #tpu.memory_space<semaphore_mem>>)
      %mul3A_1150 = arith.constant 2 : i32
      %mul3A_1151 = arith.muli %scan3A_1104, %mul3A_1150 : i32
      %add3A_1152 = arith.constant 1 : i32
      %add3A_1153 = arith.addi %mul3A_1151, %add3A_1152 : i32
      %sub3A_1154 = arith.constant 2 : i32
      %sub3A_1155 = arith.subi %add3A_1153, %sub3A_1154 : i32
      %mul3A_1156 = arith.constant 2 : i32
      %mul3A_1157 = arith.muli %sub3A_1155, %mul3A_1156 : i32
      %dma_wait3A_1158 = arith.constant 0 : i32
      %dma_wait3A_1159 = tpu.memref_slice %arg7[%add3A_279, %mul3A_1157, %dma_wait3A_1158] : memref<64x64x8192xf32, #tpu.memory_space<hbm>> -> memref<1x2x8192xf32, #tpu.memory_space<hbm>>
      %dma_wait3A_1160 = tpu.memref_squeeze %dma_wait3A_1159 : memref<1x2x8192xf32, #tpu.memory_space<hbm>> -> memref<2x8192xf32, #tpu.memory_space<hbm>>
      %dma_wait3A_1161 = arith.constant 0 : i32
      %dma_wait3A_1162 = tpu.memref_slice %arg7[%add3A_279, %mul3A_1157, %dma_wait3A_1161] : memref<64x64x8192xf32, #tpu.memory_space<hbm>> -> memref<1x2x8192xf32, #tpu.memory_space<hbm>>
      %dma_wait3A_1163 = tpu.memref_squeeze %dma_wait3A_1162 : memref<1x2x8192xf32, #tpu.memory_space<hbm>> -> memref<2x8192xf32, #tpu.memory_space<hbm>>
      tpu.wait_dma2 semaphore(%arg23 : memref<!tpu.dma_semaphore, #tpu.memory_space<semaphore_mem>>) src(%arg19 : memref<2x8192xf32, #tpu.memory_space<vmem>>) dst(%dma_wait3A_1163 : memref<2x8192xf32, #tpu.memory_space<hbm>>)
      %mul3A_1164 = arith.constant 2 : i32
      %mul3A_1165 = arith.muli %add3A_1153, %mul3A_1164 : i32
      %dma_wait3A_1166 = arith.constant 0 : i32
      %dma_wait3A_1167 = tpu.memref_slice %arg3[%add3A_279, %mul3A_1165, %dma_wait3A_1166] : memref<64x64x8192xf32, #tpu.memory_space<hbm>> -> memref<1x2x8192xf32, #tpu.memory_space<hbm>>
      %dma_wait3A_1168 = tpu.memref_squeeze %dma_wait3A_1167 : memref<1x2x8192xf32, #tpu.memory_space<hbm>> -> memref<2x8192xf32, #tpu.memory_space<hbm>>
      %dma_wait3A_1169 = arith.constant 0 : i32
      %dma_wait3A_1170 = tpu.memref_slice %arg3[%add3A_279, %mul3A_1165, %dma_wait3A_1169] : memref<64x64x8192xf32, #tpu.memory_space<hbm>> -> memref<1x2x8192xf32, #tpu.memory_space<hbm>>
      %dma_wait3A_1171 = tpu.memref_squeeze %dma_wait3A_1170 : memref<1x2x8192xf32, #tpu.memory_space<hbm>> -> memref<2x8192xf32, #tpu.memory_space<hbm>>
      tpu.wait_dma2 semaphore(%arg21 : memref<!tpu.dma_semaphore, #tpu.memory_space<semaphore_mem>>) src(%dma_wait3A_1171 : memref<2x8192xf32, #tpu.memory_space<hbm>>) dst(%arg17 : memref<2x8192xf32, #tpu.memory_space<vmem>>)
      %scan3A_1172 = arith.constant 0 : i32
      %scan3A_1173 = arith.constant 0 : i32
      %scan3A_1174 = arith.constant 512 : i32
      %scan3A_1175 = arith.addi %scan3A_1173, %scan3A_1174 : i32
      %scan3A_1176 = arith.constant 1 : i32
      scf.for %scan3A_1196 = %scan3A_1173 to %scan3A_1175 step %scan3A_1176  : i32 {
        %mul3A_1197 = arith.constant 16 : i32
        %mul3A_1198 = arith.muli %scan3A_1196, %mul3A_1197 : i32
        %get3A = arith.index_cast %mul3A_1198 : i32 to index
        %get3A_1199 = tpu.vector_load %arg15[%get3A] {strides = array<i32>} : memref<8192xi32, #tpu.memory_space<vmem>>, vector<16xi32>,
        %mul3A_1200 = arith.constant 16 : i32
        %mul3A_1201 = arith.muli %scan3A_1196, %mul3A_1200 : i32
        %add3A_1202 = vector.broadcast %mul3A_1201 : i32 to vector<16xi32>
        %add3A_1203 = arith.addi %iota3A, %add3A_1202 : vector<16xi32>
        %broadcast_in_dim3A_1204 = arith.constant 0 : i32
        %broadcast_in_dim3A_1205 = vector.broadcast %broadcast_in_dim3A_1204 : i32 to vector<16xi32>
        %gather3A = tpu.vector_load_idx %arg17[%broadcast_in_dim3A_1205, %get3A_1199] : memref<2x8192xf32, #tpu.memory_space<vmem>>[vector<16xi32>, vector<16xi32>], vector<16xf32>,
        tpu.vector_store_idx %arg19[%broadcast_in_dim3A_1205, %add3A_1203], %gather3A : memref<2x8192xf32, #tpu.memory_space<vmem>>[vector<16xi32>, vector<16xi32>], vector<16xf32>,
        %broadcast_in_dim3A_1206 = arith.constant 1 : i32
        %broadcast_in_dim3A_1207 = vector.broadcast %broadcast_in_dim3A_1206 : i32 to vector<16xi32>
        %gather3A_1208 = tpu.vector_load_idx %arg17[%broadcast_in_dim3A_1207, %get3A_1199] : memref<2x8192xf32, #tpu.memory_space<vmem>>[vector<16xi32>, vector<16xi32>], vector<16xf32>,
        tpu.vector_store_idx %arg19[%broadcast_in_dim3A_1207, %add3A_1203], %gather3A_1208 : memref<2x8192xf32, #tpu.memory_space<vmem>>[vector<16xi32>, vector<16xi32>], vector<16xf32>,
      }
      %scan3A_1177 = arith.constant 512 : i32
      %mul3A_1178 = arith.constant 2 : i32
      %mul3A_1179 = arith.muli %add3A_1153, %mul3A_1178 : i32
      %dma_start3A_1180 = arith.constant 0 : i32
      %dma_start3A_1181 = tpu.memref_slice %arg7[%add3A_279, %mul3A_1179, %dma_start3A_1180] : memref<64x64x8192xf32, #tpu.memory_space<hbm>> -> memref<1x2x8192xf32, #tpu.memory_space<hbm>>
      %dma_start3A_1182 = tpu.memref_squeeze %dma_start3A_1181 : memref<1x2x8192xf32, #tpu.memory_space<hbm>> -> memref<2x8192xf32, #tpu.memory_space<hbm>>
      %dma_start3A_1183 = arith.constant 0 : i32
      %dma_start3A_1184 = tpu.memref_slice %arg7[%add3A_279, %mul3A_1179, %dma_start3A_1183] : memref<64x64x8192xf32, #tpu.memory_space<hbm>> -> memref<1x2x8192xf32, #tpu.memory_space<hbm>>
      %dma_start3A_1185 = tpu.memref_squeeze %dma_start3A_1184 : memref<1x2x8192xf32, #tpu.memory_space<hbm>> -> memref<2x8192xf32, #tpu.memory_space<hbm>>
      tpu.enqueue_dma source(%arg19 : memref<2x8192xf32, #tpu.memory_space<vmem>>) target(%dma_start3A_1185 : memref<2x8192xf32, #tpu.memory_space<hbm>>) target_semaphore(%arg23 : memref<!tpu.dma_semaphore, #tpu.memory_space<semaphore_mem>>)
      %add3A_1186 = arith.constant 2 : i32
      %add3A_1187 = arith.addi %add3A_1153, %add3A_1186 : i32
      %mul3A_1188 = arith.constant 2 : i32
      %mul3A_1189 = arith.muli %add3A_1187, %mul3A_1188 : i32
      %dma_start3A_1190 = arith.constant 0 : i32
      %dma_start3A_1191 = tpu.memref_slice %arg3[%add3A_279, %mul3A_1189, %dma_start3A_1190] : memref<64x64x8192xf32, #tpu.memory_space<hbm>> -> memref<1x2x8192xf32, #tpu.memory_space<hbm>>
      %dma_start3A_1192 = tpu.memref_squeeze %dma_start3A_1191 : memref<1x2x8192xf32, #tpu.memory_space<hbm>> -> memref<2x8192xf32, #tpu.memory_space<hbm>>
      %dma_start3A_1193 = arith.constant 0 : i32
      %dma_start3A_1194 = tpu.memref_slice %arg3[%add3A_279, %mul3A_1189, %dma_start3A_1193] : memref<64x64x8192xf32, #tpu.memory_space<hbm>> -> memref<1x2x8192xf32, #tpu.memory_space<hbm>>
      %dma_start3A_1195 = tpu.memref_squeeze %dma_start3A_1194 : memref<1x2x8192xf32, #tpu.memory_space<hbm>> -> memref<2x8192xf32, #tpu.memory_space<hbm>>
      tpu.enqueue_dma source(%dma_start3A_1195 : memref<2x8192xf32, #tpu.memory_space<hbm>>) target(%arg17 : memref<2x8192xf32, #tpu.memory_space<vmem>>) target_semaphore(%arg21 : memref<!tpu.dma_semaphore, #tpu.memory_space<semaphore_mem>>)
    }
    %scan3A_473 = arith.constant 14 : i32
    %dma_wait3A_474 = arith.constant 56 : i32
    %dma_wait3A_475 = arith.constant 0 : i32
    %dma_wait3A_476 = tpu.memref_slice %arg7[%add3A_279, %dma_wait3A_474, %dma_wait3A_475] : memref<64x64x8192xf32, #tpu.memory_space<hbm>> -> memref<1x2x8192xf32, #tpu.memory_space<hbm>>
    %dma_wait3A_477 = tpu.memref_squeeze %dma_wait3A_476 : memref<1x2x8192xf32, #tpu.memory_space<hbm>> -> memref<2x8192xf32, #tpu.memory_space<hbm>>
    %dma_wait3A_478 = arith.constant 56 : i32
    %dma_wait3A_479 = arith.constant 0 : i32
    %dma_wait3A_480 = tpu.memref_slice %arg7[%add3A_279, %dma_wait3A_478, %dma_wait3A_479] : memref<64x64x8192xf32, #tpu.memory_space<hbm>> -> memref<1x2x8192xf32, #tpu.memory_space<hbm>>
    %dma_wait3A_481 = tpu.memref_squeeze %dma_wait3A_480 : memref<1x2x8192xf32, #tpu.memory_space<hbm>> -> memref<2x8192xf32, #tpu.memory_space<hbm>>
    tpu.wait_dma2 semaphore(%arg22 : memref<!tpu.dma_semaphore, #tpu.memory_space<semaphore_mem>>) src(%arg18 : memref<2x8192xf32, #tpu.memory_space<vmem>>) dst(%dma_wait3A_481 : memref<2x8192xf32, #tpu.memory_space<hbm>>)
    %dma_wait3A_482 = arith.constant 60 : i32
    %dma_wait3A_483 = arith.constant 0 : i32
    %dma_wait3A_484 = tpu.memref_slice %arg3[%add3A_279, %dma_wait3A_482, %dma_wait3A_483] : memref<64x64x8192xf32, #tpu.memory_space<hbm>> -> memref<1x2x8192xf32, #tpu.memory_space<hbm>>
    %dma_wait3A_485 = tpu.memref_squeeze %dma_wait3A_484 : memref<1x2x8192xf32, #tpu.memory_space<hbm>> -> memref<2x8192xf32, #tpu.memory_space<hbm>>
    %dma_wait3A_486 = arith.constant 60 : i32
    %dma_wait3A_487 = arith.constant 0 : i32
    %dma_wait3A_488 = tpu.memref_slice %arg3[%add3A_279, %dma_wait3A_486, %dma_wait3A_487] : memref<64x64x8192xf32, #tpu.memory_space<hbm>> -> memref<1x2x8192xf32, #tpu.memory_space<hbm>>
    %dma_wait3A_489 = tpu.memref_squeeze %dma_wait3A_488 : memref<1x2x8192xf32, #tpu.memory_space<hbm>> -> memref<2x8192xf32, #tpu.memory_space<hbm>>
    tpu.wait_dma2 semaphore(%arg20 : memref<!tpu.dma_semaphore, #tpu.memory_space<semaphore_mem>>) src(%dma_wait3A_489 : memref<2x8192xf32, #tpu.memory_space<hbm>>) dst(%arg16 : memref<2x8192xf32, #tpu.memory_space<vmem>>)
    %scan3A_490 = arith.constant 0 : i32
    %scan3A_491 = arith.constant 0 : i32
    %scan3A_492 = arith.constant 512 : i32
    %scan3A_493 = arith.addi %scan3A_491, %scan3A_492 : i32
    %scan3A_494 = arith.constant 1 : i32
    scf.for %scan3A_1104 = %scan3A_491 to %scan3A_493 step %scan3A_494  : i32 {
      %mul3A_1105 = arith.constant 16 : i32
      %mul3A_1106 = arith.muli %scan3A_1104, %mul3A_1105 : i32
      %get3A = arith.index_cast %mul3A_1106 : i32 to index
      %get3A_1107 = tpu.vector_load %arg15[%get3A] {strides = array<i32>} : memref<8192xi32, #tpu.memory_space<vmem>>, vector<16xi32>,
      %mul3A_1108 = arith.constant 16 : i32
      %mul3A_1109 = arith.muli %scan3A_1104, %mul3A_1108 : i32
      %add3A_1110 = vector.broadcast %mul3A_1109 : i32 to vector<16xi32>
      %add3A_1111 = arith.addi %iota3A, %add3A_1110 : vector<16xi32>
      %broadcast_in_dim3A_1112 = arith.constant 0 : i32
      %broadcast_in_dim3A_1113 = vector.broadcast %broadcast_in_dim3A_1112 : i32 to vector<16xi32>
      %gather3A = tpu.vector_load_idx %arg16[%broadcast_in_dim3A_1113, %get3A_1107] : memref<2x8192xf32, #tpu.memory_space<vmem>>[vector<16xi32>, vector<16xi32>], vector<16xf32>,
      tpu.vector_store_idx %arg18[%broadcast_in_dim3A_1113, %add3A_1111], %gather3A : memref<2x8192xf32, #tpu.memory_space<vmem>>[vector<16xi32>, vector<16xi32>], vector<16xf32>,
      %broadcast_in_dim3A_1114 = arith.constant 1 : i32
      %broadcast_in_dim3A_1115 = vector.broadcast %broadcast_in_dim3A_1114 : i32 to vector<16xi32>
      %gather3A_1116 = tpu.vector_load_idx %arg16[%broadcast_in_dim3A_1115, %get3A_1107] : memref<2x8192xf32, #tpu.memory_space<vmem>>[vector<16xi32>, vector<16xi32>], vector<16xf32>,
      tpu.vector_store_idx %arg18[%broadcast_in_dim3A_1115, %add3A_1111], %gather3A_1116 : memref<2x8192xf32, #tpu.memory_space<vmem>>[vector<16xi32>, vector<16xi32>], vector<16xf32>,
    }
    %scan3A_495 = arith.constant 512 : i32
    %dma_start3A_496 = arith.constant 60 : i32
    %dma_start3A_497 = arith.constant 0 : i32
    %dma_start3A_498 = tpu.memref_slice %arg7[%add3A_279, %dma_start3A_496, %dma_start3A_497] : memref<64x64x8192xf32, #tpu.memory_space<hbm>> -> memref<1x2x8192xf32, #tpu.memory_space<hbm>>
    %dma_start3A_499 = tpu.memref_squeeze %dma_start3A_498 : memref<1x2x8192xf32, #tpu.memory_space<hbm>> -> memref<2x8192xf32, #tpu.memory_space<hbm>>
    %dma_start3A_500 = arith.constant 60 : i32
    %dma_start3A_501 = arith.constant 0 : i32
    %dma_start3A_502 = tpu.memref_slice %arg7[%add3A_279, %dma_start3A_500, %dma_start3A_501] : memref<64x64x8192xf32, #tpu.memory_space<hbm>> -> memref<1x2x8192xf32, #tpu.memory_space<hbm>>
    %dma_start3A_503 = tpu.memref_squeeze %dma_start3A_502 : memref<1x2x8192xf32, #tpu.memory_space<hbm>> -> memref<2x8192xf32, #tpu.memory_space<hbm>>
    tpu.enqueue_dma source(%arg18 : memref<2x8192xf32, #tpu.memory_space<vmem>>) target(%dma_start3A_503 : memref<2x8192xf32, #tpu.memory_space<hbm>>) target_semaphore(%arg22 : memref<!tpu.dma_semaphore, #tpu.memory_space<semaphore_mem>>)
    %dma_wait3A_504 = arith.constant 58 : i32
    %dma_wait3A_505 = arith.constant 0 : i32
    %dma_wait3A_506 = tpu.memref_slice %arg7[%add3A_279, %dma_wait3A_504, %dma_wait3A_505] : memref<64x64x8192xf32, #tpu.memory_space<hbm>> -> memref<1x2x8192xf32, #tpu.memory_space<hbm>>
    %dma_wait3A_507 = tpu.memref_squeeze %dma_wait3A_506 : memref<1x2x8192xf32, #tpu.memory_space<hbm>> -> memref<2x8192xf32, #tpu.memory_space<hbm>>
    %dma_wait3A_508 = arith.constant 58 : i32
    %dma_wait3A_509 = arith.constant 0 : i32
    %dma_wait3A_510 = tpu.memref_slice %arg7[%add3A_279, %dma_wait3A_508, %dma_wait3A_509] : memref<64x64x8192xf32, #tpu.memory_space<hbm>> -> memref<1x2x8192xf32, #tpu.memory_space<hbm>>
    %dma_wait3A_511 = tpu.memref_squeeze %dma_wait3A_510 : memref<1x2x8192xf32, #tpu.memory_space<hbm>> -> memref<2x8192xf32, #tpu.memory_space<hbm>>
    tpu.wait_dma2 semaphore(%arg23 : memref<!tpu.dma_semaphore, #tpu.memory_space<semaphore_mem>>) src(%arg19 : memref<2x8192xf32, #tpu.memory_space<vmem>>) dst(%dma_wait3A_511 : memref<2x8192xf32, #tpu.memory_space<hbm>>)
    %dma_wait3A_512 = arith.constant 62 : i32
    %dma_wait3A_513 = arith.constant 0 : i32
    %dma_wait3A_514 = tpu.memref_slice %arg3[%add3A_279, %dma_wait3A_512, %dma_wait3A_513] : memref<64x64x8192xf32, #tpu.memory_space<hbm>> -> memref<1x2x8192xf32, #tpu.memory_space<hbm>>
    %dma_wait3A_515 = tpu.memref_squeeze %dma_wait3A_514 : memref<1x2x8192xf32, #tpu.memory_space<hbm>> -> memref<2x8192xf32, #tpu.memory_space<hbm>>
    %dma_wait3A_516 = arith.constant 62 : i32
    %dma_wait3A_517 = arith.constant 0 : i32
    %dma_wait3A_518 = tpu.memref_slice %arg3[%add3A_279, %dma_wait3A_516, %dma_wait3A_517] : memref<64x64x8192xf32, #tpu.memory_space<hbm>> -> memref<1x2x8192xf32, #tpu.memory_space<hbm>>
    %dma_wait3A_519 = tpu.memref_squeeze %dma_wait3A_518 : memref<1x2x8192xf32, #tpu.memory_space<hbm>> -> memref<2x8192xf32, #tpu.memory_space<hbm>>
    tpu.wait_dma2 semaphore(%arg21 : memref<!tpu.dma_semaphore, #tpu.memory_space<semaphore_mem>>) src(%dma_wait3A_519 : memref<2x8192xf32, #tpu.memory_space<hbm>>) dst(%arg17 : memref<2x8192xf32, #tpu.memory_space<vmem>>)
    %scan3A_520 = arith.constant 0 : i32
    %scan3A_521 = arith.constant 0 : i32
    %scan3A_522 = arith.constant 512 : i32
    %scan3A_523 = arith.addi %scan3A_521, %scan3A_522 : i32
    %scan3A_524 = arith.constant 1 : i32
    scf.for %scan3A_1104 = %scan3A_521 to %scan3A_523 step %scan3A_524  : i32 {
      %mul3A_1105 = arith.constant 16 : i32
      %mul3A_1106 = arith.muli %scan3A_1104, %mul3A_1105 : i32
      %get3A = arith.index_cast %mul3A_1106 : i32 to index
      %get3A_1107 = tpu.vector_load %arg15[%get3A] {strides = array<i32>} : memref<8192xi32, #tpu.memory_space<vmem>>, vector<16xi32>,
      %mul3A_1108 = arith.constant 16 : i32
      %mul3A_1109 = arith.muli %scan3A_1104, %mul3A_1108 : i32
      %add3A_1110 = vector.broadcast %mul3A_1109 : i32 to vector<16xi32>
      %add3A_1111 = arith.addi %iota3A, %add3A_1110 : vector<16xi32>
      %broadcast_in_dim3A_1112 = arith.constant 0 : i32
      %broadcast_in_dim3A_1113 = vector.broadcast %broadcast_in_dim3A_1112 : i32 to vector<16xi32>
      %gather3A = tpu.vector_load_idx %arg17[%broadcast_in_dim3A_1113, %get3A_1107] : memref<2x8192xf32, #tpu.memory_space<vmem>>[vector<16xi32>, vector<16xi32>], vector<16xf32>,
      tpu.vector_store_idx %arg19[%broadcast_in_dim3A_1113, %add3A_1111], %gather3A : memref<2x8192xf32, #tpu.memory_space<vmem>>[vector<16xi32>, vector<16xi32>], vector<16xf32>,
      %broadcast_in_dim3A_1114 = arith.constant 1 : i32
      %broadcast_in_dim3A_1115 = vector.broadcast %broadcast_in_dim3A_1114 : i32 to vector<16xi32>
      %gather3A_1116 = tpu.vector_load_idx %arg17[%broadcast_in_dim3A_1115, %get3A_1107] : memref<2x8192xf32, #tpu.memory_space<vmem>>[vector<16xi32>, vector<16xi32>], vector<16xf32>,
      tpu.vector_store_idx %arg19[%broadcast_in_dim3A_1115, %add3A_1111], %gather3A_1116 : memref<2x8192xf32, #tpu.memory_space<vmem>>[vector<16xi32>, vector<16xi32>], vector<16xf32>,
    }
    %scan3A_525 = arith.constant 512 : i32
    %dma_start3A_526 = arith.constant 62 : i32
    %dma_start3A_527 = arith.constant 0 : i32
    %dma_start3A_528 = tpu.memref_slice %arg7[%add3A_279, %dma_start3A_526, %dma_start3A_527] : memref<64x64x8192xf32, #tpu.memory_space<hbm>> -> memref<1x2x8192xf32, #tpu.memory_space<hbm>>
    %dma_start3A_529 = tpu.memref_squeeze %dma_start3A_528 : memref<1x2x8192xf32, #tpu.memory_space<hbm>> -> memref<2x8192xf32, #tpu.memory_space<hbm>>
    %dma_start3A_530 = arith.constant 62 : i32
    %dma_start3A_531 = arith.constant 0 : i32
    %dma_start3A_532 = tpu.memref_slice %arg7[%add3A_279, %dma_start3A_530, %dma_start3A_531] : memref<64x64x8192xf32, #tpu.memory_space<hbm>> -> memref<1x2x8192xf32, #tpu.memory_space<hbm>>
    %dma_start3A_533 = tpu.memref_squeeze %dma_start3A_532 : memref<1x2x8192xf32, #tpu.memory_space<hbm>> -> memref<2x8192xf32, #tpu.memory_space<hbm>>
    tpu.enqueue_dma source(%arg19 : memref<2x8192xf32, #tpu.memory_space<vmem>>) target(%dma_start3A_533 : memref<2x8192xf32, #tpu.memory_space<hbm>>) target_semaphore(%arg23 : memref<!tpu.dma_semaphore, #tpu.memory_space<semaphore_mem>>)
    %dma_wait3A_534 = arith.constant 60 : i32
    %dma_wait3A_535 = arith.constant 0 : i32
    %dma_wait3A_536 = tpu.memref_slice %arg7[%add3A_279, %dma_wait3A_534, %dma_wait3A_535] : memref<64x64x8192xf32, #tpu.memory_space<hbm>> -> memref<1x2x8192xf32, #tpu.memory_space<hbm>>
    %dma_wait3A_537 = tpu.memref_squeeze %dma_wait3A_536 : memref<1x2x8192xf32, #tpu.memory_space<hbm>> -> memref<2x8192xf32, #tpu.memory_space<hbm>>
    %dma_wait3A_538 = arith.constant 60 : i32
    %dma_wait3A_539 = arith.constant 0 : i32
    %dma_wait3A_540 = tpu.memref_slice %arg7[%add3A_279, %dma_wait3A_538, %dma_wait3A_539] : memref<64x64x8192xf32, #tpu.memory_space<hbm>> -> memref<1x2x8192xf32, #tpu.memory_space<hbm>>
    %dma_wait3A_541 = tpu.memref_squeeze %dma_wait3A_540 : memref<1x2x8192xf32, #tpu.memory_space<hbm>> -> memref<2x8192xf32, #tpu.memory_space<hbm>>
    tpu.wait_dma2 semaphore(%arg22 : memref<!tpu.dma_semaphore, #tpu.memory_space<semaphore_mem>>) src(%arg18 : memref<2x8192xf32, #tpu.memory_space<vmem>>) dst(%dma_wait3A_541 : memref<2x8192xf32, #tpu.memory_space<hbm>>)
    %dma_wait3A_542 = arith.constant 62 : i32
    %dma_wait3A_543 = arith.constant 0 : i32
    %dma_wait3A_544 = tpu.memref_slice %arg7[%add3A_279, %dma_wait3A_542, %dma_wait3A_543] : memref<64x64x8192xf32, #tpu.memory_space<hbm>> -> memref<1x2x8192xf32, #tpu.memory_space<hbm>>
    %dma_wait3A_545 = tpu.memref_squeeze %dma_wait3A_544 : memref<1x2x8192xf32, #tpu.memory_space<hbm>> -> memref<2x8192xf32, #tpu.memory_space<hbm>>
    %dma_wait3A_546 = arith.constant 62 : i32
    %dma_wait3A_547 = arith.constant 0 : i32
    %dma_wait3A_548 = tpu.memref_slice %arg7[%add3A_279, %dma_wait3A_546, %dma_wait3A_547] : memref<64x64x8192xf32, #tpu.memory_space<hbm>> -> memref<1x2x8192xf32, #tpu.memory_space<hbm>>
    %dma_wait3A_549 = tpu.memref_squeeze %dma_wait3A_548 : memref<1x2x8192xf32, #tpu.memory_space<hbm>> -> memref<2x8192xf32, #tpu.memory_space<hbm>>
    tpu.wait_dma2 semaphore(%arg23 : memref<!tpu.dma_semaphore, #tpu.memory_space<semaphore_mem>>) src(%arg19 : memref<2x8192xf32, #tpu.memory_space<vmem>>) dst(%dma_wait3A_549 : memref<2x8192xf32, #tpu.memory_space<hbm>>)
    %mul3A_550 = arith.constant 32 : i32
    %mul3A_551 = arith.muli %arg0, %mul3A_550 : i32
    %mul3A_552 = arith.constant 2 : i32
    %mul3A_553 = arith.muli %arg1, %mul3A_552 : i32
    %add3A_554 = arith.addi %mul3A_551, %mul3A_553 : i32
    %add3A_555 = arith.constant 0 : i32
    %add3A_556 = arith.addi %add3A_554, %add3A_555 : i32
    "tpu.region"() ({
      %run_scoped3A = tpu.sem_alloc : memref<!tpu.dma_semaphore, #tpu.memory_space<semaphore_mem>>
      %dma_start3A_1104 = arith.constant 0 : i32
      %dma_start3A_1105 = tpu.memref_slice %arg4[%add3A_556, %dma_start3A_1104] : memref<64x8192xf32, #tpu.memory_space<hbm>> -> memref<1x8192xf32, #tpu.memory_space<hbm>>
      %dma_start3A_1106 = tpu.memref_squeeze %dma_start3A_1105 : memref<1x8192xf32, #tpu.memory_space<hbm>> -> memref<8192xf32, #tpu.memory_space<hbm>>
      %dma_start3A_1107 = arith.constant 0 : i32
      %dma_start3A_1108 = tpu.memref_slice %arg4[%add3A_556, %dma_start3A_1107] : memref<64x8192xf32, #tpu.memory_space<hbm>> -> memref<1x8192xf32, #tpu.memory_space<hbm>>
      %dma_start3A_1109 = tpu.memref_squeeze %dma_start3A_1108 : memref<1x8192xf32, #tpu.memory_space<hbm>> -> memref<8192xf32, #tpu.memory_space<hbm>>
      tpu.enqueue_dma source(%dma_start3A_1109 : memref<8192xf32, #tpu.memory_space<hbm>>) target(%arg10 : memref<8192xf32, #tpu.memory_space<vmem>>) target_semaphore(%run_scoped3A : memref<!tpu.dma_semaphore, #tpu.memory_space<semaphore_mem>>)
      %dma_wait3A_1110 = arith.constant 0 : i32
      %dma_wait3A_1111 = tpu.memref_slice %arg4[%add3A_556, %dma_wait3A_1110] : memref<64x8192xf32, #tpu.memory_space<hbm>> -> memref<1x8192xf32, #tpu.memory_space<hbm>>
      %dma_wait3A_1112 = tpu.memref_squeeze %dma_wait3A_1111 : memref<1x8192xf32, #tpu.memory_space<hbm>> -> memref<8192xf32, #tpu.memory_space<hbm>>
      %dma_wait3A_1113 = arith.constant 0 : i32
      %dma_wait3A_1114 = tpu.memref_slice %arg4[%add3A_556, %dma_wait3A_1113] : memref<64x8192xf32, #tpu.memory_space<hbm>> -> memref<1x8192xf32, #tpu.memory_space<hbm>>
      %dma_wait3A_1115 = tpu.memref_squeeze %dma_wait3A_1114 : memref<1x8192xf32, #tpu.memory_space<hbm>> -> memref<8192xf32, #tpu.memory_space<hbm>>
      tpu.wait_dma2 semaphore(%run_scoped3A : memref<!tpu.dma_semaphore, #tpu.memory_space<semaphore_mem>>) src(%dma_wait3A_1115 : memref<8192xf32, #tpu.memory_space<hbm>>) dst(%arg10 : memref<8192xf32, #tpu.memory_space<vmem>>)
      tpu.yield
    }) : () -> ()
    %scan3A_557 = arith.constant 0 : i32
    %scan3A_558 = arith.constant 0 : i32
    %scan3A_559 = arith.constant 512 : i32
    %scan3A_560 = arith.addi %scan3A_558, %scan3A_559 : i32
    %scan3A_561 = arith.constant 1 : i32
    scf.for %scan3A_1104 = %scan3A_558 to %scan3A_560 step %scan3A_561  : i32 {
      %mul3A_1105 = arith.constant 16 : i32
      %mul3A_1106 = arith.muli %scan3A_1104, %mul3A_1105 : i32
      %get3A = arith.index_cast %mul3A_1106 : i32 to index
      %get3A_1107 = tpu.vector_load %arg10[%get3A] {strides = array<i32>} : memref<8192xf32, #tpu.memory_space<vmem>>, vector<16xf32>,
      %bitcast_convert_type3A = tpu.bitcast %get3A_1107 : vector<16xf32> -> vector<16xi32>
      %lt3A = arith.constant 0 : i32
      %lt3A_1108 = vector.broadcast %lt3A : i32 to vector<16xi32>
      %lt3A_1109 = arith.cmpi slt, %bitcast_convert_type3A, %lt3A_1108 : vector<16xi32>
      %not3A = arith.constant dense<-1> : vector<16xi32>
      %not3A_1110 = arith.xori %bitcast_convert_type3A, %not3A : vector<16xi32>
      %xor3A = arith.constant -2147483648 : i32
      %xor3A_1111 = vector.broadcast %xor3A : i32 to vector<16xi32>
      %xor3A_1112 = arith.xori %bitcast_convert_type3A, %xor3A_1111 : vector<16xi32>
      %select_n3A = arith.select %lt3A_1109, %not3A_1110, %xor3A_1112 : vector<16xi1>, vector<16xi32>
      %mul3A_1113 = arith.constant 16 : i32
      %mul3A_1114 = arith.muli %scan3A_1104, %mul3A_1113 : i32
      %swap3A = arith.index_cast %mul3A_1114 : i32 to index
      %swap3A_1115 = tpu.vector_load %arg11[%swap3A] {strides = array<i32>} : memref<8192xi32, #tpu.memory_space<vmem>>, vector<16xi32>,
      tpu.vector_store %arg11[%swap3A], %select_n3A {strides = array<i32>} : memref<8192xi32, #tpu.memory_space<vmem>>, vector<16xi32>,
    }
    %scan3A_562 = arith.constant 512 : i32
    %scan3A_563 = arith.constant 0 : i32
    %scan3A_564 = arith.constant 0 : i32
    %scan3A_565 = arith.constant 256 : i32
    %scan3A_566 = arith.addi %scan3A_564, %scan3A_565 : i32
    %scan3A_567 = arith.constant 1 : i32
    scf.for %scan3A_1104 = %scan3A_564 to %scan3A_566 step %scan3A_567  : i32 {
      %broadcast_in_dim3A_1105 = arith.constant 0 : i32
      %broadcast_in_dim3A_1106 = vector.broadcast %broadcast_in_dim3A_1105 : i32 to vector<16xi32>
      %mul3A_1107 = arith.constant 16 : i32
      %mul3A_1108 = arith.muli %scan3A_1104, %mul3A_1107 : i32
      %swap3A = arith.index_cast %mul3A_1108 : i32 to index
      %swap3A_1109 = tpu.vector_load %arg14[%swap3A] {strides = array<i32>} : memref<4096xi32, #tpu.memory_space<vmem>>, vector<16xi32>,
      tpu.vector_store %arg14[%swap3A], %broadcast_in_dim3A_1106 {strides = array<i32>} : memref<4096xi32, #tpu.memory_space<vmem>>, vector<16xi32>,
    }
    %scan3A_568 = arith.constant 256 : i32
    %scan3A_569 = arith.constant 0 : i32
    %scan3A_570 = arith.constant 0 : i32
    %scan3A_571 = arith.constant 512 : i32
    %scan3A_572 = arith.addi %scan3A_570, %scan3A_571 : i32
    %scan3A_573 = arith.constant 1 : i32
    scf.for %scan3A_1104 = %scan3A_570 to %scan3A_572 step %scan3A_573  : i32 {
      %mul3A_1105 = arith.constant 512 : i32
      %mul3A_1106 = vector.broadcast %mul3A_1105 : i32 to vector<16xi32>
      %mul3A_1107 = arith.muli %iota3A, %mul3A_1106 : vector<16xi32>
      %add3A_1108 = vector.broadcast %scan3A_1104 : i32 to vector<16xi32>
      %add3A_1109 = arith.addi %mul3A_1107, %add3A_1108 : vector<16xi32>
      %gather3A = tpu.vector_load_idx %arg11[%add3A_1109] : memref<8192xi32, #tpu.memory_space<vmem>>[vector<16xi32>], vector<16xi32>,
      %broadcast_in_dim3A_1110 = arith.constant 0 : i32
      %broadcast_in_dim3A_1111 = vector.broadcast %broadcast_in_dim3A_1110 : i32 to vector<16xi32>
      %shift_right_logical3A = arith.shrui %gather3A, %broadcast_in_dim3A_1111 : vector<16xi32>
      %and3A = arith.constant 255 : i32
      %and3A_1112 = vector.broadcast %and3A : i32 to vector<16xi32>
      %and3A_1113 = arith.andi %shift_right_logical3A, %and3A_1112 : vector<16xi32>
      %mul3A_1114 = arith.constant 16 : i32
      %mul3A_1115 = vector.broadcast %mul3A_1114 : i32 to vector<16xi32>
      %mul3A_1116 = arith.muli %and3A_1113, %mul3A_1115 : vector<16xi32>
      %add3A_1117 = arith.addi %mul3A_1116, %iota3A : vector<16xi32>
      tpu.vector_store_idx %arg14[%add3A_1117], %broadcast_in_dim3A_0 {add = true} : memref<4096xi32, #tpu.memory_space<vmem>>[vector<16xi32>], vector<16xi32>,
    }
    %scan3A_574 = arith.constant 512 : i32
    %scan3A_575 = arith.constant 0 : i32
    %scan3A_576 = arith.constant 0 : i32
    %scan3A_577 = arith.constant 256 : i32
    %scan3A_578 = arith.addi %scan3A_576, %scan3A_577 : i32
    %scan3A_579 = arith.constant 1 : i32
    %scan3A_580 = scf.for %scan3A_1104 = %scan3A_576 to %scan3A_578 step %scan3A_579 iter_args(%scan3A_1105 = %scan3A_575) -> (i32)  : i32 {
      %mul3A_1106 = arith.constant 16 : i32
      %mul3A_1107 = arith.muli %scan3A_1104, %mul3A_1106 : i32
      %get3A = arith.index_cast %mul3A_1107 : i32 to index
      %get3A_1108 = tpu.vector_load %arg14[%get3A] {strides = array<i32>} : memref<4096xi32, #tpu.memory_space<vmem>>, vector<16xi32>,
      %broadcast_in_dim3A_1109 = arith.constant true
      %broadcast_in_dim3A_1110 = vector.broadcast %broadcast_in_dim3A_1109 : i1 to vector<16xi1>
      %masked_cumsum3A = tpu.scan <sum>, %get3A_1108 masked %broadcast_in_dim3A_1110 : vector<16xi32>, vector<16xi1> -> vector<16xi32>
      %sub3A = arith.subi %masked_cumsum3A, %get3A_1108 : vector<16xi32>
      %add3A_1111 = vector.broadcast %scan3A_1105 : i32 to vector<16xi32>
      %add3A_1112 = arith.addi %sub3A, %add3A_1111 : vector<16xi32>
      %mul3A_1113 = arith.constant 16 : i32
      %mul3A_1114 = arith.muli %scan3A_1104, %mul3A_1113 : i32
      %swap3A = arith.index_cast %mul3A_1114 : i32 to index
      %swap3A_1115 = tpu.vector_load %arg14[%swap3A] {strides = array<i32>} : memref<4096xi32, #tpu.memory_space<vmem>>, vector<16xi32>,
      tpu.vector_store %arg14[%swap3A], %add3A_1112 {strides = array<i32>} : memref<4096xi32, #tpu.memory_space<vmem>>, vector<16xi32>,
      %reduce_sum3A = arith.constant true
      %reduce_sum3A_1116 = vector.broadcast %reduce_sum3A : i1 to vector<16xi1>
      %reduce_sum3A_1117 = tpu.scan <sum>, %get3A_1108 masked %reduce_sum3A_1116 : vector<16xi32>, vector<16xi1> -> vector<16xi32>
      %reduce_sum3A_1118 = vector.extract %reduce_sum3A_1117[15] : i32 from vector<16xi32>
      %add3A_1119 = arith.addi %scan3A_1105, %reduce_sum3A_1118 : i32
      scf.yield %add3A_1119 : i32
    }
    %scan3A_581 = arith.constant 256 : i32
    %scan3A_582 = arith.constant 0 : i32
    %scan3A_583 = arith.constant 0 : i32
    %scan3A_584 = arith.constant 512 : i32
    %scan3A_585 = arith.addi %scan3A_583, %scan3A_584 : i32
    %scan3A_586 = arith.constant 1 : i32
    scf.for %scan3A_1104 = %scan3A_583 to %scan3A_585 step %scan3A_586  : i32 {
      %mul3A_1105 = arith.constant 512 : i32
      %mul3A_1106 = vector.broadcast %mul3A_1105 : i32 to vector<16xi32>
      %mul3A_1107 = arith.muli %iota3A, %mul3A_1106 : vector<16xi32>
      %add3A_1108 = vector.broadcast %scan3A_1104 : i32 to vector<16xi32>
      %add3A_1109 = arith.addi %mul3A_1107, %add3A_1108 : vector<16xi32>
      %gather3A = tpu.vector_load_idx %arg11[%add3A_1109] : memref<8192xi32, #tpu.memory_space<vmem>>[vector<16xi32>], vector<16xi32>,
      %broadcast_in_dim3A_1110 = arith.constant 0 : i32
      %broadcast_in_dim3A_1111 = vector.broadcast %broadcast_in_dim3A_1110 : i32 to vector<16xi32>
      %shift_right_logical3A = arith.shrui %gather3A, %broadcast_in_dim3A_1111 : vector<16xi32>
      %and3A = arith.constant 255 : i32
      %and3A_1112 = vector.broadcast %and3A : i32 to vector<16xi32>
      %and3A_1113 = arith.andi %shift_right_logical3A, %and3A_1112 : vector<16xi32>
      %mul3A_1114 = arith.constant 16 : i32
      %mul3A_1115 = vector.broadcast %mul3A_1114 : i32 to vector<16xi32>
      %mul3A_1116 = arith.muli %and3A_1113, %mul3A_1115 : vector<16xi32>
      %add3A_1117 = arith.addi %mul3A_1116, %iota3A : vector<16xi32>
      %gather3A_1118 = tpu.vector_load_idx %arg14[%add3A_1117] : memref<4096xi32, #tpu.memory_space<vmem>>[vector<16xi32>], vector<16xi32>,
      %add3A_1119 = arith.constant 1 : i32
      %add3A_1120 = vector.broadcast %add3A_1119 : i32 to vector<16xi32>
      %add3A_1121 = arith.addi %gather3A_1118, %add3A_1120 : vector<16xi32>
      tpu.vector_store_idx %arg14[%add3A_1117], %add3A_1121 : memref<4096xi32, #tpu.memory_space<vmem>>[vector<16xi32>], vector<16xi32>,
      tpu.vector_store_idx %arg13[%gather3A_1118], %gather3A : memref<8192xi32, #tpu.memory_space<vmem>>[vector<16xi32>], vector<16xi32>,
      tpu.vector_store_idx %arg12[%gather3A_1118], %add3A_1109 : memref<8192xi32, #tpu.memory_space<vmem>>[vector<16xi32>], vector<16xi32>,
    }
    %scan3A_587 = arith.constant 512 : i32
    %scan3A_588 = arith.constant 0 : i32
    %scan3A_589 = arith.constant 0 : i32
    %scan3A_590 = arith.constant 256 : i32
    %scan3A_591 = arith.addi %scan3A_589, %scan3A_590 : i32
    %scan3A_592 = arith.constant 1 : i32
    scf.for %scan3A_1104 = %scan3A_589 to %scan3A_591 step %scan3A_592  : i32 {
      %broadcast_in_dim3A_1105 = arith.constant 0 : i32
      %broadcast_in_dim3A_1106 = vector.broadcast %broadcast_in_dim3A_1105 : i32 to vector<16xi32>
      %mul3A_1107 = arith.constant 16 : i32
      %mul3A_1108 = arith.muli %scan3A_1104, %mul3A_1107 : i32
      %swap3A = arith.index_cast %mul3A_1108 : i32 to index
      %swap3A_1109 = tpu.vector_load %arg14[%swap3A] {strides = array<i32>} : memref<4096xi32, #tpu.memory_space<vmem>>, vector<16xi32>,
      tpu.vector_store %arg14[%swap3A], %broadcast_in_dim3A_1106 {strides = array<i32>} : memref<4096xi32, #tpu.memory_space<vmem>>, vector<16xi32>,
    }
    %scan3A_593 = arith.constant 256 : i32
    %scan3A_594 = arith.constant 0 : i32
    %scan3A_595 = arith.constant 0 : i32
    %scan3A_596 = arith.constant 512 : i32
    %scan3A_597 = arith.addi %scan3A_595, %scan3A_596 : i32
    %scan3A_598 = arith.constant 1 : i32
    scf.for %scan3A_1104 = %scan3A_595 to %scan3A_597 step %scan3A_598  : i32 {
      %mul3A_1105 = arith.constant 512 : i32
      %mul3A_1106 = vector.broadcast %mul3A_1105 : i32 to vector<16xi32>
      %mul3A_1107 = arith.muli %iota3A, %mul3A_1106 : vector<16xi32>
      %add3A_1108 = vector.broadcast %scan3A_1104 : i32 to vector<16xi32>
      %add3A_1109 = arith.addi %mul3A_1107, %add3A_1108 : vector<16xi32>
      %gather3A = tpu.vector_load_idx %arg13[%add3A_1109] : memref<8192xi32, #tpu.memory_space<vmem>>[vector<16xi32>], vector<16xi32>,
      %broadcast_in_dim3A_1110 = arith.constant 8 : i32
      %broadcast_in_dim3A_1111 = vector.broadcast %broadcast_in_dim3A_1110 : i32 to vector<16xi32>
      %shift_right_logical3A = arith.shrui %gather3A, %broadcast_in_dim3A_1111 : vector<16xi32>
      %and3A = arith.constant 255 : i32
      %and3A_1112 = vector.broadcast %and3A : i32 to vector<16xi32>
      %and3A_1113 = arith.andi %shift_right_logical3A, %and3A_1112 : vector<16xi32>
      %mul3A_1114 = arith.constant 16 : i32
      %mul3A_1115 = vector.broadcast %mul3A_1114 : i32 to vector<16xi32>
      %mul3A_1116 = arith.muli %and3A_1113, %mul3A_1115 : vector<16xi32>
      %add3A_1117 = arith.addi %mul3A_1116, %iota3A : vector<16xi32>
      tpu.vector_store_idx %arg14[%add3A_1117], %broadcast_in_dim3A_0 {add = true} : memref<4096xi32, #tpu.memory_space<vmem>>[vector<16xi32>], vector<16xi32>,
    }
    %scan3A_599 = arith.constant 512 : i32
    %scan3A_600 = arith.constant 0 : i32
    %scan3A_601 = arith.constant 0 : i32
    %scan3A_602 = arith.constant 256 : i32
    %scan3A_603 = arith.addi %scan3A_601, %scan3A_602 : i32
    %scan3A_604 = arith.constant 1 : i32
    %scan3A_605 = scf.for %scan3A_1104 = %scan3A_601 to %scan3A_603 step %scan3A_604 iter_args(%scan3A_1105 = %scan3A_600) -> (i32)  : i32 {
      %mul3A_1106 = arith.constant 16 : i32
      %mul3A_1107 = arith.muli %scan3A_1104, %mul3A_1106 : i32
      %get3A = arith.index_cast %mul3A_1107 : i32 to index
      %get3A_1108 = tpu.vector_load %arg14[%get3A] {strides = array<i32>} : memref<4096xi32, #tpu.memory_space<vmem>>, vector<16xi32>,
      %broadcast_in_dim3A_1109 = arith.constant true
      %broadcast_in_dim3A_1110 = vector.broadcast %broadcast_in_dim3A_1109 : i1 to vector<16xi1>
      %masked_cumsum3A = tpu.scan <sum>, %get3A_1108 masked %broadcast_in_dim3A_1110 : vector<16xi32>, vector<16xi1> -> vector<16xi32>
      %sub3A = arith.subi %masked_cumsum3A, %get3A_1108 : vector<16xi32>
      %add3A_1111 = vector.broadcast %scan3A_1105 : i32 to vector<16xi32>
      %add3A_1112 = arith.addi %sub3A, %add3A_1111 : vector<16xi32>
      %mul3A_1113 = arith.constant 16 : i32
      %mul3A_1114 = arith.muli %scan3A_1104, %mul3A_1113 : i32
      %swap3A = arith.index_cast %mul3A_1114 : i32 to index
      %swap3A_1115 = tpu.vector_load %arg14[%swap3A] {strides = array<i32>} : memref<4096xi32, #tpu.memory_space<vmem>>, vector<16xi32>,
      tpu.vector_store %arg14[%swap3A], %add3A_1112 {strides = array<i32>} : memref<4096xi32, #tpu.memory_space<vmem>>, vector<16xi32>,
      %reduce_sum3A = arith.constant true
      %reduce_sum3A_1116 = vector.broadcast %reduce_sum3A : i1 to vector<16xi1>
      %reduce_sum3A_1117 = tpu.scan <sum>, %get3A_1108 masked %reduce_sum3A_1116 : vector<16xi32>, vector<16xi1> -> vector<16xi32>
      %reduce_sum3A_1118 = vector.extract %reduce_sum3A_1117[15] : i32 from vector<16xi32>
      %add3A_1119 = arith.addi %scan3A_1105, %reduce_sum3A_1118 : i32
      scf.yield %add3A_1119 : i32
    }
    %scan3A_606 = arith.constant 256 : i32
    %scan3A_607 = arith.constant 0 : i32
    %scan3A_608 = arith.constant 0 : i32
    %scan3A_609 = arith.constant 512 : i32
    %scan3A_610 = arith.addi %scan3A_608, %scan3A_609 : i32
    %scan3A_611 = arith.constant 1 : i32
    scf.for %scan3A_1104 = %scan3A_608 to %scan3A_610 step %scan3A_611  : i32 {
      %mul3A_1105 = arith.constant 512 : i32
      %mul3A_1106 = vector.broadcast %mul3A_1105 : i32 to vector<16xi32>
      %mul3A_1107 = arith.muli %iota3A, %mul3A_1106 : vector<16xi32>
      %add3A_1108 = vector.broadcast %scan3A_1104 : i32 to vector<16xi32>
      %add3A_1109 = arith.addi %mul3A_1107, %add3A_1108 : vector<16xi32>
      %gather3A = tpu.vector_load_idx %arg13[%add3A_1109] : memref<8192xi32, #tpu.memory_space<vmem>>[vector<16xi32>], vector<16xi32>,
      %broadcast_in_dim3A_1110 = arith.constant 8 : i32
      %broadcast_in_dim3A_1111 = vector.broadcast %broadcast_in_dim3A_1110 : i32 to vector<16xi32>
      %shift_right_logical3A = arith.shrui %gather3A, %broadcast_in_dim3A_1111 : vector<16xi32>
      %and3A = arith.constant 255 : i32
      %and3A_1112 = vector.broadcast %and3A : i32 to vector<16xi32>
      %and3A_1113 = arith.andi %shift_right_logical3A, %and3A_1112 : vector<16xi32>
      %mul3A_1114 = arith.constant 16 : i32
      %mul3A_1115 = vector.broadcast %mul3A_1114 : i32 to vector<16xi32>
      %mul3A_1116 = arith.muli %and3A_1113, %mul3A_1115 : vector<16xi32>
      %add3A_1117 = arith.addi %mul3A_1116, %iota3A : vector<16xi32>
      %gather3A_1118 = tpu.vector_load_idx %arg14[%add3A_1117] : memref<4096xi32, #tpu.memory_space<vmem>>[vector<16xi32>], vector<16xi32>,
      %add3A_1119 = arith.constant 1 : i32
      %add3A_1120 = vector.broadcast %add3A_1119 : i32 to vector<16xi32>
      %add3A_1121 = arith.addi %gather3A_1118, %add3A_1120 : vector<16xi32>
      tpu.vector_store_idx %arg14[%add3A_1117], %add3A_1121 : memref<4096xi32, #tpu.memory_space<vmem>>[vector<16xi32>], vector<16xi32>,
      tpu.vector_store_idx %arg11[%gather3A_1118], %gather3A : memref<8192xi32, #tpu.memory_space<vmem>>[vector<16xi32>], vector<16xi32>,
      %gather3A_1122 = tpu.vector_load_idx %arg12[%add3A_1109] : memref<8192xi32, #tpu.memory_space<vmem>>[vector<16xi32>], vector<16xi32>,
      tpu.vector_store_idx %arg15[%gather3A_1118], %gather3A_1122 : memref<8192xi32, #tpu.memory_space<vmem>>[vector<16xi32>], vector<16xi32>,
    }
    %scan3A_612 = arith.constant 512 : i32
    %scan3A_613 = arith.constant 0 : i32
    %scan3A_614 = arith.constant 0 : i32
    %scan3A_615 = arith.constant 256 : i32
    %scan3A_616 = arith.addi %scan3A_614, %scan3A_615 : i32
    %scan3A_617 = arith.constant 1 : i32
    scf.for %scan3A_1104 = %scan3A_614 to %scan3A_616 step %scan3A_617  : i32 {
      %broadcast_in_dim3A_1105 = arith.constant 0 : i32
      %broadcast_in_dim3A_1106 = vector.broadcast %broadcast_in_dim3A_1105 : i32 to vector<16xi32>
      %mul3A_1107 = arith.constant 16 : i32
      %mul3A_1108 = arith.muli %scan3A_1104, %mul3A_1107 : i32
      %swap3A = arith.index_cast %mul3A_1108 : i32 to index
      %swap3A_1109 = tpu.vector_load %arg14[%swap3A] {strides = array<i32>} : memref<4096xi32, #tpu.memory_space<vmem>>, vector<16xi32>,
      tpu.vector_store %arg14[%swap3A], %broadcast_in_dim3A_1106 {strides = array<i32>} : memref<4096xi32, #tpu.memory_space<vmem>>, vector<16xi32>,
    }
    %scan3A_618 = arith.constant 256 : i32
    %scan3A_619 = arith.constant 0 : i32
    %scan3A_620 = arith.constant 0 : i32
    %scan3A_621 = arith.constant 512 : i32
    %scan3A_622 = arith.addi %scan3A_620, %scan3A_621 : i32
    %scan3A_623 = arith.constant 1 : i32
    scf.for %scan3A_1104 = %scan3A_620 to %scan3A_622 step %scan3A_623  : i32 {
      %mul3A_1105 = arith.constant 512 : i32
      %mul3A_1106 = vector.broadcast %mul3A_1105 : i32 to vector<16xi32>
      %mul3A_1107 = arith.muli %iota3A, %mul3A_1106 : vector<16xi32>
      %add3A_1108 = vector.broadcast %scan3A_1104 : i32 to vector<16xi32>
      %add3A_1109 = arith.addi %mul3A_1107, %add3A_1108 : vector<16xi32>
      %gather3A = tpu.vector_load_idx %arg11[%add3A_1109] : memref<8192xi32, #tpu.memory_space<vmem>>[vector<16xi32>], vector<16xi32>,
      %broadcast_in_dim3A_1110 = arith.constant 16 : i32
      %broadcast_in_dim3A_1111 = vector.broadcast %broadcast_in_dim3A_1110 : i32 to vector<16xi32>
      %shift_right_logical3A = arith.shrui %gather3A, %broadcast_in_dim3A_1111 : vector<16xi32>
      %and3A = arith.constant 255 : i32
      %and3A_1112 = vector.broadcast %and3A : i32 to vector<16xi32>
      %and3A_1113 = arith.andi %shift_right_logical3A, %and3A_1112 : vector<16xi32>
      %mul3A_1114 = arith.constant 16 : i32
      %mul3A_1115 = vector.broadcast %mul3A_1114 : i32 to vector<16xi32>
      %mul3A_1116 = arith.muli %and3A_1113, %mul3A_1115 : vector<16xi32>
      %add3A_1117 = arith.addi %mul3A_1116, %iota3A : vector<16xi32>
      tpu.vector_store_idx %arg14[%add3A_1117], %broadcast_in_dim3A_0 {add = true} : memref<4096xi32, #tpu.memory_space<vmem>>[vector<16xi32>], vector<16xi32>,
    }
    %scan3A_624 = arith.constant 512 : i32
    %scan3A_625 = arith.constant 0 : i32
    %scan3A_626 = arith.constant 0 : i32
    %scan3A_627 = arith.constant 256 : i32
    %scan3A_628 = arith.addi %scan3A_626, %scan3A_627 : i32
    %scan3A_629 = arith.constant 1 : i32
    %scan3A_630 = scf.for %scan3A_1104 = %scan3A_626 to %scan3A_628 step %scan3A_629 iter_args(%scan3A_1105 = %scan3A_625) -> (i32)  : i32 {
      %mul3A_1106 = arith.constant 16 : i32
      %mul3A_1107 = arith.muli %scan3A_1104, %mul3A_1106 : i32
      %get3A = arith.index_cast %mul3A_1107 : i32 to index
      %get3A_1108 = tpu.vector_load %arg14[%get3A] {strides = array<i32>} : memref<4096xi32, #tpu.memory_space<vmem>>, vector<16xi32>,
      %broadcast_in_dim3A_1109 = arith.constant true
      %broadcast_in_dim3A_1110 = vector.broadcast %broadcast_in_dim3A_1109 : i1 to vector<16xi1>
      %masked_cumsum3A = tpu.scan <sum>, %get3A_1108 masked %broadcast_in_dim3A_1110 : vector<16xi32>, vector<16xi1> -> vector<16xi32>
      %sub3A = arith.subi %masked_cumsum3A, %get3A_1108 : vector<16xi32>
      %add3A_1111 = vector.broadcast %scan3A_1105 : i32 to vector<16xi32>
      %add3A_1112 = arith.addi %sub3A, %add3A_1111 : vector<16xi32>
      %mul3A_1113 = arith.constant 16 : i32
      %mul3A_1114 = arith.muli %scan3A_1104, %mul3A_1113 : i32
      %swap3A = arith.index_cast %mul3A_1114 : i32 to index
      %swap3A_1115 = tpu.vector_load %arg14[%swap3A] {strides = array<i32>} : memref<4096xi32, #tpu.memory_space<vmem>>, vector<16xi32>,
      tpu.vector_store %arg14[%swap3A], %add3A_1112 {strides = array<i32>} : memref<4096xi32, #tpu.memory_space<vmem>>, vector<16xi32>,
      %reduce_sum3A = arith.constant true
      %reduce_sum3A_1116 = vector.broadcast %reduce_sum3A : i1 to vector<16xi1>
      %reduce_sum3A_1117 = tpu.scan <sum>, %get3A_1108 masked %reduce_sum3A_1116 : vector<16xi32>, vector<16xi1> -> vector<16xi32>
      %reduce_sum3A_1118 = vector.extract %reduce_sum3A_1117[15] : i32 from vector<16xi32>
      %add3A_1119 = arith.addi %scan3A_1105, %reduce_sum3A_1118 : i32
      scf.yield %add3A_1119 : i32
    }
    %scan3A_631 = arith.constant 256 : i32
    %scan3A_632 = arith.constant 0 : i32
    %scan3A_633 = arith.constant 0 : i32
    %scan3A_634 = arith.constant 512 : i32
    %scan3A_635 = arith.addi %scan3A_633, %scan3A_634 : i32
    %scan3A_636 = arith.constant 1 : i32
    scf.for %scan3A_1104 = %scan3A_633 to %scan3A_635 step %scan3A_636  : i32 {
      %mul3A_1105 = arith.constant 512 : i32
      %mul3A_1106 = vector.broadcast %mul3A_1105 : i32 to vector<16xi32>
      %mul3A_1107 = arith.muli %iota3A, %mul3A_1106 : vector<16xi32>
      %add3A_1108 = vector.broadcast %scan3A_1104 : i32 to vector<16xi32>
      %add3A_1109 = arith.addi %mul3A_1107, %add3A_1108 : vector<16xi32>
      %gather3A = tpu.vector_load_idx %arg11[%add3A_1109] : memref<8192xi32, #tpu.memory_space<vmem>>[vector<16xi32>], vector<16xi32>,
      %broadcast_in_dim3A_1110 = arith.constant 16 : i32
      %broadcast_in_dim3A_1111 = vector.broadcast %broadcast_in_dim3A_1110 : i32 to vector<16xi32>
      %shift_right_logical3A = arith.shrui %gather3A, %broadcast_in_dim3A_1111 : vector<16xi32>
      %and3A = arith.constant 255 : i32
      %and3A_1112 = vector.broadcast %and3A : i32 to vector<16xi32>
      %and3A_1113 = arith.andi %shift_right_logical3A, %and3A_1112 : vector<16xi32>
      %mul3A_1114 = arith.constant 16 : i32
      %mul3A_1115 = vector.broadcast %mul3A_1114 : i32 to vector<16xi32>
      %mul3A_1116 = arith.muli %and3A_1113, %mul3A_1115 : vector<16xi32>
      %add3A_1117 = arith.addi %mul3A_1116, %iota3A : vector<16xi32>
      %gather3A_1118 = tpu.vector_load_idx %arg14[%add3A_1117] : memref<4096xi32, #tpu.memory_space<vmem>>[vector<16xi32>], vector<16xi32>,
      %add3A_1119 = arith.constant 1 : i32
      %add3A_1120 = vector.broadcast %add3A_1119 : i32 to vector<16xi32>
      %add3A_1121 = arith.addi %gather3A_1118, %add3A_1120 : vector<16xi32>
      tpu.vector_store_idx %arg14[%add3A_1117], %add3A_1121 : memref<4096xi32, #tpu.memory_space<vmem>>[vector<16xi32>], vector<16xi32>,
      tpu.vector_store_idx %arg13[%gather3A_1118], %gather3A : memref<8192xi32, #tpu.memory_space<vmem>>[vector<16xi32>], vector<16xi32>,
      %gather3A_1122 = tpu.vector_load_idx %arg15[%add3A_1109] : memref<8192xi32, #tpu.memory_space<vmem>>[vector<16xi32>], vector<16xi32>,
      tpu.vector_store_idx %arg12[%gather3A_1118], %gather3A_1122 : memref<8192xi32, #tpu.memory_space<vmem>>[vector<16xi32>], vector<16xi32>,
    }
    %scan3A_637 = arith.constant 512 : i32
    %scan3A_638 = arith.constant 0 : i32
    %scan3A_639 = arith.constant 0 : i32
    %scan3A_640 = arith.constant 256 : i32
    %scan3A_641 = arith.addi %scan3A_639, %scan3A_640 : i32
    %scan3A_642 = arith.constant 1 : i32
    scf.for %scan3A_1104 = %scan3A_639 to %scan3A_641 step %scan3A_642  : i32 {
      %broadcast_in_dim3A_1105 = arith.constant 0 : i32
      %broadcast_in_dim3A_1106 = vector.broadcast %broadcast_in_dim3A_1105 : i32 to vector<16xi32>
      %mul3A_1107 = arith.constant 16 : i32
      %mul3A_1108 = arith.muli %scan3A_1104, %mul3A_1107 : i32
      %swap3A = arith.index_cast %mul3A_1108 : i32 to index
      %swap3A_1109 = tpu.vector_load %arg14[%swap3A] {strides = array<i32>} : memref<4096xi32, #tpu.memory_space<vmem>>, vector<16xi32>,
      tpu.vector_store %arg14[%swap3A], %broadcast_in_dim3A_1106 {strides = array<i32>} : memref<4096xi32, #tpu.memory_space<vmem>>, vector<16xi32>,
    }
    %scan3A_643 = arith.constant 256 : i32
    %scan3A_644 = arith.constant 0 : i32
    %scan3A_645 = arith.constant 0 : i32
    %scan3A_646 = arith.constant 512 : i32
    %scan3A_647 = arith.addi %scan3A_645, %scan3A_646 : i32
    %scan3A_648 = arith.constant 1 : i32
    scf.for %scan3A_1104 = %scan3A_645 to %scan3A_647 step %scan3A_648  : i32 {
      %mul3A_1105 = arith.constant 512 : i32
      %mul3A_1106 = vector.broadcast %mul3A_1105 : i32 to vector<16xi32>
      %mul3A_1107 = arith.muli %iota3A, %mul3A_1106 : vector<16xi32>
      %add3A_1108 = vector.broadcast %scan3A_1104 : i32 to vector<16xi32>
      %add3A_1109 = arith.addi %mul3A_1107, %add3A_1108 : vector<16xi32>
      %gather3A = tpu.vector_load_idx %arg13[%add3A_1109] : memref<8192xi32, #tpu.memory_space<vmem>>[vector<16xi32>], vector<16xi32>,
      %broadcast_in_dim3A_1110 = arith.constant 24 : i32
      %broadcast_in_dim3A_1111 = vector.broadcast %broadcast_in_dim3A_1110 : i32 to vector<16xi32>
      %shift_right_logical3A = arith.shrui %gather3A, %broadcast_in_dim3A_1111 : vector<16xi32>
      %and3A = arith.constant 255 : i32
      %and3A_1112 = vector.broadcast %and3A : i32 to vector<16xi32>
      %and3A_1113 = arith.andi %shift_right_logical3A, %and3A_1112 : vector<16xi32>
      %mul3A_1114 = arith.constant 16 : i32
      %mul3A_1115 = vector.broadcast %mul3A_1114 : i32 to vector<16xi32>
      %mul3A_1116 = arith.muli %and3A_1113, %mul3A_1115 : vector<16xi32>
      %add3A_1117 = arith.addi %mul3A_1116, %iota3A : vector<16xi32>
      tpu.vector_store_idx %arg14[%add3A_1117], %broadcast_in_dim3A_0 {add = true} : memref<4096xi32, #tpu.memory_space<vmem>>[vector<16xi32>], vector<16xi32>,
    }
    %scan3A_649 = arith.constant 512 : i32
    %scan3A_650 = arith.constant 0 : i32
    %scan3A_651 = arith.constant 0 : i32
    %scan3A_652 = arith.constant 256 : i32
    %scan3A_653 = arith.addi %scan3A_651, %scan3A_652 : i32
    %scan3A_654 = arith.constant 1 : i32
    %scan3A_655 = scf.for %scan3A_1104 = %scan3A_651 to %scan3A_653 step %scan3A_654 iter_args(%scan3A_1105 = %scan3A_650) -> (i32)  : i32 {
      %mul3A_1106 = arith.constant 16 : i32
      %mul3A_1107 = arith.muli %scan3A_1104, %mul3A_1106 : i32
      %get3A = arith.index_cast %mul3A_1107 : i32 to index
      %get3A_1108 = tpu.vector_load %arg14[%get3A] {strides = array<i32>} : memref<4096xi32, #tpu.memory_space<vmem>>, vector<16xi32>,
      %broadcast_in_dim3A_1109 = arith.constant true
      %broadcast_in_dim3A_1110 = vector.broadcast %broadcast_in_dim3A_1109 : i1 to vector<16xi1>
      %masked_cumsum3A = tpu.scan <sum>, %get3A_1108 masked %broadcast_in_dim3A_1110 : vector<16xi32>, vector<16xi1> -> vector<16xi32>
      %sub3A = arith.subi %masked_cumsum3A, %get3A_1108 : vector<16xi32>
      %add3A_1111 = vector.broadcast %scan3A_1105 : i32 to vector<16xi32>
      %add3A_1112 = arith.addi %sub3A, %add3A_1111 : vector<16xi32>
      %mul3A_1113 = arith.constant 16 : i32
      %mul3A_1114 = arith.muli %scan3A_1104, %mul3A_1113 : i32
      %swap3A = arith.index_cast %mul3A_1114 : i32 to index
      %swap3A_1115 = tpu.vector_load %arg14[%swap3A] {strides = array<i32>} : memref<4096xi32, #tpu.memory_space<vmem>>, vector<16xi32>,
      tpu.vector_store %arg14[%swap3A], %add3A_1112 {strides = array<i32>} : memref<4096xi32, #tpu.memory_space<vmem>>, vector<16xi32>,
      %reduce_sum3A = arith.constant true
      %reduce_sum3A_1116 = vector.broadcast %reduce_sum3A : i1 to vector<16xi1>
      %reduce_sum3A_1117 = tpu.scan <sum>, %get3A_1108 masked %reduce_sum3A_1116 : vector<16xi32>, vector<16xi1> -> vector<16xi32>
      %reduce_sum3A_1118 = vector.extract %reduce_sum3A_1117[15] : i32 from vector<16xi32>
      %add3A_1119 = arith.addi %scan3A_1105, %reduce_sum3A_1118 : i32
      scf.yield %add3A_1119 : i32
    }
    %scan3A_656 = arith.constant 256 : i32
    %scan3A_657 = arith.constant 0 : i32
    %scan3A_658 = arith.constant 0 : i32
    %scan3A_659 = arith.constant 512 : i32
    %scan3A_660 = arith.addi %scan3A_658, %scan3A_659 : i32
    %scan3A_661 = arith.constant 1 : i32
    scf.for %scan3A_1104 = %scan3A_658 to %scan3A_660 step %scan3A_661  : i32 {
      %mul3A_1105 = arith.constant 512 : i32
      %mul3A_1106 = vector.broadcast %mul3A_1105 : i32 to vector<16xi32>
      %mul3A_1107 = arith.muli %iota3A, %mul3A_1106 : vector<16xi32>
      %add3A_1108 = vector.broadcast %scan3A_1104 : i32 to vector<16xi32>
      %add3A_1109 = arith.addi %mul3A_1107, %add3A_1108 : vector<16xi32>
      %gather3A = tpu.vector_load_idx %arg13[%add3A_1109] : memref<8192xi32, #tpu.memory_space<vmem>>[vector<16xi32>], vector<16xi32>,
      %broadcast_in_dim3A_1110 = arith.constant 24 : i32
      %broadcast_in_dim3A_1111 = vector.broadcast %broadcast_in_dim3A_1110 : i32 to vector<16xi32>
      %shift_right_logical3A = arith.shrui %gather3A, %broadcast_in_dim3A_1111 : vector<16xi32>
      %and3A = arith.constant 255 : i32
      %and3A_1112 = vector.broadcast %and3A : i32 to vector<16xi32>
      %and3A_1113 = arith.andi %shift_right_logical3A, %and3A_1112 : vector<16xi32>
      %mul3A_1114 = arith.constant 16 : i32
      %mul3A_1115 = vector.broadcast %mul3A_1114 : i32 to vector<16xi32>
      %mul3A_1116 = arith.muli %and3A_1113, %mul3A_1115 : vector<16xi32>
      %add3A_1117 = arith.addi %mul3A_1116, %iota3A : vector<16xi32>
      %gather3A_1118 = tpu.vector_load_idx %arg14[%add3A_1117] : memref<4096xi32, #tpu.memory_space<vmem>>[vector<16xi32>], vector<16xi32>,
      %add3A_1119 = arith.constant 1 : i32
      %add3A_1120 = vector.broadcast %add3A_1119 : i32 to vector<16xi32>
      %add3A_1121 = arith.addi %gather3A_1118, %add3A_1120 : vector<16xi32>
      tpu.vector_store_idx %arg14[%add3A_1117], %add3A_1121 : memref<4096xi32, #tpu.memory_space<vmem>>[vector<16xi32>], vector<16xi32>,
      tpu.vector_store_idx %arg11[%gather3A_1118], %gather3A : memref<8192xi32, #tpu.memory_space<vmem>>[vector<16xi32>], vector<16xi32>,
      %gather3A_1122 = tpu.vector_load_idx %arg12[%add3A_1109] : memref<8192xi32, #tpu.memory_space<vmem>>[vector<16xi32>], vector<16xi32>,
      tpu.vector_store_idx %arg15[%gather3A_1118], %gather3A_1122 : memref<8192xi32, #tpu.memory_space<vmem>>[vector<16xi32>], vector<16xi32>,
    }
    %scan3A_662 = arith.constant 512 : i32
    %scan3A_663 = arith.constant 0 : i32
    %scan3A_664 = arith.constant 0 : i32
    %scan3A_665 = arith.constant 512 : i32
    %scan3A_666 = arith.addi %scan3A_664, %scan3A_665 : i32
    %scan3A_667 = arith.constant 1 : i32
    scf.for %scan3A_1104 = %scan3A_664 to %scan3A_666 step %scan3A_667  : i32 {
      %mul3A_1105 = arith.constant 16 : i32
      %mul3A_1106 = arith.muli %scan3A_1104, %mul3A_1105 : i32
      %get3A = arith.index_cast %mul3A_1106 : i32 to index
      %get3A_1107 = tpu.vector_load %arg11[%get3A] {strides = array<i32>} : memref<8192xi32, #tpu.memory_space<vmem>>, vector<16xi32>,
      %lt3A = arith.constant 0 : i32
      %lt3A_1108 = vector.broadcast %lt3A : i32 to vector<16xi32>
      %lt3A_1109 = arith.cmpi slt, %get3A_1107, %lt3A_1108 : vector<16xi32>
      %xor3A = arith.constant -2147483648 : i32
      %xor3A_1110 = vector.broadcast %xor3A : i32 to vector<16xi32>
      %xor3A_1111 = arith.xori %get3A_1107, %xor3A_1110 : vector<16xi32>
      %not3A = arith.constant dense<-1> : vector<16xi32>
      %not3A_1112 = arith.xori %get3A_1107, %not3A : vector<16xi32>
      %select_n3A = arith.select %lt3A_1109, %xor3A_1111, %not3A_1112 : vector<16xi1>, vector<16xi32>
      %bitcast_convert_type3A = tpu.bitcast %select_n3A : vector<16xi32> -> vector<16xf32>
      %mul3A_1113 = arith.constant 16 : i32
      %mul3A_1114 = arith.muli %scan3A_1104, %mul3A_1113 : i32
      %swap3A = arith.index_cast %mul3A_1114 : i32 to index
      %swap3A_1115 = tpu.vector_load %arg10[%swap3A] {strides = array<i32>} : memref<8192xf32, #tpu.memory_space<vmem>>, vector<16xf32>,
      tpu.vector_store %arg10[%swap3A], %bitcast_convert_type3A {strides = array<i32>} : memref<8192xf32, #tpu.memory_space<vmem>>, vector<16xf32>,
    }
    %scan3A_668 = arith.constant 512 : i32
    "tpu.region"() ({
      %run_scoped3A = tpu.sem_alloc : memref<!tpu.dma_semaphore, #tpu.memory_space<semaphore_mem>>
      %dma_start3A_1104 = arith.constant 0 : i32
      %dma_start3A_1105 = tpu.memref_slice %arg8[%add3A_556, %dma_start3A_1104] : memref<64x8192xf32, #tpu.memory_space<hbm>> -> memref<1x8192xf32, #tpu.memory_space<hbm>>
      %dma_start3A_1106 = tpu.memref_squeeze %dma_start3A_1105 : memref<1x8192xf32, #tpu.memory_space<hbm>> -> memref<8192xf32, #tpu.memory_space<hbm>>
      %dma_start3A_1107 = arith.constant 0 : i32
      %dma_start3A_1108 = tpu.memref_slice %arg8[%add3A_556, %dma_start3A_1107] : memref<64x8192xf32, #tpu.memory_space<hbm>> -> memref<1x8192xf32, #tpu.memory_space<hbm>>
      %dma_start3A_1109 = tpu.memref_squeeze %dma_start3A_1108 : memref<1x8192xf32, #tpu.memory_space<hbm>> -> memref<8192xf32, #tpu.memory_space<hbm>>
      tpu.enqueue_dma source(%arg10 : memref<8192xf32, #tpu.memory_space<vmem>>) target(%dma_start3A_1109 : memref<8192xf32, #tpu.memory_space<hbm>>) target_semaphore(%run_scoped3A : memref<!tpu.dma_semaphore, #tpu.memory_space<semaphore_mem>>)
      %dma_wait3A_1110 = arith.constant 0 : i32
      %dma_wait3A_1111 = tpu.memref_slice %arg8[%add3A_556, %dma_wait3A_1110] : memref<64x8192xf32, #tpu.memory_space<hbm>> -> memref<1x8192xf32, #tpu.memory_space<hbm>>
      %dma_wait3A_1112 = tpu.memref_squeeze %dma_wait3A_1111 : memref<1x8192xf32, #tpu.memory_space<hbm>> -> memref<8192xf32, #tpu.memory_space<hbm>>
      %dma_wait3A_1113 = arith.constant 0 : i32
      %dma_wait3A_1114 = tpu.memref_slice %arg8[%add3A_556, %dma_wait3A_1113] : memref<64x8192xf32, #tpu.memory_space<hbm>> -> memref<1x8192xf32, #tpu.memory_space<hbm>>
      %dma_wait3A_1115 = tpu.memref_squeeze %dma_wait3A_1114 : memref<1x8192xf32, #tpu.memory_space<hbm>> -> memref<8192xf32, #tpu.memory_space<hbm>>
      tpu.wait_dma2 semaphore(%run_scoped3A : memref<!tpu.dma_semaphore, #tpu.memory_space<semaphore_mem>>) src(%arg10 : memref<8192xf32, #tpu.memory_space<vmem>>) dst(%dma_wait3A_1115 : memref<8192xf32, #tpu.memory_space<hbm>>)
      tpu.yield
    }) : () -> ()
    %dma_start3A_669 = arith.constant 0 : i32
    %dma_start3A_670 = arith.constant 0 : i32
    %dma_start3A_671 = tpu.memref_slice %arg5[%add3A_556, %dma_start3A_669, %dma_start3A_670] : memref<64x64x8192xf32, #tpu.memory_space<hbm>> -> memref<1x2x8192xf32, #tpu.memory_space<hbm>>
    %dma_start3A_672 = tpu.memref_squeeze %dma_start3A_671 : memref<1x2x8192xf32, #tpu.memory_space<hbm>> -> memref<2x8192xf32, #tpu.memory_space<hbm>>
    %dma_start3A_673 = arith.constant 0 : i32
    %dma_start3A_674 = arith.constant 0 : i32
    %dma_start3A_675 = tpu.memref_slice %arg5[%add3A_556, %dma_start3A_673, %dma_start3A_674] : memref<64x64x8192xf32, #tpu.memory_space<hbm>> -> memref<1x2x8192xf32, #tpu.memory_space<hbm>>
    %dma_start3A_676 = tpu.memref_squeeze %dma_start3A_675 : memref<1x2x8192xf32, #tpu.memory_space<hbm>> -> memref<2x8192xf32, #tpu.memory_space<hbm>>
    tpu.enqueue_dma source(%dma_start3A_676 : memref<2x8192xf32, #tpu.memory_space<hbm>>) target(%arg16 : memref<2x8192xf32, #tpu.memory_space<vmem>>) target_semaphore(%arg20 : memref<!tpu.dma_semaphore, #tpu.memory_space<semaphore_mem>>)
    %dma_start3A_677 = arith.constant 2 : i32
    %dma_start3A_678 = arith.constant 0 : i32
    %dma_start3A_679 = tpu.memref_slice %arg5[%add3A_556, %dma_start3A_677, %dma_start3A_678] : memref<64x64x8192xf32, #tpu.memory_space<hbm>> -> memref<1x2x8192xf32, #tpu.memory_space<hbm>>
    %dma_start3A_680 = tpu.memref_squeeze %dma_start3A_679 : memref<1x2x8192xf32, #tpu.memory_space<hbm>> -> memref<2x8192xf32, #tpu.memory_space<hbm>>
    %dma_start3A_681 = arith.constant 2 : i32
    %dma_start3A_682 = arith.constant 0 : i32
    %dma_start3A_683 = tpu.memref_slice %arg5[%add3A_556, %dma_start3A_681, %dma_start3A_682] : memref<64x64x8192xf32, #tpu.memory_space<hbm>> -> memref<1x2x8192xf32, #tpu.memory_space<hbm>>
    %dma_start3A_684 = tpu.memref_squeeze %dma_start3A_683 : memref<1x2x8192xf32, #tpu.memory_space<hbm>> -> memref<2x8192xf32, #tpu.memory_space<hbm>>
    tpu.enqueue_dma source(%dma_start3A_684 : memref<2x8192xf32, #tpu.memory_space<hbm>>) target(%arg17 : memref<2x8192xf32, #tpu.memory_space<vmem>>) target_semaphore(%arg21 : memref<!tpu.dma_semaphore, #tpu.memory_space<semaphore_mem>>)
    %dma_wait3A_685 = arith.constant 0 : i32
    %dma_wait3A_686 = arith.constant 0 : i32
    %dma_wait3A_687 = tpu.memref_slice %arg5[%add3A_556, %dma_wait3A_685, %dma_wait3A_686] : memref<64x64x8192xf32, #tpu.memory_space<hbm>> -> memref<1x2x8192xf32, #tpu.memory_space<hbm>>
    %dma_wait3A_688 = tpu.memref_squeeze %dma_wait3A_687 : memref<1x2x8192xf32, #tpu.memory_space<hbm>> -> memref<2x8192xf32, #tpu.memory_space<hbm>>
    %dma_wait3A_689 = arith.constant 0 : i32
    %dma_wait3A_690 = arith.constant 0 : i32
    %dma_wait3A_691 = tpu.memref_slice %arg5[%add3A_556, %dma_wait3A_689, %dma_wait3A_690] : memref<64x64x8192xf32, #tpu.memory_space<hbm>> -> memref<1x2x8192xf32, #tpu.memory_space<hbm>>
    %dma_wait3A_692 = tpu.memref_squeeze %dma_wait3A_691 : memref<1x2x8192xf32, #tpu.memory_space<hbm>> -> memref<2x8192xf32, #tpu.memory_space<hbm>>
    tpu.wait_dma2 semaphore(%arg20 : memref<!tpu.dma_semaphore, #tpu.memory_space<semaphore_mem>>) src(%dma_wait3A_692 : memref<2x8192xf32, #tpu.memory_space<hbm>>) dst(%arg16 : memref<2x8192xf32, #tpu.memory_space<vmem>>)
    %scan3A_693 = arith.constant 0 : i32
    %scan3A_694 = arith.constant 0 : i32
    %scan3A_695 = arith.constant 512 : i32
    %scan3A_696 = arith.addi %scan3A_694, %scan3A_695 : i32
    %scan3A_697 = arith.constant 1 : i32
    scf.for %scan3A_1104 = %scan3A_694 to %scan3A_696 step %scan3A_697  : i32 {
      %mul3A_1105 = arith.constant 16 : i32
      %mul3A_1106 = arith.muli %scan3A_1104, %mul3A_1105 : i32
      %get3A = arith.index_cast %mul3A_1106 : i32 to index
      %get3A_1107 = tpu.vector_load %arg15[%get3A] {strides = array<i32>} : memref<8192xi32, #tpu.memory_space<vmem>>, vector<16xi32>,
      %mul3A_1108 = arith.constant 16 : i32
      %mul3A_1109 = arith.muli %scan3A_1104, %mul3A_1108 : i32
      %add3A_1110 = vector.broadcast %mul3A_1109 : i32 to vector<16xi32>
      %add3A_1111 = arith.addi %iota3A, %add3A_1110 : vector<16xi32>
      %broadcast_in_dim3A_1112 = arith.constant 0 : i32
      %broadcast_in_dim3A_1113 = vector.broadcast %broadcast_in_dim3A_1112 : i32 to vector<16xi32>
      %gather3A = tpu.vector_load_idx %arg16[%broadcast_in_dim3A_1113, %get3A_1107] : memref<2x8192xf32, #tpu.memory_space<vmem>>[vector<16xi32>, vector<16xi32>], vector<16xf32>,
      tpu.vector_store_idx %arg18[%broadcast_in_dim3A_1113, %add3A_1111], %gather3A : memref<2x8192xf32, #tpu.memory_space<vmem>>[vector<16xi32>, vector<16xi32>], vector<16xf32>,
      %broadcast_in_dim3A_1114 = arith.constant 1 : i32
      %broadcast_in_dim3A_1115 = vector.broadcast %broadcast_in_dim3A_1114 : i32 to vector<16xi32>
      %gather3A_1116 = tpu.vector_load_idx %arg16[%broadcast_in_dim3A_1115, %get3A_1107] : memref<2x8192xf32, #tpu.memory_space<vmem>>[vector<16xi32>, vector<16xi32>], vector<16xf32>,
      tpu.vector_store_idx %arg18[%broadcast_in_dim3A_1115, %add3A_1111], %gather3A_1116 : memref<2x8192xf32, #tpu.memory_space<vmem>>[vector<16xi32>, vector<16xi32>], vector<16xf32>,
    }
    %scan3A_698 = arith.constant 512 : i32
    %dma_start3A_699 = arith.constant 0 : i32
    %dma_start3A_700 = arith.constant 0 : i32
    %dma_start3A_701 = tpu.memref_slice %arg9[%add3A_556, %dma_start3A_699, %dma_start3A_700] : memref<64x64x8192xf32, #tpu.memory_space<hbm>> -> memref<1x2x8192xf32, #tpu.memory_space<hbm>>
    %dma_start3A_702 = tpu.memref_squeeze %dma_start3A_701 : memref<1x2x8192xf32, #tpu.memory_space<hbm>> -> memref<2x8192xf32, #tpu.memory_space<hbm>>
    %dma_start3A_703 = arith.constant 0 : i32
    %dma_start3A_704 = arith.constant 0 : i32
    %dma_start3A_705 = tpu.memref_slice %arg9[%add3A_556, %dma_start3A_703, %dma_start3A_704] : memref<64x64x8192xf32, #tpu.memory_space<hbm>> -> memref<1x2x8192xf32, #tpu.memory_space<hbm>>
    %dma_start3A_706 = tpu.memref_squeeze %dma_start3A_705 : memref<1x2x8192xf32, #tpu.memory_space<hbm>> -> memref<2x8192xf32, #tpu.memory_space<hbm>>
    tpu.enqueue_dma source(%arg18 : memref<2x8192xf32, #tpu.memory_space<vmem>>) target(%dma_start3A_706 : memref<2x8192xf32, #tpu.memory_space<hbm>>) target_semaphore(%arg22 : memref<!tpu.dma_semaphore, #tpu.memory_space<semaphore_mem>>)
    %dma_start3A_707 = arith.constant 4 : i32
    %dma_start3A_708 = arith.constant 0 : i32
    %dma_start3A_709 = tpu.memref_slice %arg5[%add3A_556, %dma_start3A_707, %dma_start3A_708] : memref<64x64x8192xf32, #tpu.memory_space<hbm>> -> memref<1x2x8192xf32, #tpu.memory_space<hbm>>
    %dma_start3A_710 = tpu.memref_squeeze %dma_start3A_709 : memref<1x2x8192xf32, #tpu.memory_space<hbm>> -> memref<2x8192xf32, #tpu.memory_space<hbm>>
    %dma_start3A_711 = arith.constant 4 : i32
    %dma_start3A_712 = arith.constant 0 : i32
    %dma_start3A_713 = tpu.memref_slice %arg5[%add3A_556, %dma_start3A_711, %dma_start3A_712] : memref<64x64x8192xf32, #tpu.memory_space<hbm>> -> memref<1x2x8192xf32, #tpu.memory_space<hbm>>
    %dma_start3A_714 = tpu.memref_squeeze %dma_start3A_713 : memref<1x2x8192xf32, #tpu.memory_space<hbm>> -> memref<2x8192xf32, #tpu.memory_space<hbm>>
    tpu.enqueue_dma source(%dma_start3A_714 : memref<2x8192xf32, #tpu.memory_space<hbm>>) target(%arg16 : memref<2x8192xf32, #tpu.memory_space<vmem>>) target_semaphore(%arg20 : memref<!tpu.dma_semaphore, #tpu.memory_space<semaphore_mem>>)
    %dma_wait3A_715 = arith.constant 2 : i32
    %dma_wait3A_716 = arith.constant 0 : i32
    %dma_wait3A_717 = tpu.memref_slice %arg5[%add3A_556, %dma_wait3A_715, %dma_wait3A_716] : memref<64x64x8192xf32, #tpu.memory_space<hbm>> -> memref<1x2x8192xf32, #tpu.memory_space<hbm>>
    %dma_wait3A_718 = tpu.memref_squeeze %dma_wait3A_717 : memref<1x2x8192xf32, #tpu.memory_space<hbm>> -> memref<2x8192xf32, #tpu.memory_space<hbm>>
    %dma_wait3A_719 = arith.constant 2 : i32
    %dma_wait3A_720 = arith.constant 0 : i32
    %dma_wait3A_721 = tpu.memref_slice %arg5[%add3A_556, %dma_wait3A_719, %dma_wait3A_720] : memref<64x64x8192xf32, #tpu.memory_space<hbm>> -> memref<1x2x8192xf32, #tpu.memory_space<hbm>>
    %dma_wait3A_722 = tpu.memref_squeeze %dma_wait3A_721 : memref<1x2x8192xf32, #tpu.memory_space<hbm>> -> memref<2x8192xf32, #tpu.memory_space<hbm>>
    tpu.wait_dma2 semaphore(%arg21 : memref<!tpu.dma_semaphore, #tpu.memory_space<semaphore_mem>>) src(%dma_wait3A_722 : memref<2x8192xf32, #tpu.memory_space<hbm>>) dst(%arg17 : memref<2x8192xf32, #tpu.memory_space<vmem>>)
    %scan3A_723 = arith.constant 0 : i32
    %scan3A_724 = arith.constant 0 : i32
    %scan3A_725 = arith.constant 512 : i32
    %scan3A_726 = arith.addi %scan3A_724, %scan3A_725 : i32
    %scan3A_727 = arith.constant 1 : i32
    scf.for %scan3A_1104 = %scan3A_724 to %scan3A_726 step %scan3A_727  : i32 {
      %mul3A_1105 = arith.constant 16 : i32
      %mul3A_1106 = arith.muli %scan3A_1104, %mul3A_1105 : i32
      %get3A = arith.index_cast %mul3A_1106 : i32 to index
      %get3A_1107 = tpu.vector_load %arg15[%get3A] {strides = array<i32>} : memref<8192xi32, #tpu.memory_space<vmem>>, vector<16xi32>,
      %mul3A_1108 = arith.constant 16 : i32
      %mul3A_1109 = arith.muli %scan3A_1104, %mul3A_1108 : i32
      %add3A_1110 = vector.broadcast %mul3A_1109 : i32 to vector<16xi32>
      %add3A_1111 = arith.addi %iota3A, %add3A_1110 : vector<16xi32>
      %broadcast_in_dim3A_1112 = arith.constant 0 : i32
      %broadcast_in_dim3A_1113 = vector.broadcast %broadcast_in_dim3A_1112 : i32 to vector<16xi32>
      %gather3A = tpu.vector_load_idx %arg17[%broadcast_in_dim3A_1113, %get3A_1107] : memref<2x8192xf32, #tpu.memory_space<vmem>>[vector<16xi32>, vector<16xi32>], vector<16xf32>,
      tpu.vector_store_idx %arg19[%broadcast_in_dim3A_1113, %add3A_1111], %gather3A : memref<2x8192xf32, #tpu.memory_space<vmem>>[vector<16xi32>, vector<16xi32>], vector<16xf32>,
      %broadcast_in_dim3A_1114 = arith.constant 1 : i32
      %broadcast_in_dim3A_1115 = vector.broadcast %broadcast_in_dim3A_1114 : i32 to vector<16xi32>
      %gather3A_1116 = tpu.vector_load_idx %arg17[%broadcast_in_dim3A_1115, %get3A_1107] : memref<2x8192xf32, #tpu.memory_space<vmem>>[vector<16xi32>, vector<16xi32>], vector<16xf32>,
      tpu.vector_store_idx %arg19[%broadcast_in_dim3A_1115, %add3A_1111], %gather3A_1116 : memref<2x8192xf32, #tpu.memory_space<vmem>>[vector<16xi32>, vector<16xi32>], vector<16xf32>,
    }
    %scan3A_728 = arith.constant 512 : i32
    %dma_start3A_729 = arith.constant 2 : i32
    %dma_start3A_730 = arith.constant 0 : i32
    %dma_start3A_731 = tpu.memref_slice %arg9[%add3A_556, %dma_start3A_729, %dma_start3A_730] : memref<64x64x8192xf32, #tpu.memory_space<hbm>> -> memref<1x2x8192xf32, #tpu.memory_space<hbm>>
    %dma_start3A_732 = tpu.memref_squeeze %dma_start3A_731 : memref<1x2x8192xf32, #tpu.memory_space<hbm>> -> memref<2x8192xf32, #tpu.memory_space<hbm>>
    %dma_start3A_733 = arith.constant 2 : i32
    %dma_start3A_734 = arith.constant 0 : i32
    %dma_start3A_735 = tpu.memref_slice %arg9[%add3A_556, %dma_start3A_733, %dma_start3A_734] : memref<64x64x8192xf32, #tpu.memory_space<hbm>> -> memref<1x2x8192xf32, #tpu.memory_space<hbm>>
    %dma_start3A_736 = tpu.memref_squeeze %dma_start3A_735 : memref<1x2x8192xf32, #tpu.memory_space<hbm>> -> memref<2x8192xf32, #tpu.memory_space<hbm>>
    tpu.enqueue_dma source(%arg19 : memref<2x8192xf32, #tpu.memory_space<vmem>>) target(%dma_start3A_736 : memref<2x8192xf32, #tpu.memory_space<hbm>>) target_semaphore(%arg23 : memref<!tpu.dma_semaphore, #tpu.memory_space<semaphore_mem>>)
    %dma_start3A_737 = arith.constant 6 : i32
    %dma_start3A_738 = arith.constant 0 : i32
    %dma_start3A_739 = tpu.memref_slice %arg5[%add3A_556, %dma_start3A_737, %dma_start3A_738] : memref<64x64x8192xf32, #tpu.memory_space<hbm>> -> memref<1x2x8192xf32, #tpu.memory_space<hbm>>
    %dma_start3A_740 = tpu.memref_squeeze %dma_start3A_739 : memref<1x2x8192xf32, #tpu.memory_space<hbm>> -> memref<2x8192xf32, #tpu.memory_space<hbm>>
    %dma_start3A_741 = arith.constant 6 : i32
    %dma_start3A_742 = arith.constant 0 : i32
    %dma_start3A_743 = tpu.memref_slice %arg5[%add3A_556, %dma_start3A_741, %dma_start3A_742] : memref<64x64x8192xf32, #tpu.memory_space<hbm>> -> memref<1x2x8192xf32, #tpu.memory_space<hbm>>
    %dma_start3A_744 = tpu.memref_squeeze %dma_start3A_743 : memref<1x2x8192xf32, #tpu.memory_space<hbm>> -> memref<2x8192xf32, #tpu.memory_space<hbm>>
    tpu.enqueue_dma source(%dma_start3A_744 : memref<2x8192xf32, #tpu.memory_space<hbm>>) target(%arg17 : memref<2x8192xf32, #tpu.memory_space<vmem>>) target_semaphore(%arg21 : memref<!tpu.dma_semaphore, #tpu.memory_space<semaphore_mem>>)
    %scan3A_745 = arith.constant 0 : i32
    %scan3A_746 = arith.constant 1 : i32
    %scan3A_747 = arith.constant 14 : i32
    %scan3A_748 = arith.addi %scan3A_746, %scan3A_747 : i32
    %scan3A_749 = arith.constant 1 : i32
    scf.for %scan3A_1104 = %scan3A_746 to %scan3A_748 step %scan3A_749  : i32 {
      %mul3A_1105 = arith.constant 2 : i32
      %mul3A_1106 = arith.muli %scan3A_1104, %mul3A_1105 : i32
      %add3A_1107 = arith.constant 0 : i32
      %add3A_1108 = arith.addi %mul3A_1106, %add3A_1107 : i32
      %sub3A = arith.constant 2 : i32
      %sub3A_1109 = arith.subi %add3A_1108, %sub3A : i32
      %mul3A_1110 = arith.constant 2 : i32
      %mul3A_1111 = arith.muli %sub3A_1109, %mul3A_1110 : i32
      %dma_wait3A_1112 = arith.constant 0 : i32
      %dma_wait3A_1113 = tpu.memref_slice %arg9[%add3A_556, %mul3A_1111, %dma_wait3A_1112] : memref<64x64x8192xf32, #tpu.memory_space<hbm>> -> memref<1x2x8192xf32, #tpu.memory_space<hbm>>
      %dma_wait3A_1114 = tpu.memref_squeeze %dma_wait3A_1113 : memref<1x2x8192xf32, #tpu.memory_space<hbm>> -> memref<2x8192xf32, #tpu.memory_space<hbm>>
      %dma_wait3A_1115 = arith.constant 0 : i32
      %dma_wait3A_1116 = tpu.memref_slice %arg9[%add3A_556, %mul3A_1111, %dma_wait3A_1115] : memref<64x64x8192xf32, #tpu.memory_space<hbm>> -> memref<1x2x8192xf32, #tpu.memory_space<hbm>>
      %dma_wait3A_1117 = tpu.memref_squeeze %dma_wait3A_1116 : memref<1x2x8192xf32, #tpu.memory_space<hbm>> -> memref<2x8192xf32, #tpu.memory_space<hbm>>
      tpu.wait_dma2 semaphore(%arg22 : memref<!tpu.dma_semaphore, #tpu.memory_space<semaphore_mem>>) src(%arg18 : memref<2x8192xf32, #tpu.memory_space<vmem>>) dst(%dma_wait3A_1117 : memref<2x8192xf32, #tpu.memory_space<hbm>>)
      %mul3A_1118 = arith.constant 2 : i32
      %mul3A_1119 = arith.muli %add3A_1108, %mul3A_1118 : i32
      %dma_wait3A_1120 = arith.constant 0 : i32
      %dma_wait3A_1121 = tpu.memref_slice %arg5[%add3A_556, %mul3A_1119, %dma_wait3A_1120] : memref<64x64x8192xf32, #tpu.memory_space<hbm>> -> memref<1x2x8192xf32, #tpu.memory_space<hbm>>
      %dma_wait3A_1122 = tpu.memref_squeeze %dma_wait3A_1121 : memref<1x2x8192xf32, #tpu.memory_space<hbm>> -> memref<2x8192xf32, #tpu.memory_space<hbm>>
      %dma_wait3A_1123 = arith.constant 0 : i32
      %dma_wait3A_1124 = tpu.memref_slice %arg5[%add3A_556, %mul3A_1119, %dma_wait3A_1123] : memref<64x64x8192xf32, #tpu.memory_space<hbm>> -> memref<1x2x8192xf32, #tpu.memory_space<hbm>>
      %dma_wait3A_1125 = tpu.memref_squeeze %dma_wait3A_1124 : memref<1x2x8192xf32, #tpu.memory_space<hbm>> -> memref<2x8192xf32, #tpu.memory_space<hbm>>
      tpu.wait_dma2 semaphore(%arg20 : memref<!tpu.dma_semaphore, #tpu.memory_space<semaphore_mem>>) src(%dma_wait3A_1125 : memref<2x8192xf32, #tpu.memory_space<hbm>>) dst(%arg16 : memref<2x8192xf32, #tpu.memory_space<vmem>>)
      %scan3A_1126 = arith.constant 0 : i32
      %scan3A_1127 = arith.constant 0 : i32
      %scan3A_1128 = arith.constant 512 : i32
      %scan3A_1129 = arith.addi %scan3A_1127, %scan3A_1128 : i32
      %scan3A_1130 = arith.constant 1 : i32
      scf.for %scan3A_1196 = %scan3A_1127 to %scan3A_1129 step %scan3A_1130  : i32 {
        %mul3A_1197 = arith.constant 16 : i32
        %mul3A_1198 = arith.muli %scan3A_1196, %mul3A_1197 : i32
        %get3A = arith.index_cast %mul3A_1198 : i32 to index
        %get3A_1199 = tpu.vector_load %arg15[%get3A] {strides = array<i32>} : memref<8192xi32, #tpu.memory_space<vmem>>, vector<16xi32>,
        %mul3A_1200 = arith.constant 16 : i32
        %mul3A_1201 = arith.muli %scan3A_1196, %mul3A_1200 : i32
        %add3A_1202 = vector.broadcast %mul3A_1201 : i32 to vector<16xi32>
        %add3A_1203 = arith.addi %iota3A, %add3A_1202 : vector<16xi32>
        %broadcast_in_dim3A_1204 = arith.constant 0 : i32
        %broadcast_in_dim3A_1205 = vector.broadcast %broadcast_in_dim3A_1204 : i32 to vector<16xi32>
        %gather3A = tpu.vector_load_idx %arg16[%broadcast_in_dim3A_1205, %get3A_1199] : memref<2x8192xf32, #tpu.memory_space<vmem>>[vector<16xi32>, vector<16xi32>], vector<16xf32>,
        tpu.vector_store_idx %arg18[%broadcast_in_dim3A_1205, %add3A_1203], %gather3A : memref<2x8192xf32, #tpu.memory_space<vmem>>[vector<16xi32>, vector<16xi32>], vector<16xf32>,
        %broadcast_in_dim3A_1206 = arith.constant 1 : i32
        %broadcast_in_dim3A_1207 = vector.broadcast %broadcast_in_dim3A_1206 : i32 to vector<16xi32>
        %gather3A_1208 = tpu.vector_load_idx %arg16[%broadcast_in_dim3A_1207, %get3A_1199] : memref<2x8192xf32, #tpu.memory_space<vmem>>[vector<16xi32>, vector<16xi32>], vector<16xf32>,
        tpu.vector_store_idx %arg18[%broadcast_in_dim3A_1207, %add3A_1203], %gather3A_1208 : memref<2x8192xf32, #tpu.memory_space<vmem>>[vector<16xi32>, vector<16xi32>], vector<16xf32>,
      }
      %scan3A_1131 = arith.constant 512 : i32
      %mul3A_1132 = arith.constant 2 : i32
      %mul3A_1133 = arith.muli %add3A_1108, %mul3A_1132 : i32
      %dma_start3A_1134 = arith.constant 0 : i32
      %dma_start3A_1135 = tpu.memref_slice %arg9[%add3A_556, %mul3A_1133, %dma_start3A_1134] : memref<64x64x8192xf32, #tpu.memory_space<hbm>> -> memref<1x2x8192xf32, #tpu.memory_space<hbm>>
      %dma_start3A_1136 = tpu.memref_squeeze %dma_start3A_1135 : memref<1x2x8192xf32, #tpu.memory_space<hbm>> -> memref<2x8192xf32, #tpu.memory_space<hbm>>
      %dma_start3A_1137 = arith.constant 0 : i32
      %dma_start3A_1138 = tpu.memref_slice %arg9[%add3A_556, %mul3A_1133, %dma_start3A_1137] : memref<64x64x8192xf32, #tpu.memory_space<hbm>> -> memref<1x2x8192xf32, #tpu.memory_space<hbm>>
      %dma_start3A_1139 = tpu.memref_squeeze %dma_start3A_1138 : memref<1x2x8192xf32, #tpu.memory_space<hbm>> -> memref<2x8192xf32, #tpu.memory_space<hbm>>
      tpu.enqueue_dma source(%arg18 : memref<2x8192xf32, #tpu.memory_space<vmem>>) target(%dma_start3A_1139 : memref<2x8192xf32, #tpu.memory_space<hbm>>) target_semaphore(%arg22 : memref<!tpu.dma_semaphore, #tpu.memory_space<semaphore_mem>>)
      %add3A_1140 = arith.constant 2 : i32
      %add3A_1141 = arith.addi %add3A_1108, %add3A_1140 : i32
      %mul3A_1142 = arith.constant 2 : i32
      %mul3A_1143 = arith.muli %add3A_1141, %mul3A_1142 : i32
      %dma_start3A_1144 = arith.constant 0 : i32
      %dma_start3A_1145 = tpu.memref_slice %arg5[%add3A_556, %mul3A_1143, %dma_start3A_1144] : memref<64x64x8192xf32, #tpu.memory_space<hbm>> -> memref<1x2x8192xf32, #tpu.memory_space<hbm>>
      %dma_start3A_1146 = tpu.memref_squeeze %dma_start3A_1145 : memref<1x2x8192xf32, #tpu.memory_space<hbm>> -> memref<2x8192xf32, #tpu.memory_space<hbm>>
      %dma_start3A_1147 = arith.constant 0 : i32
      %dma_start3A_1148 = tpu.memref_slice %arg5[%add3A_556, %mul3A_1143, %dma_start3A_1147] : memref<64x64x8192xf32, #tpu.memory_space<hbm>> -> memref<1x2x8192xf32, #tpu.memory_space<hbm>>
      %dma_start3A_1149 = tpu.memref_squeeze %dma_start3A_1148 : memref<1x2x8192xf32, #tpu.memory_space<hbm>> -> memref<2x8192xf32, #tpu.memory_space<hbm>>
      tpu.enqueue_dma source(%dma_start3A_1149 : memref<2x8192xf32, #tpu.memory_space<hbm>>) target(%arg16 : memref<2x8192xf32, #tpu.memory_space<vmem>>) target_semaphore(%arg20 : memref<!tpu.dma_semaphore, #tpu.memory_space<semaphore_mem>>)
      %mul3A_1150 = arith.constant 2 : i32
      %mul3A_1151 = arith.muli %scan3A_1104, %mul3A_1150 : i32
      %add3A_1152 = arith.constant 1 : i32
      %add3A_1153 = arith.addi %mul3A_1151, %add3A_1152 : i32
      %sub3A_1154 = arith.constant 2 : i32
      %sub3A_1155 = arith.subi %add3A_1153, %sub3A_1154 : i32
      %mul3A_1156 = arith.constant 2 : i32
      %mul3A_1157 = arith.muli %sub3A_1155, %mul3A_1156 : i32
      %dma_wait3A_1158 = arith.constant 0 : i32
      %dma_wait3A_1159 = tpu.memref_slice %arg9[%add3A_556, %mul3A_1157, %dma_wait3A_1158] : memref<64x64x8192xf32, #tpu.memory_space<hbm>> -> memref<1x2x8192xf32, #tpu.memory_space<hbm>>
      %dma_wait3A_1160 = tpu.memref_squeeze %dma_wait3A_1159 : memref<1x2x8192xf32, #tpu.memory_space<hbm>> -> memref<2x8192xf32, #tpu.memory_space<hbm>>
      %dma_wait3A_1161 = arith.constant 0 : i32
      %dma_wait3A_1162 = tpu.memref_slice %arg9[%add3A_556, %mul3A_1157, %dma_wait3A_1161] : memref<64x64x8192xf32, #tpu.memory_space<hbm>> -> memref<1x2x8192xf32, #tpu.memory_space<hbm>>
      %dma_wait3A_1163 = tpu.memref_squeeze %dma_wait3A_1162 : memref<1x2x8192xf32, #tpu.memory_space<hbm>> -> memref<2x8192xf32, #tpu.memory_space<hbm>>
      tpu.wait_dma2 semaphore(%arg23 : memref<!tpu.dma_semaphore, #tpu.memory_space<semaphore_mem>>) src(%arg19 : memref<2x8192xf32, #tpu.memory_space<vmem>>) dst(%dma_wait3A_1163 : memref<2x8192xf32, #tpu.memory_space<hbm>>)
      %mul3A_1164 = arith.constant 2 : i32
      %mul3A_1165 = arith.muli %add3A_1153, %mul3A_1164 : i32
      %dma_wait3A_1166 = arith.constant 0 : i32
      %dma_wait3A_1167 = tpu.memref_slice %arg5[%add3A_556, %mul3A_1165, %dma_wait3A_1166] : memref<64x64x8192xf32, #tpu.memory_space<hbm>> -> memref<1x2x8192xf32, #tpu.memory_space<hbm>>
      %dma_wait3A_1168 = tpu.memref_squeeze %dma_wait3A_1167 : memref<1x2x8192xf32, #tpu.memory_space<hbm>> -> memref<2x8192xf32, #tpu.memory_space<hbm>>
      %dma_wait3A_1169 = arith.constant 0 : i32
      %dma_wait3A_1170 = tpu.memref_slice %arg5[%add3A_556, %mul3A_1165, %dma_wait3A_1169] : memref<64x64x8192xf32, #tpu.memory_space<hbm>> -> memref<1x2x8192xf32, #tpu.memory_space<hbm>>
      %dma_wait3A_1171 = tpu.memref_squeeze %dma_wait3A_1170 : memref<1x2x8192xf32, #tpu.memory_space<hbm>> -> memref<2x8192xf32, #tpu.memory_space<hbm>>
      tpu.wait_dma2 semaphore(%arg21 : memref<!tpu.dma_semaphore, #tpu.memory_space<semaphore_mem>>) src(%dma_wait3A_1171 : memref<2x8192xf32, #tpu.memory_space<hbm>>) dst(%arg17 : memref<2x8192xf32, #tpu.memory_space<vmem>>)
      %scan3A_1172 = arith.constant 0 : i32
      %scan3A_1173 = arith.constant 0 : i32
      %scan3A_1174 = arith.constant 512 : i32
      %scan3A_1175 = arith.addi %scan3A_1173, %scan3A_1174 : i32
      %scan3A_1176 = arith.constant 1 : i32
      scf.for %scan3A_1196 = %scan3A_1173 to %scan3A_1175 step %scan3A_1176  : i32 {
        %mul3A_1197 = arith.constant 16 : i32
        %mul3A_1198 = arith.muli %scan3A_1196, %mul3A_1197 : i32
        %get3A = arith.index_cast %mul3A_1198 : i32 to index
        %get3A_1199 = tpu.vector_load %arg15[%get3A] {strides = array<i32>} : memref<8192xi32, #tpu.memory_space<vmem>>, vector<16xi32>,
        %mul3A_1200 = arith.constant 16 : i32
        %mul3A_1201 = arith.muli %scan3A_1196, %mul3A_1200 : i32
        %add3A_1202 = vector.broadcast %mul3A_1201 : i32 to vector<16xi32>
        %add3A_1203 = arith.addi %iota3A, %add3A_1202 : vector<16xi32>
        %broadcast_in_dim3A_1204 = arith.constant 0 : i32
        %broadcast_in_dim3A_1205 = vector.broadcast %broadcast_in_dim3A_1204 : i32 to vector<16xi32>
        %gather3A = tpu.vector_load_idx %arg17[%broadcast_in_dim3A_1205, %get3A_1199] : memref<2x8192xf32, #tpu.memory_space<vmem>>[vector<16xi32>, vector<16xi32>], vector<16xf32>,
        tpu.vector_store_idx %arg19[%broadcast_in_dim3A_1205, %add3A_1203], %gather3A : memref<2x8192xf32, #tpu.memory_space<vmem>>[vector<16xi32>, vector<16xi32>], vector<16xf32>,
        %broadcast_in_dim3A_1206 = arith.constant 1 : i32
        %broadcast_in_dim3A_1207 = vector.broadcast %broadcast_in_dim3A_1206 : i32 to vector<16xi32>
        %gather3A_1208 = tpu.vector_load_idx %arg17[%broadcast_in_dim3A_1207, %get3A_1199] : memref<2x8192xf32, #tpu.memory_space<vmem>>[vector<16xi32>, vector<16xi32>], vector<16xf32>,
        tpu.vector_store_idx %arg19[%broadcast_in_dim3A_1207, %add3A_1203], %gather3A_1208 : memref<2x8192xf32, #tpu.memory_space<vmem>>[vector<16xi32>, vector<16xi32>], vector<16xf32>,
      }
      %scan3A_1177 = arith.constant 512 : i32
      %mul3A_1178 = arith.constant 2 : i32
      %mul3A_1179 = arith.muli %add3A_1153, %mul3A_1178 : i32
      %dma_start3A_1180 = arith.constant 0 : i32
      %dma_start3A_1181 = tpu.memref_slice %arg9[%add3A_556, %mul3A_1179, %dma_start3A_1180] : memref<64x64x8192xf32, #tpu.memory_space<hbm>> -> memref<1x2x8192xf32, #tpu.memory_space<hbm>>
      %dma_start3A_1182 = tpu.memref_squeeze %dma_start3A_1181 : memref<1x2x8192xf32, #tpu.memory_space<hbm>> -> memref<2x8192xf32, #tpu.memory_space<hbm>>
      %dma_start3A_1183 = arith.constant 0 : i32
      %dma_start3A_1184 = tpu.memref_slice %arg9[%add3A_556, %mul3A_1179, %dma_start3A_1183] : memref<64x64x8192xf32, #tpu.memory_space<hbm>> -> memref<1x2x8192xf32, #tpu.memory_space<hbm>>
      %dma_start3A_1185 = tpu.memref_squeeze %dma_start3A_1184 : memref<1x2x8192xf32, #tpu.memory_space<hbm>> -> memref<2x8192xf32, #tpu.memory_space<hbm>>
      tpu.enqueue_dma source(%arg19 : memref<2x8192xf32, #tpu.memory_space<vmem>>) target(%dma_start3A_1185 : memref<2x8192xf32, #tpu.memory_space<hbm>>) target_semaphore(%arg23 : memref<!tpu.dma_semaphore, #tpu.memory_space<semaphore_mem>>)
      %add3A_1186 = arith.constant 2 : i32
      %add3A_1187 = arith.addi %add3A_1153, %add3A_1186 : i32
      %mul3A_1188 = arith.constant 2 : i32
      %mul3A_1189 = arith.muli %add3A_1187, %mul3A_1188 : i32
      %dma_start3A_1190 = arith.constant 0 : i32
      %dma_start3A_1191 = tpu.memref_slice %arg5[%add3A_556, %mul3A_1189, %dma_start3A_1190] : memref<64x64x8192xf32, #tpu.memory_space<hbm>> -> memref<1x2x8192xf32, #tpu.memory_space<hbm>>
      %dma_start3A_1192 = tpu.memref_squeeze %dma_start3A_1191 : memref<1x2x8192xf32, #tpu.memory_space<hbm>> -> memref<2x8192xf32, #tpu.memory_space<hbm>>
      %dma_start3A_1193 = arith.constant 0 : i32
      %dma_start3A_1194 = tpu.memref_slice %arg5[%add3A_556, %mul3A_1189, %dma_start3A_1193] : memref<64x64x8192xf32, #tpu.memory_space<hbm>> -> memref<1x2x8192xf32, #tpu.memory_space<hbm>>
      %dma_start3A_1195 = tpu.memref_squeeze %dma_start3A_1194 : memref<1x2x8192xf32, #tpu.memory_space<hbm>> -> memref<2x8192xf32, #tpu.memory_space<hbm>>
      tpu.enqueue_dma source(%dma_start3A_1195 : memref<2x8192xf32, #tpu.memory_space<hbm>>) target(%arg17 : memref<2x8192xf32, #tpu.memory_space<vmem>>) target_semaphore(%arg21 : memref<!tpu.dma_semaphore, #tpu.memory_space<semaphore_mem>>)
    }
    %scan3A_750 = arith.constant 14 : i32
    %dma_wait3A_751 = arith.constant 56 : i32
    %dma_wait3A_752 = arith.constant 0 : i32
    %dma_wait3A_753 = tpu.memref_slice %arg9[%add3A_556, %dma_wait3A_751, %dma_wait3A_752] : memref<64x64x8192xf32, #tpu.memory_space<hbm>> -> memref<1x2x8192xf32, #tpu.memory_space<hbm>>
    %dma_wait3A_754 = tpu.memref_squeeze %dma_wait3A_753 : memref<1x2x8192xf32, #tpu.memory_space<hbm>> -> memref<2x8192xf32, #tpu.memory_space<hbm>>
    %dma_wait3A_755 = arith.constant 56 : i32
    %dma_wait3A_756 = arith.constant 0 : i32
    %dma_wait3A_757 = tpu.memref_slice %arg9[%add3A_556, %dma_wait3A_755, %dma_wait3A_756] : memref<64x64x8192xf32, #tpu.memory_space<hbm>> -> memref<1x2x8192xf32, #tpu.memory_space<hbm>>
    %dma_wait3A_758 = tpu.memref_squeeze %dma_wait3A_757 : memref<1x2x8192xf32, #tpu.memory_space<hbm>> -> memref<2x8192xf32, #tpu.memory_space<hbm>>
    tpu.wait_dma2 semaphore(%arg22 : memref<!tpu.dma_semaphore, #tpu.memory_space<semaphore_mem>>) src(%arg18 : memref<2x8192xf32, #tpu.memory_space<vmem>>) dst(%dma_wait3A_758 : memref<2x8192xf32, #tpu.memory_space<hbm>>)
    %dma_wait3A_759 = arith.constant 60 : i32
    %dma_wait3A_760 = arith.constant 0 : i32
    %dma_wait3A_761 = tpu.memref_slice %arg5[%add3A_556, %dma_wait3A_759, %dma_wait3A_760] : memref<64x64x8192xf32, #tpu.memory_space<hbm>> -> memref<1x2x8192xf32, #tpu.memory_space<hbm>>
    %dma_wait3A_762 = tpu.memref_squeeze %dma_wait3A_761 : memref<1x2x8192xf32, #tpu.memory_space<hbm>> -> memref<2x8192xf32, #tpu.memory_space<hbm>>
    %dma_wait3A_763 = arith.constant 60 : i32
    %dma_wait3A_764 = arith.constant 0 : i32
    %dma_wait3A_765 = tpu.memref_slice %arg5[%add3A_556, %dma_wait3A_763, %dma_wait3A_764] : memref<64x64x8192xf32, #tpu.memory_space<hbm>> -> memref<1x2x8192xf32, #tpu.memory_space<hbm>>
    %dma_wait3A_766 = tpu.memref_squeeze %dma_wait3A_765 : memref<1x2x8192xf32, #tpu.memory_space<hbm>> -> memref<2x8192xf32, #tpu.memory_space<hbm>>
    tpu.wait_dma2 semaphore(%arg20 : memref<!tpu.dma_semaphore, #tpu.memory_space<semaphore_mem>>) src(%dma_wait3A_766 : memref<2x8192xf32, #tpu.memory_space<hbm>>) dst(%arg16 : memref<2x8192xf32, #tpu.memory_space<vmem>>)
    %scan3A_767 = arith.constant 0 : i32
    %scan3A_768 = arith.constant 0 : i32
    %scan3A_769 = arith.constant 512 : i32
    %scan3A_770 = arith.addi %scan3A_768, %scan3A_769 : i32
    %scan3A_771 = arith.constant 1 : i32
    scf.for %scan3A_1104 = %scan3A_768 to %scan3A_770 step %scan3A_771  : i32 {
      %mul3A_1105 = arith.constant 16 : i32
      %mul3A_1106 = arith.muli %scan3A_1104, %mul3A_1105 : i32
      %get3A = arith.index_cast %mul3A_1106 : i32 to index
      %get3A_1107 = tpu.vector_load %arg15[%get3A] {strides = array<i32>} : memref<8192xi32, #tpu.memory_space<vmem>>, vector<16xi32>,
      %mul3A_1108 = arith.constant 16 : i32
      %mul3A_1109 = arith.muli %scan3A_1104, %mul3A_1108 : i32
      %add3A_1110 = vector.broadcast %mul3A_1109 : i32 to vector<16xi32>
      %add3A_1111 = arith.addi %iota3A, %add3A_1110 : vector<16xi32>
      %broadcast_in_dim3A_1112 = arith.constant 0 : i32
      %broadcast_in_dim3A_1113 = vector.broadcast %broadcast_in_dim3A_1112 : i32 to vector<16xi32>
      %gather3A = tpu.vector_load_idx %arg16[%broadcast_in_dim3A_1113, %get3A_1107] : memref<2x8192xf32, #tpu.memory_space<vmem>>[vector<16xi32>, vector<16xi32>], vector<16xf32>,
      tpu.vector_store_idx %arg18[%broadcast_in_dim3A_1113, %add3A_1111], %gather3A : memref<2x8192xf32, #tpu.memory_space<vmem>>[vector<16xi32>, vector<16xi32>], vector<16xf32>,
      %broadcast_in_dim3A_1114 = arith.constant 1 : i32
      %broadcast_in_dim3A_1115 = vector.broadcast %broadcast_in_dim3A_1114 : i32 to vector<16xi32>
      %gather3A_1116 = tpu.vector_load_idx %arg16[%broadcast_in_dim3A_1115, %get3A_1107] : memref<2x8192xf32, #tpu.memory_space<vmem>>[vector<16xi32>, vector<16xi32>], vector<16xf32>,
      tpu.vector_store_idx %arg18[%broadcast_in_dim3A_1115, %add3A_1111], %gather3A_1116 : memref<2x8192xf32, #tpu.memory_space<vmem>>[vector<16xi32>, vector<16xi32>], vector<16xf32>,
    }
    %scan3A_772 = arith.constant 512 : i32
    %dma_start3A_773 = arith.constant 60 : i32
    %dma_start3A_774 = arith.constant 0 : i32
    %dma_start3A_775 = tpu.memref_slice %arg9[%add3A_556, %dma_start3A_773, %dma_start3A_774] : memref<64x64x8192xf32, #tpu.memory_space<hbm>> -> memref<1x2x8192xf32, #tpu.memory_space<hbm>>
    %dma_start3A_776 = tpu.memref_squeeze %dma_start3A_775 : memref<1x2x8192xf32, #tpu.memory_space<hbm>> -> memref<2x8192xf32, #tpu.memory_space<hbm>>
    %dma_start3A_777 = arith.constant 60 : i32
    %dma_start3A_778 = arith.constant 0 : i32
    %dma_start3A_779 = tpu.memref_slice %arg9[%add3A_556, %dma_start3A_777, %dma_start3A_778] : memref<64x64x8192xf32, #tpu.memory_space<hbm>> -> memref<1x2x8192xf32, #tpu.memory_space<hbm>>
    %dma_start3A_780 = tpu.memref_squeeze %dma_start3A_779 : memref<1x2x8192xf32, #tpu.memory_space<hbm>> -> memref<2x8192xf32, #tpu.memory_space<hbm>>
    tpu.enqueue_dma source(%arg18 : memref<2x8192xf32, #tpu.memory_space<vmem>>) target(%dma_start3A_780 : memref<2x8192xf32, #tpu.memory_space<hbm>>) target_semaphore(%arg22 : memref<!tpu.dma_semaphore, #tpu.memory_space<semaphore_mem>>)
    %dma_wait3A_781 = arith.constant 58 : i32
    %dma_wait3A_782 = arith.constant 0 : i32
    %dma_wait3A_783 = tpu.memref_slice %arg9[%add3A_556, %dma_wait3A_781, %dma_wait3A_782] : memref<64x64x8192xf32, #tpu.memory_space<hbm>> -> memref<1x2x8192xf32, #tpu.memory_space<hbm>>
    %dma_wait3A_784 = tpu.memref_squeeze %dma_wait3A_783 : memref<1x2x8192xf32, #tpu.memory_space<hbm>> -> memref<2x8192xf32, #tpu.memory_space<hbm>>
    %dma_wait3A_785 = arith.constant 58 : i32
    %dma_wait3A_786 = arith.constant 0 : i32
    %dma_wait3A_787 = tpu.memref_slice %arg9[%add3A_556, %dma_wait3A_785, %dma_wait3A_786] : memref<64x64x8192xf32, #tpu.memory_space<hbm>> -> memref<1x2x8192xf32, #tpu.memory_space<hbm>>
    %dma_wait3A_788 = tpu.memref_squeeze %dma_wait3A_787 : memref<1x2x8192xf32, #tpu.memory_space<hbm>> -> memref<2x8192xf32, #tpu.memory_space<hbm>>
    tpu.wait_dma2 semaphore(%arg23 : memref<!tpu.dma_semaphore, #tpu.memory_space<semaphore_mem>>) src(%arg19 : memref<2x8192xf32, #tpu.memory_space<vmem>>) dst(%dma_wait3A_788 : memref<2x8192xf32, #tpu.memory_space<hbm>>)
    %dma_wait3A_789 = arith.constant 62 : i32
    %dma_wait3A_790 = arith.constant 0 : i32
    %dma_wait3A_791 = tpu.memref_slice %arg5[%add3A_556, %dma_wait3A_789, %dma_wait3A_790] : memref<64x64x8192xf32, #tpu.memory_space<hbm>> -> memref<1x2x8192xf32, #tpu.memory_space<hbm>>
    %dma_wait3A_792 = tpu.memref_squeeze %dma_wait3A_791 : memref<1x2x8192xf32, #tpu.memory_space<hbm>> -> memref<2x8192xf32, #tpu.memory_space<hbm>>
    %dma_wait3A_793 = arith.constant 62 : i32
    %dma_wait3A_794 = arith.constant 0 : i32
    %dma_wait3A_795 = tpu.memref_slice %arg5[%add3A_556, %dma_wait3A_793, %dma_wait3A_794] : memref<64x64x8192xf32, #tpu.memory_space<hbm>> -> memref<1x2x8192xf32, #tpu.memory_space<hbm>>
    %dma_wait3A_796 = tpu.memref_squeeze %dma_wait3A_795 : memref<1x2x8192xf32, #tpu.memory_space<hbm>> -> memref<2x8192xf32, #tpu.memory_space<hbm>>
    tpu.wait_dma2 semaphore(%arg21 : memref<!tpu.dma_semaphore, #tpu.memory_space<semaphore_mem>>) src(%dma_wait3A_796 : memref<2x8192xf32, #tpu.memory_space<hbm>>) dst(%arg17 : memref<2x8192xf32, #tpu.memory_space<vmem>>)
    %scan3A_797 = arith.constant 0 : i32
    %scan3A_798 = arith.constant 0 : i32
    %scan3A_799 = arith.constant 512 : i32
    %scan3A_800 = arith.addi %scan3A_798, %scan3A_799 : i32
    %scan3A_801 = arith.constant 1 : i32
    scf.for %scan3A_1104 = %scan3A_798 to %scan3A_800 step %scan3A_801  : i32 {
      %mul3A_1105 = arith.constant 16 : i32
      %mul3A_1106 = arith.muli %scan3A_1104, %mul3A_1105 : i32
      %get3A = arith.index_cast %mul3A_1106 : i32 to index
      %get3A_1107 = tpu.vector_load %arg15[%get3A] {strides = array<i32>} : memref<8192xi32, #tpu.memory_space<vmem>>, vector<16xi32>,
      %mul3A_1108 = arith.constant 16 : i32
      %mul3A_1109 = arith.muli %scan3A_1104, %mul3A_1108 : i32
      %add3A_1110 = vector.broadcast %mul3A_1109 : i32 to vector<16xi32>
      %add3A_1111 = arith.addi %iota3A, %add3A_1110 : vector<16xi32>
      %broadcast_in_dim3A_1112 = arith.constant 0 : i32
      %broadcast_in_dim3A_1113 = vector.broadcast %broadcast_in_dim3A_1112 : i32 to vector<16xi32>
      %gather3A = tpu.vector_load_idx %arg17[%broadcast_in_dim3A_1113, %get3A_1107] : memref<2x8192xf32, #tpu.memory_space<vmem>>[vector<16xi32>, vector<16xi32>], vector<16xf32>,
      tpu.vector_store_idx %arg19[%broadcast_in_dim3A_1113, %add3A_1111], %gather3A : memref<2x8192xf32, #tpu.memory_space<vmem>>[vector<16xi32>, vector<16xi32>], vector<16xf32>,
      %broadcast_in_dim3A_1114 = arith.constant 1 : i32
      %broadcast_in_dim3A_1115 = vector.broadcast %broadcast_in_dim3A_1114 : i32 to vector<16xi32>
      %gather3A_1116 = tpu.vector_load_idx %arg17[%broadcast_in_dim3A_1115, %get3A_1107] : memref<2x8192xf32, #tpu.memory_space<vmem>>[vector<16xi32>, vector<16xi32>], vector<16xf32>,
      tpu.vector_store_idx %arg19[%broadcast_in_dim3A_1115, %add3A_1111], %gather3A_1116 : memref<2x8192xf32, #tpu.memory_space<vmem>>[vector<16xi32>, vector<16xi32>], vector<16xf32>,
    }
    %scan3A_802 = arith.constant 512 : i32
    %dma_start3A_803 = arith.constant 62 : i32
    %dma_start3A_804 = arith.constant 0 : i32
    %dma_start3A_805 = tpu.memref_slice %arg9[%add3A_556, %dma_start3A_803, %dma_start3A_804] : memref<64x64x8192xf32, #tpu.memory_space<hbm>> -> memref<1x2x8192xf32, #tpu.memory_space<hbm>>
    %dma_start3A_806 = tpu.memref_squeeze %dma_start3A_805 : memref<1x2x8192xf32, #tpu.memory_space<hbm>> -> memref<2x8192xf32, #tpu.memory_space<hbm>>
    %dma_start3A_807 = arith.constant 62 : i32
    %dma_start3A_808 = arith.constant 0 : i32
    %dma_start3A_809 = tpu.memref_slice %arg9[%add3A_556, %dma_start3A_807, %dma_start3A_808] : memref<64x64x8192xf32, #tpu.memory_space<hbm>> -> memref<1x2x8192xf32, #tpu.memory_space<hbm>>
    %dma_start3A_810 = tpu.memref_squeeze %dma_start3A_809 : memref<1x2x8192xf32, #tpu.memory_space<hbm>> -> memref<2x8192xf32, #tpu.memory_space<hbm>>
    tpu.enqueue_dma source(%arg19 : memref<2x8192xf32, #tpu.memory_space<vmem>>) target(%dma_start3A_810 : memref<2x8192xf32, #tpu.memory_space<hbm>>) target_semaphore(%arg23 : memref<!tpu.dma_semaphore, #tpu.memory_space<semaphore_mem>>)
    %dma_wait3A_811 = arith.constant 60 : i32
    %dma_wait3A_812 = arith.constant 0 : i32
    %dma_wait3A_813 = tpu.memref_slice %arg9[%add3A_556, %dma_wait3A_811, %dma_wait3A_812] : memref<64x64x8192xf32, #tpu.memory_space<hbm>> -> memref<1x2x8192xf32, #tpu.memory_space<hbm>>
    %dma_wait3A_814 = tpu.memref_squeeze %dma_wait3A_813 : memref<1x2x8192xf32, #tpu.memory_space<hbm>> -> memref<2x8192xf32, #tpu.memory_space<hbm>>
    %dma_wait3A_815 = arith.constant 60 : i32
    %dma_wait3A_816 = arith.constant 0 : i32
    %dma_wait3A_817 = tpu.memref_slice %arg9[%add3A_556, %dma_wait3A_815, %dma_wait3A_816] : memref<64x64x8192xf32, #tpu.memory_space<hbm>> -> memref<1x2x8192xf32, #tpu.memory_space<hbm>>
    %dma_wait3A_818 = tpu.memref_squeeze %dma_wait3A_817 : memref<1x2x8192xf32, #tpu.memory_space<hbm>> -> memref<2x8192xf32, #tpu.memory_space<hbm>>
    tpu.wait_dma2 semaphore(%arg22 : memref<!tpu.dma_semaphore, #tpu.memory_space<semaphore_mem>>) src(%arg18 : memref<2x8192xf32, #tpu.memory_space<vmem>>) dst(%dma_wait3A_818 : memref<2x8192xf32, #tpu.memory_space<hbm>>)
    %dma_wait3A_819 = arith.constant 62 : i32
    %dma_wait3A_820 = arith.constant 0 : i32
    %dma_wait3A_821 = tpu.memref_slice %arg9[%add3A_556, %dma_wait3A_819, %dma_wait3A_820] : memref<64x64x8192xf32, #tpu.memory_space<hbm>> -> memref<1x2x8192xf32, #tpu.memory_space<hbm>>
    %dma_wait3A_822 = tpu.memref_squeeze %dma_wait3A_821 : memref<1x2x8192xf32, #tpu.memory_space<hbm>> -> memref<2x8192xf32, #tpu.memory_space<hbm>>
    %dma_wait3A_823 = arith.constant 62 : i32
    %dma_wait3A_824 = arith.constant 0 : i32
    %dma_wait3A_825 = tpu.memref_slice %arg9[%add3A_556, %dma_wait3A_823, %dma_wait3A_824] : memref<64x64x8192xf32, #tpu.memory_space<hbm>> -> memref<1x2x8192xf32, #tpu.memory_space<hbm>>
    %dma_wait3A_826 = tpu.memref_squeeze %dma_wait3A_825 : memref<1x2x8192xf32, #tpu.memory_space<hbm>> -> memref<2x8192xf32, #tpu.memory_space<hbm>>
    tpu.wait_dma2 semaphore(%arg23 : memref<!tpu.dma_semaphore, #tpu.memory_space<semaphore_mem>>) src(%arg19 : memref<2x8192xf32, #tpu.memory_space<vmem>>) dst(%dma_wait3A_826 : memref<2x8192xf32, #tpu.memory_space<hbm>>)
    %mul3A_827 = arith.constant 32 : i32
    %mul3A_828 = arith.muli %arg0, %mul3A_827 : i32
    %mul3A_829 = arith.constant 2 : i32
    %mul3A_830 = arith.muli %arg1, %mul3A_829 : i32
    %add3A_831 = arith.addi %mul3A_828, %mul3A_830 : i32
    %add3A_832 = arith.constant 1 : i32
    %add3A_833 = arith.addi %add3A_831, %add3A_832 : i32
    "tpu.region"() ({
      %run_scoped3A = tpu.sem_alloc : memref<!tpu.dma_semaphore, #tpu.memory_space<semaphore_mem>>
      %dma_start3A_1104 = arith.constant 0 : i32
      %dma_start3A_1105 = tpu.memref_slice %arg4[%add3A_833, %dma_start3A_1104] : memref<64x8192xf32, #tpu.memory_space<hbm>> -> memref<1x8192xf32, #tpu.memory_space<hbm>>
      %dma_start3A_1106 = tpu.memref_squeeze %dma_start3A_1105 : memref<1x8192xf32, #tpu.memory_space<hbm>> -> memref<8192xf32, #tpu.memory_space<hbm>>
      %dma_start3A_1107 = arith.constant 0 : i32
      %dma_start3A_1108 = tpu.memref_slice %arg4[%add3A_833, %dma_start3A_1107] : memref<64x8192xf32, #tpu.memory_space<hbm>> -> memref<1x8192xf32, #tpu.memory_space<hbm>>
      %dma_start3A_1109 = tpu.memref_squeeze %dma_start3A_1108 : memref<1x8192xf32, #tpu.memory_space<hbm>> -> memref<8192xf32, #tpu.memory_space<hbm>>
      tpu.enqueue_dma source(%dma_start3A_1109 : memref<8192xf32, #tpu.memory_space<hbm>>) target(%arg10 : memref<8192xf32, #tpu.memory_space<vmem>>) target_semaphore(%run_scoped3A : memref<!tpu.dma_semaphore, #tpu.memory_space<semaphore_mem>>)
      %dma_wait3A_1110 = arith.constant 0 : i32
      %dma_wait3A_1111 = tpu.memref_slice %arg4[%add3A_833, %dma_wait3A_1110] : memref<64x8192xf32, #tpu.memory_space<hbm>> -> memref<1x8192xf32, #tpu.memory_space<hbm>>
      %dma_wait3A_1112 = tpu.memref_squeeze %dma_wait3A_1111 : memref<1x8192xf32, #tpu.memory_space<hbm>> -> memref<8192xf32, #tpu.memory_space<hbm>>
      %dma_wait3A_1113 = arith.constant 0 : i32
      %dma_wait3A_1114 = tpu.memref_slice %arg4[%add3A_833, %dma_wait3A_1113] : memref<64x8192xf32, #tpu.memory_space<hbm>> -> memref<1x8192xf32, #tpu.memory_space<hbm>>
      %dma_wait3A_1115 = tpu.memref_squeeze %dma_wait3A_1114 : memref<1x8192xf32, #tpu.memory_space<hbm>> -> memref<8192xf32, #tpu.memory_space<hbm>>
      tpu.wait_dma2 semaphore(%run_scoped3A : memref<!tpu.dma_semaphore, #tpu.memory_space<semaphore_mem>>) src(%dma_wait3A_1115 : memref<8192xf32, #tpu.memory_space<hbm>>) dst(%arg10 : memref<8192xf32, #tpu.memory_space<vmem>>)
      tpu.yield
    }) : () -> ()
    %scan3A_834 = arith.constant 0 : i32
    %scan3A_835 = arith.constant 0 : i32
    %scan3A_836 = arith.constant 512 : i32
    %scan3A_837 = arith.addi %scan3A_835, %scan3A_836 : i32
    %scan3A_838 = arith.constant 1 : i32
    scf.for %scan3A_1104 = %scan3A_835 to %scan3A_837 step %scan3A_838  : i32 {
      %mul3A_1105 = arith.constant 16 : i32
      %mul3A_1106 = arith.muli %scan3A_1104, %mul3A_1105 : i32
      %get3A = arith.index_cast %mul3A_1106 : i32 to index
      %get3A_1107 = tpu.vector_load %arg10[%get3A] {strides = array<i32>} : memref<8192xf32, #tpu.memory_space<vmem>>, vector<16xf32>,
      %bitcast_convert_type3A = tpu.bitcast %get3A_1107 : vector<16xf32> -> vector<16xi32>
      %lt3A = arith.constant 0 : i32
      %lt3A_1108 = vector.broadcast %lt3A : i32 to vector<16xi32>
      %lt3A_1109 = arith.cmpi slt, %bitcast_convert_type3A, %lt3A_1108 : vector<16xi32>
      %not3A = arith.constant dense<-1> : vector<16xi32>
      %not3A_1110 = arith.xori %bitcast_convert_type3A, %not3A : vector<16xi32>
      %xor3A = arith.constant -2147483648 : i32
      %xor3A_1111 = vector.broadcast %xor3A : i32 to vector<16xi32>
      %xor3A_1112 = arith.xori %bitcast_convert_type3A, %xor3A_1111 : vector<16xi32>
      %select_n3A = arith.select %lt3A_1109, %not3A_1110, %xor3A_1112 : vector<16xi1>, vector<16xi32>
      %mul3A_1113 = arith.constant 16 : i32
      %mul3A_1114 = arith.muli %scan3A_1104, %mul3A_1113 : i32
      %swap3A = arith.index_cast %mul3A_1114 : i32 to index
      %swap3A_1115 = tpu.vector_load %arg11[%swap3A] {strides = array<i32>} : memref<8192xi32, #tpu.memory_space<vmem>>, vector<16xi32>,
      tpu.vector_store %arg11[%swap3A], %select_n3A {strides = array<i32>} : memref<8192xi32, #tpu.memory_space<vmem>>, vector<16xi32>,
    }
    %scan3A_839 = arith.constant 512 : i32
    %scan3A_840 = arith.constant 0 : i32
    %scan3A_841 = arith.constant 0 : i32
    %scan3A_842 = arith.constant 256 : i32
    %scan3A_843 = arith.addi %scan3A_841, %scan3A_842 : i32
    %scan3A_844 = arith.constant 1 : i32
    scf.for %scan3A_1104 = %scan3A_841 to %scan3A_843 step %scan3A_844  : i32 {
      %broadcast_in_dim3A_1105 = arith.constant 0 : i32
      %broadcast_in_dim3A_1106 = vector.broadcast %broadcast_in_dim3A_1105 : i32 to vector<16xi32>
      %mul3A_1107 = arith.constant 16 : i32
      %mul3A_1108 = arith.muli %scan3A_1104, %mul3A_1107 : i32
      %swap3A = arith.index_cast %mul3A_1108 : i32 to index
      %swap3A_1109 = tpu.vector_load %arg14[%swap3A] {strides = array<i32>} : memref<4096xi32, #tpu.memory_space<vmem>>, vector<16xi32>,
      tpu.vector_store %arg14[%swap3A], %broadcast_in_dim3A_1106 {strides = array<i32>} : memref<4096xi32, #tpu.memory_space<vmem>>, vector<16xi32>,
    }
    %scan3A_845 = arith.constant 256 : i32
    %scan3A_846 = arith.constant 0 : i32
    %scan3A_847 = arith.constant 0 : i32
    %scan3A_848 = arith.constant 512 : i32
    %scan3A_849 = arith.addi %scan3A_847, %scan3A_848 : i32
    %scan3A_850 = arith.constant 1 : i32
    scf.for %scan3A_1104 = %scan3A_847 to %scan3A_849 step %scan3A_850  : i32 {
      %mul3A_1105 = arith.constant 512 : i32
      %mul3A_1106 = vector.broadcast %mul3A_1105 : i32 to vector<16xi32>
      %mul3A_1107 = arith.muli %iota3A, %mul3A_1106 : vector<16xi32>
      %add3A_1108 = vector.broadcast %scan3A_1104 : i32 to vector<16xi32>
      %add3A_1109 = arith.addi %mul3A_1107, %add3A_1108 : vector<16xi32>
      %gather3A = tpu.vector_load_idx %arg11[%add3A_1109] : memref<8192xi32, #tpu.memory_space<vmem>>[vector<16xi32>], vector<16xi32>,
      %broadcast_in_dim3A_1110 = arith.constant 0 : i32
      %broadcast_in_dim3A_1111 = vector.broadcast %broadcast_in_dim3A_1110 : i32 to vector<16xi32>
      %shift_right_logical3A = arith.shrui %gather3A, %broadcast_in_dim3A_1111 : vector<16xi32>
      %and3A = arith.constant 255 : i32
      %and3A_1112 = vector.broadcast %and3A : i32 to vector<16xi32>
      %and3A_1113 = arith.andi %shift_right_logical3A, %and3A_1112 : vector<16xi32>
      %mul3A_1114 = arith.constant 16 : i32
      %mul3A_1115 = vector.broadcast %mul3A_1114 : i32 to vector<16xi32>
      %mul3A_1116 = arith.muli %and3A_1113, %mul3A_1115 : vector<16xi32>
      %add3A_1117 = arith.addi %mul3A_1116, %iota3A : vector<16xi32>
      tpu.vector_store_idx %arg14[%add3A_1117], %broadcast_in_dim3A_0 {add = true} : memref<4096xi32, #tpu.memory_space<vmem>>[vector<16xi32>], vector<16xi32>,
    }
    %scan3A_851 = arith.constant 512 : i32
    %scan3A_852 = arith.constant 0 : i32
    %scan3A_853 = arith.constant 0 : i32
    %scan3A_854 = arith.constant 256 : i32
    %scan3A_855 = arith.addi %scan3A_853, %scan3A_854 : i32
    %scan3A_856 = arith.constant 1 : i32
    %scan3A_857 = scf.for %scan3A_1104 = %scan3A_853 to %scan3A_855 step %scan3A_856 iter_args(%scan3A_1105 = %scan3A_852) -> (i32)  : i32 {
      %mul3A_1106 = arith.constant 16 : i32
      %mul3A_1107 = arith.muli %scan3A_1104, %mul3A_1106 : i32
      %get3A = arith.index_cast %mul3A_1107 : i32 to index
      %get3A_1108 = tpu.vector_load %arg14[%get3A] {strides = array<i32>} : memref<4096xi32, #tpu.memory_space<vmem>>, vector<16xi32>,
      %broadcast_in_dim3A_1109 = arith.constant true
      %broadcast_in_dim3A_1110 = vector.broadcast %broadcast_in_dim3A_1109 : i1 to vector<16xi1>
      %masked_cumsum3A = tpu.scan <sum>, %get3A_1108 masked %broadcast_in_dim3A_1110 : vector<16xi32>, vector<16xi1> -> vector<16xi32>
      %sub3A = arith.subi %masked_cumsum3A, %get3A_1108 : vector<16xi32>
      %add3A_1111 = vector.broadcast %scan3A_1105 : i32 to vector<16xi32>
      %add3A_1112 = arith.addi %sub3A, %add3A_1111 : vector<16xi32>
      %mul3A_1113 = arith.constant 16 : i32
      %mul3A_1114 = arith.muli %scan3A_1104, %mul3A_1113 : i32
      %swap3A = arith.index_cast %mul3A_1114 : i32 to index
      %swap3A_1115 = tpu.vector_load %arg14[%swap3A] {strides = array<i32>} : memref<4096xi32, #tpu.memory_space<vmem>>, vector<16xi32>,
      tpu.vector_store %arg14[%swap3A], %add3A_1112 {strides = array<i32>} : memref<4096xi32, #tpu.memory_space<vmem>>, vector<16xi32>,
      %reduce_sum3A = arith.constant true
      %reduce_sum3A_1116 = vector.broadcast %reduce_sum3A : i1 to vector<16xi1>
      %reduce_sum3A_1117 = tpu.scan <sum>, %get3A_1108 masked %reduce_sum3A_1116 : vector<16xi32>, vector<16xi1> -> vector<16xi32>
      %reduce_sum3A_1118 = vector.extract %reduce_sum3A_1117[15] : i32 from vector<16xi32>
      %add3A_1119 = arith.addi %scan3A_1105, %reduce_sum3A_1118 : i32
      scf.yield %add3A_1119 : i32
    }
    %scan3A_858 = arith.constant 256 : i32
    %scan3A_859 = arith.constant 0 : i32
    %scan3A_860 = arith.constant 0 : i32
    %scan3A_861 = arith.constant 512 : i32
    %scan3A_862 = arith.addi %scan3A_860, %scan3A_861 : i32
    %scan3A_863 = arith.constant 1 : i32
    scf.for %scan3A_1104 = %scan3A_860 to %scan3A_862 step %scan3A_863  : i32 {
      %mul3A_1105 = arith.constant 512 : i32
      %mul3A_1106 = vector.broadcast %mul3A_1105 : i32 to vector<16xi32>
      %mul3A_1107 = arith.muli %iota3A, %mul3A_1106 : vector<16xi32>
      %add3A_1108 = vector.broadcast %scan3A_1104 : i32 to vector<16xi32>
      %add3A_1109 = arith.addi %mul3A_1107, %add3A_1108 : vector<16xi32>
      %gather3A = tpu.vector_load_idx %arg11[%add3A_1109] : memref<8192xi32, #tpu.memory_space<vmem>>[vector<16xi32>], vector<16xi32>,
      %broadcast_in_dim3A_1110 = arith.constant 0 : i32
      %broadcast_in_dim3A_1111 = vector.broadcast %broadcast_in_dim3A_1110 : i32 to vector<16xi32>
      %shift_right_logical3A = arith.shrui %gather3A, %broadcast_in_dim3A_1111 : vector<16xi32>
      %and3A = arith.constant 255 : i32
      %and3A_1112 = vector.broadcast %and3A : i32 to vector<16xi32>
      %and3A_1113 = arith.andi %shift_right_logical3A, %and3A_1112 : vector<16xi32>
      %mul3A_1114 = arith.constant 16 : i32
      %mul3A_1115 = vector.broadcast %mul3A_1114 : i32 to vector<16xi32>
      %mul3A_1116 = arith.muli %and3A_1113, %mul3A_1115 : vector<16xi32>
      %add3A_1117 = arith.addi %mul3A_1116, %iota3A : vector<16xi32>
      %gather3A_1118 = tpu.vector_load_idx %arg14[%add3A_1117] : memref<4096xi32, #tpu.memory_space<vmem>>[vector<16xi32>], vector<16xi32>,
      %add3A_1119 = arith.constant 1 : i32
      %add3A_1120 = vector.broadcast %add3A_1119 : i32 to vector<16xi32>
      %add3A_1121 = arith.addi %gather3A_1118, %add3A_1120 : vector<16xi32>
      tpu.vector_store_idx %arg14[%add3A_1117], %add3A_1121 : memref<4096xi32, #tpu.memory_space<vmem>>[vector<16xi32>], vector<16xi32>,
      tpu.vector_store_idx %arg13[%gather3A_1118], %gather3A : memref<8192xi32, #tpu.memory_space<vmem>>[vector<16xi32>], vector<16xi32>,
      tpu.vector_store_idx %arg12[%gather3A_1118], %add3A_1109 : memref<8192xi32, #tpu.memory_space<vmem>>[vector<16xi32>], vector<16xi32>,
    }
    %scan3A_864 = arith.constant 512 : i32
    %scan3A_865 = arith.constant 0 : i32
    %scan3A_866 = arith.constant 0 : i32
    %scan3A_867 = arith.constant 256 : i32
    %scan3A_868 = arith.addi %scan3A_866, %scan3A_867 : i32
    %scan3A_869 = arith.constant 1 : i32
    scf.for %scan3A_1104 = %scan3A_866 to %scan3A_868 step %scan3A_869  : i32 {
      %broadcast_in_dim3A_1105 = arith.constant 0 : i32
      %broadcast_in_dim3A_1106 = vector.broadcast %broadcast_in_dim3A_1105 : i32 to vector<16xi32>
      %mul3A_1107 = arith.constant 16 : i32
      %mul3A_1108 = arith.muli %scan3A_1104, %mul3A_1107 : i32
      %swap3A = arith.index_cast %mul3A_1108 : i32 to index
      %swap3A_1109 = tpu.vector_load %arg14[%swap3A] {strides = array<i32>} : memref<4096xi32, #tpu.memory_space<vmem>>, vector<16xi32>,
      tpu.vector_store %arg14[%swap3A], %broadcast_in_dim3A_1106 {strides = array<i32>} : memref<4096xi32, #tpu.memory_space<vmem>>, vector<16xi32>,
    }
    %scan3A_870 = arith.constant 256 : i32
    %scan3A_871 = arith.constant 0 : i32
    %scan3A_872 = arith.constant 0 : i32
    %scan3A_873 = arith.constant 512 : i32
    %scan3A_874 = arith.addi %scan3A_872, %scan3A_873 : i32
    %scan3A_875 = arith.constant 1 : i32
    scf.for %scan3A_1104 = %scan3A_872 to %scan3A_874 step %scan3A_875  : i32 {
      %mul3A_1105 = arith.constant 512 : i32
      %mul3A_1106 = vector.broadcast %mul3A_1105 : i32 to vector<16xi32>
      %mul3A_1107 = arith.muli %iota3A, %mul3A_1106 : vector<16xi32>
      %add3A_1108 = vector.broadcast %scan3A_1104 : i32 to vector<16xi32>
      %add3A_1109 = arith.addi %mul3A_1107, %add3A_1108 : vector<16xi32>
      %gather3A = tpu.vector_load_idx %arg13[%add3A_1109] : memref<8192xi32, #tpu.memory_space<vmem>>[vector<16xi32>], vector<16xi32>,
      %broadcast_in_dim3A_1110 = arith.constant 8 : i32
      %broadcast_in_dim3A_1111 = vector.broadcast %broadcast_in_dim3A_1110 : i32 to vector<16xi32>
      %shift_right_logical3A = arith.shrui %gather3A, %broadcast_in_dim3A_1111 : vector<16xi32>
      %and3A = arith.constant 255 : i32
      %and3A_1112 = vector.broadcast %and3A : i32 to vector<16xi32>
      %and3A_1113 = arith.andi %shift_right_logical3A, %and3A_1112 : vector<16xi32>
      %mul3A_1114 = arith.constant 16 : i32
      %mul3A_1115 = vector.broadcast %mul3A_1114 : i32 to vector<16xi32>
      %mul3A_1116 = arith.muli %and3A_1113, %mul3A_1115 : vector<16xi32>
      %add3A_1117 = arith.addi %mul3A_1116, %iota3A : vector<16xi32>
      tpu.vector_store_idx %arg14[%add3A_1117], %broadcast_in_dim3A_0 {add = true} : memref<4096xi32, #tpu.memory_space<vmem>>[vector<16xi32>], vector<16xi32>,
    }
    %scan3A_876 = arith.constant 512 : i32
    %scan3A_877 = arith.constant 0 : i32
    %scan3A_878 = arith.constant 0 : i32
    %scan3A_879 = arith.constant 256 : i32
    %scan3A_880 = arith.addi %scan3A_878, %scan3A_879 : i32
    %scan3A_881 = arith.constant 1 : i32
    %scan3A_882 = scf.for %scan3A_1104 = %scan3A_878 to %scan3A_880 step %scan3A_881 iter_args(%scan3A_1105 = %scan3A_877) -> (i32)  : i32 {
      %mul3A_1106 = arith.constant 16 : i32
      %mul3A_1107 = arith.muli %scan3A_1104, %mul3A_1106 : i32
      %get3A = arith.index_cast %mul3A_1107 : i32 to index
      %get3A_1108 = tpu.vector_load %arg14[%get3A] {strides = array<i32>} : memref<4096xi32, #tpu.memory_space<vmem>>, vector<16xi32>,
      %broadcast_in_dim3A_1109 = arith.constant true
      %broadcast_in_dim3A_1110 = vector.broadcast %broadcast_in_dim3A_1109 : i1 to vector<16xi1>
      %masked_cumsum3A = tpu.scan <sum>, %get3A_1108 masked %broadcast_in_dim3A_1110 : vector<16xi32>, vector<16xi1> -> vector<16xi32>
      %sub3A = arith.subi %masked_cumsum3A, %get3A_1108 : vector<16xi32>
      %add3A_1111 = vector.broadcast %scan3A_1105 : i32 to vector<16xi32>
      %add3A_1112 = arith.addi %sub3A, %add3A_1111 : vector<16xi32>
      %mul3A_1113 = arith.constant 16 : i32
      %mul3A_1114 = arith.muli %scan3A_1104, %mul3A_1113 : i32
      %swap3A = arith.index_cast %mul3A_1114 : i32 to index
      %swap3A_1115 = tpu.vector_load %arg14[%swap3A] {strides = array<i32>} : memref<4096xi32, #tpu.memory_space<vmem>>, vector<16xi32>,
      tpu.vector_store %arg14[%swap3A], %add3A_1112 {strides = array<i32>} : memref<4096xi32, #tpu.memory_space<vmem>>, vector<16xi32>,
      %reduce_sum3A = arith.constant true
      %reduce_sum3A_1116 = vector.broadcast %reduce_sum3A : i1 to vector<16xi1>
      %reduce_sum3A_1117 = tpu.scan <sum>, %get3A_1108 masked %reduce_sum3A_1116 : vector<16xi32>, vector<16xi1> -> vector<16xi32>
      %reduce_sum3A_1118 = vector.extract %reduce_sum3A_1117[15] : i32 from vector<16xi32>
      %add3A_1119 = arith.addi %scan3A_1105, %reduce_sum3A_1118 : i32
      scf.yield %add3A_1119 : i32
    }
    %scan3A_883 = arith.constant 256 : i32
    %scan3A_884 = arith.constant 0 : i32
    %scan3A_885 = arith.constant 0 : i32
    %scan3A_886 = arith.constant 512 : i32
    %scan3A_887 = arith.addi %scan3A_885, %scan3A_886 : i32
    %scan3A_888 = arith.constant 1 : i32
    scf.for %scan3A_1104 = %scan3A_885 to %scan3A_887 step %scan3A_888  : i32 {
      %mul3A_1105 = arith.constant 512 : i32
      %mul3A_1106 = vector.broadcast %mul3A_1105 : i32 to vector<16xi32>
      %mul3A_1107 = arith.muli %iota3A, %mul3A_1106 : vector<16xi32>
      %add3A_1108 = vector.broadcast %scan3A_1104 : i32 to vector<16xi32>
      %add3A_1109 = arith.addi %mul3A_1107, %add3A_1108 : vector<16xi32>
      %gather3A = tpu.vector_load_idx %arg13[%add3A_1109] : memref<8192xi32, #tpu.memory_space<vmem>>[vector<16xi32>], vector<16xi32>,
      %broadcast_in_dim3A_1110 = arith.constant 8 : i32
      %broadcast_in_dim3A_1111 = vector.broadcast %broadcast_in_dim3A_1110 : i32 to vector<16xi32>
      %shift_right_logical3A = arith.shrui %gather3A, %broadcast_in_dim3A_1111 : vector<16xi32>
      %and3A = arith.constant 255 : i32
      %and3A_1112 = vector.broadcast %and3A : i32 to vector<16xi32>
      %and3A_1113 = arith.andi %shift_right_logical3A, %and3A_1112 : vector<16xi32>
      %mul3A_1114 = arith.constant 16 : i32
      %mul3A_1115 = vector.broadcast %mul3A_1114 : i32 to vector<16xi32>
      %mul3A_1116 = arith.muli %and3A_1113, %mul3A_1115 : vector<16xi32>
      %add3A_1117 = arith.addi %mul3A_1116, %iota3A : vector<16xi32>
      %gather3A_1118 = tpu.vector_load_idx %arg14[%add3A_1117] : memref<4096xi32, #tpu.memory_space<vmem>>[vector<16xi32>], vector<16xi32>,
      %add3A_1119 = arith.constant 1 : i32
      %add3A_1120 = vector.broadcast %add3A_1119 : i32 to vector<16xi32>
      %add3A_1121 = arith.addi %gather3A_1118, %add3A_1120 : vector<16xi32>
      tpu.vector_store_idx %arg14[%add3A_1117], %add3A_1121 : memref<4096xi32, #tpu.memory_space<vmem>>[vector<16xi32>], vector<16xi32>,
      tpu.vector_store_idx %arg11[%gather3A_1118], %gather3A : memref<8192xi32, #tpu.memory_space<vmem>>[vector<16xi32>], vector<16xi32>,
      %gather3A_1122 = tpu.vector_load_idx %arg12[%add3A_1109] : memref<8192xi32, #tpu.memory_space<vmem>>[vector<16xi32>], vector<16xi32>,
      tpu.vector_store_idx %arg15[%gather3A_1118], %gather3A_1122 : memref<8192xi32, #tpu.memory_space<vmem>>[vector<16xi32>], vector<16xi32>,
    }
    %scan3A_889 = arith.constant 512 : i32
    %scan3A_890 = arith.constant 0 : i32
    %scan3A_891 = arith.constant 0 : i32
    %scan3A_892 = arith.constant 256 : i32
    %scan3A_893 = arith.addi %scan3A_891, %scan3A_892 : i32
    %scan3A_894 = arith.constant 1 : i32
    scf.for %scan3A_1104 = %scan3A_891 to %scan3A_893 step %scan3A_894  : i32 {
      %broadcast_in_dim3A_1105 = arith.constant 0 : i32
      %broadcast_in_dim3A_1106 = vector.broadcast %broadcast_in_dim3A_1105 : i32 to vector<16xi32>
      %mul3A_1107 = arith.constant 16 : i32
      %mul3A_1108 = arith.muli %scan3A_1104, %mul3A_1107 : i32
      %swap3A = arith.index_cast %mul3A_1108 : i32 to index
      %swap3A_1109 = tpu.vector_load %arg14[%swap3A] {strides = array<i32>} : memref<4096xi32, #tpu.memory_space<vmem>>, vector<16xi32>,
      tpu.vector_store %arg14[%swap3A], %broadcast_in_dim3A_1106 {strides = array<i32>} : memref<4096xi32, #tpu.memory_space<vmem>>, vector<16xi32>,
    }
    %scan3A_895 = arith.constant 256 : i32
    %scan3A_896 = arith.constant 0 : i32
    %scan3A_897 = arith.constant 0 : i32
    %scan3A_898 = arith.constant 512 : i32
    %scan3A_899 = arith.addi %scan3A_897, %scan3A_898 : i32
    %scan3A_900 = arith.constant 1 : i32
    scf.for %scan3A_1104 = %scan3A_897 to %scan3A_899 step %scan3A_900  : i32 {
      %mul3A_1105 = arith.constant 512 : i32
      %mul3A_1106 = vector.broadcast %mul3A_1105 : i32 to vector<16xi32>
      %mul3A_1107 = arith.muli %iota3A, %mul3A_1106 : vector<16xi32>
      %add3A_1108 = vector.broadcast %scan3A_1104 : i32 to vector<16xi32>
      %add3A_1109 = arith.addi %mul3A_1107, %add3A_1108 : vector<16xi32>
      %gather3A = tpu.vector_load_idx %arg11[%add3A_1109] : memref<8192xi32, #tpu.memory_space<vmem>>[vector<16xi32>], vector<16xi32>,
      %broadcast_in_dim3A_1110 = arith.constant 16 : i32
      %broadcast_in_dim3A_1111 = vector.broadcast %broadcast_in_dim3A_1110 : i32 to vector<16xi32>
      %shift_right_logical3A = arith.shrui %gather3A, %broadcast_in_dim3A_1111 : vector<16xi32>
      %and3A = arith.constant 255 : i32
      %and3A_1112 = vector.broadcast %and3A : i32 to vector<16xi32>
      %and3A_1113 = arith.andi %shift_right_logical3A, %and3A_1112 : vector<16xi32>
      %mul3A_1114 = arith.constant 16 : i32
      %mul3A_1115 = vector.broadcast %mul3A_1114 : i32 to vector<16xi32>
      %mul3A_1116 = arith.muli %and3A_1113, %mul3A_1115 : vector<16xi32>
      %add3A_1117 = arith.addi %mul3A_1116, %iota3A : vector<16xi32>
      tpu.vector_store_idx %arg14[%add3A_1117], %broadcast_in_dim3A_0 {add = true} : memref<4096xi32, #tpu.memory_space<vmem>>[vector<16xi32>], vector<16xi32>,
    }
    %scan3A_901 = arith.constant 512 : i32
    %scan3A_902 = arith.constant 0 : i32
    %scan3A_903 = arith.constant 0 : i32
    %scan3A_904 = arith.constant 256 : i32
    %scan3A_905 = arith.addi %scan3A_903, %scan3A_904 : i32
    %scan3A_906 = arith.constant 1 : i32
    %scan3A_907 = scf.for %scan3A_1104 = %scan3A_903 to %scan3A_905 step %scan3A_906 iter_args(%scan3A_1105 = %scan3A_902) -> (i32)  : i32 {
      %mul3A_1106 = arith.constant 16 : i32
      %mul3A_1107 = arith.muli %scan3A_1104, %mul3A_1106 : i32
      %get3A = arith.index_cast %mul3A_1107 : i32 to index
      %get3A_1108 = tpu.vector_load %arg14[%get3A] {strides = array<i32>} : memref<4096xi32, #tpu.memory_space<vmem>>, vector<16xi32>,
      %broadcast_in_dim3A_1109 = arith.constant true
      %broadcast_in_dim3A_1110 = vector.broadcast %broadcast_in_dim3A_1109 : i1 to vector<16xi1>
      %masked_cumsum3A = tpu.scan <sum>, %get3A_1108 masked %broadcast_in_dim3A_1110 : vector<16xi32>, vector<16xi1> -> vector<16xi32>
      %sub3A = arith.subi %masked_cumsum3A, %get3A_1108 : vector<16xi32>
      %add3A_1111 = vector.broadcast %scan3A_1105 : i32 to vector<16xi32>
      %add3A_1112 = arith.addi %sub3A, %add3A_1111 : vector<16xi32>
      %mul3A_1113 = arith.constant 16 : i32
      %mul3A_1114 = arith.muli %scan3A_1104, %mul3A_1113 : i32
      %swap3A = arith.index_cast %mul3A_1114 : i32 to index
      %swap3A_1115 = tpu.vector_load %arg14[%swap3A] {strides = array<i32>} : memref<4096xi32, #tpu.memory_space<vmem>>, vector<16xi32>,
      tpu.vector_store %arg14[%swap3A], %add3A_1112 {strides = array<i32>} : memref<4096xi32, #tpu.memory_space<vmem>>, vector<16xi32>,
      %reduce_sum3A = arith.constant true
      %reduce_sum3A_1116 = vector.broadcast %reduce_sum3A : i1 to vector<16xi1>
      %reduce_sum3A_1117 = tpu.scan <sum>, %get3A_1108 masked %reduce_sum3A_1116 : vector<16xi32>, vector<16xi1> -> vector<16xi32>
      %reduce_sum3A_1118 = vector.extract %reduce_sum3A_1117[15] : i32 from vector<16xi32>
      %add3A_1119 = arith.addi %scan3A_1105, %reduce_sum3A_1118 : i32
      scf.yield %add3A_1119 : i32
    }
    %scan3A_908 = arith.constant 256 : i32
    %scan3A_909 = arith.constant 0 : i32
    %scan3A_910 = arith.constant 0 : i32
    %scan3A_911 = arith.constant 512 : i32
    %scan3A_912 = arith.addi %scan3A_910, %scan3A_911 : i32
    %scan3A_913 = arith.constant 1 : i32
    scf.for %scan3A_1104 = %scan3A_910 to %scan3A_912 step %scan3A_913  : i32 {
      %mul3A_1105 = arith.constant 512 : i32
      %mul3A_1106 = vector.broadcast %mul3A_1105 : i32 to vector<16xi32>
      %mul3A_1107 = arith.muli %iota3A, %mul3A_1106 : vector<16xi32>
      %add3A_1108 = vector.broadcast %scan3A_1104 : i32 to vector<16xi32>
      %add3A_1109 = arith.addi %mul3A_1107, %add3A_1108 : vector<16xi32>
      %gather3A = tpu.vector_load_idx %arg11[%add3A_1109] : memref<8192xi32, #tpu.memory_space<vmem>>[vector<16xi32>], vector<16xi32>,
      %broadcast_in_dim3A_1110 = arith.constant 16 : i32
      %broadcast_in_dim3A_1111 = vector.broadcast %broadcast_in_dim3A_1110 : i32 to vector<16xi32>
      %shift_right_logical3A = arith.shrui %gather3A, %broadcast_in_dim3A_1111 : vector<16xi32>
      %and3A = arith.constant 255 : i32
      %and3A_1112 = vector.broadcast %and3A : i32 to vector<16xi32>
      %and3A_1113 = arith.andi %shift_right_logical3A, %and3A_1112 : vector<16xi32>
      %mul3A_1114 = arith.constant 16 : i32
      %mul3A_1115 = vector.broadcast %mul3A_1114 : i32 to vector<16xi32>
      %mul3A_1116 = arith.muli %and3A_1113, %mul3A_1115 : vector<16xi32>
      %add3A_1117 = arith.addi %mul3A_1116, %iota3A : vector<16xi32>
      %gather3A_1118 = tpu.vector_load_idx %arg14[%add3A_1117] : memref<4096xi32, #tpu.memory_space<vmem>>[vector<16xi32>], vector<16xi32>,
      %add3A_1119 = arith.constant 1 : i32
      %add3A_1120 = vector.broadcast %add3A_1119 : i32 to vector<16xi32>
      %add3A_1121 = arith.addi %gather3A_1118, %add3A_1120 : vector<16xi32>
      tpu.vector_store_idx %arg14[%add3A_1117], %add3A_1121 : memref<4096xi32, #tpu.memory_space<vmem>>[vector<16xi32>], vector<16xi32>,
      tpu.vector_store_idx %arg13[%gather3A_1118], %gather3A : memref<8192xi32, #tpu.memory_space<vmem>>[vector<16xi32>], vector<16xi32>,
      %gather3A_1122 = tpu.vector_load_idx %arg15[%add3A_1109] : memref<8192xi32, #tpu.memory_space<vmem>>[vector<16xi32>], vector<16xi32>,
      tpu.vector_store_idx %arg12[%gather3A_1118], %gather3A_1122 : memref<8192xi32, #tpu.memory_space<vmem>>[vector<16xi32>], vector<16xi32>,
    }
    %scan3A_914 = arith.constant 512 : i32
    %scan3A_915 = arith.constant 0 : i32
    %scan3A_916 = arith.constant 0 : i32
    %scan3A_917 = arith.constant 256 : i32
    %scan3A_918 = arith.addi %scan3A_916, %scan3A_917 : i32
    %scan3A_919 = arith.constant 1 : i32
    scf.for %scan3A_1104 = %scan3A_916 to %scan3A_918 step %scan3A_919  : i32 {
      %broadcast_in_dim3A_1105 = arith.constant 0 : i32
      %broadcast_in_dim3A_1106 = vector.broadcast %broadcast_in_dim3A_1105 : i32 to vector<16xi32>
      %mul3A_1107 = arith.constant 16 : i32
      %mul3A_1108 = arith.muli %scan3A_1104, %mul3A_1107 : i32
      %swap3A = arith.index_cast %mul3A_1108 : i32 to index
      %swap3A_1109 = tpu.vector_load %arg14[%swap3A] {strides = array<i32>} : memref<4096xi32, #tpu.memory_space<vmem>>, vector<16xi32>,
      tpu.vector_store %arg14[%swap3A], %broadcast_in_dim3A_1106 {strides = array<i32>} : memref<4096xi32, #tpu.memory_space<vmem>>, vector<16xi32>,
    }
    %scan3A_920 = arith.constant 256 : i32
    %scan3A_921 = arith.constant 0 : i32
    %scan3A_922 = arith.constant 0 : i32
    %scan3A_923 = arith.constant 512 : i32
    %scan3A_924 = arith.addi %scan3A_922, %scan3A_923 : i32
    %scan3A_925 = arith.constant 1 : i32
    scf.for %scan3A_1104 = %scan3A_922 to %scan3A_924 step %scan3A_925  : i32 {
      %mul3A_1105 = arith.constant 512 : i32
      %mul3A_1106 = vector.broadcast %mul3A_1105 : i32 to vector<16xi32>
      %mul3A_1107 = arith.muli %iota3A, %mul3A_1106 : vector<16xi32>
      %add3A_1108 = vector.broadcast %scan3A_1104 : i32 to vector<16xi32>
      %add3A_1109 = arith.addi %mul3A_1107, %add3A_1108 : vector<16xi32>
      %gather3A = tpu.vector_load_idx %arg13[%add3A_1109] : memref<8192xi32, #tpu.memory_space<vmem>>[vector<16xi32>], vector<16xi32>,
      %broadcast_in_dim3A_1110 = arith.constant 24 : i32
      %broadcast_in_dim3A_1111 = vector.broadcast %broadcast_in_dim3A_1110 : i32 to vector<16xi32>
      %shift_right_logical3A = arith.shrui %gather3A, %broadcast_in_dim3A_1111 : vector<16xi32>
      %and3A = arith.constant 255 : i32
      %and3A_1112 = vector.broadcast %and3A : i32 to vector<16xi32>
      %and3A_1113 = arith.andi %shift_right_logical3A, %and3A_1112 : vector<16xi32>
      %mul3A_1114 = arith.constant 16 : i32
      %mul3A_1115 = vector.broadcast %mul3A_1114 : i32 to vector<16xi32>
      %mul3A_1116 = arith.muli %and3A_1113, %mul3A_1115 : vector<16xi32>
      %add3A_1117 = arith.addi %mul3A_1116, %iota3A : vector<16xi32>
      tpu.vector_store_idx %arg14[%add3A_1117], %broadcast_in_dim3A_0 {add = true} : memref<4096xi32, #tpu.memory_space<vmem>>[vector<16xi32>], vector<16xi32>,
    }
    %scan3A_926 = arith.constant 512 : i32
    %scan3A_927 = arith.constant 0 : i32
    %scan3A_928 = arith.constant 0 : i32
    %scan3A_929 = arith.constant 256 : i32
    %scan3A_930 = arith.addi %scan3A_928, %scan3A_929 : i32
    %scan3A_931 = arith.constant 1 : i32
    %scan3A_932 = scf.for %scan3A_1104 = %scan3A_928 to %scan3A_930 step %scan3A_931 iter_args(%scan3A_1105 = %scan3A_927) -> (i32)  : i32 {
      %mul3A_1106 = arith.constant 16 : i32
      %mul3A_1107 = arith.muli %scan3A_1104, %mul3A_1106 : i32
      %get3A = arith.index_cast %mul3A_1107 : i32 to index
      %get3A_1108 = tpu.vector_load %arg14[%get3A] {strides = array<i32>} : memref<4096xi32, #tpu.memory_space<vmem>>, vector<16xi32>,
      %broadcast_in_dim3A_1109 = arith.constant true
      %broadcast_in_dim3A_1110 = vector.broadcast %broadcast_in_dim3A_1109 : i1 to vector<16xi1>
      %masked_cumsum3A = tpu.scan <sum>, %get3A_1108 masked %broadcast_in_dim3A_1110 : vector<16xi32>, vector<16xi1> -> vector<16xi32>
      %sub3A = arith.subi %masked_cumsum3A, %get3A_1108 : vector<16xi32>
      %add3A_1111 = vector.broadcast %scan3A_1105 : i32 to vector<16xi32>
      %add3A_1112 = arith.addi %sub3A, %add3A_1111 : vector<16xi32>
      %mul3A_1113 = arith.constant 16 : i32
      %mul3A_1114 = arith.muli %scan3A_1104, %mul3A_1113 : i32
      %swap3A = arith.index_cast %mul3A_1114 : i32 to index
      %swap3A_1115 = tpu.vector_load %arg14[%swap3A] {strides = array<i32>} : memref<4096xi32, #tpu.memory_space<vmem>>, vector<16xi32>,
      tpu.vector_store %arg14[%swap3A], %add3A_1112 {strides = array<i32>} : memref<4096xi32, #tpu.memory_space<vmem>>, vector<16xi32>,
      %reduce_sum3A = arith.constant true
      %reduce_sum3A_1116 = vector.broadcast %reduce_sum3A : i1 to vector<16xi1>
      %reduce_sum3A_1117 = tpu.scan <sum>, %get3A_1108 masked %reduce_sum3A_1116 : vector<16xi32>, vector<16xi1> -> vector<16xi32>
      %reduce_sum3A_1118 = vector.extract %reduce_sum3A_1117[15] : i32 from vector<16xi32>
      %add3A_1119 = arith.addi %scan3A_1105, %reduce_sum3A_1118 : i32
      scf.yield %add3A_1119 : i32
    }
    %scan3A_933 = arith.constant 256 : i32
    %scan3A_934 = arith.constant 0 : i32
    %scan3A_935 = arith.constant 0 : i32
    %scan3A_936 = arith.constant 512 : i32
    %scan3A_937 = arith.addi %scan3A_935, %scan3A_936 : i32
    %scan3A_938 = arith.constant 1 : i32
    scf.for %scan3A_1104 = %scan3A_935 to %scan3A_937 step %scan3A_938  : i32 {
      %mul3A_1105 = arith.constant 512 : i32
      %mul3A_1106 = vector.broadcast %mul3A_1105 : i32 to vector<16xi32>
      %mul3A_1107 = arith.muli %iota3A, %mul3A_1106 : vector<16xi32>
      %add3A_1108 = vector.broadcast %scan3A_1104 : i32 to vector<16xi32>
      %add3A_1109 = arith.addi %mul3A_1107, %add3A_1108 : vector<16xi32>
      %gather3A = tpu.vector_load_idx %arg13[%add3A_1109] : memref<8192xi32, #tpu.memory_space<vmem>>[vector<16xi32>], vector<16xi32>,
      %broadcast_in_dim3A_1110 = arith.constant 24 : i32
      %broadcast_in_dim3A_1111 = vector.broadcast %broadcast_in_dim3A_1110 : i32 to vector<16xi32>
      %shift_right_logical3A = arith.shrui %gather3A, %broadcast_in_dim3A_1111 : vector<16xi32>
      %and3A = arith.constant 255 : i32
      %and3A_1112 = vector.broadcast %and3A : i32 to vector<16xi32>
      %and3A_1113 = arith.andi %shift_right_logical3A, %and3A_1112 : vector<16xi32>
      %mul3A_1114 = arith.constant 16 : i32
      %mul3A_1115 = vector.broadcast %mul3A_1114 : i32 to vector<16xi32>
      %mul3A_1116 = arith.muli %and3A_1113, %mul3A_1115 : vector<16xi32>
      %add3A_1117 = arith.addi %mul3A_1116, %iota3A : vector<16xi32>
      %gather3A_1118 = tpu.vector_load_idx %arg14[%add3A_1117] : memref<4096xi32, #tpu.memory_space<vmem>>[vector<16xi32>], vector<16xi32>,
      %add3A_1119 = arith.constant 1 : i32
      %add3A_1120 = vector.broadcast %add3A_1119 : i32 to vector<16xi32>
      %add3A_1121 = arith.addi %gather3A_1118, %add3A_1120 : vector<16xi32>
      tpu.vector_store_idx %arg14[%add3A_1117], %add3A_1121 : memref<4096xi32, #tpu.memory_space<vmem>>[vector<16xi32>], vector<16xi32>,
      tpu.vector_store_idx %arg11[%gather3A_1118], %gather3A : memref<8192xi32, #tpu.memory_space<vmem>>[vector<16xi32>], vector<16xi32>,
      %gather3A_1122 = tpu.vector_load_idx %arg12[%add3A_1109] : memref<8192xi32, #tpu.memory_space<vmem>>[vector<16xi32>], vector<16xi32>,
      tpu.vector_store_idx %arg15[%gather3A_1118], %gather3A_1122 : memref<8192xi32, #tpu.memory_space<vmem>>[vector<16xi32>], vector<16xi32>,
    }
    %scan3A_939 = arith.constant 512 : i32
    %scan3A_940 = arith.constant 0 : i32
    %scan3A_941 = arith.constant 0 : i32
    %scan3A_942 = arith.constant 512 : i32
    %scan3A_943 = arith.addi %scan3A_941, %scan3A_942 : i32
    %scan3A_944 = arith.constant 1 : i32
    scf.for %scan3A_1104 = %scan3A_941 to %scan3A_943 step %scan3A_944  : i32 {
      %mul3A_1105 = arith.constant 16 : i32
      %mul3A_1106 = arith.muli %scan3A_1104, %mul3A_1105 : i32
      %get3A = arith.index_cast %mul3A_1106 : i32 to index
      %get3A_1107 = tpu.vector_load %arg11[%get3A] {strides = array<i32>} : memref<8192xi32, #tpu.memory_space<vmem>>, vector<16xi32>,
      %lt3A = arith.constant 0 : i32
      %lt3A_1108 = vector.broadcast %lt3A : i32 to vector<16xi32>
      %lt3A_1109 = arith.cmpi slt, %get3A_1107, %lt3A_1108 : vector<16xi32>
      %xor3A = arith.constant -2147483648 : i32
      %xor3A_1110 = vector.broadcast %xor3A : i32 to vector<16xi32>
      %xor3A_1111 = arith.xori %get3A_1107, %xor3A_1110 : vector<16xi32>
      %not3A = arith.constant dense<-1> : vector<16xi32>
      %not3A_1112 = arith.xori %get3A_1107, %not3A : vector<16xi32>
      %select_n3A = arith.select %lt3A_1109, %xor3A_1111, %not3A_1112 : vector<16xi1>, vector<16xi32>
      %bitcast_convert_type3A = tpu.bitcast %select_n3A : vector<16xi32> -> vector<16xf32>
      %mul3A_1113 = arith.constant 16 : i32
      %mul3A_1114 = arith.muli %scan3A_1104, %mul3A_1113 : i32
      %swap3A = arith.index_cast %mul3A_1114 : i32 to index
      %swap3A_1115 = tpu.vector_load %arg10[%swap3A] {strides = array<i32>} : memref<8192xf32, #tpu.memory_space<vmem>>, vector<16xf32>,
      tpu.vector_store %arg10[%swap3A], %bitcast_convert_type3A {strides = array<i32>} : memref<8192xf32, #tpu.memory_space<vmem>>, vector<16xf32>,
    }
    %scan3A_945 = arith.constant 512 : i32
    "tpu.region"() ({
      %run_scoped3A = tpu.sem_alloc : memref<!tpu.dma_semaphore, #tpu.memory_space<semaphore_mem>>
      %dma_start3A_1104 = arith.constant 0 : i32
      %dma_start3A_1105 = tpu.memref_slice %arg8[%add3A_833, %dma_start3A_1104] : memref<64x8192xf32, #tpu.memory_space<hbm>> -> memref<1x8192xf32, #tpu.memory_space<hbm>>
      %dma_start3A_1106 = tpu.memref_squeeze %dma_start3A_1105 : memref<1x8192xf32, #tpu.memory_space<hbm>> -> memref<8192xf32, #tpu.memory_space<hbm>>
      %dma_start3A_1107 = arith.constant 0 : i32
      %dma_start3A_1108 = tpu.memref_slice %arg8[%add3A_833, %dma_start3A_1107] : memref<64x8192xf32, #tpu.memory_space<hbm>> -> memref<1x8192xf32, #tpu.memory_space<hbm>>
      %dma_start3A_1109 = tpu.memref_squeeze %dma_start3A_1108 : memref<1x8192xf32, #tpu.memory_space<hbm>> -> memref<8192xf32, #tpu.memory_space<hbm>>
      tpu.enqueue_dma source(%arg10 : memref<8192xf32, #tpu.memory_space<vmem>>) target(%dma_start3A_1109 : memref<8192xf32, #tpu.memory_space<hbm>>) target_semaphore(%run_scoped3A : memref<!tpu.dma_semaphore, #tpu.memory_space<semaphore_mem>>)
      %dma_wait3A_1110 = arith.constant 0 : i32
      %dma_wait3A_1111 = tpu.memref_slice %arg8[%add3A_833, %dma_wait3A_1110] : memref<64x8192xf32, #tpu.memory_space<hbm>> -> memref<1x8192xf32, #tpu.memory_space<hbm>>
      %dma_wait3A_1112 = tpu.memref_squeeze %dma_wait3A_1111 : memref<1x8192xf32, #tpu.memory_space<hbm>> -> memref<8192xf32, #tpu.memory_space<hbm>>
      %dma_wait3A_1113 = arith.constant 0 : i32
      %dma_wait3A_1114 = tpu.memref_slice %arg8[%add3A_833, %dma_wait3A_1113] : memref<64x8192xf32, #tpu.memory_space<hbm>> -> memref<1x8192xf32, #tpu.memory_space<hbm>>
      %dma_wait3A_1115 = tpu.memref_squeeze %dma_wait3A_1114 : memref<1x8192xf32, #tpu.memory_space<hbm>> -> memref<8192xf32, #tpu.memory_space<hbm>>
      tpu.wait_dma2 semaphore(%run_scoped3A : memref<!tpu.dma_semaphore, #tpu.memory_space<semaphore_mem>>) src(%arg10 : memref<8192xf32, #tpu.memory_space<vmem>>) dst(%dma_wait3A_1115 : memref<8192xf32, #tpu.memory_space<hbm>>)
      tpu.yield
    }) : () -> ()
    %dma_start3A_946 = arith.constant 0 : i32
    %dma_start3A_947 = arith.constant 0 : i32
    %dma_start3A_948 = tpu.memref_slice %arg5[%add3A_833, %dma_start3A_946, %dma_start3A_947] : memref<64x64x8192xf32, #tpu.memory_space<hbm>> -> memref<1x2x8192xf32, #tpu.memory_space<hbm>>
    %dma_start3A_949 = tpu.memref_squeeze %dma_start3A_948 : memref<1x2x8192xf32, #tpu.memory_space<hbm>> -> memref<2x8192xf32, #tpu.memory_space<hbm>>
    %dma_start3A_950 = arith.constant 0 : i32
    %dma_start3A_951 = arith.constant 0 : i32
    %dma_start3A_952 = tpu.memref_slice %arg5[%add3A_833, %dma_start3A_950, %dma_start3A_951] : memref<64x64x8192xf32, #tpu.memory_space<hbm>> -> memref<1x2x8192xf32, #tpu.memory_space<hbm>>
    %dma_start3A_953 = tpu.memref_squeeze %dma_start3A_952 : memref<1x2x8192xf32, #tpu.memory_space<hbm>> -> memref<2x8192xf32, #tpu.memory_space<hbm>>
    tpu.enqueue_dma source(%dma_start3A_953 : memref<2x8192xf32, #tpu.memory_space<hbm>>) target(%arg16 : memref<2x8192xf32, #tpu.memory_space<vmem>>) target_semaphore(%arg20 : memref<!tpu.dma_semaphore, #tpu.memory_space<semaphore_mem>>)
    %dma_start3A_954 = arith.constant 2 : i32
    %dma_start3A_955 = arith.constant 0 : i32
    %dma_start3A_956 = tpu.memref_slice %arg5[%add3A_833, %dma_start3A_954, %dma_start3A_955] : memref<64x64x8192xf32, #tpu.memory_space<hbm>> -> memref<1x2x8192xf32, #tpu.memory_space<hbm>>
    %dma_start3A_957 = tpu.memref_squeeze %dma_start3A_956 : memref<1x2x8192xf32, #tpu.memory_space<hbm>> -> memref<2x8192xf32, #tpu.memory_space<hbm>>
    %dma_start3A_958 = arith.constant 2 : i32
    %dma_start3A_959 = arith.constant 0 : i32
    %dma_start3A_960 = tpu.memref_slice %arg5[%add3A_833, %dma_start3A_958, %dma_start3A_959] : memref<64x64x8192xf32, #tpu.memory_space<hbm>> -> memref<1x2x8192xf32, #tpu.memory_space<hbm>>
    %dma_start3A_961 = tpu.memref_squeeze %dma_start3A_960 : memref<1x2x8192xf32, #tpu.memory_space<hbm>> -> memref<2x8192xf32, #tpu.memory_space<hbm>>
    tpu.enqueue_dma source(%dma_start3A_961 : memref<2x8192xf32, #tpu.memory_space<hbm>>) target(%arg17 : memref<2x8192xf32, #tpu.memory_space<vmem>>) target_semaphore(%arg21 : memref<!tpu.dma_semaphore, #tpu.memory_space<semaphore_mem>>)
    %dma_wait3A_962 = arith.constant 0 : i32
    %dma_wait3A_963 = arith.constant 0 : i32
    %dma_wait3A_964 = tpu.memref_slice %arg5[%add3A_833, %dma_wait3A_962, %dma_wait3A_963] : memref<64x64x8192xf32, #tpu.memory_space<hbm>> -> memref<1x2x8192xf32, #tpu.memory_space<hbm>>
    %dma_wait3A_965 = tpu.memref_squeeze %dma_wait3A_964 : memref<1x2x8192xf32, #tpu.memory_space<hbm>> -> memref<2x8192xf32, #tpu.memory_space<hbm>>
    %dma_wait3A_966 = arith.constant 0 : i32
    %dma_wait3A_967 = arith.constant 0 : i32
    %dma_wait3A_968 = tpu.memref_slice %arg5[%add3A_833, %dma_wait3A_966, %dma_wait3A_967] : memref<64x64x8192xf32, #tpu.memory_space<hbm>> -> memref<1x2x8192xf32, #tpu.memory_space<hbm>>
    %dma_wait3A_969 = tpu.memref_squeeze %dma_wait3A_968 : memref<1x2x8192xf32, #tpu.memory_space<hbm>> -> memref<2x8192xf32, #tpu.memory_space<hbm>>
    tpu.wait_dma2 semaphore(%arg20 : memref<!tpu.dma_semaphore, #tpu.memory_space<semaphore_mem>>) src(%dma_wait3A_969 : memref<2x8192xf32, #tpu.memory_space<hbm>>) dst(%arg16 : memref<2x8192xf32, #tpu.memory_space<vmem>>)
    %scan3A_970 = arith.constant 0 : i32
    %scan3A_971 = arith.constant 0 : i32
    %scan3A_972 = arith.constant 512 : i32
    %scan3A_973 = arith.addi %scan3A_971, %scan3A_972 : i32
    %scan3A_974 = arith.constant 1 : i32
    scf.for %scan3A_1104 = %scan3A_971 to %scan3A_973 step %scan3A_974  : i32 {
      %mul3A_1105 = arith.constant 16 : i32
      %mul3A_1106 = arith.muli %scan3A_1104, %mul3A_1105 : i32
      %get3A = arith.index_cast %mul3A_1106 : i32 to index
      %get3A_1107 = tpu.vector_load %arg15[%get3A] {strides = array<i32>} : memref<8192xi32, #tpu.memory_space<vmem>>, vector<16xi32>,
      %mul3A_1108 = arith.constant 16 : i32
      %mul3A_1109 = arith.muli %scan3A_1104, %mul3A_1108 : i32
      %add3A_1110 = vector.broadcast %mul3A_1109 : i32 to vector<16xi32>
      %add3A_1111 = arith.addi %iota3A, %add3A_1110 : vector<16xi32>
      %broadcast_in_dim3A_1112 = arith.constant 0 : i32
      %broadcast_in_dim3A_1113 = vector.broadcast %broadcast_in_dim3A_1112 : i32 to vector<16xi32>
      %gather3A = tpu.vector_load_idx %arg16[%broadcast_in_dim3A_1113, %get3A_1107] : memref<2x8192xf32, #tpu.memory_space<vmem>>[vector<16xi32>, vector<16xi32>], vector<16xf32>,
      tpu.vector_store_idx %arg18[%broadcast_in_dim3A_1113, %add3A_1111], %gather3A : memref<2x8192xf32, #tpu.memory_space<vmem>>[vector<16xi32>, vector<16xi32>], vector<16xf32>,
      %broadcast_in_dim3A_1114 = arith.constant 1 : i32
      %broadcast_in_dim3A_1115 = vector.broadcast %broadcast_in_dim3A_1114 : i32 to vector<16xi32>
      %gather3A_1116 = tpu.vector_load_idx %arg16[%broadcast_in_dim3A_1115, %get3A_1107] : memref<2x8192xf32, #tpu.memory_space<vmem>>[vector<16xi32>, vector<16xi32>], vector<16xf32>,
      tpu.vector_store_idx %arg18[%broadcast_in_dim3A_1115, %add3A_1111], %gather3A_1116 : memref<2x8192xf32, #tpu.memory_space<vmem>>[vector<16xi32>, vector<16xi32>], vector<16xf32>,
    }
    %scan3A_975 = arith.constant 512 : i32
    %dma_start3A_976 = arith.constant 0 : i32
    %dma_start3A_977 = arith.constant 0 : i32
    %dma_start3A_978 = tpu.memref_slice %arg9[%add3A_833, %dma_start3A_976, %dma_start3A_977] : memref<64x64x8192xf32, #tpu.memory_space<hbm>> -> memref<1x2x8192xf32, #tpu.memory_space<hbm>>
    %dma_start3A_979 = tpu.memref_squeeze %dma_start3A_978 : memref<1x2x8192xf32, #tpu.memory_space<hbm>> -> memref<2x8192xf32, #tpu.memory_space<hbm>>
    %dma_start3A_980 = arith.constant 0 : i32
    %dma_start3A_981 = arith.constant 0 : i32
    %dma_start3A_982 = tpu.memref_slice %arg9[%add3A_833, %dma_start3A_980, %dma_start3A_981] : memref<64x64x8192xf32, #tpu.memory_space<hbm>> -> memref<1x2x8192xf32, #tpu.memory_space<hbm>>
    %dma_start3A_983 = tpu.memref_squeeze %dma_start3A_982 : memref<1x2x8192xf32, #tpu.memory_space<hbm>> -> memref<2x8192xf32, #tpu.memory_space<hbm>>
    tpu.enqueue_dma source(%arg18 : memref<2x8192xf32, #tpu.memory_space<vmem>>) target(%dma_start3A_983 : memref<2x8192xf32, #tpu.memory_space<hbm>>) target_semaphore(%arg22 : memref<!tpu.dma_semaphore, #tpu.memory_space<semaphore_mem>>)
    %dma_start3A_984 = arith.constant 4 : i32
    %dma_start3A_985 = arith.constant 0 : i32
    %dma_start3A_986 = tpu.memref_slice %arg5[%add3A_833, %dma_start3A_984, %dma_start3A_985] : memref<64x64x8192xf32, #tpu.memory_space<hbm>> -> memref<1x2x8192xf32, #tpu.memory_space<hbm>>
    %dma_start3A_987 = tpu.memref_squeeze %dma_start3A_986 : memref<1x2x8192xf32, #tpu.memory_space<hbm>> -> memref<2x8192xf32, #tpu.memory_space<hbm>>
    %dma_start3A_988 = arith.constant 4 : i32
    %dma_start3A_989 = arith.constant 0 : i32
    %dma_start3A_990 = tpu.memref_slice %arg5[%add3A_833, %dma_start3A_988, %dma_start3A_989] : memref<64x64x8192xf32, #tpu.memory_space<hbm>> -> memref<1x2x8192xf32, #tpu.memory_space<hbm>>
    %dma_start3A_991 = tpu.memref_squeeze %dma_start3A_990 : memref<1x2x8192xf32, #tpu.memory_space<hbm>> -> memref<2x8192xf32, #tpu.memory_space<hbm>>
    tpu.enqueue_dma source(%dma_start3A_991 : memref<2x8192xf32, #tpu.memory_space<hbm>>) target(%arg16 : memref<2x8192xf32, #tpu.memory_space<vmem>>) target_semaphore(%arg20 : memref<!tpu.dma_semaphore, #tpu.memory_space<semaphore_mem>>)
    %dma_wait3A_992 = arith.constant 2 : i32
    %dma_wait3A_993 = arith.constant 0 : i32
    %dma_wait3A_994 = tpu.memref_slice %arg5[%add3A_833, %dma_wait3A_992, %dma_wait3A_993] : memref<64x64x8192xf32, #tpu.memory_space<hbm>> -> memref<1x2x8192xf32, #tpu.memory_space<hbm>>
    %dma_wait3A_995 = tpu.memref_squeeze %dma_wait3A_994 : memref<1x2x8192xf32, #tpu.memory_space<hbm>> -> memref<2x8192xf32, #tpu.memory_space<hbm>>
    %dma_wait3A_996 = arith.constant 2 : i32
    %dma_wait3A_997 = arith.constant 0 : i32
    %dma_wait3A_998 = tpu.memref_slice %arg5[%add3A_833, %dma_wait3A_996, %dma_wait3A_997] : memref<64x64x8192xf32, #tpu.memory_space<hbm>> -> memref<1x2x8192xf32, #tpu.memory_space<hbm>>
    %dma_wait3A_999 = tpu.memref_squeeze %dma_wait3A_998 : memref<1x2x8192xf32, #tpu.memory_space<hbm>> -> memref<2x8192xf32, #tpu.memory_space<hbm>>
    tpu.wait_dma2 semaphore(%arg21 : memref<!tpu.dma_semaphore, #tpu.memory_space<semaphore_mem>>) src(%dma_wait3A_999 : memref<2x8192xf32, #tpu.memory_space<hbm>>) dst(%arg17 : memref<2x8192xf32, #tpu.memory_space<vmem>>)
    %scan3A_1000 = arith.constant 0 : i32
    %scan3A_1001 = arith.constant 0 : i32
    %scan3A_1002 = arith.constant 512 : i32
    %scan3A_1003 = arith.addi %scan3A_1001, %scan3A_1002 : i32
    %scan3A_1004 = arith.constant 1 : i32
    scf.for %scan3A_1104 = %scan3A_1001 to %scan3A_1003 step %scan3A_1004  : i32 {
      %mul3A_1105 = arith.constant 16 : i32
      %mul3A_1106 = arith.muli %scan3A_1104, %mul3A_1105 : i32
      %get3A = arith.index_cast %mul3A_1106 : i32 to index
      %get3A_1107 = tpu.vector_load %arg15[%get3A] {strides = array<i32>} : memref<8192xi32, #tpu.memory_space<vmem>>, vector<16xi32>,
      %mul3A_1108 = arith.constant 16 : i32
      %mul3A_1109 = arith.muli %scan3A_1104, %mul3A_1108 : i32
      %add3A_1110 = vector.broadcast %mul3A_1109 : i32 to vector<16xi32>
      %add3A_1111 = arith.addi %iota3A, %add3A_1110 : vector<16xi32>
      %broadcast_in_dim3A_1112 = arith.constant 0 : i32
      %broadcast_in_dim3A_1113 = vector.broadcast %broadcast_in_dim3A_1112 : i32 to vector<16xi32>
      %gather3A = tpu.vector_load_idx %arg17[%broadcast_in_dim3A_1113, %get3A_1107] : memref<2x8192xf32, #tpu.memory_space<vmem>>[vector<16xi32>, vector<16xi32>], vector<16xf32>,
      tpu.vector_store_idx %arg19[%broadcast_in_dim3A_1113, %add3A_1111], %gather3A : memref<2x8192xf32, #tpu.memory_space<vmem>>[vector<16xi32>, vector<16xi32>], vector<16xf32>,
      %broadcast_in_dim3A_1114 = arith.constant 1 : i32
      %broadcast_in_dim3A_1115 = vector.broadcast %broadcast_in_dim3A_1114 : i32 to vector<16xi32>
      %gather3A_1116 = tpu.vector_load_idx %arg17[%broadcast_in_dim3A_1115, %get3A_1107] : memref<2x8192xf32, #tpu.memory_space<vmem>>[vector<16xi32>, vector<16xi32>], vector<16xf32>,
      tpu.vector_store_idx %arg19[%broadcast_in_dim3A_1115, %add3A_1111], %gather3A_1116 : memref<2x8192xf32, #tpu.memory_space<vmem>>[vector<16xi32>, vector<16xi32>], vector<16xf32>,
    }
    %scan3A_1005 = arith.constant 512 : i32
    %dma_start3A_1006 = arith.constant 2 : i32
    %dma_start3A_1007 = arith.constant 0 : i32
    %dma_start3A_1008 = tpu.memref_slice %arg9[%add3A_833, %dma_start3A_1006, %dma_start3A_1007] : memref<64x64x8192xf32, #tpu.memory_space<hbm>> -> memref<1x2x8192xf32, #tpu.memory_space<hbm>>
    %dma_start3A_1009 = tpu.memref_squeeze %dma_start3A_1008 : memref<1x2x8192xf32, #tpu.memory_space<hbm>> -> memref<2x8192xf32, #tpu.memory_space<hbm>>
    %dma_start3A_1010 = arith.constant 2 : i32
    %dma_start3A_1011 = arith.constant 0 : i32
    %dma_start3A_1012 = tpu.memref_slice %arg9[%add3A_833, %dma_start3A_1010, %dma_start3A_1011] : memref<64x64x8192xf32, #tpu.memory_space<hbm>> -> memref<1x2x8192xf32, #tpu.memory_space<hbm>>
    %dma_start3A_1013 = tpu.memref_squeeze %dma_start3A_1012 : memref<1x2x8192xf32, #tpu.memory_space<hbm>> -> memref<2x8192xf32, #tpu.memory_space<hbm>>
    tpu.enqueue_dma source(%arg19 : memref<2x8192xf32, #tpu.memory_space<vmem>>) target(%dma_start3A_1013 : memref<2x8192xf32, #tpu.memory_space<hbm>>) target_semaphore(%arg23 : memref<!tpu.dma_semaphore, #tpu.memory_space<semaphore_mem>>)
    %dma_start3A_1014 = arith.constant 6 : i32
    %dma_start3A_1015 = arith.constant 0 : i32
    %dma_start3A_1016 = tpu.memref_slice %arg5[%add3A_833, %dma_start3A_1014, %dma_start3A_1015] : memref<64x64x8192xf32, #tpu.memory_space<hbm>> -> memref<1x2x8192xf32, #tpu.memory_space<hbm>>
    %dma_start3A_1017 = tpu.memref_squeeze %dma_start3A_1016 : memref<1x2x8192xf32, #tpu.memory_space<hbm>> -> memref<2x8192xf32, #tpu.memory_space<hbm>>
    %dma_start3A_1018 = arith.constant 6 : i32
    %dma_start3A_1019 = arith.constant 0 : i32
    %dma_start3A_1020 = tpu.memref_slice %arg5[%add3A_833, %dma_start3A_1018, %dma_start3A_1019] : memref<64x64x8192xf32, #tpu.memory_space<hbm>> -> memref<1x2x8192xf32, #tpu.memory_space<hbm>>
    %dma_start3A_1021 = tpu.memref_squeeze %dma_start3A_1020 : memref<1x2x8192xf32, #tpu.memory_space<hbm>> -> memref<2x8192xf32, #tpu.memory_space<hbm>>
    tpu.enqueue_dma source(%dma_start3A_1021 : memref<2x8192xf32, #tpu.memory_space<hbm>>) target(%arg17 : memref<2x8192xf32, #tpu.memory_space<vmem>>) target_semaphore(%arg21 : memref<!tpu.dma_semaphore, #tpu.memory_space<semaphore_mem>>)
    %scan3A_1022 = arith.constant 0 : i32
    %scan3A_1023 = arith.constant 1 : i32
    %scan3A_1024 = arith.constant 14 : i32
    %scan3A_1025 = arith.addi %scan3A_1023, %scan3A_1024 : i32
    %scan3A_1026 = arith.constant 1 : i32
    scf.for %scan3A_1104 = %scan3A_1023 to %scan3A_1025 step %scan3A_1026  : i32 {
      %mul3A_1105 = arith.constant 2 : i32
      %mul3A_1106 = arith.muli %scan3A_1104, %mul3A_1105 : i32
      %add3A_1107 = arith.constant 0 : i32
      %add3A_1108 = arith.addi %mul3A_1106, %add3A_1107 : i32
      %sub3A = arith.constant 2 : i32
      %sub3A_1109 = arith.subi %add3A_1108, %sub3A : i32
      %mul3A_1110 = arith.constant 2 : i32
      %mul3A_1111 = arith.muli %sub3A_1109, %mul3A_1110 : i32
      %dma_wait3A_1112 = arith.constant 0 : i32
      %dma_wait3A_1113 = tpu.memref_slice %arg9[%add3A_833, %mul3A_1111, %dma_wait3A_1112] : memref<64x64x8192xf32, #tpu.memory_space<hbm>> -> memref<1x2x8192xf32, #tpu.memory_space<hbm>>
      %dma_wait3A_1114 = tpu.memref_squeeze %dma_wait3A_1113 : memref<1x2x8192xf32, #tpu.memory_space<hbm>> -> memref<2x8192xf32, #tpu.memory_space<hbm>>
      %dma_wait3A_1115 = arith.constant 0 : i32
      %dma_wait3A_1116 = tpu.memref_slice %arg9[%add3A_833, %mul3A_1111, %dma_wait3A_1115] : memref<64x64x8192xf32, #tpu.memory_space<hbm>> -> memref<1x2x8192xf32, #tpu.memory_space<hbm>>
      %dma_wait3A_1117 = tpu.memref_squeeze %dma_wait3A_1116 : memref<1x2x8192xf32, #tpu.memory_space<hbm>> -> memref<2x8192xf32, #tpu.memory_space<hbm>>
      tpu.wait_dma2 semaphore(%arg22 : memref<!tpu.dma_semaphore, #tpu.memory_space<semaphore_mem>>) src(%arg18 : memref<2x8192xf32, #tpu.memory_space<vmem>>) dst(%dma_wait3A_1117 : memref<2x8192xf32, #tpu.memory_space<hbm>>)
      %mul3A_1118 = arith.constant 2 : i32
      %mul3A_1119 = arith.muli %add3A_1108, %mul3A_1118 : i32
      %dma_wait3A_1120 = arith.constant 0 : i32
      %dma_wait3A_1121 = tpu.memref_slice %arg5[%add3A_833, %mul3A_1119, %dma_wait3A_1120] : memref<64x64x8192xf32, #tpu.memory_space<hbm>> -> memref<1x2x8192xf32, #tpu.memory_space<hbm>>
      %dma_wait3A_1122 = tpu.memref_squeeze %dma_wait3A_1121 : memref<1x2x8192xf32, #tpu.memory_space<hbm>> -> memref<2x8192xf32, #tpu.memory_space<hbm>>
      %dma_wait3A_1123 = arith.constant 0 : i32
      %dma_wait3A_1124 = tpu.memref_slice %arg5[%add3A_833, %mul3A_1119, %dma_wait3A_1123] : memref<64x64x8192xf32, #tpu.memory_space<hbm>> -> memref<1x2x8192xf32, #tpu.memory_space<hbm>>
      %dma_wait3A_1125 = tpu.memref_squeeze %dma_wait3A_1124 : memref<1x2x8192xf32, #tpu.memory_space<hbm>> -> memref<2x8192xf32, #tpu.memory_space<hbm>>
      tpu.wait_dma2 semaphore(%arg20 : memref<!tpu.dma_semaphore, #tpu.memory_space<semaphore_mem>>) src(%dma_wait3A_1125 : memref<2x8192xf32, #tpu.memory_space<hbm>>) dst(%arg16 : memref<2x8192xf32, #tpu.memory_space<vmem>>)
      %scan3A_1126 = arith.constant 0 : i32
      %scan3A_1127 = arith.constant 0 : i32
      %scan3A_1128 = arith.constant 512 : i32
      %scan3A_1129 = arith.addi %scan3A_1127, %scan3A_1128 : i32
      %scan3A_1130 = arith.constant 1 : i32
      scf.for %scan3A_1196 = %scan3A_1127 to %scan3A_1129 step %scan3A_1130  : i32 {
        %mul3A_1197 = arith.constant 16 : i32
        %mul3A_1198 = arith.muli %scan3A_1196, %mul3A_1197 : i32
        %get3A = arith.index_cast %mul3A_1198 : i32 to index
        %get3A_1199 = tpu.vector_load %arg15[%get3A] {strides = array<i32>} : memref<8192xi32, #tpu.memory_space<vmem>>, vector<16xi32>,
        %mul3A_1200 = arith.constant 16 : i32
        %mul3A_1201 = arith.muli %scan3A_1196, %mul3A_1200 : i32
        %add3A_1202 = vector.broadcast %mul3A_1201 : i32 to vector<16xi32>
        %add3A_1203 = arith.addi %iota3A, %add3A_1202 : vector<16xi32>
        %broadcast_in_dim3A_1204 = arith.constant 0 : i32
        %broadcast_in_dim3A_1205 = vector.broadcast %broadcast_in_dim3A_1204 : i32 to vector<16xi32>
        %gather3A = tpu.vector_load_idx %arg16[%broadcast_in_dim3A_1205, %get3A_1199] : memref<2x8192xf32, #tpu.memory_space<vmem>>[vector<16xi32>, vector<16xi32>], vector<16xf32>,
        tpu.vector_store_idx %arg18[%broadcast_in_dim3A_1205, %add3A_1203], %gather3A : memref<2x8192xf32, #tpu.memory_space<vmem>>[vector<16xi32>, vector<16xi32>], vector<16xf32>,
        %broadcast_in_dim3A_1206 = arith.constant 1 : i32
        %broadcast_in_dim3A_1207 = vector.broadcast %broadcast_in_dim3A_1206 : i32 to vector<16xi32>
        %gather3A_1208 = tpu.vector_load_idx %arg16[%broadcast_in_dim3A_1207, %get3A_1199] : memref<2x8192xf32, #tpu.memory_space<vmem>>[vector<16xi32>, vector<16xi32>], vector<16xf32>,
        tpu.vector_store_idx %arg18[%broadcast_in_dim3A_1207, %add3A_1203], %gather3A_1208 : memref<2x8192xf32, #tpu.memory_space<vmem>>[vector<16xi32>, vector<16xi32>], vector<16xf32>,
      }
      %scan3A_1131 = arith.constant 512 : i32
      %mul3A_1132 = arith.constant 2 : i32
      %mul3A_1133 = arith.muli %add3A_1108, %mul3A_1132 : i32
      %dma_start3A_1134 = arith.constant 0 : i32
      %dma_start3A_1135 = tpu.memref_slice %arg9[%add3A_833, %mul3A_1133, %dma_start3A_1134] : memref<64x64x8192xf32, #tpu.memory_space<hbm>> -> memref<1x2x8192xf32, #tpu.memory_space<hbm>>
      %dma_start3A_1136 = tpu.memref_squeeze %dma_start3A_1135 : memref<1x2x8192xf32, #tpu.memory_space<hbm>> -> memref<2x8192xf32, #tpu.memory_space<hbm>>
      %dma_start3A_1137 = arith.constant 0 : i32
      %dma_start3A_1138 = tpu.memref_slice %arg9[%add3A_833, %mul3A_1133, %dma_start3A_1137] : memref<64x64x8192xf32, #tpu.memory_space<hbm>> -> memref<1x2x8192xf32, #tpu.memory_space<hbm>>
      %dma_start3A_1139 = tpu.memref_squeeze %dma_start3A_1138 : memref<1x2x8192xf32, #tpu.memory_space<hbm>> -> memref<2x8192xf32, #tpu.memory_space<hbm>>
      tpu.enqueue_dma source(%arg18 : memref<2x8192xf32, #tpu.memory_space<vmem>>) target(%dma_start3A_1139 : memref<2x8192xf32, #tpu.memory_space<hbm>>) target_semaphore(%arg22 : memref<!tpu.dma_semaphore, #tpu.memory_space<semaphore_mem>>)
      %add3A_1140 = arith.constant 2 : i32
      %add3A_1141 = arith.addi %add3A_1108, %add3A_1140 : i32
      %mul3A_1142 = arith.constant 2 : i32
      %mul3A_1143 = arith.muli %add3A_1141, %mul3A_1142 : i32
      %dma_start3A_1144 = arith.constant 0 : i32
      %dma_start3A_1145 = tpu.memref_slice %arg5[%add3A_833, %mul3A_1143, %dma_start3A_1144] : memref<64x64x8192xf32, #tpu.memory_space<hbm>> -> memref<1x2x8192xf32, #tpu.memory_space<hbm>>
      %dma_start3A_1146 = tpu.memref_squeeze %dma_start3A_1145 : memref<1x2x8192xf32, #tpu.memory_space<hbm>> -> memref<2x8192xf32, #tpu.memory_space<hbm>>
      %dma_start3A_1147 = arith.constant 0 : i32
      %dma_start3A_1148 = tpu.memref_slice %arg5[%add3A_833, %mul3A_1143, %dma_start3A_1147] : memref<64x64x8192xf32, #tpu.memory_space<hbm>> -> memref<1x2x8192xf32, #tpu.memory_space<hbm>>
      %dma_start3A_1149 = tpu.memref_squeeze %dma_start3A_1148 : memref<1x2x8192xf32, #tpu.memory_space<hbm>> -> memref<2x8192xf32, #tpu.memory_space<hbm>>
      tpu.enqueue_dma source(%dma_start3A_1149 : memref<2x8192xf32, #tpu.memory_space<hbm>>) target(%arg16 : memref<2x8192xf32, #tpu.memory_space<vmem>>) target_semaphore(%arg20 : memref<!tpu.dma_semaphore, #tpu.memory_space<semaphore_mem>>)
      %mul3A_1150 = arith.constant 2 : i32
      %mul3A_1151 = arith.muli %scan3A_1104, %mul3A_1150 : i32
      %add3A_1152 = arith.constant 1 : i32
      %add3A_1153 = arith.addi %mul3A_1151, %add3A_1152 : i32
      %sub3A_1154 = arith.constant 2 : i32
      %sub3A_1155 = arith.subi %add3A_1153, %sub3A_1154 : i32
      %mul3A_1156 = arith.constant 2 : i32
      %mul3A_1157 = arith.muli %sub3A_1155, %mul3A_1156 : i32
      %dma_wait3A_1158 = arith.constant 0 : i32
      %dma_wait3A_1159 = tpu.memref_slice %arg9[%add3A_833, %mul3A_1157, %dma_wait3A_1158] : memref<64x64x8192xf32, #tpu.memory_space<hbm>> -> memref<1x2x8192xf32, #tpu.memory_space<hbm>>
      %dma_wait3A_1160 = tpu.memref_squeeze %dma_wait3A_1159 : memref<1x2x8192xf32, #tpu.memory_space<hbm>> -> memref<2x8192xf32, #tpu.memory_space<hbm>>
      %dma_wait3A_1161 = arith.constant 0 : i32
      %dma_wait3A_1162 = tpu.memref_slice %arg9[%add3A_833, %mul3A_1157, %dma_wait3A_1161] : memref<64x64x8192xf32, #tpu.memory_space<hbm>> -> memref<1x2x8192xf32, #tpu.memory_space<hbm>>
      %dma_wait3A_1163 = tpu.memref_squeeze %dma_wait3A_1162 : memref<1x2x8192xf32, #tpu.memory_space<hbm>> -> memref<2x8192xf32, #tpu.memory_space<hbm>>
      tpu.wait_dma2 semaphore(%arg23 : memref<!tpu.dma_semaphore, #tpu.memory_space<semaphore_mem>>) src(%arg19 : memref<2x8192xf32, #tpu.memory_space<vmem>>) dst(%dma_wait3A_1163 : memref<2x8192xf32, #tpu.memory_space<hbm>>)
      %mul3A_1164 = arith.constant 2 : i32
      %mul3A_1165 = arith.muli %add3A_1153, %mul3A_1164 : i32
      %dma_wait3A_1166 = arith.constant 0 : i32
      %dma_wait3A_1167 = tpu.memref_slice %arg5[%add3A_833, %mul3A_1165, %dma_wait3A_1166] : memref<64x64x8192xf32, #tpu.memory_space<hbm>> -> memref<1x2x8192xf32, #tpu.memory_space<hbm>>
      %dma_wait3A_1168 = tpu.memref_squeeze %dma_wait3A_1167 : memref<1x2x8192xf32, #tpu.memory_space<hbm>> -> memref<2x8192xf32, #tpu.memory_space<hbm>>
      %dma_wait3A_1169 = arith.constant 0 : i32
      %dma_wait3A_1170 = tpu.memref_slice %arg5[%add3A_833, %mul3A_1165, %dma_wait3A_1169] : memref<64x64x8192xf32, #tpu.memory_space<hbm>> -> memref<1x2x8192xf32, #tpu.memory_space<hbm>>
      %dma_wait3A_1171 = tpu.memref_squeeze %dma_wait3A_1170 : memref<1x2x8192xf32, #tpu.memory_space<hbm>> -> memref<2x8192xf32, #tpu.memory_space<hbm>>
      tpu.wait_dma2 semaphore(%arg21 : memref<!tpu.dma_semaphore, #tpu.memory_space<semaphore_mem>>) src(%dma_wait3A_1171 : memref<2x8192xf32, #tpu.memory_space<hbm>>) dst(%arg17 : memref<2x8192xf32, #tpu.memory_space<vmem>>)
      %scan3A_1172 = arith.constant 0 : i32
      %scan3A_1173 = arith.constant 0 : i32
      %scan3A_1174 = arith.constant 512 : i32
      %scan3A_1175 = arith.addi %scan3A_1173, %scan3A_1174 : i32
      %scan3A_1176 = arith.constant 1 : i32
      scf.for %scan3A_1196 = %scan3A_1173 to %scan3A_1175 step %scan3A_1176  : i32 {
        %mul3A_1197 = arith.constant 16 : i32
        %mul3A_1198 = arith.muli %scan3A_1196, %mul3A_1197 : i32
        %get3A = arith.index_cast %mul3A_1198 : i32 to index
        %get3A_1199 = tpu.vector_load %arg15[%get3A] {strides = array<i32>} : memref<8192xi32, #tpu.memory_space<vmem>>, vector<16xi32>,
        %mul3A_1200 = arith.constant 16 : i32
        %mul3A_1201 = arith.muli %scan3A_1196, %mul3A_1200 : i32
        %add3A_1202 = vector.broadcast %mul3A_1201 : i32 to vector<16xi32>
        %add3A_1203 = arith.addi %iota3A, %add3A_1202 : vector<16xi32>
        %broadcast_in_dim3A_1204 = arith.constant 0 : i32
        %broadcast_in_dim3A_1205 = vector.broadcast %broadcast_in_dim3A_1204 : i32 to vector<16xi32>
        %gather3A = tpu.vector_load_idx %arg17[%broadcast_in_dim3A_1205, %get3A_1199] : memref<2x8192xf32, #tpu.memory_space<vmem>>[vector<16xi32>, vector<16xi32>], vector<16xf32>,
        tpu.vector_store_idx %arg19[%broadcast_in_dim3A_1205, %add3A_1203], %gather3A : memref<2x8192xf32, #tpu.memory_space<vmem>>[vector<16xi32>, vector<16xi32>], vector<16xf32>,
        %broadcast_in_dim3A_1206 = arith.constant 1 : i32
        %broadcast_in_dim3A_1207 = vector.broadcast %broadcast_in_dim3A_1206 : i32 to vector<16xi32>
        %gather3A_1208 = tpu.vector_load_idx %arg17[%broadcast_in_dim3A_1207, %get3A_1199] : memref<2x8192xf32, #tpu.memory_space<vmem>>[vector<16xi32>, vector<16xi32>], vector<16xf32>,
        tpu.vector_store_idx %arg19[%broadcast_in_dim3A_1207, %add3A_1203], %gather3A_1208 : memref<2x8192xf32, #tpu.memory_space<vmem>>[vector<16xi32>, vector<16xi32>], vector<16xf32>,
      }
      %scan3A_1177 = arith.constant 512 : i32
      %mul3A_1178 = arith.constant 2 : i32
      %mul3A_1179 = arith.muli %add3A_1153, %mul3A_1178 : i32
      %dma_start3A_1180 = arith.constant 0 : i32
      %dma_start3A_1181 = tpu.memref_slice %arg9[%add3A_833, %mul3A_1179, %dma_start3A_1180] : memref<64x64x8192xf32, #tpu.memory_space<hbm>> -> memref<1x2x8192xf32, #tpu.memory_space<hbm>>
      %dma_start3A_1182 = tpu.memref_squeeze %dma_start3A_1181 : memref<1x2x8192xf32, #tpu.memory_space<hbm>> -> memref<2x8192xf32, #tpu.memory_space<hbm>>
      %dma_start3A_1183 = arith.constant 0 : i32
      %dma_start3A_1184 = tpu.memref_slice %arg9[%add3A_833, %mul3A_1179, %dma_start3A_1183] : memref<64x64x8192xf32, #tpu.memory_space<hbm>> -> memref<1x2x8192xf32, #tpu.memory_space<hbm>>
      %dma_start3A_1185 = tpu.memref_squeeze %dma_start3A_1184 : memref<1x2x8192xf32, #tpu.memory_space<hbm>> -> memref<2x8192xf32, #tpu.memory_space<hbm>>
      tpu.enqueue_dma source(%arg19 : memref<2x8192xf32, #tpu.memory_space<vmem>>) target(%dma_start3A_1185 : memref<2x8192xf32, #tpu.memory_space<hbm>>) target_semaphore(%arg23 : memref<!tpu.dma_semaphore, #tpu.memory_space<semaphore_mem>>)
      %add3A_1186 = arith.constant 2 : i32
      %add3A_1187 = arith.addi %add3A_1153, %add3A_1186 : i32
      %mul3A_1188 = arith.constant 2 : i32
      %mul3A_1189 = arith.muli %add3A_1187, %mul3A_1188 : i32
      %dma_start3A_1190 = arith.constant 0 : i32
      %dma_start3A_1191 = tpu.memref_slice %arg5[%add3A_833, %mul3A_1189, %dma_start3A_1190] : memref<64x64x8192xf32, #tpu.memory_space<hbm>> -> memref<1x2x8192xf32, #tpu.memory_space<hbm>>
      %dma_start3A_1192 = tpu.memref_squeeze %dma_start3A_1191 : memref<1x2x8192xf32, #tpu.memory_space<hbm>> -> memref<2x8192xf32, #tpu.memory_space<hbm>>
      %dma_start3A_1193 = arith.constant 0 : i32
      %dma_start3A_1194 = tpu.memref_slice %arg5[%add3A_833, %mul3A_1189, %dma_start3A_1193] : memref<64x64x8192xf32, #tpu.memory_space<hbm>> -> memref<1x2x8192xf32, #tpu.memory_space<hbm>>
      %dma_start3A_1195 = tpu.memref_squeeze %dma_start3A_1194 : memref<1x2x8192xf32, #tpu.memory_space<hbm>> -> memref<2x8192xf32, #tpu.memory_space<hbm>>
      tpu.enqueue_dma source(%dma_start3A_1195 : memref<2x8192xf32, #tpu.memory_space<hbm>>) target(%arg17 : memref<2x8192xf32, #tpu.memory_space<vmem>>) target_semaphore(%arg21 : memref<!tpu.dma_semaphore, #tpu.memory_space<semaphore_mem>>)
    }
    %scan3A_1027 = arith.constant 14 : i32
    %dma_wait3A_1028 = arith.constant 56 : i32
    %dma_wait3A_1029 = arith.constant 0 : i32
    %dma_wait3A_1030 = tpu.memref_slice %arg9[%add3A_833, %dma_wait3A_1028, %dma_wait3A_1029] : memref<64x64x8192xf32, #tpu.memory_space<hbm>> -> memref<1x2x8192xf32, #tpu.memory_space<hbm>>
    %dma_wait3A_1031 = tpu.memref_squeeze %dma_wait3A_1030 : memref<1x2x8192xf32, #tpu.memory_space<hbm>> -> memref<2x8192xf32, #tpu.memory_space<hbm>>
    %dma_wait3A_1032 = arith.constant 56 : i32
    %dma_wait3A_1033 = arith.constant 0 : i32
    %dma_wait3A_1034 = tpu.memref_slice %arg9[%add3A_833, %dma_wait3A_1032, %dma_wait3A_1033] : memref<64x64x8192xf32, #tpu.memory_space<hbm>> -> memref<1x2x8192xf32, #tpu.memory_space<hbm>>
    %dma_wait3A_1035 = tpu.memref_squeeze %dma_wait3A_1034 : memref<1x2x8192xf32, #tpu.memory_space<hbm>> -> memref<2x8192xf32, #tpu.memory_space<hbm>>
    tpu.wait_dma2 semaphore(%arg22 : memref<!tpu.dma_semaphore, #tpu.memory_space<semaphore_mem>>) src(%arg18 : memref<2x8192xf32, #tpu.memory_space<vmem>>) dst(%dma_wait3A_1035 : memref<2x8192xf32, #tpu.memory_space<hbm>>)
    %dma_wait3A_1036 = arith.constant 60 : i32
    %dma_wait3A_1037 = arith.constant 0 : i32
    %dma_wait3A_1038 = tpu.memref_slice %arg5[%add3A_833, %dma_wait3A_1036, %dma_wait3A_1037] : memref<64x64x8192xf32, #tpu.memory_space<hbm>> -> memref<1x2x8192xf32, #tpu.memory_space<hbm>>
    %dma_wait3A_1039 = tpu.memref_squeeze %dma_wait3A_1038 : memref<1x2x8192xf32, #tpu.memory_space<hbm>> -> memref<2x8192xf32, #tpu.memory_space<hbm>>
    %dma_wait3A_1040 = arith.constant 60 : i32
    %dma_wait3A_1041 = arith.constant 0 : i32
    %dma_wait3A_1042 = tpu.memref_slice %arg5[%add3A_833, %dma_wait3A_1040, %dma_wait3A_1041] : memref<64x64x8192xf32, #tpu.memory_space<hbm>> -> memref<1x2x8192xf32, #tpu.memory_space<hbm>>
    %dma_wait3A_1043 = tpu.memref_squeeze %dma_wait3A_1042 : memref<1x2x8192xf32, #tpu.memory_space<hbm>> -> memref<2x8192xf32, #tpu.memory_space<hbm>>
    tpu.wait_dma2 semaphore(%arg20 : memref<!tpu.dma_semaphore, #tpu.memory_space<semaphore_mem>>) src(%dma_wait3A_1043 : memref<2x8192xf32, #tpu.memory_space<hbm>>) dst(%arg16 : memref<2x8192xf32, #tpu.memory_space<vmem>>)
    %scan3A_1044 = arith.constant 0 : i32
    %scan3A_1045 = arith.constant 0 : i32
    %scan3A_1046 = arith.constant 512 : i32
    %scan3A_1047 = arith.addi %scan3A_1045, %scan3A_1046 : i32
    %scan3A_1048 = arith.constant 1 : i32
    scf.for %scan3A_1104 = %scan3A_1045 to %scan3A_1047 step %scan3A_1048  : i32 {
      %mul3A_1105 = arith.constant 16 : i32
      %mul3A_1106 = arith.muli %scan3A_1104, %mul3A_1105 : i32
      %get3A = arith.index_cast %mul3A_1106 : i32 to index
      %get3A_1107 = tpu.vector_load %arg15[%get3A] {strides = array<i32>} : memref<8192xi32, #tpu.memory_space<vmem>>, vector<16xi32>,
      %mul3A_1108 = arith.constant 16 : i32
      %mul3A_1109 = arith.muli %scan3A_1104, %mul3A_1108 : i32
      %add3A_1110 = vector.broadcast %mul3A_1109 : i32 to vector<16xi32>
      %add3A_1111 = arith.addi %iota3A, %add3A_1110 : vector<16xi32>
      %broadcast_in_dim3A_1112 = arith.constant 0 : i32
      %broadcast_in_dim3A_1113 = vector.broadcast %broadcast_in_dim3A_1112 : i32 to vector<16xi32>
      %gather3A = tpu.vector_load_idx %arg16[%broadcast_in_dim3A_1113, %get3A_1107] : memref<2x8192xf32, #tpu.memory_space<vmem>>[vector<16xi32>, vector<16xi32>], vector<16xf32>,
      tpu.vector_store_idx %arg18[%broadcast_in_dim3A_1113, %add3A_1111], %gather3A : memref<2x8192xf32, #tpu.memory_space<vmem>>[vector<16xi32>, vector<16xi32>], vector<16xf32>,
      %broadcast_in_dim3A_1114 = arith.constant 1 : i32
      %broadcast_in_dim3A_1115 = vector.broadcast %broadcast_in_dim3A_1114 : i32 to vector<16xi32>
      %gather3A_1116 = tpu.vector_load_idx %arg16[%broadcast_in_dim3A_1115, %get3A_1107] : memref<2x8192xf32, #tpu.memory_space<vmem>>[vector<16xi32>, vector<16xi32>], vector<16xf32>,
      tpu.vector_store_idx %arg18[%broadcast_in_dim3A_1115, %add3A_1111], %gather3A_1116 : memref<2x8192xf32, #tpu.memory_space<vmem>>[vector<16xi32>, vector<16xi32>], vector<16xf32>,
    }
    %scan3A_1049 = arith.constant 512 : i32
    %dma_start3A_1050 = arith.constant 60 : i32
    %dma_start3A_1051 = arith.constant 0 : i32
    %dma_start3A_1052 = tpu.memref_slice %arg9[%add3A_833, %dma_start3A_1050, %dma_start3A_1051] : memref<64x64x8192xf32, #tpu.memory_space<hbm>> -> memref<1x2x8192xf32, #tpu.memory_space<hbm>>
    %dma_start3A_1053 = tpu.memref_squeeze %dma_start3A_1052 : memref<1x2x8192xf32, #tpu.memory_space<hbm>> -> memref<2x8192xf32, #tpu.memory_space<hbm>>
    %dma_start3A_1054 = arith.constant 60 : i32
    %dma_start3A_1055 = arith.constant 0 : i32
    %dma_start3A_1056 = tpu.memref_slice %arg9[%add3A_833, %dma_start3A_1054, %dma_start3A_1055] : memref<64x64x8192xf32, #tpu.memory_space<hbm>> -> memref<1x2x8192xf32, #tpu.memory_space<hbm>>
    %dma_start3A_1057 = tpu.memref_squeeze %dma_start3A_1056 : memref<1x2x8192xf32, #tpu.memory_space<hbm>> -> memref<2x8192xf32, #tpu.memory_space<hbm>>
    tpu.enqueue_dma source(%arg18 : memref<2x8192xf32, #tpu.memory_space<vmem>>) target(%dma_start3A_1057 : memref<2x8192xf32, #tpu.memory_space<hbm>>) target_semaphore(%arg22 : memref<!tpu.dma_semaphore, #tpu.memory_space<semaphore_mem>>)
    %dma_wait3A_1058 = arith.constant 58 : i32
    %dma_wait3A_1059 = arith.constant 0 : i32
    %dma_wait3A_1060 = tpu.memref_slice %arg9[%add3A_833, %dma_wait3A_1058, %dma_wait3A_1059] : memref<64x64x8192xf32, #tpu.memory_space<hbm>> -> memref<1x2x8192xf32, #tpu.memory_space<hbm>>
    %dma_wait3A_1061 = tpu.memref_squeeze %dma_wait3A_1060 : memref<1x2x8192xf32, #tpu.memory_space<hbm>> -> memref<2x8192xf32, #tpu.memory_space<hbm>>
    %dma_wait3A_1062 = arith.constant 58 : i32
    %dma_wait3A_1063 = arith.constant 0 : i32
    %dma_wait3A_1064 = tpu.memref_slice %arg9[%add3A_833, %dma_wait3A_1062, %dma_wait3A_1063] : memref<64x64x8192xf32, #tpu.memory_space<hbm>> -> memref<1x2x8192xf32, #tpu.memory_space<hbm>>
    %dma_wait3A_1065 = tpu.memref_squeeze %dma_wait3A_1064 : memref<1x2x8192xf32, #tpu.memory_space<hbm>> -> memref<2x8192xf32, #tpu.memory_space<hbm>>
    tpu.wait_dma2 semaphore(%arg23 : memref<!tpu.dma_semaphore, #tpu.memory_space<semaphore_mem>>) src(%arg19 : memref<2x8192xf32, #tpu.memory_space<vmem>>) dst(%dma_wait3A_1065 : memref<2x8192xf32, #tpu.memory_space<hbm>>)
    %dma_wait3A_1066 = arith.constant 62 : i32
    %dma_wait3A_1067 = arith.constant 0 : i32
    %dma_wait3A_1068 = tpu.memref_slice %arg5[%add3A_833, %dma_wait3A_1066, %dma_wait3A_1067] : memref<64x64x8192xf32, #tpu.memory_space<hbm>> -> memref<1x2x8192xf32, #tpu.memory_space<hbm>>
    %dma_wait3A_1069 = tpu.memref_squeeze %dma_wait3A_1068 : memref<1x2x8192xf32, #tpu.memory_space<hbm>> -> memref<2x8192xf32, #tpu.memory_space<hbm>>
    %dma_wait3A_1070 = arith.constant 62 : i32
    %dma_wait3A_1071 = arith.constant 0 : i32
    %dma_wait3A_1072 = tpu.memref_slice %arg5[%add3A_833, %dma_wait3A_1070, %dma_wait3A_1071] : memref<64x64x8192xf32, #tpu.memory_space<hbm>> -> memref<1x2x8192xf32, #tpu.memory_space<hbm>>
    %dma_wait3A_1073 = tpu.memref_squeeze %dma_wait3A_1072 : memref<1x2x8192xf32, #tpu.memory_space<hbm>> -> memref<2x8192xf32, #tpu.memory_space<hbm>>
    tpu.wait_dma2 semaphore(%arg21 : memref<!tpu.dma_semaphore, #tpu.memory_space<semaphore_mem>>) src(%dma_wait3A_1073 : memref<2x8192xf32, #tpu.memory_space<hbm>>) dst(%arg17 : memref<2x8192xf32, #tpu.memory_space<vmem>>)
    %scan3A_1074 = arith.constant 0 : i32
    %scan3A_1075 = arith.constant 0 : i32
    %scan3A_1076 = arith.constant 512 : i32
    %scan3A_1077 = arith.addi %scan3A_1075, %scan3A_1076 : i32
    %scan3A_1078 = arith.constant 1 : i32
    scf.for %scan3A_1104 = %scan3A_1075 to %scan3A_1077 step %scan3A_1078  : i32 {
      %mul3A_1105 = arith.constant 16 : i32
      %mul3A_1106 = arith.muli %scan3A_1104, %mul3A_1105 : i32
      %get3A = arith.index_cast %mul3A_1106 : i32 to index
      %get3A_1107 = tpu.vector_load %arg15[%get3A] {strides = array<i32>} : memref<8192xi32, #tpu.memory_space<vmem>>, vector<16xi32>,
      %mul3A_1108 = arith.constant 16 : i32
      %mul3A_1109 = arith.muli %scan3A_1104, %mul3A_1108 : i32
      %add3A_1110 = vector.broadcast %mul3A_1109 : i32 to vector<16xi32>
      %add3A_1111 = arith.addi %iota3A, %add3A_1110 : vector<16xi32>
      %broadcast_in_dim3A_1112 = arith.constant 0 : i32
      %broadcast_in_dim3A_1113 = vector.broadcast %broadcast_in_dim3A_1112 : i32 to vector<16xi32>
      %gather3A = tpu.vector_load_idx %arg17[%broadcast_in_dim3A_1113, %get3A_1107] : memref<2x8192xf32, #tpu.memory_space<vmem>>[vector<16xi32>, vector<16xi32>], vector<16xf32>,
      tpu.vector_store_idx %arg19[%broadcast_in_dim3A_1113, %add3A_1111], %gather3A : memref<2x8192xf32, #tpu.memory_space<vmem>>[vector<16xi32>, vector<16xi32>], vector<16xf32>,
      %broadcast_in_dim3A_1114 = arith.constant 1 : i32
      %broadcast_in_dim3A_1115 = vector.broadcast %broadcast_in_dim3A_1114 : i32 to vector<16xi32>
      %gather3A_1116 = tpu.vector_load_idx %arg17[%broadcast_in_dim3A_1115, %get3A_1107] : memref<2x8192xf32, #tpu.memory_space<vmem>>[vector<16xi32>, vector<16xi32>], vector<16xf32>,
      tpu.vector_store_idx %arg19[%broadcast_in_dim3A_1115, %add3A_1111], %gather3A_1116 : memref<2x8192xf32, #tpu.memory_space<vmem>>[vector<16xi32>, vector<16xi32>], vector<16xf32>,
    }
    %scan3A_1079 = arith.constant 512 : i32
    %dma_start3A_1080 = arith.constant 62 : i32
    %dma_start3A_1081 = arith.constant 0 : i32
    %dma_start3A_1082 = tpu.memref_slice %arg9[%add3A_833, %dma_start3A_1080, %dma_start3A_1081] : memref<64x64x8192xf32, #tpu.memory_space<hbm>> -> memref<1x2x8192xf32, #tpu.memory_space<hbm>>
    %dma_start3A_1083 = tpu.memref_squeeze %dma_start3A_1082 : memref<1x2x8192xf32, #tpu.memory_space<hbm>> -> memref<2x8192xf32, #tpu.memory_space<hbm>>
    %dma_start3A_1084 = arith.constant 62 : i32
    %dma_start3A_1085 = arith.constant 0 : i32
    %dma_start3A_1086 = tpu.memref_slice %arg9[%add3A_833, %dma_start3A_1084, %dma_start3A_1085] : memref<64x64x8192xf32, #tpu.memory_space<hbm>> -> memref<1x2x8192xf32, #tpu.memory_space<hbm>>
    %dma_start3A_1087 = tpu.memref_squeeze %dma_start3A_1086 : memref<1x2x8192xf32, #tpu.memory_space<hbm>> -> memref<2x8192xf32, #tpu.memory_space<hbm>>
    tpu.enqueue_dma source(%arg19 : memref<2x8192xf32, #tpu.memory_space<vmem>>) target(%dma_start3A_1087 : memref<2x8192xf32, #tpu.memory_space<hbm>>) target_semaphore(%arg23 : memref<!tpu.dma_semaphore, #tpu.memory_space<semaphore_mem>>)
    %dma_wait3A_1088 = arith.constant 60 : i32
    %dma_wait3A_1089 = arith.constant 0 : i32
    %dma_wait3A_1090 = tpu.memref_slice %arg9[%add3A_833, %dma_wait3A_1088, %dma_wait3A_1089] : memref<64x64x8192xf32, #tpu.memory_space<hbm>> -> memref<1x2x8192xf32, #tpu.memory_space<hbm>>
    %dma_wait3A_1091 = tpu.memref_squeeze %dma_wait3A_1090 : memref<1x2x8192xf32, #tpu.memory_space<hbm>> -> memref<2x8192xf32, #tpu.memory_space<hbm>>
    %dma_wait3A_1092 = arith.constant 60 : i32
    %dma_wait3A_1093 = arith.constant 0 : i32
    %dma_wait3A_1094 = tpu.memref_slice %arg9[%add3A_833, %dma_wait3A_1092, %dma_wait3A_1093] : memref<64x64x8192xf32, #tpu.memory_space<hbm>> -> memref<1x2x8192xf32, #tpu.memory_space<hbm>>
    %dma_wait3A_1095 = tpu.memref_squeeze %dma_wait3A_1094 : memref<1x2x8192xf32, #tpu.memory_space<hbm>> -> memref<2x8192xf32, #tpu.memory_space<hbm>>
    tpu.wait_dma2 semaphore(%arg22 : memref<!tpu.dma_semaphore, #tpu.memory_space<semaphore_mem>>) src(%arg18 : memref<2x8192xf32, #tpu.memory_space<vmem>>) dst(%dma_wait3A_1095 : memref<2x8192xf32, #tpu.memory_space<hbm>>)
    %dma_wait3A_1096 = arith.constant 62 : i32
    %dma_wait3A_1097 = arith.constant 0 : i32
    %dma_wait3A_1098 = tpu.memref_slice %arg9[%add3A_833, %dma_wait3A_1096, %dma_wait3A_1097] : memref<64x64x8192xf32, #tpu.memory_space<hbm>> -> memref<1x2x8192xf32, #tpu.memory_space<hbm>>
    %dma_wait3A_1099 = tpu.memref_squeeze %dma_wait3A_1098 : memref<1x2x8192xf32, #tpu.memory_space<hbm>> -> memref<2x8192xf32, #tpu.memory_space<hbm>>
    %dma_wait3A_1100 = arith.constant 62 : i32
    %dma_wait3A_1101 = arith.constant 0 : i32
    %dma_wait3A_1102 = tpu.memref_slice %arg9[%add3A_833, %dma_wait3A_1100, %dma_wait3A_1101] : memref<64x64x8192xf32, #tpu.memory_space<hbm>> -> memref<1x2x8192xf32, #tpu.memory_space<hbm>>
    %dma_wait3A_1103 = tpu.memref_squeeze %dma_wait3A_1102 : memref<1x2x8192xf32, #tpu.memory_space<hbm>> -> memref<2x8192xf32, #tpu.memory_space<hbm>>
    tpu.wait_dma2 semaphore(%arg23 : memref<!tpu.dma_semaphore, #tpu.memory_space<semaphore_mem>>) src(%arg19 : memref<2x8192xf32, #tpu.memory_space<vmem>>) dst(%dma_wait3A_1103 : memref<2x8192xf32, #tpu.memory_space<hbm>>)
    return
  }
}

</mosaic_0001>

<sc_bundles>
// kernel: kernel.3.cloned.1.call-start
scs
__scs_entry_jumppad:
0x0: {  	(pc) =	sbr.rel $0x88, $3  }
0x1: {  	(tag) =	ssettag $0x0;
	lr =	simm.s32 $0x1  }
0x2: {  	[smem:$0x3F9D] =	sst lr;
	_ =	strace $0xD0000000  }
0x3: {  	_ = 	snop  }
0x4: {  	_ = 	snop  }
0x5: {  	_ = 	snop  }
0x6: {  	_ = 	snop  }
0x7: {  	_ = 	snop  }
__scs_overlays_trampoline_lowered:
0x8: {  	[smem:$0x3FAC] =	sst s0  }
0x9: {  	[smem:$0x3FAD] =	sst s1  }
0xa: {  	[smem:$0x3FAE] =	sst s2  }
0xb: {  	[smem:$0x3FAF] =	sst s3  }
0xc: {  	[smem:$0x3FB0] =	sst s4  }
0xd: {  	[smem:$0x3FB1] =	sst s5  }
0xe: {  	[smem:$0x3FB2] =	sst s6  }
0xf: {  	[smem:$0x3FB3] =	sst s7  }
0x10: {  	[smem:$0x3FB4] =	sst s8  }
0x11: {  	[smem:$0x3FB5] =	sst s9;
	s0 =	simm.s32 @!p0 $0x0  }
0x12: {  	s1 =	sld [smem:$0x3F9B];
	s0 =	simm.s32 @p0 $0x1  }
0x13: {  	[smem:$0x3FB6] =	sst s0;
	s0 =	simm.s32 @!p1 $0x0  }
0x14: {  	s2 =	sld [smem:$0x3F9A];
	s0 =	simm.s32 @p1 $0x1  }
0x15: {  	[smem:$0x3FB7] =	sst s0;
	s0 =	simm.s32 @!p2 $0x0  }
0x16: {  	s3 =	sld [smem:$0x3FDB];
	s0 =	simm.s32 @p2 $0x1  }
0x17: {  	s4 =	simm.s32 $0x1BF5;
	[smem:$0x3FB9] =	sst s0  }
0x18: {  	s0 =	sld [smem:$0x3F9C];
	_ =	swait.ge [sflag:s4], $0x0  }
0x19: {  	s7 =	sld [smem:$0x3F9D]  }
0x1a: {  	s8 =	sadd.s32 $0xFFFFE003, lr  }
0x1b: {  	s9 =	sadd.s32 $0xFFFFFEF7, lr;
	s5 =	simm.s32 $0xFFFFFFFF;
	p2 =	slt.u32 s8, $0xFFFFF086  }
0x1c: {  	p1 =	slt.u32 s9, $0xF7A;
	s5 =	simm.s32 @!p2 $0x0  }
0x1d: {  	s5 =	simm.s32 @p1 $0x1;
	p0 =	seq.s32 s7, s2  }
0x1e: {  	s7 =	smul.u32 @!p0 $0xF7A, s2;
	p2 =	seq.s32 @!p0 s5, $0x0  }
0x1f: {  	s9 =	smul.u32 $0xF7A, s1;
	s8 =	simm.s32 @!p0 $0x1BF5;
	p2 =	por !p2, p0  }
0x20: {  	[sflag:s8] =	ssyncset.s32 @!p0 $0xFFFFF086;
	s6 =	sadd.s32 @!p0 s3, s7;
	s7 =	simm.s32 @!p0 $0x108  }
0x21: {  	s3 =	sadd.s32 s3, s9;
	s6 =	sadd.s32 @!p0 $0x88, s6;
	s7 =	simm.s32 @p2 $0x1082  }
0x22: {  	[simem:s7], [sflag:s8] =	dma.local @!p0 [hbm:s6], $0xF7A  }
0x23: {  	s9 =	sor.u32 $0xD0000000, s2;
	s6 =	simm.s32 $0x108;
	_ =	swait.ge @!p0 [sflag:s8], $0x0  }
0x24: {  	s3 =	sadd.s32 $0x88, s3;
	s6 =	simm.s32 @!p1 $0x1082;
	[sflag:s4] =	ssyncset.s32 $0xFFFFF086  }
0x25: {  	[simem:s6], [sflag:s4] =	dma.local [hbm:s3], $0xF7A  }
0x26: {  	[smem:$0x3F9D] =	sst s1;
	(tag) =	ssettag s2;
	_ =	strace s9  }
0x27: {  	s1 =	sld [smem:$0x3FAD]  }
0x28: {  	s2 =	sld [smem:$0x3FAE]  }
0x29: {  	s4 =	sld [smem:$0x3FB0]  }
0x2a: {  	p0 =	seq.s32 s5, $0x0;
	s5 =	sld [smem:$0x3FB1]  }
0x2b: {  	s6 =	sld [smem:$0x3FB2]  }
0x2c: {  	s7 =	sld [smem:$0x3FB3]  }
0x2d: {  	s3 =	simm.s32 $0x108;
	s8 =	sld [smem:$0x3FB4]  }
0x2e: {  	s3 =	simm.s32 @!p0 $0x1082;
	s9 =	sld [smem:$0x3FB5]  }
0x2f: {  	lr =	sadd.s32 s0, s3;
	s0 =	sld [smem:$0x3FAC]  }
0x30: {  	s3 =	sld [smem:$0x3FAF]  }
0x31: {  	[smem:$0x3FB8] =	sst s10  }
0x32: {  	s10 =	sld [smem:$0x3FB6];
	_ =	sdelay $0x3  }
0x33: {  	p0 =	seq.s32 s10, $0x1;
	s10 =	sld [smem:$0x3FB8];
	_ =	sdelay $0x3  }
0x34: {  	[smem:$0x3FB8] =	sst s10  }
0x35: {  	s10 =	sld [smem:$0x3FB7];
	_ =	sdelay $0x3  }
0x36: {  	p1 =	seq.s32 s10, $0x1;
	s10 =	sld [smem:$0x3FB8];
	_ =	sdelay $0x3  }
0x37: {  	[smem:$0x3FB8] =	sst s10  }
0x38: {  	s10 =	sld [smem:$0x3FB9]  }
0x39: {  	_ = 	snop;
	(pc) =	sbr.ind lr, $3  }
0x3a: {  	_ = 	snop  }
0x3b: {  	_ = 	snop  }
0x3c: {  	p2 =	seq.s32 s10, $0x1;
	s10 =	sld [smem:$0x3FB8]  }
0x3d: {  	_ =	shalt  }
0x3e: {  	_ =	shalt  }
0x3f: {  	_ =	shalt  }
0x40: {  	_ =	shalt  }
0x41: {  	_ =	shalt  }
0x42: {  	_ =	shalt  }
0x43: {  	_ =	shalt  }
0x44: {  	_ =	shalt  }
0x45: {  	_ =	shalt  }
0x46: {  	_ =	shalt  }
0x47: {  	_ =	shalt  }
0x48: {  	_ =	shalt  }
0x49: {  	_ =	shalt  }
0x4a: {  	_ =	shalt  }
0x4b: {  	_ =	shalt  }
0x4c: {  	_ =	shalt  }
0x4d: {  	_ =	shalt  }
0x4e: {  	_ =	shalt  }
0x4f: {  	_ =	shalt  }
0x50: {  	_ =	shalt  }
0x51: {  	_ =	shalt  }
0x52: {  	_ =	shalt  }
0x53: {  	_ =	shalt  }
0x54: {  	_ =	shalt  }
0x55: {  	_ =	shalt  }
0x56: {  	_ =	shalt  }
0x57: {  	_ =	shalt  }
0x58: {  	_ =	shalt  }
0x59: {  	_ =	shalt  }
0x5a: {  	_ =	shalt  }
0x5b: {  	_ =	shalt  }
0x5c: {  	_ =	shalt  }
0x5d: {  	_ =	shalt  }
0x5e: {  	_ =	shalt  }
0x5f: {  	_ =	shalt  }
0x60: {  	_ =	shalt  }
0x61: {  	_ =	shalt  }
0x62: {  	_ =	shalt  }
0x63: {  	_ =	shalt  }
0x64: {  	_ =	shalt  }
0x65: {  	_ =	shalt  }
0x66: {  	_ =	shalt  }
0x67: {  	_ =	shalt  }
0x68: {  	_ =	shalt  }
0x69: {  	_ =	shalt  }
0x6a: {  	_ =	shalt  }
0x6b: {  	_ =	shalt  }
0x6c: {  	_ =	shalt  }
0x6d: {  	_ =	shalt  }
0x6e: {  	_ =	shalt  }
0x6f: {  	_ =	shalt  }
0x70: {  	_ =	shalt  }
0x71: {  	_ =	shalt  }
0x72: {  	_ =	shalt  }
0x73: {  	_ =	shalt  }
0x74: {  	_ =	shalt  }
0x75: {  	_ =	shalt  }
0x76: {  	_ =	shalt  }
0x77: {  	_ =	shalt  }
0x78: {  	_ =	shalt  }
0x79: {  	_ =	shalt  }
0x7a: {  	_ =	shalt  }
0x7b: {  	_ =	shalt  }
0x7c: {  	_ =	shalt  }
0x7d: {  	_ =	shalt  }
0x7e: {  	_ =	shalt  }
0x7f: {  	_ =	shalt  }
0x80: {  	_ =	shalt  }
0x81: {  	_ =	shalt  }
0x82: {  	_ =	shalt  }
0x83: {  	_ =	shalt  }
0x84: {  	_ =	shalt  }
0x85: {  	_ =	shalt  }
0x86: {  	_ =	shalt  }
0x87: {  	_ =	shalt  }
.Lfunc_end0:
.L_simem_size_0:
called_computation_lowered:
.L_overlay_start_0:
0x88: {  	s2 =	sld [smem:$0x3FD9]  }
0x89: {  	s3 =	sld [smem:$0x3FFE];
	_ =	sdelay $0x1  }
0x8a: {  	s1 =	srdreg.scid  }
0x8b: {  	s0 =	sand.u32 $0x1, s1  }
0x8c: {  	s15 =	sshll.u32 s0, $0xA;
	s2 =	sadd.s32 s3, s2  }
0x8d: {  	s2 =	sadd.s32 s2, s15  }
0x8e: {  	[smem:$0x3FC4] =	sst s2  }
0x8f: {  	_ = 	snop  }
0x90: {  	s2 =	sld [smem:$0x3FC9]  }
0x91: {  	s16 =	sld [smem:$0x3FD0]  }
0x92: {  	s4 =	sld [smem:$0x3FC8]  }
0x93: {  	s5 =	sld [smem:$0x3FC7]  }
0x94: {  	s7 =	simm.s32 $0xA;
	s8 =	simm.s32 $0x10;
	s6 =	sld [smem:$0x3FC6]  }
0x95: {  	[smem:s8], [sflag:s7] =	dma.local [hbm:s16], $0x1  }
0x96: {  	_ =	swait.eq [sflag:s7], $0x1  }
0x97: {  	s17 =	sld [smem:$0x10]  }
0x98: {  	s18 =	sld [smem:$0x11];
	[sflag:s7] =	ssyncset.done $0x0  }
0x99: {  	s9 =	sld [smem:$0x12];
	[sflag:s7] =	ssyncadd.s32 $0xFFFFFFFF  }
0x9a: {  	s19 =	sld [smem:$0x13];
	(tm) =	ssettm $0x1  }
0x9b: {  	s10 =	sld [smem:$0x3FFB];
	_ =	sdelay $0x3  }
0x9c: {  	_ =	strace s10  }
0x9d: {  	s10 =	sld [smem:$0x3FFC];
	_ =	sdelay $0x3  }
0x9e: {  	_ =	strace s10  }
0x9f: {  	s10 =	sld [smem:$0x3FFD];
	_ =	sdelay $0x3  }
0xa0: {  	_ =	strace s10  }
0xa1: {  	_ =	strace $0x8FFFFFFF  }
0xa2: {  	s20 =	sld [smem:$0x3FDB];
	_ =	sdelay $0x1  }
0xa3: {  	s11 =	simm.s32 $_scs_section_size  }
0xa4: {  	s12 =	simm.s32 $_size__tile_overlayer_lowered;
	s13 =	simm.s32 $_tile_overlayer_lowered  }
0xa5: {  	s23 =	simm.s32 $0x1BFF;
	s22 =	sshll.u32 s13, $0x1;
	s10 =	sadd.s32 s11, s20  }
0xa6: {  	s14 =	simm.s32 $0x0;
	s21 =	sshll.u32 s12, $0x1;
	s12 =	sadd.s32 s22, s10  }
0xa7: {  	[timem:s14], [sflag:s23] =	dma.local [hbm:s12], s21  }
0xa8: {  	_ =	swait.ge [sflag:s23], s21  }
0xa9: {  	s11 =	ssub.s32 $0x0, s21;
	[sflag:s23] =	ssyncset.done $0x0  }
0xaa: {  	[sflag:s23] =	ssyncadd.s32 s11;
	_ =	sdelay $0x1  }
0xab: {  	s24 =	simm.s32 $0x1B8B  }
0xac: {  	_ =	swait.ge [sflag:s24], $0x1  }
0xad: {  	[sflag:s24] =	ssyncset.done $0x0  }
0xae: {  	s25 =	simm.s32 $0x1B8E;
	[sflag:s24] =	ssyncadd.s32 $0xFFFFFFFF  }
0xaf: {  	s26 =	simm.s32 $execute0_lowered;
	[smem:$0x3FD2] =	sst s25  }
0xb0: {  	s11 =	sshll.u32 s26, $0x1;
	_ =	strace $0x80000046;
	[dreg:$0x1] =	wrdreg $0xFFFFFFFF  }
0xb1: {  	s28 =	simm.s32 $_size_execute0_lowered;
	s10 =	sadd.s32 s10, s11;
	[dreg:$0x0] =	wrdreg $0x0  }
0xb2: {  	s11 =	sshll.u32 s28, $0x1;
	[dreg:$0x2] =	wrdreg s10  }
0xb3: {  	[dreg:$0x3] =	wrdreg s11  }
0xb4: {  	[dreg:$0x4] =	wrdreg $0xC0  }
0xb5: {  	_ =	task [dreg:s14], $0x5FFFF  }
0xb6: {  	[dreg:$0x1] =	wrdreg $0xFFFFFFFF  }
0xb7: {  	[dreg:$0x0] =	wrdreg $0x60  }
0xb8: {  	[dreg:$0x2] =	wrdreg s2  }
0xb9: {  	[dreg:$0x3] =	wrdreg s4  }
0xba: {  	[dreg:$0x4] =	wrdreg s5  }
0xbb: {  	[dreg:$0x5] =	wrdreg s6  }
0xbc: {  	[dreg:$0x6] =	wrdreg s17  }
0xbd: {  	[dreg:$0x7] =	wrdreg s18  }
0xbe: {  	[dreg:$0x8] =	wrdreg s9  }
0xbf: {  	[dreg:$0x9] =	wrdreg s19  }
0xc0: {  	[dreg:$0xa] =	wrdreg $0x9  }
0xc1: {  	_ =	task.clear_ibuf [dreg:s14], $0xBFFFF;
	_ =	strace $0x90000046  }
0xc2: {  	s29 =	simm.s32 $0x9;
	_ =	strace $0x80000048  }
0xc3: {  	_ =	swait.ge [sflag:s29], $0x1  }
0xc4: {  	[sflag:s29] =	ssyncadd.s32 $0xFFFFFFFF  }
0xc5: {  	_ =	strace $0x90000048  }
0xc6: {  	_ =	sfence  }
0xc7: {  	s30 =	sld [smem:$0x0];
	_ =	sdelay $0x2  }
0xc8: {  	s31 =	sshll.u32 s1, $0xD;
	s1 =	sshrl.u32 s1, $0x2  }
0xc9: {  	s3 =	sand.u32 $0x4000, s31;
	s1 =	sadd.s32 s1, s30  }
0xca: {  	s0 =	sor.u32 s3, s0;
	s1 =	sshll.u32 s1, $0x11  }
0xcb: {  	s0 =	sor.u32 s1, s0  }
0xcc: {  	s0 =	sadd.s32 $0x8F2B, s0  }
0xcd: {  	[sflag:s0] =	ssyncadd.remote.s32 $0x1  }
0xce: {  	_ =	sfence.sel $0xFFFF  }
0xcf: {  	[dreg:$0x0] =	wrdreg $0xFFFFFFFF;
	(pc) =	sbr.abs _section_cstart, $3  }
0xd0: {  	[dreg:$0x1] =	wrdreg $0xFFFFFFFF  }
0xd1: {  	_ =	task.clear_ibuf [dreg:s14], $0x2FFFF;
	_ =	strace $0x9FFFFFFF  }
0xd2: {  	(tm) =	ssettm $0x7FFFFFFF  }
0xd3: {  	_ =	shalt  }
tec
execute0_lowered:
.L_overlay_start_1:
0x0: {  	(tag) =	ssettag $0x1  }
0x1: {  	s1 =	rddreg [dreg:$0x0]  }
0x2: {  	s0 =	rddreg [dreg:$0x1];
	s5 =	srdreg.scid  }
0x3: {  	s4 =	rddreg [dreg:$0x2];
	s12 =	stileid.u32;
	s7 =	sand.u32 $0x1, s5  }
0x4: {  	s2 =	rddreg [dreg:$0x3];
	s10 =	sshll.u32 s12, $0x1;
	s9 =	sshll.u32 s7, $0x5  }
0x5: {  	s6 =	rddreg [dreg:$0x4];
	s10 =	sor.u32 s10, s9  }
0x6: {  	s3 =	rddreg [dreg:$0x5];
	s23 =	sshll.u32 s12, $0x8;
	s11 =	sshll.u32 s10, $0xD  }
0x7: {  	s8 =	rddreg [dreg:$0x6];
	s9 =	sor.u32 s23, s11  }
0x8: {  	s24 =	simm.s32 $0x0;
	s5 =	rddreg [dreg:$0x7];
	s9 =	sand.u32 $0x70300, s9  }
0x9: {  	[smem:$0x7FF] =	sst s24;
	s13 =	sor.u32 $0x1, s10;
	s26 =	sshrl.u32 s9, $0x3  }
0xa: {  	_ =	strace $0x80000047;
	s14 =	sshll.u32 s13, $0x7;
	s9 =	sadd.s32 s1, s26  }
0xb: {  	s11 =	sor.u32 s11, s14;
	s16 =	sadd.s32 s6, s26;
	[dreg:$0x9] =	wrdreg s9  }
0xc: {  	s11 =	sand.u32 $0x70380, s11;
	s19 =	sadd.s32 s4, s26;
	[dreg:$0xa] =	wrdreg s16  }
0xd: {  	s11 =	sshrl.u32 s11, $0x3;
	s20 =	sadd.s32 s8, s26;
	[dreg:$0xf] =	wrdreg s19  }
0xe: {  	s1 =	sadd.s32 s1, s11;
	[dreg:$0x10] =	wrdreg s20  }
0xf: {  	s18 =	sadd.s32 s6, s11;
	[dreg:$0xd] =	wrdreg s1  }
0x10: {  	s9 =	sshll.u32 s10, $0x13;
	s21 =	sadd.s32 s4, s11;
	[dreg:$0xe] =	wrdreg s18  }
0x11: {  	s10 =	sshll.u32 s10, $0x10;
	s22 =	sadd.s32 s8, s11;
	[dreg:$0x11] =	wrdreg s21  }
0x12: {  	s7 =	ssub.s32 $0x2, s7;
	s15 =	sadd.s32 s0, s10;
	[dreg:$0x12] =	wrdreg s22  }
0x13: {  	s25 =	sshrl.u32 s7, $0x1;
	s17 =	sadd.s32 s3, s10;
	[dreg:$0xb] =	wrdreg s15  }
0x14: {  	s7 =	ssub.s32 s7, s25;
	s24 =	sadd.s32 s2, s10;
	[dreg:$0xc] =	wrdreg s17  }
0x15: {  	s14 =	sor.u32 $0x40, s10;
	s25 =	sadd.s32 s5, s10;
	[dreg:$0x13] =	wrdreg s24  }
0x16: {  	[dreg:$0x14] =	wrdreg s25;
	s26 =	sadd.s32 s0, s14  }
0x17: {  	s16 =	sor.u32 $0x60, s10;
	s8 =	sadd.s32 s2, s14;
	[dreg:$0x15] =	wrdreg s26  }
0x18: {  	s23 =	sor.u32 $0xE060, s10;
	s14 =	sadd.s32 s0, s16;
	[dreg:$0x16] =	wrdreg s8  }
0x19: {  	s19 =	sadd.s32 s3, s23;
	[dreg:$0x1b] =	wrdreg s14  }
0x1a: {  	s1 =	sshll.u32 s13, $0x10;
	s4 =	sadd.s32 s5, s23;
	[dreg:$0x1f] =	wrdreg s19  }
0x1b: {  	s20 =	sadd.s32 s0, s1;
	[smem:$0x7ED] =	sst s4  }
0x1c: {  	s15 =	sor.u32 $0x20, s10;
	s22 =	sadd.s32 s3, s1;
	[smem:$0x7EE] =	sst s20  }
0x1d: {  	s17 =	sor.u32 $0xE040, s10;
	s10 =	sadd.s32 s0, s15;
	[smem:$0x7EF] =	sst s22  }
0x1e: {  	s11 =	sadd.s32 s3, s15;
	[dreg:$0x17] =	wrdreg s10  }
0x1f: {  	s12 =	sadd.s32 s2, s15;
	[dreg:$0x18] =	wrdreg s11  }
0x20: {  	s18 =	sshll.u32 s13, $0x13;
	s13 =	sadd.s32 s5, s15;
	[dreg:$0x19] =	wrdreg s12  }
0x21: {  	s15 =	sadd.s32 s2, s16;
	[dreg:$0x1a] =	wrdreg s13  }
0x22: {  	s28 =	simm.s32 $0x5;
	s16 =	sadd.s32 s3, s17;
	[dreg:$0x1c] =	wrdreg s15  }
0x23: {  	s23 =	sor.u32 $0x40, s1;
	s17 =	sadd.s32 s5, s17;
	[dreg:$0x1d] =	wrdreg s16  }
0x24: {  	s21 =	sor.u32 $0x20, s1;
	s14 =	sadd.s32 s0, s23;
	[dreg:$0x1e] =	wrdreg s17  }
0x25: {  	s29 =	simm.s32 $0x2000;
	s19 =	sadd.s32 s2, s21;
	[smem:$0x7F2] =	sst s14  }
0x26: {  	s24 =	sor.u32 $0x60, s1;
	s20 =	sadd.s32 s5, s21;
	[smem:$0x7F6] =	sst s19  }
0x27: {  	s30 =	simm.s32 $0x8000;
	s22 =	sadd.s32 s2, s24;
	[smem:$0x7F7] =	sst s20  }
0x28: {  	s25 =	sor.u32 $0xE040, s1;
	s13 =	sadd.s32 s2, s1;
	[smem:$0x7F9] =	sst s22  }
0x29: {  	s26 =	sor.u32 $0xE060, s1;
	s1 =	sadd.s32 s5, s1;
	[smem:$0x7F0] =	sst s13  }
0x2a: {  	s31 =	simm.s32 $0x6000;
	s15 =	sadd.s32 s2, s23;
	[smem:$0x7F1] =	sst s1  }
0x2b: {  	s6 =	simm.s32 $0x100;
	s16 =	sadd.s32 s0, s21;
	[smem:$0x7F3] =	sst s15  }
0x2c: {  	s4 =	simm.s32 $0x4000;
	s17 =	sadd.s32 s3, s21;
	[smem:$0x7F4] =	sst s16  }
0x2d: {  	s8 =	simm.s32 $0xF000;
	s21 =	sadd.s32 s0, s24;
	[smem:$0x7F5] =	sst s17  }
0x2e: {  	s23 =	sadd.s32 s3, s25;
	s24 =	sadd.s32 s5, s25;
	[smem:$0x7F8] =	sst s21  }
0x2f: {  	s25 =	sadd.s32 s3, s26;
	s26 =	sadd.s32 s5, s26;
	[smem:$0x7FA] =	sst s23  }
0x30: {  	s10 =	simm.s32 $0x1;
	s11 =	simm.s32 $0x13000;
	[smem:$0x7FB] =	sst s24  }
0x31: {  	s12 =	simm.s32 $0x2;
	s14 =	simm.s32 $0x3;
	[smem:$0x7FC] =	sst s25  }
0x32: {  	v1 =	vlaneseq.u32;
	[smem:$0x7FD] =	sst s26;
	s24 =	smax.u32 s7, $0x1;
	s25 =	simm.s32 $0x80  }
0x33: {  	v2 =	vmul.u32 $0x200, v1;
	s26 =	simm.s32 $0x400;
	s1 =	simm.s32 $0x9000;
	s7 =	simm.s32 $0xB000  }
0x34: {  	v0 =	vimm.s32 $0x0;
	v3 =	vimm.s32 $0x1;
	v4 =	vimm.s32 $0x80000000;
	s13 =	simm.s32 $0x17000;
	s15 =	simm.s32 $0x4;
	s16 =	simm.s32 $0x0  }
.LBB2_1:
0x35: {  	s17 =	simm.s32 $0x0;
	s19 =	rddreg [dreg:$0x9]  }
0x36: {  	[tilespmem:s17], [sflag:$0x5] =	stream.strided.gather [hbm4b:s19+s25], $0x2000, s26, s25, $0x38;
	[tilespmem:$0x1B000] =	vst v63  }
0x37: {  	_ =	swait.ge [sflag:s28], $0x2000  }
0x38: {  	[sflag:s28] =	ssyncset.done $0x0  }
0x39: {  	s17 =	simm.s32 $0x0;
	[sflag:s28] =	ssyncadd.s32 $0xFFFFE000  }
0x3a: {  	s19 =	simm.s32 $0x40;
	v5 =	vld [tilespmem:s17+$0x0]  }
.LBB2_2:
0x3b: {  	_ =	sdelay $0x1  }
0x3c: {  	p0 =	sne.s32 s19, $0x7FC0  }
.Ltmp0:
0x3d: {  	_ = 	snop;
	(pc) =	sbr.rel @p0 .LBB2_2-.Ltmp0, $4  }
0x3e: {  	v6 =	vshra.s32 v5, $0x1F  }
0x3f: {  	v7 =	vmov v5;
	v6 =	vor.u32 $0x80000000, v6  }
0x40: {  	s20 =	sshra.s32 s19, $0x2;
	v6 =	vxor.u32 v7, v6  }
0x41: {  	s19 =	sadd.s32 $0x40, s19;
	v5 =	vld [tilespmem:s20+$0x0];
	[tilespmem:s17+$0x2000] =	vst v6;
	s17 =	smov.u32 s20  }
0x42: {  	_ =	sdelay $0x3  }
0x43: {  	v6 =	vshra.s32 v5, $0x1F  }
0x44: {  	v6 =	vor.u32 $0x80000000, v6  }
0x45: {  	v5 =	vxor.u32 v5, v6  }
0x46: {  	s19 =	simm.s32 $0x40;
	s20 =	simm.s32 $0x0;
	[tilespmem:s17+$0x2000] =	vst v5;
	s17 =	simm.s32 $0x0  }
.LBB2_4:
0x47: {  	p0 =	sne.s32 s19, $0x3FC0;
	[tilespmem:s20+$0x8000] =	vst v0;
	s20 =	smov.u32 s19;
	s19 =	sadd.s32 $0x40, s19  }
.Ltmp1:
0x48: {  	(pc) =	sbr.rel @p0 .LBB2_4-.Ltmp1, $2  }
0x49: {  	_ =	sdelay $0x2  }
0x4a: {  	s20 =	sshra.s32 s20, $0x2  }
0x4b: {  	v5 =	vor.u32 s17, v2;
	_ =	sdelay $0x3  }
0x4c: {  	[tilespmem:s20+$0x8000] =	vst v0  }
0x4d: {  	v5 =	vld.idx.msk [tilespmem:v5+s29+$0x0], $0xffff;
	_ =	sdelay $0x4  }
0x4e: {  	v5 =	vshll.u32 v5, $0x4  }
0x4f: {  	v5 =	vor.u32 v1, v5  }
0x50: {  	s23 =	simm.s32 $0x1;
	v5 =	vand.u32 $0xFFF, v5  }
0x51: {  	s17 =	simm.s32 $0x2;
	v6 =	vor.u32 s23, v2  }
.LBB2_6:
0x52: {  	p0 =	sne.s32 s17, $0x1FF;
	_ =	sdelay $0x2  }
0x53: {  	[tilespmem:v5+s30+$0x0] =	vst.idx.add.s32.msk $0xffff, v3  }
0x54: {  	v5 =	vld.idx.msk [tilespmem:v6+s29+$0x0], $0xffff;
	_ =	sdelay $0x4  }
.Ltmp2:
0x55: {  	(pc) =	sbr.rel @p0 .LBB2_6-.Ltmp2, $4  }
0x56: {  	v5 =	vshll.u32 v5, $0x4  }
0x57: {  	v5 =	vor.u32 v1, v5  }
0x58: {  	v5 =	vand.u32 $0xFFF, v5  }
0x59: {  	v6 =	vor.u32 s17, v2;
	s17 =	sadd.s32 $0x1, s17  }
0x5a: {  	_ =	sdelay $0x3  }
0x5b: {  	[tilespmem:v5+s30+$0x0] =	vst.idx.add.s32.msk $0xffff, v3  }
0x5c: {  	v5 =	vld.idx.msk [tilespmem:v6+s29+$0x0], $0xffff;
	_ =	sdelay $0x4  }
0x5d: {  	v5 =	vshll.u32 v5, $0x4  }
0x5e: {  	v5 =	vor.u32 v1, v5  }
0x5f: {  	v5 =	vand.u32 $0xFFF, v5;
	_ =	sdelay $0x4  }
0x60: {  	s20 =	simm.s32 $0x0;
	[tilespmem:v5+s30+$0x0] =	vst.idx.add.s32.msk $0xffff, v3  }
0x61: {  	v5 =	vld [tilespmem:s20+$0x8000];
	_ =	sdelay $0x4  }
0x62: {  	(xrf0) =	vadd.scan.msk.s32 $0xffff, v5;
	_ =	sdelay $0x5  }
0x63: {  	v6, _, _ =	vpop (xrf0)  }
0x64: {  	s17 =	simm.s32 $0x0;
	(v2sf) =	vpush v6, $0xF  }
0x65: {  	v5 =	vsub.s32 s17, v5  }
0x66: {  	v5 =	vadd.s32 v6, v5  }
0x67: {  	s19 =	simm.s32 $0x10;
	s21 =	simm.s32 $0x80;
	[tilespmem:s20+$0x8000] =	vst v5;
	s20 =	simm.s32 $0x0  }
.LBB2_8:
0x68: {  	p0 =	sne.s32 s21, $0x3FC0;
	v5 =	vld [tilespmem:s19+$0x8000];
	_ =	sdelay $0x4  }
0x69: {  	(xrf0) =	vadd.scan.msk.s32 $0xffff, v5;
	_ =	sdelay $0x5  }
.Ltmp3:
0x6a: {  	v6, _, _ =	vpop (xrf0);
	s22 =	spop (v2sf);
	(pc) =	sbr.rel @p0 .LBB2_8-.Ltmp3, $4  }
0x6b: {  	(v2sf) =	vpush v6, $0xF;
	s20 =	sadd.s32 s20, s22  }
0x6c: {  	v5 =	vsub.s32 s20, v5  }
0x6d: {  	v5 =	vadd.s32 v6, v5  }
0x6e: {  	[tilespmem:s19+$0x8000] =	vst v5;
	s19 =	sshra.s32 s21, $0x2;
	s21 =	sadd.s32 $0x40, s21  }
0x6f: {  	_ =	sdelay $0x1  }
0x70: {  	v6 =	vld [tilespmem:s19+$0x8000];
	_ =	sdelay $0x4  }
0x71: {  	(xrf0) =	vadd.scan.msk.s32 $0xffff, v6;
	_ =	sdelay $0x3  }
0x72: {  	v5 =	vor.u32 s17, v2;
	s21 =	spop (v2sf)  }
0x73: {  	s21 =	sadd.s32 s20, s21  }
0x74: {  	v7, _, _ =	vpop (xrf0);
	v6 =	vsub.s32 s21, v6  }
0x75: {  	v6 =	vadd.s32 v7, v6  }
0x76: {  	[tilespmem:s19+$0x8000] =	vst v6  }
0x77: {  	v6 =	vld.idx.msk [tilespmem:v5+s29+$0x0], $0xffff;
	_ =	sdelay $0x2  }
0x78: {  	(v2sf) =	vpush v7, $0xF;
	_ =	sdelay $0x1  }
0x79: {  	v7 =	vshll.u32 v6, $0x4  }
0x7a: {  	v7 =	vor.u32 v1, v7  }
0x7b: {  	v8 =	vand.u32 $0xFFF, v7;
	_ =	sdelay $0x4  }
0x7c: {  	v9 =	vld.idx.msk [tilespmem:v8+s30+$0x0], $0xffff;
	_ =	sdelay $0x4  }
0x7d: {  	s22 =	simm.s32 $0x1  }
0x7e: {  	s17 =	simm.s32 $0x2;
	v7 =	vor.u32 s22, v2;
	s23 =	spop (v2sf);
	v10 =	vadd.s32 $0x1, v9  }
.LBB2_10:
0x7f: {  	p0 =	sne.s32 s17, $0x1FF;
	[tilespmem:v8+s30+$0x0] =	vst.idx.msk $0xffff, v10  }
0x80: {  	[tilespmem:v9+s31+$0x0] =	vst.idx.msk $0xffff, v6  }
0x81: {  	[tilespmem:v9+s4+$0x0] =	vst.idx.msk $0xffff, v5;
	v5 =	vmov v7  }
0x82: {  	v6 =	vld.idx.msk [tilespmem:v7+s29+$0x0], $0xffff;
	_ =	sdelay $0x5  }
0x83: {  	v7 =	vshll.u32 v6, $0x4  }
0x84: {  	v7 =	vor.u32 v1, v7  }
0x85: {  	v8 =	vand.u32 $0xFFF, v7;
	_ =	sdelay $0x4  }
0x86: {  	v9 =	vld.idx.msk [tilespmem:v8+s30+$0x0], $0xffff;
	_ =	sdelay $0x1  }
.Ltmp4:
0x87: {  	(pc) =	sbr.rel @p0 .LBB2_10-.Ltmp4, $3  }
0x88: {  	_ =	sdelay $0x1  }
0x89: {  	v7 =	vor.u32 s17, v2  }
0x8a: {  	s17 =	sadd.s32 $0x1, s17;
	v10 =	vadd.s32 $0x1, v9  }
0x8b: {  	_ =	sdelay $0x3  }
0x8c: {  	[tilespmem:v8+s30+$0x0] =	vst.idx.msk $0xffff, v10  }
0x8d: {  	[tilespmem:v9+s31+$0x0] =	vst.idx.msk $0xffff, v6  }
0x8e: {  	[tilespmem:v9+s4+$0x0] =	vst.idx.msk $0xffff, v5  }
0x8f: {  	v5 =	vld.idx.msk [tilespmem:v7+s29+$0x0], $0xffff;
	_ =	sdelay $0x4  }
0x90: {  	v6 =	vshll.u32 v5, $0x4  }
0x91: {  	v6 =	vor.u32 v1, v6  }
0x92: {  	v6 =	vand.u32 $0xFFF, v6;
	_ =	sdelay $0x4  }
0x93: {  	v8 =	vld.idx.msk [tilespmem:v6+s30+$0x0], $0xffff;
	_ =	sdelay $0x5  }
0x94: {  	v63 =	vadd.s32 $0x1, v8  }
0x95: {  	[tilespmem:v6+s30+$0x0] =	vst.idx.msk $0xffff, v63  }
0x96: {  	[tilespmem:v8+s31+$0x0] =	vst.idx.msk $0xffff, v5  }
0x97: {  	s17 =	simm.s32 $0x0;
	s19 =	simm.s32 $0x40;
	s20 =	simm.s32 $0x0;
	[tilespmem:v8+s4+$0x0] =	vst.idx.msk $0xffff, v7  }
.LBB2_12:
0x98: {  	p0 =	sne.s32 s19, $0x3FC0;
	[tilespmem:s20+$0x8000] =	vst v0;
	s20 =	smov.u32 s19;
	s19 =	sadd.s32 $0x40, s19  }
.Ltmp5:
0x99: {  	(pc) =	sbr.rel @p0 .LBB2_12-.Ltmp5, $2  }
0x9a: {  	_ =	sdelay $0x2  }
0x9b: {  	s20 =	sshra.s32 s20, $0x2  }
0x9c: {  	v5 =	vor.u32 s17, v2;
	_ =	sdelay $0x3  }
0x9d: {  	[tilespmem:s20+$0x8000] =	vst v0  }
0x9e: {  	v5 =	vld.idx.msk [tilespmem:v5+s31+$0x0], $0xffff;
	_ =	sdelay $0x4  }
0x9f: {  	v5 =	vshrl.u32 v5, $0x4  }
0xa0: {  	v5 =	vand.u32 $0xFF0, v5  }
0xa1: {  	s23 =	simm.s32 $0x1;
	v5 =	vor.u32 v1, v5  }
0xa2: {  	s17 =	simm.s32 $0x2;
	v6 =	vor.u32 s23, v2  }
.LBB2_14:
0xa3: {  	p0 =	sne.s32 s17, $0x1FF;
	_ =	sdelay $0x2  }
0xa4: {  	[tilespmem:v5+s30+$0x0] =	vst.idx.add.s32.msk $0xffff, v3  }
0xa5: {  	v5 =	vld.idx.msk [tilespmem:v6+s31+$0x0], $0xffff;
	_ =	sdelay $0x4  }
.Ltmp6:
0xa6: {  	(pc) =	sbr.rel @p0 .LBB2_14-.Ltmp6, $4  }
0xa7: {  	v5 =	vshrl.u32 v5, $0x4  }
0xa8: {  	v5 =	vand.u32 $0xFF0, v5  }
0xa9: {  	v5 =	vor.u32 v1, v5  }
0xaa: {  	v6 =	vor.u32 s17, v2;
	s17 =	sadd.s32 $0x1, s17  }
0xab: {  	_ =	sdelay $0x3  }
0xac: {  	[tilespmem:v5+s30+$0x0] =	vst.idx.add.s32.msk $0xffff, v3  }
0xad: {  	v5 =	vld.idx.msk [tilespmem:v6+s31+$0x0], $0xffff;
	_ =	sdelay $0x4  }
0xae: {  	v5 =	vshrl.u32 v5, $0x4  }
0xaf: {  	v5 =	vand.u32 $0xFF0, v5  }
0xb0: {  	v5 =	vor.u32 v1, v5;
	_ =	sdelay $0x4  }
0xb1: {  	s20 =	simm.s32 $0x0;
	[tilespmem:v5+s30+$0x0] =	vst.idx.add.s32.msk $0xffff, v3  }
0xb2: {  	v5 =	vld [tilespmem:s20+$0x8000];
	_ =	sdelay $0x4  }
0xb3: {  	(xrf0) =	vadd.scan.msk.s32 $0xffff, v5;
	_ =	sdelay $0x5  }
0xb4: {  	v6, _, _ =	vpop (xrf0)  }
0xb5: {  	s17 =	simm.s32 $0x0;
	(v2sf) =	vpush v6, $0xF  }
0xb6: {  	v5 =	vsub.s32 s17, v5  }
0xb7: {  	v5 =	vadd.s32 v6, v5  }
0xb8: {  	s19 =	simm.s32 $0x10;
	s21 =	simm.s32 $0x80;
	[tilespmem:s20+$0x8000] =	vst v5;
	s20 =	simm.s32 $0x0  }
.LBB2_16:
0xb9: {  	p0 =	sne.s32 s21, $0x3FC0;
	v5 =	vld [tilespmem:s19+$0x8000];
	_ =	sdelay $0x4  }
0xba: {  	(xrf0) =	vadd.scan.msk.s32 $0xffff, v5;
	_ =	sdelay $0x5  }
.Ltmp7:
0xbb: {  	v6, _, _ =	vpop (xrf0);
	s22 =	spop (v2sf);
	(pc) =	sbr.rel @p0 .LBB2_16-.Ltmp7, $4  }
0xbc: {  	(v2sf) =	vpush v6, $0xF;
	s20 =	sadd.s32 s20, s22  }
0xbd: {  	v5 =	vsub.s32 s20, v5  }
0xbe: {  	v5 =	vadd.s32 v6, v5  }
0xbf: {  	[tilespmem:s19+$0x8000] =	vst v5;
	s19 =	sshra.s32 s21, $0x2;
	s21 =	sadd.s32 $0x40, s21  }
0xc0: {  	_ =	sdelay $0x1  }
0xc1: {  	v5 =	vld [tilespmem:s19+$0x8000];
	_ =	sdelay $0x4  }
0xc2: {  	(xrf0) =	vadd.scan.msk.s32 $0xffff, v5;
	_ =	sdelay $0x3  }
0xc3: {  	v7 =	vor.u32 s17, v2;
	s21 =	spop (v2sf)  }
0xc4: {  	s21 =	sadd.s32 s20, s21  }
0xc5: {  	v6, _, _ =	vpop (xrf0);
	v5 =	vsub.s32 s21, v5  }
0xc6: {  	v5 =	vadd.s32 v6, v5  }
0xc7: {  	[tilespmem:s19+$0x8000] =	vst v5  }
0xc8: {  	v5 =	vld.idx.msk [tilespmem:v7+s31+$0x0], $0xffff;
	_ =	sdelay $0x4  }
0xc9: {  	v8 =	vshrl.u32 v5, $0x4  }
0xca: {  	(v2sf) =	vpush v6, $0xF;
	v6 =	vand.u32 $0xFF0, v8  }
0xcb: {  	v8 =	vor.u32 v1, v6;
	_ =	sdelay $0x4  }
0xcc: {  	v6 =	vld.idx.msk [tilespmem:v8+s30+$0x0], $0xffff;
	_ =	sdelay $0x5  }
0xcd: {  	v9 =	vadd.s32 $0x1, v6  }
0xce: {  	[tilespmem:v8+s30+$0x0] =	vst.idx.msk $0xffff, v9  }
0xcf: {  	[tilespmem:v6+s29+$0x0] =	vst.idx.msk $0xffff, v5  }
0xd0: {  	s22 =	simm.s32 $0x1;
	v7 =	vld.idx.msk [tilespmem:v7+s4+$0x0], $0xffff  }
0xd1: {  	s17 =	simm.s32 $0x2;
	s23 =	spop (v2sf);
	v5 =	vor.u32 s22, v2  }
.LBB2_18:
0xd2: {  	_ =	sdelay $0x2  }
0xd3: {  	p0 =	sne.s32 s17, $0x1FF;
	s19 =	smov.u32 s17;
	s17 =	sadd.s32 $0x1, s17;
	[tilespmem:v6+s1+$0x0] =	vst.idx.msk $0xffff, v7  }
0xd4: {  	v7 =	vld.idx.msk [tilespmem:v5+s31+$0x0], $0xffff;
	_ =	sdelay $0x5  }
0xd5: {  	v6 =	vshrl.u32 v7, $0x4  }
0xd6: {  	v6 =	vand.u32 $0xFF0, v6  }
0xd7: {  	v8 =	vor.u32 v1, v6;
	_ =	sdelay $0x4  }
0xd8: {  	v6 =	vld.idx.msk [tilespmem:v8+s30+$0x0], $0xffff;
	_ =	sdelay $0x5  }
0xd9: {  	v9 =	vadd.s32 $0x1, v6  }
.Ltmp8:
0xda: {  	[tilespmem:v8+s30+$0x0] =	vst.idx.msk $0xffff, v9;
	(pc) =	sbr.rel @p0 .LBB2_18-.Ltmp8, $3  }
0xdb: {  	[tilespmem:v6+s29+$0x0] =	vst.idx.msk $0xffff, v7  }
0xdc: {  	v7 =	vld.idx.msk [tilespmem:v5+s4+$0x0], $0xffff;
	_ =	sdelay $0x1  }
0xdd: {  	v5 =	vor.u32 s19, v2  }
0xde: {  	_ =	sdelay $0x3  }
0xdf: {  	[tilespmem:v6+s1+$0x0] =	vst.idx.msk $0xffff, v7  }
0xe0: {  	v6 =	vld.idx.msk [tilespmem:v5+s31+$0x0], $0xffff;
	_ =	sdelay $0x4  }
0xe1: {  	v7 =	vshrl.u32 v6, $0x4  }
0xe2: {  	v7 =	vand.u32 $0xFF0, v7  }
0xe3: {  	v7 =	vor.u32 v1, v7;
	_ =	sdelay $0x4  }
0xe4: {  	v8 =	vld.idx.msk [tilespmem:v7+s30+$0x0], $0xffff;
	_ =	sdelay $0x5  }
0xe5: {  	v9 =	vadd.s32 $0x1, v8  }
0xe6: {  	[tilespmem:v7+s30+$0x0] =	vst.idx.msk $0xffff, v9  }
0xe7: {  	[tilespmem:v8+s29+$0x0] =	vst.idx.msk $0xffff, v6  }
0xe8: {  	v5 =	vld.idx.msk [tilespmem:v5+s4+$0x0], $0xffff;
	_ =	sdelay $0x4  }
0xe9: {  	s17 =	simm.s32 $0x0;
	s19 =	simm.s32 $0x40;
	s20 =	simm.s32 $0x0;
	[tilespmem:v8+s1+$0x0] =	vst.idx.msk $0xffff, v5  }
.LBB2_20:
0xea: {  	p0 =	sne.s32 s19, $0x3FC0;
	[tilespmem:s20+$0x8000] =	vst v0;
	s20 =	smov.u32 s19;
	s19 =	sadd.s32 $0x40, s19  }
.Ltmp9:
0xeb: {  	(pc) =	sbr.rel @p0 .LBB2_20-.Ltmp9, $2  }
0xec: {  	_ =	sdelay $0x2  }
0xed: {  	s20 =	sshra.s32 s20, $0x2  }
0xee: {  	v5 =	vor.u32 s17, v2;
	_ =	sdelay $0x3  }
0xef: {  	[tilespmem:s20+$0x8000] =	vst v0  }
0xf0: {  	v5 =	vld.idx.msk [tilespmem:v5+s29+$0x0], $0xffff;
	_ =	sdelay $0x4  }
0xf1: {  	v5 =	vshrl.u32 v5, $0xC  }
0xf2: {  	v5 =	vand.u32 $0xFF0, v5  }
0xf3: {  	s23 =	simm.s32 $0x1;
	v5 =	vor.u32 v1, v5  }
0xf4: {  	s17 =	simm.s32 $0x2;
	v6 =	vor.u32 s23, v2  }
.LBB2_22:
0xf5: {  	p0 =	sne.s32 s17, $0x1FF;
	_ =	sdelay $0x2  }
0xf6: {  	[tilespmem:v5+s30+$0x0] =	vst.idx.add.s32.msk $0xffff, v3  }
0xf7: {  	v5 =	vld.idx.msk [tilespmem:v6+s29+$0x0], $0xffff;
	_ =	sdelay $0x4  }
.Ltmp10:
0xf8: {  	(pc) =	sbr.rel @p0 .LBB2_22-.Ltmp10, $4  }
0xf9: {  	v5 =	vshrl.u32 v5, $0xC  }
0xfa: {  	v5 =	vand.u32 $0xFF0, v5  }
0xfb: {  	v5 =	vor.u32 v1, v5  }
0xfc: {  	v6 =	vor.u32 s17, v2;
	s17 =	sadd.s32 $0x1, s17  }
0xfd: {  	_ =	sdelay $0x3  }
0xfe: {  	[tilespmem:v5+s30+$0x0] =	vst.idx.add.s32.msk $0xffff, v3  }
0xff: {  	v5 =	vld.idx.msk [tilespmem:v6+s29+$0x0], $0xffff;
	_ =	sdelay $0x4  }
0x100: {  	v5 =	vshrl.u32 v5, $0xC  }
0x101: {  	v5 =	vand.u32 $0xFF0, v5  }
0x102: {  	v5 =	vor.u32 v1, v5;
	_ =	sdelay $0x4  }
0x103: {  	s20 =	simm.s32 $0x0;
	[tilespmem:v5+s30+$0x0] =	vst.idx.add.s32.msk $0xffff, v3  }
0x104: {  	v5 =	vld [tilespmem:s20+$0x8000];
	_ =	sdelay $0x4  }
0x105: {  	(xrf0) =	vadd.scan.msk.s32 $0xffff, v5;
	_ =	sdelay $0x5  }
0x106: {  	v6, _, _ =	vpop (xrf0)  }
0x107: {  	s17 =	simm.s32 $0x0;
	(v2sf) =	vpush v6, $0xF  }
0x108: {  	v5 =	vsub.s32 s17, v5  }
0x109: {  	v5 =	vadd.s32 v6, v5  }
0x10a: {  	s19 =	simm.s32 $0x10;
	s21 =	simm.s32 $0x80;
	[tilespmem:s20+$0x8000] =	vst v5;
	s20 =	simm.s32 $0x0  }
.LBB2_24:
0x10b: {  	p0 =	sne.s32 s21, $0x3FC0;
	v5 =	vld [tilespmem:s19+$0x8000];
	_ =	sdelay $0x4  }
0x10c: {  	(xrf0) =	vadd.scan.msk.s32 $0xffff, v5;
	_ =	sdelay $0x5  }
.Ltmp11:
0x10d: {  	v6, _, _ =	vpop (xrf0);
	s22 =	spop (v2sf);
	(pc) =	sbr.rel @p0 .LBB2_24-.Ltmp11, $4  }
0x10e: {  	(v2sf) =	vpush v6, $0xF;
	s20 =	sadd.s32 s20, s22  }
0x10f: {  	v5 =	vsub.s32 s20, v5  }
0x110: {  	v5 =	vadd.s32 v6, v5  }
0x111: {  	[tilespmem:s19+$0x8000] =	vst v5;
	s19 =	sshra.s32 s21, $0x2;
	s21 =	sadd.s32 $0x40, s21  }
0x112: {  	_ =	sdelay $0x1  }
0x113: {  	v5 =	vld [tilespmem:s19+$0x8000];
	_ =	sdelay $0x4  }
0x114: {  	(xrf0) =	vadd.scan.msk.s32 $0xffff, v5;
	_ =	sdelay $0x3  }
0x115: {  	v7 =	vor.u32 s17, v2;
	s21 =	spop (v2sf)  }
0x116: {  	s21 =	sadd.s32 s20, s21  }
0x117: {  	v6, _, _ =	vpop (xrf0);
	v5 =	vsub.s32 s21, v5  }
0x118: {  	v5 =	vadd.s32 v6, v5  }
0x119: {  	[tilespmem:s19+$0x8000] =	vst v5  }
0x11a: {  	v5 =	vld.idx.msk [tilespmem:v7+s29+$0x0], $0xffff;
	_ =	sdelay $0x4  }
0x11b: {  	v8 =	vshrl.u32 v5, $0xC  }
0x11c: {  	(v2sf) =	vpush v6, $0xF;
	v6 =	vand.u32 $0xFF0, v8  }
0x11d: {  	v8 =	vor.u32 v1, v6;
	_ =	sdelay $0x4  }
0x11e: {  	v6 =	vld.idx.msk [tilespmem:v8+s30+$0x0], $0xffff;
	_ =	sdelay $0x5  }
0x11f: {  	v9 =	vadd.s32 $0x1, v6  }
0x120: {  	[tilespmem:v8+s30+$0x0] =	vst.idx.msk $0xffff, v9  }
0x121: {  	[tilespmem:v6+s31+$0x0] =	vst.idx.msk $0xffff, v5  }
0x122: {  	s22 =	simm.s32 $0x1;
	v7 =	vld.idx.msk [tilespmem:v7+s1+$0x0], $0xffff  }
0x123: {  	s17 =	simm.s32 $0x2;
	s23 =	spop (v2sf);
	v5 =	vor.u32 s22, v2  }
.LBB2_26:
0x124: {  	_ =	sdelay $0x2  }
0x125: {  	p0 =	sne.s32 s17, $0x1FF;
	s19 =	smov.u32 s17;
	s17 =	sadd.s32 $0x1, s17;
	[tilespmem:v6+s4+$0x0] =	vst.idx.msk $0xffff, v7  }
0x126: {  	v7 =	vld.idx.msk [tilespmem:v5+s29+$0x0], $0xffff;
	_ =	sdelay $0x5  }
0x127: {  	v6 =	vshrl.u32 v7, $0xC  }
0x128: {  	v6 =	vand.u32 $0xFF0, v6  }
0x129: {  	v8 =	vor.u32 v1, v6;
	_ =	sdelay $0x4  }
0x12a: {  	v6 =	vld.idx.msk [tilespmem:v8+s30+$0x0], $0xffff;
	_ =	sdelay $0x5  }
0x12b: {  	v9 =	vadd.s32 $0x1, v6  }
.Ltmp12:
0x12c: {  	[tilespmem:v8+s30+$0x0] =	vst.idx.msk $0xffff, v9;
	(pc) =	sbr.rel @p0 .LBB2_26-.Ltmp12, $3  }
0x12d: {  	[tilespmem:v6+s31+$0x0] =	vst.idx.msk $0xffff, v7  }
0x12e: {  	v7 =	vld.idx.msk [tilespmem:v5+s1+$0x0], $0xffff;
	_ =	sdelay $0x1  }
0x12f: {  	v5 =	vor.u32 s19, v2  }
0x130: {  	_ =	sdelay $0x3  }
0x131: {  	[tilespmem:v6+s4+$0x0] =	vst.idx.msk $0xffff, v7  }
0x132: {  	v6 =	vld.idx.msk [tilespmem:v5+s29+$0x0], $0xffff;
	_ =	sdelay $0x4  }
0x133: {  	v7 =	vshrl.u32 v6, $0xC  }
0x134: {  	v7 =	vand.u32 $0xFF0, v7  }
0x135: {  	v7 =	vor.u32 v1, v7;
	_ =	sdelay $0x4  }
0x136: {  	v8 =	vld.idx.msk [tilespmem:v7+s30+$0x0], $0xffff;
	_ =	sdelay $0x5  }
0x137: {  	v9 =	vadd.s32 $0x1, v8  }
0x138: {  	[tilespmem:v7+s30+$0x0] =	vst.idx.msk $0xffff, v9  }
0x139: {  	[tilespmem:v8+s31+$0x0] =	vst.idx.msk $0xffff, v6  }
0x13a: {  	v5 =	vld.idx.msk [tilespmem:v5+s1+$0x0], $0xffff;
	_ =	sdelay $0x4  }
0x13b: {  	s17 =	simm.s32 $0x0;
	s19 =	simm.s32 $0x40;
	s20 =	simm.s32 $0x0;
	[tilespmem:v8+s4+$0x0] =	vst.idx.msk $0xffff, v5  }
.LBB2_28:
0x13c: {  	p0 =	sne.s32 s19, $0x3FC0;
	[tilespmem:s20+$0x8000] =	vst v0;
	s20 =	smov.u32 s19;
	s19 =	sadd.s32 $0x40, s19  }
.Ltmp13:
0x13d: {  	(pc) =	sbr.rel @p0 .LBB2_28-.Ltmp13, $2  }
0x13e: {  	_ =	sdelay $0x2  }
0x13f: {  	s20 =	sshra.s32 s20, $0x2  }
0x140: {  	v5 =	vor.u32 s17, v2;
	_ =	sdelay $0x3  }
0x141: {  	[tilespmem:s20+$0x8000] =	vst v0  }
0x142: {  	v5 =	vld.idx.msk [tilespmem:v5+s31+$0x0], $0xffff;
	_ =	sdelay $0x4  }
0x143: {  	v5 =	vshrl.u32 v5, $0x14  }
0x144: {  	v5 =	vand.u32 $0xFF0, v5  }
0x145: {  	s23 =	simm.s32 $0x1;
	v5 =	vor.u32 v1, v5  }
0x146: {  	s17 =	simm.s32 $0x2;
	v6 =	vor.u32 s23, v2  }
.LBB2_30:
0x147: {  	p0 =	sne.s32 s17, $0x1FF;
	_ =	sdelay $0x2  }
0x148: {  	[tilespmem:v5+s30+$0x0] =	vst.idx.add.s32.msk $0xffff, v3  }
0x149: {  	v5 =	vld.idx.msk [tilespmem:v6+s31+$0x0], $0xffff;
	_ =	sdelay $0x4  }
.Ltmp14:
0x14a: {  	(pc) =	sbr.rel @p0 .LBB2_30-.Ltmp14, $4  }
0x14b: {  	v5 =	vshrl.u32 v5, $0x14  }
0x14c: {  	v5 =	vand.u32 $0xFF0, v5  }
0x14d: {  	v5 =	vor.u32 v1, v5  }
0x14e: {  	v6 =	vor.u32 s17, v2;
	s17 =	sadd.s32 $0x1, s17  }
0x14f: {  	_ =	sdelay $0x3  }
0x150: {  	[tilespmem:v5+s30+$0x0] =	vst.idx.add.s32.msk $0xffff, v3  }
0x151: {  	v5 =	vld.idx.msk [tilespmem:v6+s31+$0x0], $0xffff;
	_ =	sdelay $0x4  }
0x152: {  	v5 =	vshrl.u32 v5, $0x14  }
0x153: {  	v5 =	vand.u32 $0xFF0, v5  }
0x154: {  	v5 =	vor.u32 v1, v5;
	_ =	sdelay $0x4  }
0x155: {  	s20 =	simm.s32 $0x0;
	[tilespmem:v5+s30+$0x0] =	vst.idx.add.s32.msk $0xffff, v3  }
0x156: {  	v5 =	vld [tilespmem:s20+$0x8000];
	_ =	sdelay $0x4  }
0x157: {  	(xrf0) =	vadd.scan.msk.s32 $0xffff, v5;
	_ =	sdelay $0x5  }
0x158: {  	v6, _, _ =	vpop (xrf0)  }
0x159: {  	s17 =	simm.s32 $0x0;
	(v2sf) =	vpush v6, $0xF  }
0x15a: {  	v5 =	vsub.s32 s17, v5  }
0x15b: {  	v5 =	vadd.s32 v6, v5  }
0x15c: {  	s19 =	simm.s32 $0x10;
	s21 =	simm.s32 $0x80;
	[tilespmem:s20+$0x8000] =	vst v5;
	s20 =	simm.s32 $0x0  }
.LBB2_32:
0x15d: {  	p0 =	sne.s32 s21, $0x3FC0;
	v5 =	vld [tilespmem:s19+$0x8000];
	_ =	sdelay $0x4  }
0x15e: {  	(xrf0) =	vadd.scan.msk.s32 $0xffff, v5;
	_ =	sdelay $0x5  }
.Ltmp15:
0x15f: {  	v6, _, _ =	vpop (xrf0);
	s22 =	spop (v2sf);
	(pc) =	sbr.rel @p0 .LBB2_32-.Ltmp15, $4  }
0x160: {  	(v2sf) =	vpush v6, $0xF;
	s20 =	sadd.s32 s20, s22  }
0x161: {  	v5 =	vsub.s32 s20, v5  }
0x162: {  	v5 =	vadd.s32 v6, v5  }
0x163: {  	[tilespmem:s19+$0x8000] =	vst v5;
	s19 =	sshra.s32 s21, $0x2;
	s21 =	sadd.s32 $0x40, s21  }
0x164: {  	v5 =	vld [tilespmem:s19+$0x8000];
	_ =	sdelay $0x4  }
0x165: {  	(xrf0) =	vadd.scan.msk.s32 $0xffff, v5;
	_ =	sdelay $0x5  }
0x166: {  	v6, _, _ =	vpop (xrf0)  }
0x167: {  	(v2sf) =	vpush v6, $0xF;
	_ =	sdelay $0xa  }
0x168: {  	s21 =	spop (v2sf)  }
0x169: {  	s20 =	sadd.s32 s20, s21  }
0x16a: {  	v5 =	vsub.s32 s20, v5  }
0x16b: {  	v5 =	vadd.s32 v6, v5  }
0x16c: {  	[tilespmem:s19+$0x8000] =	vst v5;
	s23 =	spop (v2sf)  }
.LBB2_34:
0x16d: {  	v5 =	vor.u32 s17, v2;
	_ =	sdelay $0x4  }
0x16e: {  	v6 =	vld.idx.msk [tilespmem:v5+s31+$0x0], $0xffff;
	_ =	sdelay $0x4  }
0x16f: {  	v7 =	vshrl.u32 v6, $0x14  }
0x170: {  	v7 =	vand.u32 $0xFF0, v7  }
0x171: {  	v7 =	vor.u32 v1, v7;
	_ =	sdelay $0x4  }
0x172: {  	v8 =	vld.idx.msk [tilespmem:v7+s30+$0x0], $0xffff;
	_ =	sdelay $0x5  }
0x173: {  	v9 =	vadd.s32 $0x1, v8  }
0x174: {  	[tilespmem:v7+s30+$0x0] =	vst.idx.msk $0xffff, v9  }
0x175: {  	[tilespmem:v8+s29+$0x0] =	vst.idx.msk $0xffff, v6  }
0x176: {  	p0 =	sne.s32 s17, $0x1FF;
	v5 =	vld.idx.msk [tilespmem:v5+s4+$0x0], $0xffff  }
.Ltmp16:
0x177: {  	_ = 	snop;
	(pc) =	sbr.rel @p0 .LBB2_34-.Ltmp16, $2  }
0x178: {  	_ =	sdelay $0x2  }
0x179: {  	s17 =	sadd.s32 $0x1, s17;
	[tilespmem:v8+s1+$0x0] =	vst.idx.msk $0xffff, v5  }
0x17a: {  	s17 =	simm.s32 $0x0  }
0x17b: {  	s19 =	simm.s32 $0x40;
	v5 =	vld [tilespmem:s17+$0x2000]  }
.LBB2_36:
0x17c: {  	_ =	sdelay $0x1  }
0x17d: {  	p0 =	sne.s32 s19, $0x7FC0  }
.Ltmp17:
0x17e: {  	_ = 	snop;
	(pc) =	sbr.rel @p0 .LBB2_36-.Ltmp17, $4  }
0x17f: {  	vm0 =	vgt.s32 v5, $0xFFFFFFFF  }
0x180: {  	v6 =	vmov v5;
	v7 =	vsel vm0, $0xFFFFFFFF, v4  }
0x181: {  	s20 =	sshra.s32 s19, $0x2;
	v6 =	vxor.u32 v6, v7  }
0x182: {  	s19 =	sadd.s32 $0x40, s19;
	v5 =	vld [tilespmem:s20+$0x2000];
	[tilespmem:s17+$0x0] =	vst v6;
	s17 =	smov.u32 s20  }
0x183: {  	_ =	sdelay $0x3  }
0x184: {  	vm0 =	vgt.s32 v5, $0xFFFFFFFF  }
0x185: {  	v6 =	vsel vm0, $0xFFFFFFFF, v4  }
0x186: {  	v5 =	vxor.u32 v5, v6  }
0x187: {  	s19 =	rddreg [dreg:$0xa];
	[tilespmem:s17+$0x0] =	vst v5;
	s17 =	simm.s32 $0x0  }
0x188: {  	[hbm4b:s19+s25] =	stream.strided.scatter [tilespmem:s17], [sflag:$0x5], $0x2000, s26, s25, $0x38;
	[tilespmem:$0x1B000] =	vst v63  }
0x189: {  	_ =	swait.ge [sflag:s28], $0x2000  }
0x18a: {  	[sflag:s28] =	ssyncset.done $0x0  }
0x18b: {  	s22 =	rddreg [dreg:$0xb];
	[sflag:s28] =	ssyncadd.s32 $0xFFFFE000  }
0x18c: {  	[tilespmem:s7], [sflag:$0x1] =	stream.strided.gather [hbm4b:s22+s6], $0x4000, s26, s6, $0x38;
	[tilespmem:$0x1B000] =	vst v63  }
0x18d: {  	s23 =	rddreg [dreg:$0x17]  }
0x18e: {  	[tilespmem:s8], [sflag:$0x2] =	stream.strided.gather [hbm4b:s23+s6], $0x4000, s26, s6, $0x38;
	[tilespmem:$0x1B000] =	vst v63  }
0x18f: {  	_ =	swait.ge [sflag:s10], $0x4000  }
0x190: {  	[sflag:s10] =	ssyncset.done $0x0  }
0x191: {  	s19 =	simm.s32 $0x9000;
	[sflag:s10] =	ssyncadd.s32 $0xFFFFC000  }
0x192: {  	s20 =	simm.s32 $0x10;
	v5 =	vld [tilespmem:s19+$0x0]  }
.LBB2_38:
0x193: {  	p0 =	sne.s32 s20, $0x1FF0;
	_ =	sdelay $0x3  }
0x194: {  	v6 =	vshll.u32 v5, $0x1  }
0x195: {  	v5 =	vand.u32 $0x7F, v5;
	v6 =	vand.u32 $0xFFFFFF00, v6  }
0x196: {  	v5 =	vor.u32 v5, v6;
	_ =	sdelay $0x2  }
0x197: {  	v6 =	vmov s17  }
0x198: {  	v7 =	vor.u32 s17, v1;
	s17 =	smov.u32 s20;
	v6 =	vshll.u32 v6, $0x1  }
0x199: {  	v7 =	vand.u32 $0x7F, v7;
	v6 =	vand.u32 $0x3F00, v6;
	v8 =	vld.idx.msk [tilespmem:v5+s7+$0x0], $0xffff  }
0x19a: {  	v6 =	vor.u32 v7, v6  }
0x19b: {  	v5 =	vor.u32 $0x80, v5;
	_ =	sdelay $0x3  }
0x19c: {  	[tilespmem:v6+s11+$0x0] =	vst.idx.msk $0xffff, v8  }
0x19d: {  	v5 =	vld.idx.msk [tilespmem:v5+s7+$0x0], $0xffff  }
0x19e: {  	v6 =	vor.u32 $0x80, v6;
	_ =	sdelay $0x1  }
.Ltmp18:
0x19f: {  	(pc) =	sbr.rel @p0 .LBB2_38-.Ltmp18, $3  }
0x1a0: {  	_ =	sdelay $0x1  }
0x1a1: {  	s19 =	sadd.s32 $0x10, s19;
	[tilespmem:v6+s11+$0x0] =	vst.idx.msk $0xffff, v5  }
0x1a2: {  	s20 =	sadd.s32 $0x10, s20;
	v5 =	vld [tilespmem:s19+$0x0]  }
0x1a3: {  	_ =	sdelay $0x3  }
0x1a4: {  	v6 =	vshll.u32 v5, $0x1  }
0x1a5: {  	v5 =	vand.u32 $0x7F, v5;
	v6 =	vand.u32 $0xFFFFFF00, v6  }
0x1a6: {  	v5 =	vor.u32 v5, v6;
	_ =	sdelay $0x1  }
0x1a7: {  	v6 =	vmov s17  }
0x1a8: {  	v7 =	vor.u32 s17, v1;
	v6 =	vshll.u32 v6, $0x1  }
0x1a9: {  	v7 =	vand.u32 $0x7F, v7;
	v6 =	vand.u32 $0x3F00, v6  }
0x1aa: {  	v6 =	vor.u32 v7, v6;
	v8 =	vld.idx.msk [tilespmem:v5+s7+$0x0], $0xffff  }
0x1ab: {  	v5 =	vor.u32 $0x80, v5;
	_ =	sdelay $0x3  }
0x1ac: {  	[tilespmem:v6+s11+$0x0] =	vst.idx.msk $0xffff, v8  }
0x1ad: {  	v6 =	vor.u32 $0x80, v6;
	v5 =	vld.idx.msk [tilespmem:v5+s7+$0x0], $0xffff;
	_ =	sdelay $0x4  }
0x1ae: {  	s22 =	rddreg [dreg:$0xc];
	[tilespmem:v6+s11+$0x0] =	vst.idx.msk $0xffff, v5  }
0x1af: {  	[hbm4b:s22+s6] =	stream.strided.scatter [tilespmem:s11], [sflag:$0x3], $0x4000, s26, s6, $0x38;
	[tilespmem:$0x1B000] =	vst v63  }
0x1b0: {  	s23 =	rddreg [dreg:$0x15]  }
0x1b1: {  	[tilespmem:s7], [sflag:$0x1] =	stream.strided.gather [hbm4b:s23+s6], $0x4000, s26, s6, $0x38;
	[tilespmem:$0x1B000] =	vst v63  }
0x1b2: {  	_ =	swait.ge [sflag:s12], $0x4000  }
0x1b3: {  	[sflag:s12] =	ssyncset.done $0x0  }
0x1b4: {  	s19 =	simm.s32 $0x9000;
	[sflag:s12] =	ssyncadd.s32 $0xFFFFC000  }
0x1b5: {  	s20 =	simm.s32 $0x10;
	s17 =	simm.s32 $0x0;
	v5 =	vld [tilespmem:s19+$0x0]  }
.LBB2_40:
0x1b6: {  	p0 =	sne.s32 s20, $0x1FF0;
	_ =	sdelay $0x3  }
0x1b7: {  	v6 =	vshll.u32 v5, $0x1  }
0x1b8: {  	v5 =	vand.u32 $0x7F, v5;
	v6 =	vand.u32 $0xFFFFFF00, v6  }
0x1b9: {  	v5 =	vor.u32 v5, v6;
	_ =	sdelay $0x2  }
0x1ba: {  	v6 =	vmov s17  }
0x1bb: {  	v7 =	vor.u32 s17, v1;
	s17 =	smov.u32 s20;
	v6 =	vshll.u32 v6, $0x1  }
0x1bc: {  	v7 =	vand.u32 $0x7F, v7;
	v6 =	vand.u32 $0x3F00, v6;
	v8 =	vld.idx.msk [tilespmem:v5+s8+$0x0], $0xffff  }
0x1bd: {  	v6 =	vor.u32 v7, v6  }
0x1be: {  	v5 =	vor.u32 $0x80, v5;
	_ =	sdelay $0x3  }
0x1bf: {  	[tilespmem:v6+s13+$0x0] =	vst.idx.msk $0xffff, v8  }
0x1c0: {  	v5 =	vld.idx.msk [tilespmem:v5+s8+$0x0], $0xffff  }
0x1c1: {  	v6 =	vor.u32 $0x80, v6;
	_ =	sdelay $0x1  }
.Ltmp19:
0x1c2: {  	(pc) =	sbr.rel @p0 .LBB2_40-.Ltmp19, $3  }
0x1c3: {  	_ =	sdelay $0x1  }
0x1c4: {  	s19 =	sadd.s32 $0x10, s19;
	[tilespmem:v6+s13+$0x0] =	vst.idx.msk $0xffff, v5  }
0x1c5: {  	s20 =	sadd.s32 $0x10, s20;
	v5 =	vld [tilespmem:s19+$0x0]  }
0x1c6: {  	_ =	sdelay $0x3  }
0x1c7: {  	v6 =	vshll.u32 v5, $0x1  }
0x1c8: {  	v5 =	vand.u32 $0x7F, v5;
	v6 =	vand.u32 $0xFFFFFF00, v6  }
0x1c9: {  	v5 =	vor.u32 v5, v6;
	_ =	sdelay $0x1  }
0x1ca: {  	v6 =	vmov s17  }
0x1cb: {  	v7 =	vor.u32 s17, v1;
	v6 =	vshll.u32 v6, $0x1  }
0x1cc: {  	v7 =	vand.u32 $0x7F, v7;
	v6 =	vand.u32 $0x3F00, v6  }
0x1cd: {  	v6 =	vor.u32 v7, v6;
	v8 =	vld.idx.msk [tilespmem:v5+s8+$0x0], $0xffff  }
0x1ce: {  	v5 =	vor.u32 $0x80, v5;
	_ =	sdelay $0x3  }
0x1cf: {  	[tilespmem:v6+s13+$0x0] =	vst.idx.msk $0xffff, v8  }
0x1d0: {  	v6 =	vor.u32 $0x80, v6;
	v5 =	vld.idx.msk [tilespmem:v5+s8+$0x0], $0xffff;
	_ =	sdelay $0x4  }
0x1d1: {  	s22 =	rddreg [dreg:$0x18];
	[tilespmem:v6+s13+$0x0] =	vst.idx.msk $0xffff, v5  }
0x1d2: {  	[hbm4b:s22+s6] =	stream.strided.scatter [tilespmem:s13], [sflag:$0x4], $0x4000, s26, s6, $0x38;
	[tilespmem:$0x1B000] =	vst v63  }
0x1d3: {  	s23 =	rddreg [dreg:$0x1b];
	s17 =	simm.s32 $0x1  }
0x1d4: {  	[tilespmem:s8], [sflag:$0x2] =	stream.strided.gather [hbm4b:s23+s6], $0x4000, s26, s6, $0x38;
	[tilespmem:$0x1B000] =	vst v63  }
.LBB2_42:
0x1d5: {  	_ =	swait.ge [sflag:s14], $0x4000  }
0x1d6: {  	[sflag:s14] =	ssyncset.done $0x0  }
0x1d7: {  	[sflag:s14] =	ssyncadd.s32 $0xFFFFC000  }
0x1d8: {  	_ =	swait.ge [sflag:s10], $0x4000  }
0x1d9: {  	[sflag:s10] =	ssyncset.done $0x0  }
0x1da: {  	s20 =	simm.s32 $0x9000;
	[sflag:s10] =	ssyncadd.s32 $0xFFFFC000  }
0x1db: {  	s19 =	simm.s32 $0x0;
	s21 =	simm.s32 $0x10;
	v5 =	vld [tilespmem:s20+$0x0]  }
.LBB2_43:
0x1dc: {  	p0 =	sne.s32 s21, $0x1FF0;
	_ =	sdelay $0x3  }
0x1dd: {  	v6 =	vshll.u32 v5, $0x1  }
0x1de: {  	v5 =	vand.u32 $0x7F, v5;
	v6 =	vand.u32 $0xFFFFFF00, v6  }
0x1df: {  	v5 =	vor.u32 v5, v6;
	_ =	sdelay $0x2  }
0x1e0: {  	v6 =	vmov s19  }
0x1e1: {  	v7 =	vor.u32 s19, v1;
	s19 =	smov.u32 s21;
	v6 =	vshll.u32 v6, $0x1  }
0x1e2: {  	v7 =	vand.u32 $0x7F, v7;
	v6 =	vand.u32 $0x3F00, v6;
	v8 =	vld.idx.msk [tilespmem:v5+s7+$0x0], $0xffff  }
0x1e3: {  	v6 =	vor.u32 v7, v6  }
0x1e4: {  	v5 =	vor.u32 $0x80, v5;
	_ =	sdelay $0x3  }
0x1e5: {  	[tilespmem:v6+s11+$0x0] =	vst.idx.msk $0xffff, v8  }
0x1e6: {  	v5 =	vld.idx.msk [tilespmem:v5+s7+$0x0], $0xffff  }
0x1e7: {  	v6 =	vor.u32 $0x80, v6;
	_ =	sdelay $0x1  }
.Ltmp20:
0x1e8: {  	(pc) =	sbr.rel @p0 .LBB2_43-.Ltmp20, $3  }
0x1e9: {  	_ =	sdelay $0x1  }
0x1ea: {  	s20 =	sadd.s32 $0x10, s20;
	[tilespmem:v6+s11+$0x0] =	vst.idx.msk $0xffff, v5  }
0x1eb: {  	s21 =	sadd.s32 $0x10, s21;
	v5 =	vld [tilespmem:s20+$0x0]  }
0x1ec: {  	_ =	sdelay $0x3  }
0x1ed: {  	v6 =	vshll.u32 v5, $0x1  }
0x1ee: {  	v5 =	vand.u32 $0x7F, v5;
	v6 =	vand.u32 $0xFFFFFF00, v6  }
0x1ef: {  	v5 =	vor.u32 v5, v6;
	_ =	sdelay $0x1  }
0x1f0: {  	v6 =	vmov s19  }
0x1f1: {  	v7 =	vor.u32 s19, v1;
	v6 =	vshll.u32 v6, $0x1  }
0x1f2: {  	v7 =	vand.u32 $0x7F, v7;
	v6 =	vand.u32 $0x3F00, v6  }
0x1f3: {  	v6 =	vor.u32 v7, v6;
	v8 =	vld.idx.msk [tilespmem:v5+s7+$0x0], $0xffff  }
0x1f4: {  	v5 =	vor.u32 $0x80, v5;
	_ =	sdelay $0x3  }
0x1f5: {  	[tilespmem:v6+s11+$0x0] =	vst.idx.msk $0xffff, v8  }
0x1f6: {  	s22 =	sshll.u32 s17, $0x9;
	s20 =	sshll.u32 s17, $0xF;
	v6 =	vor.u32 $0x80, v6;
	v5 =	vld.idx.msk [tilespmem:v5+s7+$0x0], $0xffff  }
0x1f7: {  	s20 =	sand.u32 $0x70000, s20;
	s19 =	sand.u32 $0x200, s22  }
0x1f8: {  	s19 =	sor.u32 s20, s19  }
0x1f9: {  	s19 =	sor.u32 s9, s19  }
0x1fa: {  	s20 =	sshrl.u32 s19, $0x3;
	s19 =	sshll.u32 s17, $0x2  }
0x1fb: {  	s21 =	sadd.s32 s3, s20;
	s23 =	sadd.s32 $0x4, s19;
	[tilespmem:v6+s11+$0x0] =	vst.idx.msk $0xffff, v5  }
0x1fc: {  	[hbm4b:s21+s6] =	stream.strided.scatter [tilespmem:s11], [sflag:$0x3], $0x4000, s26, s6, $0x38;
	[tilespmem:$0x1B000] =	vst v63  }
0x1fd: {  	s22 =	sshll.u32 s23, $0x7;
	s21 =	sshll.u32 s23, $0xD  }
0x1fe: {  	s22 =	sand.u32 $0x200, s22;
	s21 =	sand.u32 $0xF0000, s21  }
0x1ff: {  	s21 =	sor.u32 s21, s22  }
0x200: {  	s21 =	sor.u32 s9, s21  }
0x201: {  	s21 =	sshrl.u32 s21, $0x3  }
0x202: {  	s21 =	sadd.s32 s0, s21  }
0x203: {  	[tilespmem:s7], [sflag:$0x1] =	stream.strided.gather [hbm4b:s21+s6], $0x4000, s26, s6, $0x38;
	[tilespmem:$0x1B000] =	vst v63  }
0x204: {  	_ =	swait.ge [sflag:s15], $0x4000  }
0x205: {  	[sflag:s15] =	ssyncset.done $0x0  }
0x206: {  	[sflag:s15] =	ssyncadd.s32 $0xFFFFC000  }
0x207: {  	_ =	swait.ge [sflag:s12], $0x4000  }
0x208: {  	[sflag:s12] =	ssyncset.done $0x0  }
0x209: {  	s22 =	simm.s32 $0x9000;
	[sflag:s12] =	ssyncadd.s32 $0xFFFFC000  }
0x20a: {  	s23 =	simm.s32 $0x10;
	s21 =	simm.s32 $0x0;
	v5 =	vld [tilespmem:s22+$0x0]  }
.LBB2_45:
0x20b: {  	p0 =	sne.s32 s23, $0x1FF0;
	_ =	sdelay $0x3  }
0x20c: {  	v6 =	vshll.u32 v5, $0x1  }
0x20d: {  	v5 =	vand.u32 $0x7F, v5;
	v6 =	vand.u32 $0xFFFFFF00, v6  }
0x20e: {  	v5 =	vor.u32 v5, v6;
	_ =	sdelay $0x2  }
0x20f: {  	v6 =	vmov s21  }
0x210: {  	v7 =	vor.u32 s21, v1;
	s21 =	smov.u32 s23;
	v6 =	vshll.u32 v6, $0x1  }
0x211: {  	v7 =	vand.u32 $0x7F, v7;
	v6 =	vand.u32 $0x3F00, v6;
	v8 =	vld.idx.msk [tilespmem:v5+s8+$0x0], $0xffff  }
0x212: {  	v6 =	vor.u32 v7, v6  }
0x213: {  	v5 =	vor.u32 $0x80, v5;
	_ =	sdelay $0x3  }
0x214: {  	[tilespmem:v6+s13+$0x0] =	vst.idx.msk $0xffff, v8  }
0x215: {  	v5 =	vld.idx.msk [tilespmem:v5+s8+$0x0], $0xffff  }
0x216: {  	v6 =	vor.u32 $0x80, v6;
	_ =	sdelay $0x1  }
.Ltmp21:
0x217: {  	(pc) =	sbr.rel @p0 .LBB2_45-.Ltmp21, $3  }
0x218: {  	_ =	sdelay $0x1  }
0x219: {  	s22 =	sadd.s32 $0x10, s22;
	[tilespmem:v6+s13+$0x0] =	vst.idx.msk $0xffff, v5  }
0x21a: {  	s23 =	sadd.s32 $0x10, s23;
	v5 =	vld [tilespmem:s22+$0x0]  }
0x21b: {  	_ =	sdelay $0x3  }
0x21c: {  	v6 =	vshll.u32 v5, $0x1  }
0x21d: {  	v5 =	vand.u32 $0x7F, v5;
	v6 =	vand.u32 $0xFFFFFF00, v6  }
0x21e: {  	v5 =	vor.u32 v5, v6;
	_ =	sdelay $0x1  }
0x21f: {  	v6 =	vmov s21  }
0x220: {  	v7 =	vor.u32 s21, v1;
	v6 =	vshll.u32 v6, $0x1  }
0x221: {  	v7 =	vand.u32 $0x7F, v7;
	v6 =	vand.u32 $0x3F00, v6  }
0x222: {  	v6 =	vor.u32 v7, v6;
	v8 =	vld.idx.msk [tilespmem:v5+s8+$0x0], $0xffff  }
0x223: {  	v5 =	vor.u32 $0x80, v5;
	_ =	sdelay $0x3  }
0x224: {  	[tilespmem:v6+s13+$0x0] =	vst.idx.msk $0xffff, v8  }
0x225: {  	v6 =	vor.u32 $0x80, v6;
	v5 =	vld.idx.msk [tilespmem:v5+s8+$0x0], $0xffff;
	_ =	sdelay $0x3  }
0x226: {  	s20 =	sadd.s32 s20, s3;
	s19 =	sadd.s32 $0x6, s19;
	s17 =	sadd.s32 $0x1, s17  }
0x227: {  	s20 =	sadd.s32 $0x20, s20;
	s23 =	sshll.u32 s19, $0x7;
	s19 =	sshll.u32 s19, $0xD;
	[tilespmem:v6+s13+$0x0] =	vst.idx.msk $0xffff, v5  }
0x228: {  	[hbm4b:s20+s6] =	stream.strided.scatter [tilespmem:s13], [sflag:$0x4], $0x4000, s26, s6, $0x38;
	[tilespmem:$0x1B000] =	vst v63  }
0x229: {  	p0 =	sne.s32 s17, $0xF;
	s19 =	sand.u32 $0xF0000, s19;
	s20 =	sand.u32 $0x300, s23  }
.Ltmp22:
0x22a: {  	s19 =	sor.u32 s19, s20;
	(pc) =	sbr.rel @p0 .LBB2_42-.Ltmp22, $4  }
0x22b: {  	s19 =	sor.u32 s9, s19  }
0x22c: {  	s19 =	sshrl.u32 s19, $0x3  }
0x22d: {  	s19 =	sadd.s32 s0, s19  }
0x22e: {  	[tilespmem:s8], [sflag:$0x2] =	stream.strided.gather [hbm4b:s19+s6], $0x4000, s26, s6, $0x38;
	[tilespmem:$0x1B000] =	vst v63  }
0x22f: {  	_ =	swait.ge [sflag:s14], $0x4000  }
0x230: {  	[sflag:s14] =	ssyncset.done $0x0  }
0x231: {  	[sflag:s14] =	ssyncadd.s32 $0xFFFFC000  }
0x232: {  	_ =	swait.ge [sflag:s10], $0x4000  }
0x233: {  	[sflag:s10] =	ssyncset.done $0x0  }
0x234: {  	s19 =	simm.s32 $0x9000;
	[sflag:s10] =	ssyncadd.s32 $0xFFFFC000  }
0x235: {  	s17 =	simm.s32 $0x0;
	s20 =	simm.s32 $0x10;
	v5 =	vld [tilespmem:s19+$0x0]  }
.LBB2_48:
0x236: {  	p0 =	sne.s32 s20, $0x1FF0;
	_ =	sdelay $0x3  }
0x237: {  	v6 =	vshll.u32 v5, $0x1  }
0x238: {  	v5 =	vand.u32 $0x7F, v5;
	v6 =	vand.u32 $0xFFFFFF00, v6  }
0x239: {  	v5 =	vor.u32 v5, v6;
	_ =	sdelay $0x2  }
0x23a: {  	v6 =	vmov s17  }
0x23b: {  	v7 =	vor.u32 s17, v1;
	s17 =	smov.u32 s20;
	v6 =	vshll.u32 v6, $0x1  }
0x23c: {  	v7 =	vand.u32 $0x7F, v7;
	v6 =	vand.u32 $0x3F00, v6;
	v8 =	vld.idx.msk [tilespmem:v5+s7+$0x0], $0xffff  }
0x23d: {  	v6 =	vor.u32 v7, v6  }
0x23e: {  	v5 =	vor.u32 $0x80, v5;
	_ =	sdelay $0x3  }
0x23f: {  	[tilespmem:v6+s11+$0x0] =	vst.idx.msk $0xffff, v8  }
0x240: {  	v5 =	vld.idx.msk [tilespmem:v5+s7+$0x0], $0xffff  }
0x241: {  	v6 =	vor.u32 $0x80, v6;
	_ =	sdelay $0x1  }
.Ltmp23:
0x242: {  	(pc) =	sbr.rel @p0 .LBB2_48-.Ltmp23, $3  }
0x243: {  	_ =	sdelay $0x1  }
0x244: {  	s19 =	sadd.s32 $0x10, s19;
	[tilespmem:v6+s11+$0x0] =	vst.idx.msk $0xffff, v5  }
0x245: {  	s20 =	sadd.s32 $0x10, s20;
	v5 =	vld [tilespmem:s19+$0x0]  }
0x246: {  	_ =	sdelay $0x3  }
0x247: {  	v6 =	vshll.u32 v5, $0x1  }
0x248: {  	v5 =	vand.u32 $0x7F, v5;
	v6 =	vand.u32 $0xFFFFFF00, v6  }
0x249: {  	v5 =	vor.u32 v5, v6;
	_ =	sdelay $0x1  }
0x24a: {  	v6 =	vmov s17  }
0x24b: {  	v7 =	vor.u32 s17, v1;
	v6 =	vshll.u32 v6, $0x1  }
0x24c: {  	v7 =	vand.u32 $0x7F, v7;
	v6 =	vand.u32 $0x3F00, v6  }
0x24d: {  	v6 =	vor.u32 v7, v6;
	v8 =	vld.idx.msk [tilespmem:v5+s7+$0x0], $0xffff  }
0x24e: {  	v5 =	vor.u32 $0x80, v5;
	_ =	sdelay $0x3  }
0x24f: {  	[tilespmem:v6+s11+$0x0] =	vst.idx.msk $0xffff, v8  }
0x250: {  	v6 =	vor.u32 $0x80, v6;
	v5 =	vld.idx.msk [tilespmem:v5+s7+$0x0], $0xffff;
	_ =	sdelay $0x4  }
0x251: {  	s23 =	rddreg [dreg:$0x1d];
	[tilespmem:v6+s11+$0x0] =	vst.idx.msk $0xffff, v5  }
0x252: {  	[hbm4b:s23+s6] =	stream.strided.scatter [tilespmem:s11], [sflag:$0x3], $0x4000, s26, s6, $0x38;
	[tilespmem:$0x1B000] =	vst v63  }
0x253: {  	_ =	swait.ge [sflag:s15], $0x4000  }
0x254: {  	[sflag:s15] =	ssyncset.done $0x0  }
0x255: {  	[sflag:s15] =	ssyncadd.s32 $0xFFFFC000  }
0x256: {  	_ =	swait.ge [sflag:s12], $0x4000  }
0x257: {  	[sflag:s12] =	ssyncset.done $0x0  }
0x258: {  	s19 =	simm.s32 $0x9000;
	[sflag:s12] =	ssyncadd.s32 $0xFFFFC000  }
0x259: {  	s20 =	simm.s32 $0x10;
	s17 =	simm.s32 $0x0;
	v5 =	vld [tilespmem:s19+$0x0]  }
.LBB2_50:
0x25a: {  	p0 =	sne.s32 s20, $0x1FF0;
	_ =	sdelay $0x3  }
0x25b: {  	v6 =	vshll.u32 v5, $0x1  }
0x25c: {  	v5 =	vand.u32 $0x7F, v5;
	v6 =	vand.u32 $0xFFFFFF00, v6  }
0x25d: {  	v5 =	vor.u32 v5, v6;
	_ =	sdelay $0x2  }
0x25e: {  	v6 =	vmov s17  }
0x25f: {  	v7 =	vor.u32 s17, v1;
	s17 =	smov.u32 s20;
	v6 =	vshll.u32 v6, $0x1  }
0x260: {  	v7 =	vand.u32 $0x7F, v7;
	v6 =	vand.u32 $0x3F00, v6;
	v8 =	vld.idx.msk [tilespmem:v5+s8+$0x0], $0xffff  }
0x261: {  	v6 =	vor.u32 v7, v6  }
0x262: {  	v5 =	vor.u32 $0x80, v5;
	_ =	sdelay $0x3  }
0x263: {  	[tilespmem:v6+s13+$0x0] =	vst.idx.msk $0xffff, v8  }
0x264: {  	v5 =	vld.idx.msk [tilespmem:v5+s8+$0x0], $0xffff  }
0x265: {  	v6 =	vor.u32 $0x80, v6;
	_ =	sdelay $0x1  }
.Ltmp24:
0x266: {  	(pc) =	sbr.rel @p0 .LBB2_50-.Ltmp24, $3  }
0x267: {  	_ =	sdelay $0x1  }
0x268: {  	s19 =	sadd.s32 $0x10, s19;
	[tilespmem:v6+s13+$0x0] =	vst.idx.msk $0xffff, v5  }
0x269: {  	s20 =	sadd.s32 $0x10, s20;
	v5 =	vld [tilespmem:s19+$0x0]  }
0x26a: {  	_ =	sdelay $0x3  }
0x26b: {  	v6 =	vshll.u32 v5, $0x1  }
0x26c: {  	v5 =	vand.u32 $0x7F, v5;
	v6 =	vand.u32 $0xFFFFFF00, v6  }
0x26d: {  	v5 =	vor.u32 v5, v6;
	_ =	sdelay $0x1  }
0x26e: {  	v6 =	vmov s17  }
0x26f: {  	v7 =	vor.u32 s17, v1;
	v6 =	vshll.u32 v6, $0x1  }
0x270: {  	v7 =	vand.u32 $0x7F, v7;
	v6 =	vand.u32 $0x3F00, v6  }
0x271: {  	v6 =	vor.u32 v7, v6;
	v8 =	vld.idx.msk [tilespmem:v5+s8+$0x0], $0xffff  }
0x272: {  	v5 =	vor.u32 $0x80, v5;
	_ =	sdelay $0x3  }
0x273: {  	[tilespmem:v6+s13+$0x0] =	vst.idx.msk $0xffff, v8  }
0x274: {  	v6 =	vor.u32 $0x80, v6;
	v5 =	vld.idx.msk [tilespmem:v5+s8+$0x0], $0xffff;
	_ =	sdelay $0x4  }
0x275: {  	s22 =	rddreg [dreg:$0x1f];
	[tilespmem:v6+s13+$0x0] =	vst.idx.msk $0xffff, v5  }
0x276: {  	[hbm4b:s22+s6] =	stream.strided.scatter [tilespmem:s13], [sflag:$0x4], $0x4000, s26, s6, $0x38;
	[tilespmem:$0x1B000] =	vst v63  }
0x277: {  	_ =	swait.ge [sflag:s14], $0x4000  }
0x278: {  	[sflag:s14] =	ssyncset.done $0x0  }
0x279: {  	[sflag:s14] =	ssyncadd.s32 $0xFFFFC000  }
0x27a: {  	_ =	swait.ge [sflag:s15], $0x4000  }
0x27b: {  	[sflag:s15] =	ssyncset.done $0x0  }
0x27c: {  	s23 =	simm.s32 $0x0;
	s19 =	rddreg [dreg:$0xd];
	[sflag:s15] =	ssyncadd.s32 $0xFFFFC000  }
0x27d: {  	[tilespmem:s23], [sflag:$0x5] =	stream.strided.gather [hbm4b:s19+s25], $0x2000, s26, s25, $0x38;
	[tilespmem:$0x1B000] =	vst v63  }
0x27e: {  	_ =	swait.ge [sflag:s28], $0x2000  }
0x27f: {  	[sflag:s28] =	ssyncset.done $0x0  }
0x280: {  	s17 =	simm.s32 $0x0;
	[sflag:s28] =	ssyncadd.s32 $0xFFFFE000  }
0x281: {  	s19 =	simm.s32 $0x40;
	v5 =	vld [tilespmem:s17+$0x0]  }
.LBB2_52:
0x282: {  	_ =	sdelay $0x1  }
0x283: {  	p0 =	sne.s32 s19, $0x7FC0  }
.Ltmp25:
0x284: {  	_ = 	snop;
	(pc) =	sbr.rel @p0 .LBB2_52-.Ltmp25, $4  }
0x285: {  	v6 =	vshra.s32 v5, $0x1F  }
0x286: {  	v7 =	vmov v5;
	v6 =	vor.u32 $0x80000000, v6  }
0x287: {  	s20 =	sshra.s32 s19, $0x2;
	v6 =	vxor.u32 v7, v6  }
0x288: {  	s19 =	sadd.s32 $0x40, s19;
	v5 =	vld [tilespmem:s20+$0x0];
	[tilespmem:s17+$0x2000] =	vst v6;
	s17 =	smov.u32 s20  }
0x289: {  	_ =	sdelay $0x3  }
0x28a: {  	v6 =	vshra.s32 v5, $0x1F  }
0x28b: {  	v6 =	vor.u32 $0x80000000, v6  }
0x28c: {  	v5 =	vxor.u32 v5, v6  }
0x28d: {  	s19 =	simm.s32 $0x0;
	[tilespmem:s17+$0x2000] =	vst v5;
	s17 =	simm.s32 $0x40  }
.LBB2_54:
0x28e: {  	p0 =	sne.s32 s17, $0x3FC0;
	[tilespmem:s19+$0x8000] =	vst v0;
	s19 =	smov.u32 s17;
	s17 =	sadd.s32 $0x40, s17  }
.Ltmp26:
0x28f: {  	(pc) =	sbr.rel @p0 .LBB2_54-.Ltmp26, $2  }
0x290: {  	_ =	sdelay $0x2  }
0x291: {  	s19 =	sshra.s32 s19, $0x2  }
0x292: {  	s17 =	simm.s32 $0x0  }
0x293: {  	v5 =	vor.u32 s17, v2;
	_ =	sdelay $0x3  }
0x294: {  	[tilespmem:s19+$0x8000] =	vst v0  }
0x295: {  	v5 =	vld.idx.msk [tilespmem:v5+s29+$0x0], $0xffff;
	_ =	sdelay $0x4  }
0x296: {  	v5 =	vshll.u32 v5, $0x4  }
0x297: {  	v5 =	vor.u32 v1, v5  }
0x298: {  	s23 =	simm.s32 $0x1;
	v5 =	vand.u32 $0xFFF, v5  }
0x299: {  	s19 =	simm.s32 $0x2;
	v6 =	vor.u32 s23, v2  }
.LBB2_56:
0x29a: {  	p0 =	sne.s32 s19, $0x1FF;
	_ =	sdelay $0x2  }
0x29b: {  	[tilespmem:v5+s30+$0x0] =	vst.idx.add.s32.msk $0xffff, v3  }
0x29c: {  	v5 =	vld.idx.msk [tilespmem:v6+s29+$0x0], $0xffff;
	_ =	sdelay $0x4  }
.Ltmp27:
0x29d: {  	(pc) =	sbr.rel @p0 .LBB2_56-.Ltmp27, $4  }
0x29e: {  	v5 =	vshll.u32 v5, $0x4  }
0x29f: {  	v5 =	vor.u32 v1, v5  }
0x2a0: {  	v5 =	vand.u32 $0xFFF, v5  }
0x2a1: {  	v6 =	vor.u32 s19, v2;
	s19 =	sadd.s32 $0x1, s19  }
0x2a2: {  	_ =	sdelay $0x3  }
0x2a3: {  	[tilespmem:v5+s30+$0x0] =	vst.idx.add.s32.msk $0xffff, v3  }
0x2a4: {  	v5 =	vld.idx.msk [tilespmem:v6+s29+$0x0], $0xffff;
	_ =	sdelay $0x4  }
0x2a5: {  	v5 =	vshll.u32 v5, $0x4  }
0x2a6: {  	v5 =	vor.u32 v1, v5  }
0x2a7: {  	v5 =	vand.u32 $0xFFF, v5;
	_ =	sdelay $0x4  }
0x2a8: {  	s21 =	simm.s32 $0x0;
	[tilespmem:v5+s30+$0x0] =	vst.idx.add.s32.msk $0xffff, v3  }
0x2a9: {  	v5 =	vld [tilespmem:s21+$0x8000];
	_ =	sdelay $0x4  }
0x2aa: {  	(xrf0) =	vadd.scan.msk.s32 $0xffff, v5;
	_ =	sdelay $0x5  }
0x2ab: {  	v6, _, _ =	vpop (xrf0)  }
0x2ac: {  	(v2sf) =	vpush v6, $0xF  }
0x2ad: {  	v5 =	vsub.s32 s17, v5  }
0x2ae: {  	v5 =	vadd.s32 v6, v5  }
0x2af: {  	s19 =	simm.s32 $0x10;
	s20 =	simm.s32 $0x80;
	[tilespmem:s21+$0x8000] =	vst v5  }
.LBB2_58:
0x2b0: {  	p0 =	sne.s32 s20, $0x3FC0;
	v5 =	vld [tilespmem:s19+$0x8000];
	_ =	sdelay $0x4  }
0x2b1: {  	(xrf0) =	vadd.scan.msk.s32 $0xffff, v5;
	_ =	sdelay $0x5  }
.Ltmp28:
0x2b2: {  	v6, _, _ =	vpop (xrf0);
	s21 =	spop (v2sf);
	(pc) =	sbr.rel @p0 .LBB2_58-.Ltmp28, $4  }
0x2b3: {  	(v2sf) =	vpush v6, $0xF;
	s17 =	sadd.s32 s17, s21  }
0x2b4: {  	v5 =	vsub.s32 s17, v5  }
0x2b5: {  	v5 =	vadd.s32 v6, v5  }
0x2b6: {  	[tilespmem:s19+$0x8000] =	vst v5;
	s19 =	sshra.s32 s20, $0x2;
	s20 =	sadd.s32 $0x40, s20  }
0x2b7: {  	_ =	sdelay $0x1  }
0x2b8: {  	v6 =	vld [tilespmem:s19+$0x8000];
	_ =	sdelay $0x4  }
0x2b9: {  	(xrf0) =	vadd.scan.msk.s32 $0xffff, v6;
	_ =	sdelay $0x2  }
0x2ba: {  	s20 =	simm.s32 $0x0  }
0x2bb: {  	v5 =	vor.u32 s20, v2;
	s21 =	spop (v2sf)  }
0x2bc: {  	s17 =	sadd.s32 s17, s21  }
0x2bd: {  	v7, _, _ =	vpop (xrf0);
	v6 =	vsub.s32 s17, v6  }
0x2be: {  	v6 =	vadd.s32 v7, v6  }
0x2bf: {  	[tilespmem:s19+$0x8000] =	vst v6  }
0x2c0: {  	v6 =	vld.idx.msk [tilespmem:v5+s29+$0x0], $0xffff;
	_ =	sdelay $0x2  }
0x2c1: {  	(v2sf) =	vpush v7, $0xF;
	_ =	sdelay $0x1  }
0x2c2: {  	v7 =	vshll.u32 v6, $0x4  }
0x2c3: {  	v7 =	vor.u32 v1, v7  }
0x2c4: {  	v8 =	vand.u32 $0xFFF, v7;
	_ =	sdelay $0x4  }
0x2c5: {  	v9 =	vld.idx.msk [tilespmem:v8+s30+$0x0], $0xffff;
	_ =	sdelay $0x4  }
0x2c6: {  	s22 =	simm.s32 $0x1  }
0x2c7: {  	s17 =	simm.s32 $0x2;
	v7 =	vor.u32 s22, v2;
	s23 =	spop (v2sf);
	v10 =	vadd.s32 $0x1, v9  }
.LBB2_60:
0x2c8: {  	p0 =	sne.s32 s17, $0x1FF;
	[tilespmem:v8+s30+$0x0] =	vst.idx.msk $0xffff, v10  }
0x2c9: {  	[tilespmem:v9+s31+$0x0] =	vst.idx.msk $0xffff, v6  }
0x2ca: {  	[tilespmem:v9+s4+$0x0] =	vst.idx.msk $0xffff, v5;
	v5 =	vmov v7  }
0x2cb: {  	v6 =	vld.idx.msk [tilespmem:v7+s29+$0x0], $0xffff;
	_ =	sdelay $0x5  }
0x2cc: {  	v7 =	vshll.u32 v6, $0x4  }
0x2cd: {  	v7 =	vor.u32 v1, v7  }
0x2ce: {  	v8 =	vand.u32 $0xFFF, v7;
	_ =	sdelay $0x4  }
0x2cf: {  	v9 =	vld.idx.msk [tilespmem:v8+s30+$0x0], $0xffff;
	_ =	sdelay $0x1  }
.Ltmp29:
0x2d0: {  	(pc) =	sbr.rel @p0 .LBB2_60-.Ltmp29, $3  }
0x2d1: {  	_ =	sdelay $0x1  }
0x2d2: {  	v7 =	vor.u32 s17, v2  }
0x2d3: {  	s17 =	sadd.s32 $0x1, s17;
	v10 =	vadd.s32 $0x1, v9  }
0x2d4: {  	_ =	sdelay $0x3  }
0x2d5: {  	[tilespmem:v8+s30+$0x0] =	vst.idx.msk $0xffff, v10  }
0x2d6: {  	[tilespmem:v9+s31+$0x0] =	vst.idx.msk $0xffff, v6  }
0x2d7: {  	[tilespmem:v9+s4+$0x0] =	vst.idx.msk $0xffff, v5  }
0x2d8: {  	v5 =	vld.idx.msk [tilespmem:v7+s29+$0x0], $0xffff;
	_ =	sdelay $0x4  }
0x2d9: {  	v6 =	vshll.u32 v5, $0x4  }
0x2da: {  	v6 =	vor.u32 v1, v6  }
0x2db: {  	v6 =	vand.u32 $0xFFF, v6;
	_ =	sdelay $0x4  }
0x2dc: {  	v8 =	vld.idx.msk [tilespmem:v6+s30+$0x0], $0xffff;
	_ =	sdelay $0x5  }
0x2dd: {  	v63 =	vadd.s32 $0x1, v8  }
0x2de: {  	[tilespmem:v6+s30+$0x0] =	vst.idx.msk $0xffff, v63  }
0x2df: {  	[tilespmem:v8+s31+$0x0] =	vst.idx.msk $0xffff, v5  }
0x2e0: {  	s17 =	simm.s32 $0x40;
	s19 =	simm.s32 $0x0;
	[tilespmem:v8+s4+$0x0] =	vst.idx.msk $0xffff, v7  }
.LBB2_62:
0x2e1: {  	p0 =	sne.s32 s17, $0x3FC0;
	[tilespmem:s19+$0x8000] =	vst v0;
	s19 =	smov.u32 s17;
	s17 =	sadd.s32 $0x40, s17  }
.Ltmp30:
0x2e2: {  	(pc) =	sbr.rel @p0 .LBB2_62-.Ltmp30, $2  }
0x2e3: {  	_ =	sdelay $0x2  }
0x2e4: {  	s19 =	sshra.s32 s19, $0x2  }
0x2e5: {  	s17 =	simm.s32 $0x0  }
0x2e6: {  	v5 =	vor.u32 s17, v2;
	_ =	sdelay $0x3  }
0x2e7: {  	[tilespmem:s19+$0x8000] =	vst v0  }
0x2e8: {  	v5 =	vld.idx.msk [tilespmem:v5+s31+$0x0], $0xffff;
	_ =	sdelay $0x4  }
0x2e9: {  	v5 =	vshrl.u32 v5, $0x4  }
0x2ea: {  	v5 =	vand.u32 $0xFF0, v5  }
0x2eb: {  	s23 =	simm.s32 $0x1;
	v5 =	vor.u32 v1, v5  }
0x2ec: {  	s19 =	simm.s32 $0x2;
	v6 =	vor.u32 s23, v2  }
.LBB2_64:
0x2ed: {  	p0 =	sne.s32 s19, $0x1FF;
	_ =	sdelay $0x2  }
0x2ee: {  	[tilespmem:v5+s30+$0x0] =	vst.idx.add.s32.msk $0xffff, v3  }
0x2ef: {  	v5 =	vld.idx.msk [tilespmem:v6+s31+$0x0], $0xffff;
	_ =	sdelay $0x4  }
.Ltmp31:
0x2f0: {  	(pc) =	sbr.rel @p0 .LBB2_64-.Ltmp31, $4  }
0x2f1: {  	v5 =	vshrl.u32 v5, $0x4  }
0x2f2: {  	v5 =	vand.u32 $0xFF0, v5  }
0x2f3: {  	v5 =	vor.u32 v1, v5  }
0x2f4: {  	v6 =	vor.u32 s19, v2;
	s19 =	sadd.s32 $0x1, s19  }
0x2f5: {  	_ =	sdelay $0x3  }
0x2f6: {  	[tilespmem:v5+s30+$0x0] =	vst.idx.add.s32.msk $0xffff, v3  }
0x2f7: {  	v5 =	vld.idx.msk [tilespmem:v6+s31+$0x0], $0xffff;
	_ =	sdelay $0x4  }
0x2f8: {  	v5 =	vshrl.u32 v5, $0x4  }
0x2f9: {  	v5 =	vand.u32 $0xFF0, v5  }
0x2fa: {  	v5 =	vor.u32 v1, v5;
	_ =	sdelay $0x4  }
0x2fb: {  	s21 =	simm.s32 $0x0;
	[tilespmem:v5+s30+$0x0] =	vst.idx.add.s32.msk $0xffff, v3  }
0x2fc: {  	v5 =	vld [tilespmem:s21+$0x8000];
	_ =	sdelay $0x4  }
0x2fd: {  	(xrf0) =	vadd.scan.msk.s32 $0xffff, v5;
	_ =	sdelay $0x5  }
0x2fe: {  	v6, _, _ =	vpop (xrf0)  }
0x2ff: {  	(v2sf) =	vpush v6, $0xF  }
0x300: {  	v5 =	vsub.s32 s17, v5  }
0x301: {  	v5 =	vadd.s32 v6, v5  }
0x302: {  	s19 =	simm.s32 $0x10;
	s20 =	simm.s32 $0x80;
	[tilespmem:s21+$0x8000] =	vst v5  }
.LBB2_66:
0x303: {  	p0 =	sne.s32 s20, $0x3FC0;
	v5 =	vld [tilespmem:s19+$0x8000];
	_ =	sdelay $0x4  }
0x304: {  	(xrf0) =	vadd.scan.msk.s32 $0xffff, v5;
	_ =	sdelay $0x5  }
.Ltmp32:
0x305: {  	v6, _, _ =	vpop (xrf0);
	s21 =	spop (v2sf);
	(pc) =	sbr.rel @p0 .LBB2_66-.Ltmp32, $4  }
0x306: {  	(v2sf) =	vpush v6, $0xF;
	s17 =	sadd.s32 s17, s21  }
0x307: {  	v5 =	vsub.s32 s17, v5  }
0x308: {  	v5 =	vadd.s32 v6, v5  }
0x309: {  	[tilespmem:s19+$0x8000] =	vst v5;
	s19 =	sshra.s32 s20, $0x2;
	s20 =	sadd.s32 $0x40, s20  }
0x30a: {  	_ =	sdelay $0x1  }
0x30b: {  	v5 =	vld [tilespmem:s19+$0x8000];
	_ =	sdelay $0x4  }
0x30c: {  	(xrf0) =	vadd.scan.msk.s32 $0xffff, v5;
	_ =	sdelay $0x2  }
0x30d: {  	s20 =	simm.s32 $0x0  }
0x30e: {  	v7 =	vor.u32 s20, v2;
	s21 =	spop (v2sf)  }
0x30f: {  	s17 =	sadd.s32 s17, s21  }
0x310: {  	v6, _, _ =	vpop (xrf0);
	v5 =	vsub.s32 s17, v5  }
0x311: {  	v5 =	vadd.s32 v6, v5  }
0x312: {  	[tilespmem:s19+$0x8000] =	vst v5  }
0x313: {  	v5 =	vld.idx.msk [tilespmem:v7+s31+$0x0], $0xffff;
	_ =	sdelay $0x4  }
0x314: {  	v8 =	vshrl.u32 v5, $0x4  }
0x315: {  	(v2sf) =	vpush v6, $0xF;
	v6 =	vand.u32 $0xFF0, v8  }
0x316: {  	v8 =	vor.u32 v1, v6;
	_ =	sdelay $0x4  }
0x317: {  	v6 =	vld.idx.msk [tilespmem:v8+s30+$0x0], $0xffff;
	_ =	sdelay $0x5  }
0x318: {  	v9 =	vadd.s32 $0x1, v6  }
0x319: {  	[tilespmem:v8+s30+$0x0] =	vst.idx.msk $0xffff, v9  }
0x31a: {  	[tilespmem:v6+s29+$0x0] =	vst.idx.msk $0xffff, v5  }
0x31b: {  	s22 =	simm.s32 $0x1;
	v7 =	vld.idx.msk [tilespmem:v7+s4+$0x0], $0xffff  }
0x31c: {  	s17 =	simm.s32 $0x2;
	s23 =	spop (v2sf);
	v5 =	vor.u32 s22, v2  }
.LBB2_68:
0x31d: {  	_ =	sdelay $0x2  }
0x31e: {  	p0 =	sne.s32 s17, $0x1FF;
	s19 =	smov.u32 s17;
	s17 =	sadd.s32 $0x1, s17;
	[tilespmem:v6+s1+$0x0] =	vst.idx.msk $0xffff, v7  }
0x31f: {  	v7 =	vld.idx.msk [tilespmem:v5+s31+$0x0], $0xffff;
	_ =	sdelay $0x5  }
0x320: {  	v6 =	vshrl.u32 v7, $0x4  }
0x321: {  	v6 =	vand.u32 $0xFF0, v6  }
0x322: {  	v8 =	vor.u32 v1, v6;
	_ =	sdelay $0x4  }
0x323: {  	v6 =	vld.idx.msk [tilespmem:v8+s30+$0x0], $0xffff;
	_ =	sdelay $0x5  }
0x324: {  	v9 =	vadd.s32 $0x1, v6  }
.Ltmp33:
0x325: {  	[tilespmem:v8+s30+$0x0] =	vst.idx.msk $0xffff, v9;
	(pc) =	sbr.rel @p0 .LBB2_68-.Ltmp33, $3  }
0x326: {  	[tilespmem:v6+s29+$0x0] =	vst.idx.msk $0xffff, v7  }
0x327: {  	v7 =	vld.idx.msk [tilespmem:v5+s4+$0x0], $0xffff;
	_ =	sdelay $0x1  }
0x328: {  	v5 =	vor.u32 s19, v2  }
0x329: {  	_ =	sdelay $0x3  }
0x32a: {  	[tilespmem:v6+s1+$0x0] =	vst.idx.msk $0xffff, v7  }
0x32b: {  	v6 =	vld.idx.msk [tilespmem:v5+s31+$0x0], $0xffff;
	_ =	sdelay $0x4  }
0x32c: {  	v7 =	vshrl.u32 v6, $0x4  }
0x32d: {  	v7 =	vand.u32 $0xFF0, v7  }
0x32e: {  	v7 =	vor.u32 v1, v7;
	_ =	sdelay $0x4  }
0x32f: {  	v8 =	vld.idx.msk [tilespmem:v7+s30+$0x0], $0xffff;
	_ =	sdelay $0x5  }
0x330: {  	v9 =	vadd.s32 $0x1, v8  }
0x331: {  	[tilespmem:v7+s30+$0x0] =	vst.idx.msk $0xffff, v9  }
0x332: {  	[tilespmem:v8+s29+$0x0] =	vst.idx.msk $0xffff, v6  }
0x333: {  	v5 =	vld.idx.msk [tilespmem:v5+s4+$0x0], $0xffff;
	_ =	sdelay $0x4  }
0x334: {  	s17 =	simm.s32 $0x40;
	s19 =	simm.s32 $0x0;
	[tilespmem:v8+s1+$0x0] =	vst.idx.msk $0xffff, v5  }
.LBB2_70:
0x335: {  	p0 =	sne.s32 s17, $0x3FC0;
	[tilespmem:s19+$0x8000] =	vst v0;
	s19 =	smov.u32 s17;
	s17 =	sadd.s32 $0x40, s17  }
.Ltmp34:
0x336: {  	(pc) =	sbr.rel @p0 .LBB2_70-.Ltmp34, $2  }
0x337: {  	_ =	sdelay $0x2  }
0x338: {  	s19 =	sshra.s32 s19, $0x2  }
0x339: {  	s17 =	simm.s32 $0x0  }
0x33a: {  	v5 =	vor.u32 s17, v2;
	_ =	sdelay $0x3  }
0x33b: {  	[tilespmem:s19+$0x8000] =	vst v0  }
0x33c: {  	v5 =	vld.idx.msk [tilespmem:v5+s29+$0x0], $0xffff;
	_ =	sdelay $0x4  }
0x33d: {  	v5 =	vshrl.u32 v5, $0xC  }
0x33e: {  	v5 =	vand.u32 $0xFF0, v5  }
0x33f: {  	s23 =	simm.s32 $0x1;
	v5 =	vor.u32 v1, v5  }
0x340: {  	s19 =	simm.s32 $0x2;
	v6 =	vor.u32 s23, v2  }
.LBB2_72:
0x341: {  	p0 =	sne.s32 s19, $0x1FF;
	_ =	sdelay $0x2  }
0x342: {  	[tilespmem:v5+s30+$0x0] =	vst.idx.add.s32.msk $0xffff, v3  }
0x343: {  	v5 =	vld.idx.msk [tilespmem:v6+s29+$0x0], $0xffff;
	_ =	sdelay $0x4  }
.Ltmp35:
0x344: {  	(pc) =	sbr.rel @p0 .LBB2_72-.Ltmp35, $4  }
0x345: {  	v5 =	vshrl.u32 v5, $0xC  }
0x346: {  	v5 =	vand.u32 $0xFF0, v5  }
0x347: {  	v5 =	vor.u32 v1, v5  }
0x348: {  	v6 =	vor.u32 s19, v2;
	s19 =	sadd.s32 $0x1, s19  }
0x349: {  	_ =	sdelay $0x3  }
0x34a: {  	[tilespmem:v5+s30+$0x0] =	vst.idx.add.s32.msk $0xffff, v3  }
0x34b: {  	v5 =	vld.idx.msk [tilespmem:v6+s29+$0x0], $0xffff;
	_ =	sdelay $0x4  }
0x34c: {  	v5 =	vshrl.u32 v5, $0xC  }
0x34d: {  	v5 =	vand.u32 $0xFF0, v5  }
0x34e: {  	v5 =	vor.u32 v1, v5;
	_ =	sdelay $0x4  }
0x34f: {  	s21 =	simm.s32 $0x0;
	[tilespmem:v5+s30+$0x0] =	vst.idx.add.s32.msk $0xffff, v3  }
0x350: {  	v5 =	vld [tilespmem:s21+$0x8000];
	_ =	sdelay $0x4  }
0x351: {  	(xrf0) =	vadd.scan.msk.s32 $0xffff, v5;
	_ =	sdelay $0x5  }
0x352: {  	v6, _, _ =	vpop (xrf0)  }
0x353: {  	(v2sf) =	vpush v6, $0xF  }
0x354: {  	v5 =	vsub.s32 s17, v5  }
0x355: {  	v5 =	vadd.s32 v6, v5  }
0x356: {  	s19 =	simm.s32 $0x10;
	s20 =	simm.s32 $0x80;
	[tilespmem:s21+$0x8000] =	vst v5  }
.LBB2_74:
0x357: {  	p0 =	sne.s32 s20, $0x3FC0;
	v5 =	vld [tilespmem:s19+$0x8000];
	_ =	sdelay $0x4  }
0x358: {  	(xrf0) =	vadd.scan.msk.s32 $0xffff, v5;
	_ =	sdelay $0x5  }
.Ltmp36:
0x359: {  	v6, _, _ =	vpop (xrf0);
	s21 =	spop (v2sf);
	(pc) =	sbr.rel @p0 .LBB2_74-.Ltmp36, $4  }
0x35a: {  	(v2sf) =	vpush v6, $0xF;
	s17 =	sadd.s32 s17, s21  }
0x35b: {  	v5 =	vsub.s32 s17, v5  }
0x35c: {  	v5 =	vadd.s32 v6, v5  }
0x35d: {  	[tilespmem:s19+$0x8000] =	vst v5;
	s19 =	sshra.s32 s20, $0x2;
	s20 =	sadd.s32 $0x40, s20  }
0x35e: {  	_ =	sdelay $0x1  }
0x35f: {  	v5 =	vld [tilespmem:s19+$0x8000];
	_ =	sdelay $0x4  }
0x360: {  	(xrf0) =	vadd.scan.msk.s32 $0xffff, v5;
	_ =	sdelay $0x2  }
0x361: {  	s20 =	simm.s32 $0x0  }
0x362: {  	v7 =	vor.u32 s20, v2;
	s21 =	spop (v2sf)  }
0x363: {  	s17 =	sadd.s32 s17, s21  }
0x364: {  	v6, _, _ =	vpop (xrf0);
	v5 =	vsub.s32 s17, v5  }
0x365: {  	v5 =	vadd.s32 v6, v5  }
0x366: {  	[tilespmem:s19+$0x8000] =	vst v5  }
0x367: {  	v5 =	vld.idx.msk [tilespmem:v7+s29+$0x0], $0xffff;
	_ =	sdelay $0x4  }
0x368: {  	v8 =	vshrl.u32 v5, $0xC  }
0x369: {  	(v2sf) =	vpush v6, $0xF;
	v6 =	vand.u32 $0xFF0, v8  }
0x36a: {  	v8 =	vor.u32 v1, v6;
	_ =	sdelay $0x4  }
0x36b: {  	v6 =	vld.idx.msk [tilespmem:v8+s30+$0x0], $0xffff;
	_ =	sdelay $0x5  }
0x36c: {  	v9 =	vadd.s32 $0x1, v6  }
0x36d: {  	[tilespmem:v8+s30+$0x0] =	vst.idx.msk $0xffff, v9  }
0x36e: {  	[tilespmem:v6+s31+$0x0] =	vst.idx.msk $0xffff, v5  }
0x36f: {  	s22 =	simm.s32 $0x1;
	v7 =	vld.idx.msk [tilespmem:v7+s1+$0x0], $0xffff  }
0x370: {  	s17 =	simm.s32 $0x2;
	s23 =	spop (v2sf);
	v5 =	vor.u32 s22, v2  }
.LBB2_76:
0x371: {  	_ =	sdelay $0x2  }
0x372: {  	p0 =	sne.s32 s17, $0x1FF;
	s19 =	smov.u32 s17;
	s17 =	sadd.s32 $0x1, s17;
	[tilespmem:v6+s4+$0x0] =	vst.idx.msk $0xffff, v7  }
0x373: {  	v7 =	vld.idx.msk [tilespmem:v5+s29+$0x0], $0xffff;
	_ =	sdelay $0x5  }
0x374: {  	v6 =	vshrl.u32 v7, $0xC  }
0x375: {  	v6 =	vand.u32 $0xFF0, v6  }
0x376: {  	v8 =	vor.u32 v1, v6;
	_ =	sdelay $0x4  }
0x377: {  	v6 =	vld.idx.msk [tilespmem:v8+s30+$0x0], $0xffff;
	_ =	sdelay $0x5  }
0x378: {  	v9 =	vadd.s32 $0x1, v6  }
.Ltmp37:
0x379: {  	[tilespmem:v8+s30+$0x0] =	vst.idx.msk $0xffff, v9;
	(pc) =	sbr.rel @p0 .LBB2_76-.Ltmp37, $3  }
0x37a: {  	[tilespmem:v6+s31+$0x0] =	vst.idx.msk $0xffff, v7  }
0x37b: {  	v7 =	vld.idx.msk [tilespmem:v5+s1+$0x0], $0xffff;
	_ =	sdelay $0x1  }
0x37c: {  	v5 =	vor.u32 s19, v2  }
0x37d: {  	_ =	sdelay $0x3  }
0x37e: {  	[tilespmem:v6+s4+$0x0] =	vst.idx.msk $0xffff, v7  }
0x37f: {  	v6 =	vld.idx.msk [tilespmem:v5+s29+$0x0], $0xffff;
	_ =	sdelay $0x4  }
0x380: {  	v7 =	vshrl.u32 v6, $0xC  }
0x381: {  	v7 =	vand.u32 $0xFF0, v7  }
0x382: {  	v7 =	vor.u32 v1, v7;
	_ =	sdelay $0x4  }
0x383: {  	v8 =	vld.idx.msk [tilespmem:v7+s30+$0x0], $0xffff;
	_ =	sdelay $0x5  }
0x384: {  	v9 =	vadd.s32 $0x1, v8  }
0x385: {  	[tilespmem:v7+s30+$0x0] =	vst.idx.msk $0xffff, v9  }
0x386: {  	[tilespmem:v8+s31+$0x0] =	vst.idx.msk $0xffff, v6  }
0x387: {  	v5 =	vld.idx.msk [tilespmem:v5+s1+$0x0], $0xffff;
	_ =	sdelay $0x4  }
0x388: {  	s17 =	simm.s32 $0x40;
	s19 =	simm.s32 $0x0;
	[tilespmem:v8+s4+$0x0] =	vst.idx.msk $0xffff, v5  }
.LBB2_78:
0x389: {  	p0 =	sne.s32 s17, $0x3FC0;
	[tilespmem:s19+$0x8000] =	vst v0;
	s19 =	smov.u32 s17;
	s17 =	sadd.s32 $0x40, s17  }
.Ltmp38:
0x38a: {  	(pc) =	sbr.rel @p0 .LBB2_78-.Ltmp38, $2  }
0x38b: {  	_ =	sdelay $0x2  }
0x38c: {  	s19 =	sshra.s32 s19, $0x2  }
0x38d: {  	s17 =	simm.s32 $0x0  }
0x38e: {  	v5 =	vor.u32 s17, v2;
	_ =	sdelay $0x3  }
0x38f: {  	[tilespmem:s19+$0x8000] =	vst v0  }
0x390: {  	v5 =	vld.idx.msk [tilespmem:v5+s31+$0x0], $0xffff;
	_ =	sdelay $0x4  }
0x391: {  	v5 =	vshrl.u32 v5, $0x14  }
0x392: {  	v5 =	vand.u32 $0xFF0, v5  }
0x393: {  	s23 =	simm.s32 $0x1;
	v5 =	vor.u32 v1, v5  }
0x394: {  	s19 =	simm.s32 $0x2;
	v6 =	vor.u32 s23, v2  }
.LBB2_80:
0x395: {  	p0 =	sne.s32 s19, $0x1FF;
	_ =	sdelay $0x2  }
0x396: {  	[tilespmem:v5+s30+$0x0] =	vst.idx.add.s32.msk $0xffff, v3  }
0x397: {  	v5 =	vld.idx.msk [tilespmem:v6+s31+$0x0], $0xffff;
	_ =	sdelay $0x4  }
.Ltmp39:
0x398: {  	(pc) =	sbr.rel @p0 .LBB2_80-.Ltmp39, $4  }
0x399: {  	v5 =	vshrl.u32 v5, $0x14  }
0x39a: {  	v5 =	vand.u32 $0xFF0, v5  }
0x39b: {  	v5 =	vor.u32 v1, v5  }
0x39c: {  	v6 =	vor.u32 s19, v2;
	s19 =	sadd.s32 $0x1, s19  }
0x39d: {  	_ =	sdelay $0x3  }
0x39e: {  	[tilespmem:v5+s30+$0x0] =	vst.idx.add.s32.msk $0xffff, v3  }
0x39f: {  	v5 =	vld.idx.msk [tilespmem:v6+s31+$0x0], $0xffff;
	_ =	sdelay $0x4  }
0x3a0: {  	v5 =	vshrl.u32 v5, $0x14  }
0x3a1: {  	v5 =	vand.u32 $0xFF0, v5  }
0x3a2: {  	v5 =	vor.u32 v1, v5;
	_ =	sdelay $0x4  }
0x3a3: {  	s21 =	simm.s32 $0x0;
	[tilespmem:v5+s30+$0x0] =	vst.idx.add.s32.msk $0xffff, v3  }
0x3a4: {  	v5 =	vld [tilespmem:s21+$0x8000];
	_ =	sdelay $0x4  }
0x3a5: {  	(xrf0) =	vadd.scan.msk.s32 $0xffff, v5;
	_ =	sdelay $0x5  }
0x3a6: {  	v6, _, _ =	vpop (xrf0)  }
0x3a7: {  	(v2sf) =	vpush v6, $0xF  }
0x3a8: {  	v5 =	vsub.s32 s17, v5  }
0x3a9: {  	v5 =	vadd.s32 v6, v5  }
0x3aa: {  	s19 =	simm.s32 $0x10;
	s20 =	simm.s32 $0x80;
	[tilespmem:s21+$0x8000] =	vst v5  }
.LBB2_82:
0x3ab: {  	p0 =	sne.s32 s20, $0x3FC0;
	v5 =	vld [tilespmem:s19+$0x8000];
	_ =	sdelay $0x4  }
0x3ac: {  	(xrf0) =	vadd.scan.msk.s32 $0xffff, v5;
	_ =	sdelay $0x5  }
.Ltmp40:
0x3ad: {  	v6, _, _ =	vpop (xrf0);
	s21 =	spop (v2sf);
	(pc) =	sbr.rel @p0 .LBB2_82-.Ltmp40, $4  }
0x3ae: {  	(v2sf) =	vpush v6, $0xF;
	s17 =	sadd.s32 s17, s21  }
0x3af: {  	v5 =	vsub.s32 s17, v5  }
0x3b0: {  	v5 =	vadd.s32 v6, v5  }
0x3b1: {  	[tilespmem:s19+$0x8000] =	vst v5;
	s19 =	sshra.s32 s20, $0x2;
	s20 =	sadd.s32 $0x40, s20  }
0x3b2: {  	_ =	sdelay $0x1  }
0x3b3: {  	v5 =	vld [tilespmem:s19+$0x8000];
	_ =	sdelay $0x4  }
0x3b4: {  	(xrf0) =	vadd.scan.msk.s32 $0xffff, v5;
	_ =	sdelay $0x2  }
0x3b5: {  	s20 =	simm.s32 $0x0  }
0x3b6: {  	v7 =	vor.u32 s20, v2;
	s21 =	spop (v2sf)  }
0x3b7: {  	s17 =	sadd.s32 s17, s21  }
0x3b8: {  	v6, _, _ =	vpop (xrf0);
	v5 =	vsub.s32 s17, v5  }
0x3b9: {  	v5 =	vadd.s32 v6, v5  }
0x3ba: {  	[tilespmem:s19+$0x8000] =	vst v5  }
0x3bb: {  	v5 =	vld.idx.msk [tilespmem:v7+s31+$0x0], $0xffff;
	_ =	sdelay $0x4  }
0x3bc: {  	v8 =	vshrl.u32 v5, $0x14  }
0x3bd: {  	(v2sf) =	vpush v6, $0xF;
	v6 =	vand.u32 $0xFF0, v8  }
0x3be: {  	v8 =	vor.u32 v1, v6;
	_ =	sdelay $0x4  }
0x3bf: {  	v6 =	vld.idx.msk [tilespmem:v8+s30+$0x0], $0xffff;
	_ =	sdelay $0x5  }
0x3c0: {  	v9 =	vadd.s32 $0x1, v6  }
0x3c1: {  	[tilespmem:v8+s30+$0x0] =	vst.idx.msk $0xffff, v9  }
0x3c2: {  	[tilespmem:v6+s29+$0x0] =	vst.idx.msk $0xffff, v5  }
0x3c3: {  	s22 =	simm.s32 $0x1;
	v7 =	vld.idx.msk [tilespmem:v7+s4+$0x0], $0xffff  }
0x3c4: {  	s17 =	simm.s32 $0x2;
	s23 =	spop (v2sf);
	v5 =	vor.u32 s22, v2  }
.LBB2_84:
0x3c5: {  	_ =	sdelay $0x2  }
0x3c6: {  	p0 =	sne.s32 s17, $0x1FF;
	s19 =	smov.u32 s17;
	s17 =	sadd.s32 $0x1, s17;
	[tilespmem:v6+s1+$0x0] =	vst.idx.msk $0xffff, v7  }
0x3c7: {  	v7 =	vld.idx.msk [tilespmem:v5+s31+$0x0], $0xffff;
	_ =	sdelay $0x5  }
0x3c8: {  	v6 =	vshrl.u32 v7, $0x14  }
0x3c9: {  	v6 =	vand.u32 $0xFF0, v6  }
0x3ca: {  	v8 =	vor.u32 v1, v6;
	_ =	sdelay $0x4  }
0x3cb: {  	v6 =	vld.idx.msk [tilespmem:v8+s30+$0x0], $0xffff;
	_ =	sdelay $0x5  }
0x3cc: {  	v9 =	vadd.s32 $0x1, v6  }
.Ltmp41:
0x3cd: {  	[tilespmem:v8+s30+$0x0] =	vst.idx.msk $0xffff, v9;
	(pc) =	sbr.rel @p0 .LBB2_84-.Ltmp41, $3  }
0x3ce: {  	[tilespmem:v6+s29+$0x0] =	vst.idx.msk $0xffff, v7  }
0x3cf: {  	v7 =	vld.idx.msk [tilespmem:v5+s4+$0x0], $0xffff;
	_ =	sdelay $0x1  }
0x3d0: {  	v5 =	vor.u32 s19, v2  }
0x3d1: {  	_ =	sdelay $0x3  }
0x3d2: {  	[tilespmem:v6+s1+$0x0] =	vst.idx.msk $0xffff, v7  }
0x3d3: {  	v6 =	vld.idx.msk [tilespmem:v5+s31+$0x0], $0xffff;
	_ =	sdelay $0x4  }
0x3d4: {  	v7 =	vshrl.u32 v6, $0x14  }
0x3d5: {  	v7 =	vand.u32 $0xFF0, v7  }
0x3d6: {  	v7 =	vor.u32 v1, v7;
	_ =	sdelay $0x4  }
0x3d7: {  	v8 =	vld.idx.msk [tilespmem:v7+s30+$0x0], $0xffff;
	_ =	sdelay $0x5  }
0x3d8: {  	v9 =	vadd.s32 $0x1, v8  }
0x3d9: {  	[tilespmem:v7+s30+$0x0] =	vst.idx.msk $0xffff, v9  }
0x3da: {  	[tilespmem:v8+s29+$0x0] =	vst.idx.msk $0xffff, v6  }
0x3db: {  	v5 =	vld.idx.msk [tilespmem:v5+s4+$0x0], $0xffff;
	_ =	sdelay $0x4  }
0x3dc: {  	s17 =	simm.s32 $0x0;
	[tilespmem:v8+s1+$0x0] =	vst.idx.msk $0xffff, v5  }
0x3dd: {  	s19 =	simm.s32 $0x40;
	v5 =	vld [tilespmem:s17+$0x2000]  }
.LBB2_86:
0x3de: {  	_ =	sdelay $0x1  }
0x3df: {  	p0 =	sne.s32 s19, $0x7FC0  }
.Ltmp42:
0x3e0: {  	_ = 	snop;
	(pc) =	sbr.rel @p0 .LBB2_86-.Ltmp42, $4  }
0x3e1: {  	vm0 =	vgt.s32 v5, $0xFFFFFFFF  }
0x3e2: {  	v6 =	vmov v5;
	v7 =	vsel vm0, $0xFFFFFFFF, v4  }
0x3e3: {  	s20 =	sshra.s32 s19, $0x2;
	v6 =	vxor.u32 v6, v7  }
0x3e4: {  	s19 =	sadd.s32 $0x40, s19;
	v5 =	vld [tilespmem:s20+$0x2000];
	[tilespmem:s17+$0x0] =	vst v6;
	s17 =	smov.u32 s20  }
0x3e5: {  	_ =	sdelay $0x3  }
0x3e6: {  	vm0 =	vgt.s32 v5, $0xFFFFFFFF  }
0x3e7: {  	v6 =	vsel vm0, $0xFFFFFFFF, v4  }
0x3e8: {  	v5 =	vxor.u32 v5, v6  }
0x3e9: {  	s19 =	rddreg [dreg:$0xe];
	[tilespmem:s17+$0x0] =	vst v5;
	s17 =	simm.s32 $0x0  }
0x3ea: {  	[hbm4b:s19+s25] =	stream.strided.scatter [tilespmem:s17], [sflag:$0x5], $0x2000, s26, s25, $0x38;
	[tilespmem:$0x1B000] =	vst v63  }
0x3eb: {  	_ =	swait.ge [sflag:s28], $0x2000  }
0x3ec: {  	s22 =	sld [smem:$0x7EE]  }
0x3ed: {  	[sflag:s28] =	ssyncset.done $0x0  }
0x3ee: {  	s23 =	sld [smem:$0x7F4];
	[sflag:s28] =	ssyncadd.s32 $0xFFFFE000  }
0x3ef: {  	[tilespmem:s7], [sflag:$0x1] =	stream.strided.gather [hbm4b:s22+s6], $0x4000, s26, s6, $0x38;
	[tilespmem:$0x1B000] =	vst v63  }
0x3f0: {  	_ = 	snop  }
0x3f1: {  	[tilespmem:s8], [sflag:$0x2] =	stream.strided.gather [hbm4b:s23+s6], $0x4000, s26, s6, $0x38;
	[tilespmem:$0x1B000] =	vst v63  }
0x3f2: {  	_ =	swait.ge [sflag:s10], $0x4000  }
0x3f3: {  	[sflag:s10] =	ssyncset.done $0x0  }
0x3f4: {  	s19 =	simm.s32 $0x9000;
	[sflag:s10] =	ssyncadd.s32 $0xFFFFC000  }
0x3f5: {  	s20 =	simm.s32 $0x10;
	v5 =	vld [tilespmem:s19+$0x0]  }
.LBB2_88:
0x3f6: {  	p0 =	sne.s32 s20, $0x1FF0;
	_ =	sdelay $0x3  }
0x3f7: {  	v6 =	vshll.u32 v5, $0x1  }
0x3f8: {  	v5 =	vand.u32 $0x7F, v5;
	v6 =	vand.u32 $0xFFFFFF00, v6  }
0x3f9: {  	v5 =	vor.u32 v5, v6;
	_ =	sdelay $0x2  }
0x3fa: {  	v6 =	vmov s17  }
0x3fb: {  	v7 =	vor.u32 s17, v1;
	s17 =	smov.u32 s20;
	v6 =	vshll.u32 v6, $0x1  }
0x3fc: {  	v7 =	vand.u32 $0x7F, v7;
	v6 =	vand.u32 $0x3F00, v6;
	v8 =	vld.idx.msk [tilespmem:v5+s7+$0x0], $0xffff  }
0x3fd: {  	v6 =	vor.u32 v7, v6  }
0x3fe: {  	v5 =	vor.u32 $0x80, v5;
	_ =	sdelay $0x3  }
0x3ff: {  	[tilespmem:v6+s11+$0x0] =	vst.idx.msk $0xffff, v8  }
0x400: {  	v5 =	vld.idx.msk [tilespmem:v5+s7+$0x0], $0xffff  }
0x401: {  	v6 =	vor.u32 $0x80, v6;
	_ =	sdelay $0x1  }
.Ltmp43:
0x402: {  	(pc) =	sbr.rel @p0 .LBB2_88-.Ltmp43, $3  }
0x403: {  	_ =	sdelay $0x1  }
0x404: {  	s19 =	sadd.s32 $0x10, s19;
	[tilespmem:v6+s11+$0x0] =	vst.idx.msk $0xffff, v5  }
0x405: {  	s20 =	sadd.s32 $0x10, s20;
	v5 =	vld [tilespmem:s19+$0x0]  }
0x406: {  	_ =	sdelay $0x3  }
0x407: {  	v6 =	vshll.u32 v5, $0x1  }
0x408: {  	v5 =	vand.u32 $0x7F, v5;
	v6 =	vand.u32 $0xFFFFFF00, v6  }
0x409: {  	v5 =	vor.u32 v5, v6;
	_ =	sdelay $0x1  }
0x40a: {  	v6 =	vmov s17  }
0x40b: {  	v7 =	vor.u32 s17, v1;
	v6 =	vshll.u32 v6, $0x1  }
0x40c: {  	v7 =	vand.u32 $0x7F, v7;
	v6 =	vand.u32 $0x3F00, v6  }
0x40d: {  	v6 =	vor.u32 v7, v6;
	v8 =	vld.idx.msk [tilespmem:v5+s7+$0x0], $0xffff  }
0x40e: {  	v5 =	vor.u32 $0x80, v5;
	_ =	sdelay $0x3  }
0x40f: {  	[tilespmem:v6+s11+$0x0] =	vst.idx.msk $0xffff, v8  }
0x410: {  	v6 =	vor.u32 $0x80, v6;
	v5 =	vld.idx.msk [tilespmem:v5+s7+$0x0], $0xffff;
	_ =	sdelay $0x2  }
0x411: {  	s22 =	sld [smem:$0x7EF];
	_ =	sdelay $0x1  }
0x412: {  	s23 =	sld [smem:$0x7F2];
	[tilespmem:v6+s11+$0x0] =	vst.idx.msk $0xffff, v5  }
0x413: {  	[hbm4b:s22+s6] =	stream.strided.scatter [tilespmem:s11], [sflag:$0x3], $0x4000, s26, s6, $0x38;
	[tilespmem:$0x1B000] =	vst v63  }
0x414: {  	_ = 	snop  }
0x415: {  	[tilespmem:s7], [sflag:$0x1] =	stream.strided.gather [hbm4b:s23+s6], $0x4000, s26, s6, $0x38;
	[tilespmem:$0x1B000] =	vst v63  }
0x416: {  	_ =	swait.ge [sflag:s12], $0x4000  }
0x417: {  	[sflag:s12] =	ssyncset.done $0x0  }
0x418: {  	s19 =	simm.s32 $0x9000;
	[sflag:s12] =	ssyncadd.s32 $0xFFFFC000  }
0x419: {  	s20 =	simm.s32 $0x10;
	s17 =	simm.s32 $0x0;
	v5 =	vld [tilespmem:s19+$0x0]  }
.LBB2_90:
0x41a: {  	p0 =	sne.s32 s20, $0x1FF0;
	_ =	sdelay $0x3  }
0x41b: {  	v6 =	vshll.u32 v5, $0x1  }
0x41c: {  	v5 =	vand.u32 $0x7F, v5;
	v6 =	vand.u32 $0xFFFFFF00, v6  }
0x41d: {  	v5 =	vor.u32 v5, v6;
	_ =	sdelay $0x2  }
0x41e: {  	v6 =	vmov s17  }
0x41f: {  	v7 =	vor.u32 s17, v1;
	s17 =	smov.u32 s20;
	v6 =	vshll.u32 v6, $0x1  }
0x420: {  	v7 =	vand.u32 $0x7F, v7;
	v6 =	vand.u32 $0x3F00, v6;
	v8 =	vld.idx.msk [tilespmem:v5+s8+$0x0], $0xffff  }
0x421: {  	v6 =	vor.u32 v7, v6  }
0x422: {  	v5 =	vor.u32 $0x80, v5;
	_ =	sdelay $0x3  }
0x423: {  	[tilespmem:v6+s13+$0x0] =	vst.idx.msk $0xffff, v8  }
0x424: {  	v5 =	vld.idx.msk [tilespmem:v5+s8+$0x0], $0xffff  }
0x425: {  	v6 =	vor.u32 $0x80, v6;
	_ =	sdelay $0x1  }
.Ltmp44:
0x426: {  	(pc) =	sbr.rel @p0 .LBB2_90-.Ltmp44, $3  }
0x427: {  	_ =	sdelay $0x1  }
0x428: {  	s19 =	sadd.s32 $0x10, s19;
	[tilespmem:v6+s13+$0x0] =	vst.idx.msk $0xffff, v5  }
0x429: {  	s20 =	sadd.s32 $0x10, s20;
	v5 =	vld [tilespmem:s19+$0x0]  }
0x42a: {  	_ =	sdelay $0x3  }
0x42b: {  	v6 =	vshll.u32 v5, $0x1  }
0x42c: {  	v5 =	vand.u32 $0x7F, v5;
	v6 =	vand.u32 $0xFFFFFF00, v6  }
0x42d: {  	v5 =	vor.u32 v5, v6;
	_ =	sdelay $0x1  }
0x42e: {  	v6 =	vmov s17  }
0x42f: {  	v7 =	vor.u32 s17, v1;
	v6 =	vshll.u32 v6, $0x1  }
0x430: {  	v7 =	vand.u32 $0x7F, v7;
	v6 =	vand.u32 $0x3F00, v6  }
0x431: {  	v6 =	vor.u32 v7, v6;
	v8 =	vld.idx.msk [tilespmem:v5+s8+$0x0], $0xffff  }
0x432: {  	v5 =	vor.u32 $0x80, v5;
	_ =	sdelay $0x3  }
0x433: {  	[tilespmem:v6+s13+$0x0] =	vst.idx.msk $0xffff, v8  }
0x434: {  	v6 =	vor.u32 $0x80, v6;
	v5 =	vld.idx.msk [tilespmem:v5+s8+$0x0], $0xffff;
	_ =	sdelay $0x2  }
0x435: {  	s22 =	sld [smem:$0x7F5];
	_ =	sdelay $0x1  }
0x436: {  	s23 =	sld [smem:$0x7F8];
	[tilespmem:v6+s13+$0x0] =	vst.idx.msk $0xffff, v5  }
0x437: {  	[hbm4b:s22+s6] =	stream.strided.scatter [tilespmem:s13], [sflag:$0x4], $0x4000, s26, s6, $0x38;
	[tilespmem:$0x1B000] =	vst v63  }
0x438: {  	s17 =	simm.s32 $0x1  }
0x439: {  	[tilespmem:s8], [sflag:$0x2] =	stream.strided.gather [hbm4b:s23+s6], $0x4000, s26, s6, $0x38;
	[tilespmem:$0x1B000] =	vst v63  }
.LBB2_92:
0x43a: {  	_ =	swait.ge [sflag:s14], $0x4000  }
0x43b: {  	[sflag:s14] =	ssyncset.done $0x0  }
0x43c: {  	[sflag:s14] =	ssyncadd.s32 $0xFFFFC000  }
0x43d: {  	_ =	swait.ge [sflag:s10], $0x4000  }
0x43e: {  	[sflag:s10] =	ssyncset.done $0x0  }
0x43f: {  	s20 =	simm.s32 $0x9000;
	[sflag:s10] =	ssyncadd.s32 $0xFFFFC000  }
0x440: {  	s19 =	simm.s32 $0x0;
	s21 =	simm.s32 $0x10;
	v5 =	vld [tilespmem:s20+$0x0]  }
.LBB2_93:
0x441: {  	p0 =	sne.s32 s21, $0x1FF0;
	_ =	sdelay $0x3  }
0x442: {  	v6 =	vshll.u32 v5, $0x1  }
0x443: {  	v5 =	vand.u32 $0x7F, v5;
	v6 =	vand.u32 $0xFFFFFF00, v6  }
0x444: {  	v5 =	vor.u32 v5, v6;
	_ =	sdelay $0x2  }
0x445: {  	v6 =	vmov s19  }
0x446: {  	v7 =	vor.u32 s19, v1;
	s19 =	smov.u32 s21;
	v6 =	vshll.u32 v6, $0x1  }
0x447: {  	v7 =	vand.u32 $0x7F, v7;
	v6 =	vand.u32 $0x3F00, v6;
	v8 =	vld.idx.msk [tilespmem:v5+s7+$0x0], $0xffff  }
0x448: {  	v6 =	vor.u32 v7, v6  }
0x449: {  	v5 =	vor.u32 $0x80, v5;
	_ =	sdelay $0x3  }
0x44a: {  	[tilespmem:v6+s11+$0x0] =	vst.idx.msk $0xffff, v8  }
0x44b: {  	v5 =	vld.idx.msk [tilespmem:v5+s7+$0x0], $0xffff  }
0x44c: {  	v6 =	vor.u32 $0x80, v6;
	_ =	sdelay $0x1  }
.Ltmp45:
0x44d: {  	(pc) =	sbr.rel @p0 .LBB2_93-.Ltmp45, $3  }
0x44e: {  	_ =	sdelay $0x1  }
0x44f: {  	s20 =	sadd.s32 $0x10, s20;
	[tilespmem:v6+s11+$0x0] =	vst.idx.msk $0xffff, v5  }
0x450: {  	s21 =	sadd.s32 $0x10, s21;
	v5 =	vld [tilespmem:s20+$0x0]  }
0x451: {  	_ =	sdelay $0x3  }
0x452: {  	v6 =	vshll.u32 v5, $0x1  }
0x453: {  	v5 =	vand.u32 $0x7F, v5;
	v6 =	vand.u32 $0xFFFFFF00, v6  }
0x454: {  	v5 =	vor.u32 v5, v6;
	_ =	sdelay $0x1  }
0x455: {  	v6 =	vmov s19  }
0x456: {  	v7 =	vor.u32 s19, v1;
	v6 =	vshll.u32 v6, $0x1  }
0x457: {  	v7 =	vand.u32 $0x7F, v7;
	v6 =	vand.u32 $0x3F00, v6  }
0x458: {  	v6 =	vor.u32 v7, v6;
	v8 =	vld.idx.msk [tilespmem:v5+s7+$0x0], $0xffff  }
0x459: {  	v5 =	vor.u32 $0x80, v5;
	_ =	sdelay $0x3  }
0x45a: {  	s22 =	sshll.u32 s17, $0x9;
	s20 =	sshll.u32 s17, $0xF;
	[tilespmem:v6+s11+$0x0] =	vst.idx.msk $0xffff, v8  }
0x45b: {  	s20 =	sand.u32 $0x70000, s20;
	s19 =	sand.u32 $0x200, s22;
	v6 =	vor.u32 $0x80, v6;
	v5 =	vld.idx.msk [tilespmem:v5+s7+$0x0], $0xffff  }
0x45c: {  	s19 =	sor.u32 s20, s19  }
0x45d: {  	s19 =	sor.u32 s18, s19  }
0x45e: {  	s20 =	sshrl.u32 s19, $0x3;
	s19 =	sshll.u32 s17, $0x2  }
0x45f: {  	s23 =	sadd.s32 $0x4, s19  }
0x460: {  	s21 =	sadd.s32 s3, s20;
	s22 =	sshll.u32 s23, $0xD;
	[tilespmem:v6+s11+$0x0] =	vst.idx.msk $0xffff, v5  }
0x461: {  	[hbm4b:s21+s6] =	stream.strided.scatter [tilespmem:s11], [sflag:$0x3], $0x4000, s26, s6, $0x38;
	[tilespmem:$0x1B000] =	vst v63  }
0x462: {  	s22 =	sand.u32 $0xF0000, s22;
	s21 =	sshll.u32 s23, $0x7  }
0x463: {  	s22 =	sadd.s32 s18, s22;
	s21 =	sand.u32 $0x200, s21  }
0x464: {  	s21 =	sor.u32 s21, s22  }
0x465: {  	s21 =	sshrl.u32 s21, $0x3  }
0x466: {  	s21 =	sadd.s32 s0, s21  }
0x467: {  	[tilespmem:s7], [sflag:$0x1] =	stream.strided.gather [hbm4b:s21+s6], $0x4000, s26, s6, $0x38;
	[tilespmem:$0x1B000] =	vst v63  }
0x468: {  	_ =	swait.ge [sflag:s15], $0x4000  }
0x469: {  	[sflag:s15] =	ssyncset.done $0x0  }
0x46a: {  	[sflag:s15] =	ssyncadd.s32 $0xFFFFC000  }
0x46b: {  	_ =	swait.ge [sflag:s12], $0x4000  }
0x46c: {  	[sflag:s12] =	ssyncset.done $0x0  }
0x46d: {  	s22 =	simm.s32 $0x9000;
	[sflag:s12] =	ssyncadd.s32 $0xFFFFC000  }
0x46e: {  	s23 =	simm.s32 $0x10;
	s21 =	simm.s32 $0x0;
	v5 =	vld [tilespmem:s22+$0x0]  }
.LBB2_95:
0x46f: {  	p0 =	sne.s32 s23, $0x1FF0;
	_ =	sdelay $0x3  }
0x470: {  	v6 =	vshll.u32 v5, $0x1  }
0x471: {  	v5 =	vand.u32 $0x7F, v5;
	v6 =	vand.u32 $0xFFFFFF00, v6  }
0x472: {  	v5 =	vor.u32 v5, v6;
	_ =	sdelay $0x2  }
0x473: {  	v6 =	vmov s21  }
0x474: {  	v7 =	vor.u32 s21, v1;
	s21 =	smov.u32 s23;
	v6 =	vshll.u32 v6, $0x1  }
0x475: {  	v7 =	vand.u32 $0x7F, v7;
	v6 =	vand.u32 $0x3F00, v6;
	v8 =	vld.idx.msk [tilespmem:v5+s8+$0x0], $0xffff  }
0x476: {  	v6 =	vor.u32 v7, v6  }
0x477: {  	v5 =	vor.u32 $0x80, v5;
	_ =	sdelay $0x3  }
0x478: {  	[tilespmem:v6+s13+$0x0] =	vst.idx.msk $0xffff, v8  }
0x479: {  	v5 =	vld.idx.msk [tilespmem:v5+s8+$0x0], $0xffff  }
0x47a: {  	v6 =	vor.u32 $0x80, v6;
	_ =	sdelay $0x1  }
.Ltmp46:
0x47b: {  	(pc) =	sbr.rel @p0 .LBB2_95-.Ltmp46, $3  }
0x47c: {  	_ =	sdelay $0x1  }
0x47d: {  	s22 =	sadd.s32 $0x10, s22;
	[tilespmem:v6+s13+$0x0] =	vst.idx.msk $0xffff, v5  }
0x47e: {  	s23 =	sadd.s32 $0x10, s23;
	v5 =	vld [tilespmem:s22+$0x0]  }
0x47f: {  	_ =	sdelay $0x3  }
0x480: {  	v6 =	vshll.u32 v5, $0x1  }
0x481: {  	v5 =	vand.u32 $0x7F, v5;
	v6 =	vand.u32 $0xFFFFFF00, v6  }
0x482: {  	v5 =	vor.u32 v5, v6;
	_ =	sdelay $0x1  }
0x483: {  	v6 =	vmov s21  }
0x484: {  	v7 =	vor.u32 s21, v1;
	v6 =	vshll.u32 v6, $0x1  }
0x485: {  	v7 =	vand.u32 $0x7F, v7;
	v6 =	vand.u32 $0x3F00, v6  }
0x486: {  	v6 =	vor.u32 v7, v6;
	v8 =	vld.idx.msk [tilespmem:v5+s8+$0x0], $0xffff  }
0x487: {  	v5 =	vor.u32 $0x80, v5;
	_ =	sdelay $0x3  }
0x488: {  	[tilespmem:v6+s13+$0x0] =	vst.idx.msk $0xffff, v8  }
0x489: {  	v6 =	vor.u32 $0x80, v6;
	v5 =	vld.idx.msk [tilespmem:v5+s8+$0x0], $0xffff;
	_ =	sdelay $0x3  }
0x48a: {  	s20 =	sadd.s32 s20, s3;
	s19 =	sadd.s32 $0x6, s19  }
0x48b: {  	s17 =	sadd.s32 $0x1, s17;
	s20 =	sadd.s32 $0x20, s20;
	s23 =	sshll.u32 s19, $0xD;
	[tilespmem:v6+s13+$0x0] =	vst.idx.msk $0xffff, v5  }
0x48c: {  	[hbm4b:s20+s6] =	stream.strided.scatter [tilespmem:s13], [sflag:$0x4], $0x4000, s26, s6, $0x38;
	[tilespmem:$0x1B000] =	vst v63  }
0x48d: {  	s19 =	sshll.u32 s19, $0x7;
	p0 =	sne.s32 s17, $0xF;
	s20 =	sand.u32 $0xF0000, s23  }
.Ltmp47:
0x48e: {  	s19 =	sand.u32 $0x300, s19;
	s20 =	sadd.s32 s18, s20;
	(pc) =	sbr.rel @p0 .LBB2_92-.Ltmp47, $4  }
0x48f: {  	s19 =	sor.u32 s19, s20  }
0x490: {  	s19 =	sshrl.u32 s19, $0x3  }
0x491: {  	s19 =	sadd.s32 s0, s19  }
0x492: {  	[tilespmem:s8], [sflag:$0x2] =	stream.strided.gather [hbm4b:s19+s6], $0x4000, s26, s6, $0x38;
	[tilespmem:$0x1B000] =	vst v63  }
0x493: {  	_ =	swait.ge [sflag:s14], $0x4000  }
0x494: {  	[sflag:s14] =	ssyncset.done $0x0  }
0x495: {  	[sflag:s14] =	ssyncadd.s32 $0xFFFFC000  }
0x496: {  	_ =	swait.ge [sflag:s10], $0x4000  }
0x497: {  	[sflag:s10] =	ssyncset.done $0x0  }
0x498: {  	s19 =	simm.s32 $0x9000;
	[sflag:s10] =	ssyncadd.s32 $0xFFFFC000  }
0x499: {  	s17 =	simm.s32 $0x0;
	s20 =	simm.s32 $0x10;
	v5 =	vld [tilespmem:s19+$0x0]  }
.LBB2_98:
0x49a: {  	p0 =	sne.s32 s20, $0x1FF0;
	_ =	sdelay $0x3  }
0x49b: {  	v6 =	vshll.u32 v5, $0x1  }
0x49c: {  	v5 =	vand.u32 $0x7F, v5;
	v6 =	vand.u32 $0xFFFFFF00, v6  }
0x49d: {  	v5 =	vor.u32 v5, v6;
	_ =	sdelay $0x2  }
0x49e: {  	v6 =	vmov s17  }
0x49f: {  	v7 =	vor.u32 s17, v1;
	s17 =	smov.u32 s20;
	v6 =	vshll.u32 v6, $0x1  }
0x4a0: {  	v7 =	vand.u32 $0x7F, v7;
	v6 =	vand.u32 $0x3F00, v6;
	v8 =	vld.idx.msk [tilespmem:v5+s7+$0x0], $0xffff  }
0x4a1: {  	v6 =	vor.u32 v7, v6  }
0x4a2: {  	v5 =	vor.u32 $0x80, v5;
	_ =	sdelay $0x3  }
0x4a3: {  	[tilespmem:v6+s11+$0x0] =	vst.idx.msk $0xffff, v8  }
0x4a4: {  	v5 =	vld.idx.msk [tilespmem:v5+s7+$0x0], $0xffff  }
0x4a5: {  	v6 =	vor.u32 $0x80, v6;
	_ =	sdelay $0x1  }
.Ltmp48:
0x4a6: {  	(pc) =	sbr.rel @p0 .LBB2_98-.Ltmp48, $3  }
0x4a7: {  	_ =	sdelay $0x1  }
0x4a8: {  	s19 =	sadd.s32 $0x10, s19;
	[tilespmem:v6+s11+$0x0] =	vst.idx.msk $0xffff, v5  }
0x4a9: {  	s20 =	sadd.s32 $0x10, s20;
	v5 =	vld [tilespmem:s19+$0x0]  }
0x4aa: {  	_ =	sdelay $0x3  }
0x4ab: {  	v6 =	vshll.u32 v5, $0x1  }
0x4ac: {  	v5 =	vand.u32 $0x7F, v5;
	v6 =	vand.u32 $0xFFFFFF00, v6  }
0x4ad: {  	v5 =	vor.u32 v5, v6;
	_ =	sdelay $0x1  }
0x4ae: {  	v6 =	vmov s17  }
0x4af: {  	v7 =	vor.u32 s17, v1;
	v6 =	vshll.u32 v6, $0x1  }
0x4b0: {  	v7 =	vand.u32 $0x7F, v7;
	v6 =	vand.u32 $0x3F00, v6  }
0x4b1: {  	v6 =	vor.u32 v7, v6;
	v8 =	vld.idx.msk [tilespmem:v5+s7+$0x0], $0xffff  }
0x4b2: {  	v5 =	vor.u32 $0x80, v5;
	_ =	sdelay $0x3  }
0x4b3: {  	[tilespmem:v6+s11+$0x0] =	vst.idx.msk $0xffff, v8  }
0x4b4: {  	v6 =	vor.u32 $0x80, v6;
	v5 =	vld.idx.msk [tilespmem:v5+s7+$0x0], $0xffff;
	_ =	sdelay $0x2  }
0x4b5: {  	s23 =	sld [smem:$0x7FA];
	_ =	sdelay $0x1  }
0x4b6: {  	[tilespmem:v6+s11+$0x0] =	vst.idx.msk $0xffff, v5  }
0x4b7: {  	[hbm4b:s23+s6] =	stream.strided.scatter [tilespmem:s11], [sflag:$0x3], $0x4000, s26, s6, $0x38;
	[tilespmem:$0x1B000] =	vst v63  }
0x4b8: {  	_ =	swait.ge [sflag:s15], $0x4000  }
0x4b9: {  	[sflag:s15] =	ssyncset.done $0x0  }
0x4ba: {  	[sflag:s15] =	ssyncadd.s32 $0xFFFFC000  }
0x4bb: {  	_ =	swait.ge [sflag:s12], $0x4000  }
0x4bc: {  	[sflag:s12] =	ssyncset.done $0x0  }
0x4bd: {  	s19 =	simm.s32 $0x9000;
	[sflag:s12] =	ssyncadd.s32 $0xFFFFC000  }
0x4be: {  	s20 =	simm.s32 $0x10;
	s17 =	simm.s32 $0x0;
	v5 =	vld [tilespmem:s19+$0x0]  }
.LBB2_100:
0x4bf: {  	p0 =	sne.s32 s20, $0x1FF0;
	_ =	sdelay $0x3  }
0x4c0: {  	v6 =	vshll.u32 v5, $0x1  }
0x4c1: {  	v5 =	vand.u32 $0x7F, v5;
	v6 =	vand.u32 $0xFFFFFF00, v6  }
0x4c2: {  	v5 =	vor.u32 v5, v6;
	_ =	sdelay $0x2  }
0x4c3: {  	v6 =	vmov s17  }
0x4c4: {  	v7 =	vor.u32 s17, v1;
	s17 =	smov.u32 s20;
	v6 =	vshll.u32 v6, $0x1  }
0x4c5: {  	v7 =	vand.u32 $0x7F, v7;
	v6 =	vand.u32 $0x3F00, v6;
	v8 =	vld.idx.msk [tilespmem:v5+s8+$0x0], $0xffff  }
0x4c6: {  	v6 =	vor.u32 v7, v6  }
0x4c7: {  	v5 =	vor.u32 $0x80, v5;
	_ =	sdelay $0x3  }
0x4c8: {  	[tilespmem:v6+s13+$0x0] =	vst.idx.msk $0xffff, v8  }
0x4c9: {  	v5 =	vld.idx.msk [tilespmem:v5+s8+$0x0], $0xffff  }
0x4ca: {  	v6 =	vor.u32 $0x80, v6;
	_ =	sdelay $0x1  }
.Ltmp49:
0x4cb: {  	(pc) =	sbr.rel @p0 .LBB2_100-.Ltmp49, $3  }
0x4cc: {  	_ =	sdelay $0x1  }
0x4cd: {  	s19 =	sadd.s32 $0x10, s19;
	[tilespmem:v6+s13+$0x0] =	vst.idx.msk $0xffff, v5  }
0x4ce: {  	s20 =	sadd.s32 $0x10, s20;
	v5 =	vld [tilespmem:s19+$0x0]  }
0x4cf: {  	_ =	sdelay $0x3  }
0x4d0: {  	v6 =	vshll.u32 v5, $0x1  }
0x4d1: {  	v5 =	vand.u32 $0x7F, v5;
	v6 =	vand.u32 $0xFFFFFF00, v6  }
0x4d2: {  	v5 =	vor.u32 v5, v6;
	_ =	sdelay $0x1  }
0x4d3: {  	v6 =	vmov s17  }
0x4d4: {  	v7 =	vor.u32 s17, v1;
	v6 =	vshll.u32 v6, $0x1  }
0x4d5: {  	v7 =	vand.u32 $0x7F, v7;
	v6 =	vand.u32 $0x3F00, v6  }
0x4d6: {  	v6 =	vor.u32 v7, v6;
	v8 =	vld.idx.msk [tilespmem:v5+s8+$0x0], $0xffff  }
0x4d7: {  	v5 =	vor.u32 $0x80, v5;
	_ =	sdelay $0x3  }
0x4d8: {  	[tilespmem:v6+s13+$0x0] =	vst.idx.msk $0xffff, v8  }
0x4d9: {  	v6 =	vor.u32 $0x80, v6;
	v5 =	vld.idx.msk [tilespmem:v5+s8+$0x0], $0xffff;
	_ =	sdelay $0x2  }
0x4da: {  	s22 =	sld [smem:$0x7FC];
	_ =	sdelay $0x1  }
0x4db: {  	[tilespmem:v6+s13+$0x0] =	vst.idx.msk $0xffff, v5  }
0x4dc: {  	[hbm4b:s22+s6] =	stream.strided.scatter [tilespmem:s13], [sflag:$0x4], $0x4000, s26, s6, $0x38;
	[tilespmem:$0x1B000] =	vst v63  }
0x4dd: {  	_ =	swait.ge [sflag:s14], $0x4000  }
0x4de: {  	[sflag:s14] =	ssyncset.done $0x0  }
0x4df: {  	[sflag:s14] =	ssyncadd.s32 $0xFFFFC000  }
0x4e0: {  	_ =	swait.ge [sflag:s15], $0x4000  }
0x4e1: {  	[sflag:s15] =	ssyncset.done $0x0  }
0x4e2: {  	s23 =	simm.s32 $0x0;
	s19 =	rddreg [dreg:$0xf];
	[sflag:s15] =	ssyncadd.s32 $0xFFFFC000  }
0x4e3: {  	[tilespmem:s23], [sflag:$0x5] =	stream.strided.gather [hbm4b:s19+s25], $0x2000, s26, s25, $0x38;
	[tilespmem:$0x1B000] =	vst v63  }
0x4e4: {  	_ =	swait.ge [sflag:s28], $0x2000  }
0x4e5: {  	[sflag:s28] =	ssyncset.done $0x0  }
0x4e6: {  	s17 =	simm.s32 $0x0;
	[sflag:s28] =	ssyncadd.s32 $0xFFFFE000  }
0x4e7: {  	s19 =	simm.s32 $0x40;
	v5 =	vld [tilespmem:s17+$0x0]  }
.LBB2_102:
0x4e8: {  	_ =	sdelay $0x1  }
0x4e9: {  	p0 =	sne.s32 s19, $0x7FC0  }
.Ltmp50:
0x4ea: {  	_ = 	snop;
	(pc) =	sbr.rel @p0 .LBB2_102-.Ltmp50, $4  }
0x4eb: {  	v6 =	vshra.s32 v5, $0x1F  }
0x4ec: {  	v7 =	vmov v5;
	v6 =	vor.u32 $0x80000000, v6  }
0x4ed: {  	s20 =	sshra.s32 s19, $0x2;
	v6 =	vxor.u32 v7, v6  }
0x4ee: {  	s19 =	sadd.s32 $0x40, s19;
	v5 =	vld [tilespmem:s20+$0x0];
	[tilespmem:s17+$0x2000] =	vst v6;
	s17 =	smov.u32 s20  }
0x4ef: {  	_ =	sdelay $0x3  }
0x4f0: {  	v6 =	vshra.s32 v5, $0x1F  }
0x4f1: {  	v6 =	vor.u32 $0x80000000, v6  }
0x4f2: {  	v5 =	vxor.u32 v5, v6  }
0x4f3: {  	s19 =	simm.s32 $0x0;
	[tilespmem:s17+$0x2000] =	vst v5;
	s17 =	simm.s32 $0x40  }
.LBB2_104:
0x4f4: {  	p0 =	sne.s32 s17, $0x3FC0;
	[tilespmem:s19+$0x8000] =	vst v0;
	s19 =	smov.u32 s17;
	s17 =	sadd.s32 $0x40, s17  }
.Ltmp51:
0x4f5: {  	(pc) =	sbr.rel @p0 .LBB2_104-.Ltmp51, $2  }
0x4f6: {  	_ =	sdelay $0x2  }
0x4f7: {  	s19 =	sshra.s32 s19, $0x2  }
0x4f8: {  	s17 =	simm.s32 $0x0  }
0x4f9: {  	v5 =	vor.u32 s17, v2;
	_ =	sdelay $0x3  }
0x4fa: {  	[tilespmem:s19+$0x8000] =	vst v0  }
0x4fb: {  	v5 =	vld.idx.msk [tilespmem:v5+s29+$0x0], $0xffff;
	_ =	sdelay $0x4  }
0x4fc: {  	v5 =	vshll.u32 v5, $0x4  }
0x4fd: {  	v5 =	vor.u32 v1, v5  }
0x4fe: {  	s23 =	simm.s32 $0x1;
	v5 =	vand.u32 $0xFFF, v5  }
0x4ff: {  	s19 =	simm.s32 $0x2;
	v6 =	vor.u32 s23, v2  }
.LBB2_106:
0x500: {  	p0 =	sne.s32 s19, $0x1FF;
	_ =	sdelay $0x2  }
0x501: {  	[tilespmem:v5+s30+$0x0] =	vst.idx.add.s32.msk $0xffff, v3  }
0x502: {  	v5 =	vld.idx.msk [tilespmem:v6+s29+$0x0], $0xffff;
	_ =	sdelay $0x4  }
.Ltmp52:
0x503: {  	(pc) =	sbr.rel @p0 .LBB2_106-.Ltmp52, $4  }
0x504: {  	v5 =	vshll.u32 v5, $0x4  }
0x505: {  	v5 =	vor.u32 v1, v5  }
0x506: {  	v5 =	vand.u32 $0xFFF, v5  }
0x507: {  	v6 =	vor.u32 s19, v2;
	s19 =	sadd.s32 $0x1, s19  }
0x508: {  	_ =	sdelay $0x3  }
0x509: {  	[tilespmem:v5+s30+$0x0] =	vst.idx.add.s32.msk $0xffff, v3  }
0x50a: {  	v5 =	vld.idx.msk [tilespmem:v6+s29+$0x0], $0xffff;
	_ =	sdelay $0x4  }
0x50b: {  	v5 =	vshll.u32 v5, $0x4  }
0x50c: {  	v5 =	vor.u32 v1, v5  }
0x50d: {  	v5 =	vand.u32 $0xFFF, v5;
	_ =	sdelay $0x4  }
0x50e: {  	s21 =	simm.s32 $0x0;
	[tilespmem:v5+s30+$0x0] =	vst.idx.add.s32.msk $0xffff, v3  }
0x50f: {  	v5 =	vld [tilespmem:s21+$0x8000];
	_ =	sdelay $0x4  }
0x510: {  	(xrf0) =	vadd.scan.msk.s32 $0xffff, v5;
	_ =	sdelay $0x5  }
0x511: {  	v6, _, _ =	vpop (xrf0)  }
0x512: {  	(v2sf) =	vpush v6, $0xF  }
0x513: {  	v5 =	vsub.s32 s17, v5  }
0x514: {  	v5 =	vadd.s32 v6, v5  }
0x515: {  	s19 =	simm.s32 $0x10;
	s20 =	simm.s32 $0x80;
	[tilespmem:s21+$0x8000] =	vst v5  }
.LBB2_108:
0x516: {  	p0 =	sne.s32 s20, $0x3FC0;
	v5 =	vld [tilespmem:s19+$0x8000];
	_ =	sdelay $0x4  }
0x517: {  	(xrf0) =	vadd.scan.msk.s32 $0xffff, v5;
	_ =	sdelay $0x5  }
.Ltmp53:
0x518: {  	v6, _, _ =	vpop (xrf0);
	s21 =	spop (v2sf);
	(pc) =	sbr.rel @p0 .LBB2_108-.Ltmp53, $4  }
0x519: {  	(v2sf) =	vpush v6, $0xF;
	s17 =	sadd.s32 s17, s21  }
0x51a: {  	v5 =	vsub.s32 s17, v5  }
0x51b: {  	v5 =	vadd.s32 v6, v5  }
0x51c: {  	[tilespmem:s19+$0x8000] =	vst v5;
	s19 =	sshra.s32 s20, $0x2;
	s20 =	sadd.s32 $0x40, s20  }
0x51d: {  	_ =	sdelay $0x1  }
0x51e: {  	v6 =	vld [tilespmem:s19+$0x8000];
	_ =	sdelay $0x4  }
0x51f: {  	(xrf0) =	vadd.scan.msk.s32 $0xffff, v6;
	_ =	sdelay $0x2  }
0x520: {  	s20 =	simm.s32 $0x0  }
0x521: {  	v5 =	vor.u32 s20, v2;
	s21 =	spop (v2sf)  }
0x522: {  	s17 =	sadd.s32 s17, s21  }
0x523: {  	v7, _, _ =	vpop (xrf0);
	v6 =	vsub.s32 s17, v6  }
0x524: {  	v6 =	vadd.s32 v7, v6  }
0x525: {  	[tilespmem:s19+$0x8000] =	vst v6  }
0x526: {  	v6 =	vld.idx.msk [tilespmem:v5+s29+$0x0], $0xffff;
	_ =	sdelay $0x2  }
0x527: {  	(v2sf) =	vpush v7, $0xF;
	_ =	sdelay $0x1  }
0x528: {  	v7 =	vshll.u32 v6, $0x4  }
0x529: {  	v7 =	vor.u32 v1, v7  }
0x52a: {  	v8 =	vand.u32 $0xFFF, v7;
	_ =	sdelay $0x4  }
0x52b: {  	v9 =	vld.idx.msk [tilespmem:v8+s30+$0x0], $0xffff;
	_ =	sdelay $0x4  }
0x52c: {  	s22 =	simm.s32 $0x1  }
0x52d: {  	s17 =	simm.s32 $0x2;
	v7 =	vor.u32 s22, v2;
	s23 =	spop (v2sf);
	v10 =	vadd.s32 $0x1, v9  }
.LBB2_110:
0x52e: {  	p0 =	sne.s32 s17, $0x1FF;
	[tilespmem:v8+s30+$0x0] =	vst.idx.msk $0xffff, v10  }
0x52f: {  	[tilespmem:v9+s31+$0x0] =	vst.idx.msk $0xffff, v6  }
0x530: {  	[tilespmem:v9+s4+$0x0] =	vst.idx.msk $0xffff, v5;
	v5 =	vmov v7  }
0x531: {  	v6 =	vld.idx.msk [tilespmem:v7+s29+$0x0], $0xffff;
	_ =	sdelay $0x5  }
0x532: {  	v7 =	vshll.u32 v6, $0x4  }
0x533: {  	v7 =	vor.u32 v1, v7  }
0x534: {  	v8 =	vand.u32 $0xFFF, v7;
	_ =	sdelay $0x4  }
0x535: {  	v9 =	vld.idx.msk [tilespmem:v8+s30+$0x0], $0xffff;
	_ =	sdelay $0x1  }
.Ltmp54:
0x536: {  	(pc) =	sbr.rel @p0 .LBB2_110-.Ltmp54, $3  }
0x537: {  	_ =	sdelay $0x1  }
0x538: {  	v7 =	vor.u32 s17, v2  }
0x539: {  	s17 =	sadd.s32 $0x1, s17;
	v10 =	vadd.s32 $0x1, v9  }
0x53a: {  	_ =	sdelay $0x3  }
0x53b: {  	[tilespmem:v8+s30+$0x0] =	vst.idx.msk $0xffff, v10  }
0x53c: {  	[tilespmem:v9+s31+$0x0] =	vst.idx.msk $0xffff, v6  }
0x53d: {  	[tilespmem:v9+s4+$0x0] =	vst.idx.msk $0xffff, v5  }
0x53e: {  	v5 =	vld.idx.msk [tilespmem:v7+s29+$0x0], $0xffff;
	_ =	sdelay $0x4  }
0x53f: {  	v6 =	vshll.u32 v5, $0x4  }
0x540: {  	v6 =	vor.u32 v1, v6  }
0x541: {  	v6 =	vand.u32 $0xFFF, v6;
	_ =	sdelay $0x4  }
0x542: {  	v8 =	vld.idx.msk [tilespmem:v6+s30+$0x0], $0xffff;
	_ =	sdelay $0x5  }
0x543: {  	v63 =	vadd.s32 $0x1, v8  }
0x544: {  	[tilespmem:v6+s30+$0x0] =	vst.idx.msk $0xffff, v63  }
0x545: {  	[tilespmem:v8+s31+$0x0] =	vst.idx.msk $0xffff, v5  }
0x546: {  	s17 =	simm.s32 $0x40;
	s19 =	simm.s32 $0x0;
	[tilespmem:v8+s4+$0x0] =	vst.idx.msk $0xffff, v7  }
.LBB2_112:
0x547: {  	p0 =	sne.s32 s17, $0x3FC0;
	[tilespmem:s19+$0x8000] =	vst v0;
	s19 =	smov.u32 s17;
	s17 =	sadd.s32 $0x40, s17  }
.Ltmp55:
0x548: {  	(pc) =	sbr.rel @p0 .LBB2_112-.Ltmp55, $2  }
0x549: {  	_ =	sdelay $0x2  }
0x54a: {  	s19 =	sshra.s32 s19, $0x2  }
0x54b: {  	s17 =	simm.s32 $0x0  }
0x54c: {  	v5 =	vor.u32 s17, v2;
	_ =	sdelay $0x3  }
0x54d: {  	[tilespmem:s19+$0x8000] =	vst v0  }
0x54e: {  	v5 =	vld.idx.msk [tilespmem:v5+s31+$0x0], $0xffff;
	_ =	sdelay $0x4  }
0x54f: {  	v5 =	vshrl.u32 v5, $0x4  }
0x550: {  	v5 =	vand.u32 $0xFF0, v5  }
0x551: {  	s23 =	simm.s32 $0x1;
	v5 =	vor.u32 v1, v5  }
0x552: {  	s19 =	simm.s32 $0x2;
	v6 =	vor.u32 s23, v2  }
.LBB2_114:
0x553: {  	p0 =	sne.s32 s19, $0x1FF;
	_ =	sdelay $0x2  }
0x554: {  	[tilespmem:v5+s30+$0x0] =	vst.idx.add.s32.msk $0xffff, v3  }
0x555: {  	v5 =	vld.idx.msk [tilespmem:v6+s31+$0x0], $0xffff;
	_ =	sdelay $0x4  }
.Ltmp56:
0x556: {  	(pc) =	sbr.rel @p0 .LBB2_114-.Ltmp56, $4  }
0x557: {  	v5 =	vshrl.u32 v5, $0x4  }
0x558: {  	v5 =	vand.u32 $0xFF0, v5  }
0x559: {  	v5 =	vor.u32 v1, v5  }
0x55a: {  	v6 =	vor.u32 s19, v2;
	s19 =	sadd.s32 $0x1, s19  }
0x55b: {  	_ =	sdelay $0x3  }
0x55c: {  	[tilespmem:v5+s30+$0x0] =	vst.idx.add.s32.msk $0xffff, v3  }
0x55d: {  	v5 =	vld.idx.msk [tilespmem:v6+s31+$0x0], $0xffff;
	_ =	sdelay $0x4  }
0x55e: {  	v5 =	vshrl.u32 v5, $0x4  }
0x55f: {  	v5 =	vand.u32 $0xFF0, v5  }
0x560: {  	v5 =	vor.u32 v1, v5;
	_ =	sdelay $0x4  }
0x561: {  	s21 =	simm.s32 $0x0;
	[tilespmem:v5+s30+$0x0] =	vst.idx.add.s32.msk $0xffff, v3  }
0x562: {  	v5 =	vld [tilespmem:s21+$0x8000];
	_ =	sdelay $0x4  }
0x563: {  	(xrf0) =	vadd.scan.msk.s32 $0xffff, v5;
	_ =	sdelay $0x5  }
0x564: {  	v6, _, _ =	vpop (xrf0)  }
0x565: {  	(v2sf) =	vpush v6, $0xF  }
0x566: {  	v5 =	vsub.s32 s17, v5  }
0x567: {  	v5 =	vadd.s32 v6, v5  }
0x568: {  	s19 =	simm.s32 $0x10;
	s20 =	simm.s32 $0x80;
	[tilespmem:s21+$0x8000] =	vst v5  }
.LBB2_116:
0x569: {  	p0 =	sne.s32 s20, $0x3FC0;
	v5 =	vld [tilespmem:s19+$0x8000];
	_ =	sdelay $0x4  }
0x56a: {  	(xrf0) =	vadd.scan.msk.s32 $0xffff, v5;
	_ =	sdelay $0x5  }
.Ltmp57:
0x56b: {  	v6, _, _ =	vpop (xrf0);
	s21 =	spop (v2sf);
	(pc) =	sbr.rel @p0 .LBB2_116-.Ltmp57, $4  }
0x56c: {  	(v2sf) =	vpush v6, $0xF;
	s17 =	sadd.s32 s17, s21  }
0x56d: {  	v5 =	vsub.s32 s17, v5  }
0x56e: {  	v5 =	vadd.s32 v6, v5  }
0x56f: {  	[tilespmem:s19+$0x8000] =	vst v5;
	s19 =	sshra.s32 s20, $0x2;
	s20 =	sadd.s32 $0x40, s20  }
0x570: {  	_ =	sdelay $0x1  }
0x571: {  	v5 =	vld [tilespmem:s19+$0x8000];
	_ =	sdelay $0x4  }
0x572: {  	(xrf0) =	vadd.scan.msk.s32 $0xffff, v5;
	_ =	sdelay $0x2  }
0x573: {  	s20 =	simm.s32 $0x0  }
0x574: {  	v7 =	vor.u32 s20, v2;
	s21 =	spop (v2sf)  }
0x575: {  	s17 =	sadd.s32 s17, s21  }
0x576: {  	v6, _, _ =	vpop (xrf0);
	v5 =	vsub.s32 s17, v5  }
0x577: {  	v5 =	vadd.s32 v6, v5  }
0x578: {  	[tilespmem:s19+$0x8000] =	vst v5  }
0x579: {  	v5 =	vld.idx.msk [tilespmem:v7+s31+$0x0], $0xffff;
	_ =	sdelay $0x4  }
0x57a: {  	v8 =	vshrl.u32 v5, $0x4  }
0x57b: {  	(v2sf) =	vpush v6, $0xF;
	v6 =	vand.u32 $0xFF0, v8  }
0x57c: {  	v8 =	vor.u32 v1, v6;
	_ =	sdelay $0x4  }
0x57d: {  	v6 =	vld.idx.msk [tilespmem:v8+s30+$0x0], $0xffff;
	_ =	sdelay $0x5  }
0x57e: {  	v9 =	vadd.s32 $0x1, v6  }
0x57f: {  	[tilespmem:v8+s30+$0x0] =	vst.idx.msk $0xffff, v9  }
0x580: {  	[tilespmem:v6+s29+$0x0] =	vst.idx.msk $0xffff, v5  }
0x581: {  	s22 =	simm.s32 $0x1;
	v7 =	vld.idx.msk [tilespmem:v7+s4+$0x0], $0xffff  }
0x582: {  	s17 =	simm.s32 $0x2;
	s23 =	spop (v2sf);
	v5 =	vor.u32 s22, v2  }
.LBB2_118:
0x583: {  	_ =	sdelay $0x2  }
0x584: {  	p0 =	sne.s32 s17, $0x1FF;
	s19 =	smov.u32 s17;
	s17 =	sadd.s32 $0x1, s17;
	[tilespmem:v6+s1+$0x0] =	vst.idx.msk $0xffff, v7  }
0x585: {  	v7 =	vld.idx.msk [tilespmem:v5+s31+$0x0], $0xffff;
	_ =	sdelay $0x5  }
0x586: {  	v6 =	vshrl.u32 v7, $0x4  }
0x587: {  	v6 =	vand.u32 $0xFF0, v6  }
0x588: {  	v8 =	vor.u32 v1, v6;
	_ =	sdelay $0x4  }
0x589: {  	v6 =	vld.idx.msk [tilespmem:v8+s30+$0x0], $0xffff;
	_ =	sdelay $0x5  }
0x58a: {  	v9 =	vadd.s32 $0x1, v6  }
.Ltmp58:
0x58b: {  	[tilespmem:v8+s30+$0x0] =	vst.idx.msk $0xffff, v9;
	(pc) =	sbr.rel @p0 .LBB2_118-.Ltmp58, $3  }
0x58c: {  	[tilespmem:v6+s29+$0x0] =	vst.idx.msk $0xffff, v7  }
0x58d: {  	v7 =	vld.idx.msk [tilespmem:v5+s4+$0x0], $0xffff;
	_ =	sdelay $0x1  }
0x58e: {  	v5 =	vor.u32 s19, v2  }
0x58f: {  	_ =	sdelay $0x3  }
0x590: {  	[tilespmem:v6+s1+$0x0] =	vst.idx.msk $0xffff, v7  }
0x591: {  	v6 =	vld.idx.msk [tilespmem:v5+s31+$0x0], $0xffff;
	_ =	sdelay $0x4  }
0x592: {  	v7 =	vshrl.u32 v6, $0x4  }
0x593: {  	v7 =	vand.u32 $0xFF0, v7  }
0x594: {  	v7 =	vor.u32 v1, v7;
	_ =	sdelay $0x4  }
0x595: {  	v8 =	vld.idx.msk [tilespmem:v7+s30+$0x0], $0xffff;
	_ =	sdelay $0x5  }
0x596: {  	v9 =	vadd.s32 $0x1, v8  }
0x597: {  	[tilespmem:v7+s30+$0x0] =	vst.idx.msk $0xffff, v9  }
0x598: {  	[tilespmem:v8+s29+$0x0] =	vst.idx.msk $0xffff, v6  }
0x599: {  	v5 =	vld.idx.msk [tilespmem:v5+s4+$0x0], $0xffff;
	_ =	sdelay $0x4  }
0x59a: {  	s17 =	simm.s32 $0x40;
	s19 =	simm.s32 $0x0;
	[tilespmem:v8+s1+$0x0] =	vst.idx.msk $0xffff, v5  }
.LBB2_120:
0x59b: {  	p0 =	sne.s32 s17, $0x3FC0;
	[tilespmem:s19+$0x8000] =	vst v0;
	s19 =	smov.u32 s17;
	s17 =	sadd.s32 $0x40, s17  }
.Ltmp59:
0x59c: {  	(pc) =	sbr.rel @p0 .LBB2_120-.Ltmp59, $2  }
0x59d: {  	_ =	sdelay $0x2  }
0x59e: {  	s19 =	sshra.s32 s19, $0x2  }
0x59f: {  	s17 =	simm.s32 $0x0  }
0x5a0: {  	v5 =	vor.u32 s17, v2;
	_ =	sdelay $0x3  }
0x5a1: {  	[tilespmem:s19+$0x8000] =	vst v0  }
0x5a2: {  	v5 =	vld.idx.msk [tilespmem:v5+s29+$0x0], $0xffff;
	_ =	sdelay $0x4  }
0x5a3: {  	v5 =	vshrl.u32 v5, $0xC  }
0x5a4: {  	v5 =	vand.u32 $0xFF0, v5  }
0x5a5: {  	s23 =	simm.s32 $0x1;
	v5 =	vor.u32 v1, v5  }
0x5a6: {  	s19 =	simm.s32 $0x2;
	v6 =	vor.u32 s23, v2  }
.LBB2_122:
0x5a7: {  	p0 =	sne.s32 s19, $0x1FF;
	_ =	sdelay $0x2  }
0x5a8: {  	[tilespmem:v5+s30+$0x0] =	vst.idx.add.s32.msk $0xffff, v3  }
0x5a9: {  	v5 =	vld.idx.msk [tilespmem:v6+s29+$0x0], $0xffff;
	_ =	sdelay $0x4  }
.Ltmp60:
0x5aa: {  	(pc) =	sbr.rel @p0 .LBB2_122-.Ltmp60, $4  }
0x5ab: {  	v5 =	vshrl.u32 v5, $0xC  }
0x5ac: {  	v5 =	vand.u32 $0xFF0, v5  }
0x5ad: {  	v5 =	vor.u32 v1, v5  }
0x5ae: {  	v6 =	vor.u32 s19, v2;
	s19 =	sadd.s32 $0x1, s19  }
0x5af: {  	_ =	sdelay $0x3  }
0x5b0: {  	[tilespmem:v5+s30+$0x0] =	vst.idx.add.s32.msk $0xffff, v3  }
0x5b1: {  	v5 =	vld.idx.msk [tilespmem:v6+s29+$0x0], $0xffff;
	_ =	sdelay $0x4  }
0x5b2: {  	v5 =	vshrl.u32 v5, $0xC  }
0x5b3: {  	v5 =	vand.u32 $0xFF0, v5  }
0x5b4: {  	v5 =	vor.u32 v1, v5;
	_ =	sdelay $0x4  }
0x5b5: {  	s21 =	simm.s32 $0x0;
	[tilespmem:v5+s30+$0x0] =	vst.idx.add.s32.msk $0xffff, v3  }
0x5b6: {  	v5 =	vld [tilespmem:s21+$0x8000];
	_ =	sdelay $0x4  }
0x5b7: {  	(xrf0) =	vadd.scan.msk.s32 $0xffff, v5;
	_ =	sdelay $0x5  }
0x5b8: {  	v6, _, _ =	vpop (xrf0)  }
0x5b9: {  	(v2sf) =	vpush v6, $0xF  }
0x5ba: {  	v5 =	vsub.s32 s17, v5  }
0x5bb: {  	v5 =	vadd.s32 v6, v5  }
0x5bc: {  	s19 =	simm.s32 $0x10;
	s20 =	simm.s32 $0x80;
	[tilespmem:s21+$0x8000] =	vst v5  }
.LBB2_124:
0x5bd: {  	p0 =	sne.s32 s20, $0x3FC0;
	v5 =	vld [tilespmem:s19+$0x8000];
	_ =	sdelay $0x4  }
0x5be: {  	(xrf0) =	vadd.scan.msk.s32 $0xffff, v5;
	_ =	sdelay $0x5  }
.Ltmp61:
0x5bf: {  	v6, _, _ =	vpop (xrf0);
	s21 =	spop (v2sf);
	(pc) =	sbr.rel @p0 .LBB2_124-.Ltmp61, $4  }
0x5c0: {  	(v2sf) =	vpush v6, $0xF;
	s17 =	sadd.s32 s17, s21  }
0x5c1: {  	v5 =	vsub.s32 s17, v5  }
0x5c2: {  	v5 =	vadd.s32 v6, v5  }
0x5c3: {  	[tilespmem:s19+$0x8000] =	vst v5;
	s19 =	sshra.s32 s20, $0x2;
	s20 =	sadd.s32 $0x40, s20  }
0x5c4: {  	_ =	sdelay $0x1  }
0x5c5: {  	v5 =	vld [tilespmem:s19+$0x8000];
	_ =	sdelay $0x4  }
0x5c6: {  	(xrf0) =	vadd.scan.msk.s32 $0xffff, v5;
	_ =	sdelay $0x2  }
0x5c7: {  	s20 =	simm.s32 $0x0  }
0x5c8: {  	v7 =	vor.u32 s20, v2;
	s21 =	spop (v2sf)  }
0x5c9: {  	s17 =	sadd.s32 s17, s21  }
0x5ca: {  	v6, _, _ =	vpop (xrf0);
	v5 =	vsub.s32 s17, v5  }
0x5cb: {  	v5 =	vadd.s32 v6, v5  }
0x5cc: {  	[tilespmem:s19+$0x8000] =	vst v5  }
0x5cd: {  	v5 =	vld.idx.msk [tilespmem:v7+s29+$0x0], $0xffff;
	_ =	sdelay $0x4  }
0x5ce: {  	v8 =	vshrl.u32 v5, $0xC  }
0x5cf: {  	(v2sf) =	vpush v6, $0xF;
	v6 =	vand.u32 $0xFF0, v8  }
0x5d0: {  	v8 =	vor.u32 v1, v6;
	_ =	sdelay $0x4  }
0x5d1: {  	v6 =	vld.idx.msk [tilespmem:v8+s30+$0x0], $0xffff;
	_ =	sdelay $0x5  }
0x5d2: {  	v9 =	vadd.s32 $0x1, v6  }
0x5d3: {  	[tilespmem:v8+s30+$0x0] =	vst.idx.msk $0xffff, v9  }
0x5d4: {  	[tilespmem:v6+s31+$0x0] =	vst.idx.msk $0xffff, v5  }
0x5d5: {  	s22 =	simm.s32 $0x1;
	v7 =	vld.idx.msk [tilespmem:v7+s1+$0x0], $0xffff  }
0x5d6: {  	s17 =	simm.s32 $0x2;
	s23 =	spop (v2sf);
	v5 =	vor.u32 s22, v2  }
.LBB2_126:
0x5d7: {  	_ =	sdelay $0x2  }
0x5d8: {  	p0 =	sne.s32 s17, $0x1FF;
	s19 =	smov.u32 s17;
	s17 =	sadd.s32 $0x1, s17;
	[tilespmem:v6+s4+$0x0] =	vst.idx.msk $0xffff, v7  }
0x5d9: {  	v7 =	vld.idx.msk [tilespmem:v5+s29+$0x0], $0xffff;
	_ =	sdelay $0x5  }
0x5da: {  	v6 =	vshrl.u32 v7, $0xC  }
0x5db: {  	v6 =	vand.u32 $0xFF0, v6  }
0x5dc: {  	v8 =	vor.u32 v1, v6;
	_ =	sdelay $0x4  }
0x5dd: {  	v6 =	vld.idx.msk [tilespmem:v8+s30+$0x0], $0xffff;
	_ =	sdelay $0x5  }
0x5de: {  	v9 =	vadd.s32 $0x1, v6  }
.Ltmp62:
0x5df: {  	[tilespmem:v8+s30+$0x0] =	vst.idx.msk $0xffff, v9;
	(pc) =	sbr.rel @p0 .LBB2_126-.Ltmp62, $3  }
0x5e0: {  	[tilespmem:v6+s31+$0x0] =	vst.idx.msk $0xffff, v7  }
0x5e1: {  	v7 =	vld.idx.msk [tilespmem:v5+s1+$0x0], $0xffff;
	_ =	sdelay $0x1  }
0x5e2: {  	v5 =	vor.u32 s19, v2  }
0x5e3: {  	_ =	sdelay $0x3  }
0x5e4: {  	[tilespmem:v6+s4+$0x0] =	vst.idx.msk $0xffff, v7  }
0x5e5: {  	v6 =	vld.idx.msk [tilespmem:v5+s29+$0x0], $0xffff;
	_ =	sdelay $0x4  }
0x5e6: {  	v7 =	vshrl.u32 v6, $0xC  }
0x5e7: {  	v7 =	vand.u32 $0xFF0, v7  }
0x5e8: {  	v7 =	vor.u32 v1, v7;
	_ =	sdelay $0x4  }
0x5e9: {  	v8 =	vld.idx.msk [tilespmem:v7+s30+$0x0], $0xffff;
	_ =	sdelay $0x5  }
0x5ea: {  	v9 =	vadd.s32 $0x1, v8  }
0x5eb: {  	[tilespmem:v7+s30+$0x0] =	vst.idx.msk $0xffff, v9  }
0x5ec: {  	[tilespmem:v8+s31+$0x0] =	vst.idx.msk $0xffff, v6  }
0x5ed: {  	v5 =	vld.idx.msk [tilespmem:v5+s1+$0x0], $0xffff;
	_ =	sdelay $0x4  }
0x5ee: {  	s17 =	simm.s32 $0x40;
	s19 =	simm.s32 $0x0;
	[tilespmem:v8+s4+$0x0] =	vst.idx.msk $0xffff, v5  }
.LBB2_128:
0x5ef: {  	p0 =	sne.s32 s17, $0x3FC0;
	[tilespmem:s19+$0x8000] =	vst v0;
	s19 =	smov.u32 s17;
	s17 =	sadd.s32 $0x40, s17  }
.Ltmp63:
0x5f0: {  	(pc) =	sbr.rel @p0 .LBB2_128-.Ltmp63, $2  }
0x5f1: {  	_ =	sdelay $0x2  }
0x5f2: {  	s19 =	sshra.s32 s19, $0x2  }
0x5f3: {  	s17 =	simm.s32 $0x0  }
0x5f4: {  	v5 =	vor.u32 s17, v2;
	_ =	sdelay $0x3  }
0x5f5: {  	[tilespmem:s19+$0x8000] =	vst v0  }
0x5f6: {  	v5 =	vld.idx.msk [tilespmem:v5+s31+$0x0], $0xffff;
	_ =	sdelay $0x4  }
0x5f7: {  	v5 =	vshrl.u32 v5, $0x14  }
0x5f8: {  	v5 =	vand.u32 $0xFF0, v5  }
0x5f9: {  	s23 =	simm.s32 $0x1;
	v5 =	vor.u32 v1, v5  }
0x5fa: {  	s19 =	simm.s32 $0x2;
	v6 =	vor.u32 s23, v2  }
.LBB2_130:
0x5fb: {  	p0 =	sne.s32 s19, $0x1FF;
	_ =	sdelay $0x2  }
0x5fc: {  	[tilespmem:v5+s30+$0x0] =	vst.idx.add.s32.msk $0xffff, v3  }
0x5fd: {  	v5 =	vld.idx.msk [tilespmem:v6+s31+$0x0], $0xffff;
	_ =	sdelay $0x4  }
.Ltmp64:
0x5fe: {  	(pc) =	sbr.rel @p0 .LBB2_130-.Ltmp64, $4  }
0x5ff: {  	v5 =	vshrl.u32 v5, $0x14  }
0x600: {  	v5 =	vand.u32 $0xFF0, v5  }
0x601: {  	v5 =	vor.u32 v1, v5  }
0x602: {  	v6 =	vor.u32 s19, v2;
	s19 =	sadd.s32 $0x1, s19  }
0x603: {  	_ =	sdelay $0x3  }
0x604: {  	[tilespmem:v5+s30+$0x0] =	vst.idx.add.s32.msk $0xffff, v3  }
0x605: {  	v5 =	vld.idx.msk [tilespmem:v6+s31+$0x0], $0xffff;
	_ =	sdelay $0x4  }
0x606: {  	v5 =	vshrl.u32 v5, $0x14  }
0x607: {  	v5 =	vand.u32 $0xFF0, v5  }
0x608: {  	v5 =	vor.u32 v1, v5;
	_ =	sdelay $0x4  }
0x609: {  	s21 =	simm.s32 $0x0;
	[tilespmem:v5+s30+$0x0] =	vst.idx.add.s32.msk $0xffff, v3  }
0x60a: {  	v5 =	vld [tilespmem:s21+$0x8000];
	_ =	sdelay $0x4  }
0x60b: {  	(xrf0) =	vadd.scan.msk.s32 $0xffff, v5;
	_ =	sdelay $0x5  }
0x60c: {  	v6, _, _ =	vpop (xrf0)  }
0x60d: {  	(v2sf) =	vpush v6, $0xF  }
0x60e: {  	v5 =	vsub.s32 s17, v5  }
0x60f: {  	v5 =	vadd.s32 v6, v5  }
0x610: {  	s19 =	simm.s32 $0x10;
	s20 =	simm.s32 $0x80;
	[tilespmem:s21+$0x8000] =	vst v5  }
.LBB2_132:
0x611: {  	p0 =	sne.s32 s20, $0x3FC0;
	v5 =	vld [tilespmem:s19+$0x8000];
	_ =	sdelay $0x4  }
0x612: {  	(xrf0) =	vadd.scan.msk.s32 $0xffff, v5;
	_ =	sdelay $0x5  }
.Ltmp65:
0x613: {  	v6, _, _ =	vpop (xrf0);
	s21 =	spop (v2sf);
	(pc) =	sbr.rel @p0 .LBB2_132-.Ltmp65, $4  }
0x614: {  	(v2sf) =	vpush v6, $0xF;
	s17 =	sadd.s32 s17, s21  }
0x615: {  	v5 =	vsub.s32 s17, v5  }
0x616: {  	v5 =	vadd.s32 v6, v5  }
0x617: {  	[tilespmem:s19+$0x8000] =	vst v5;
	s19 =	sshra.s32 s20, $0x2;
	s20 =	sadd.s32 $0x40, s20  }
0x618: {  	_ =	sdelay $0x1  }
0x619: {  	v5 =	vld [tilespmem:s19+$0x8000];
	_ =	sdelay $0x4  }
0x61a: {  	(xrf0) =	vadd.scan.msk.s32 $0xffff, v5;
	_ =	sdelay $0x2  }
0x61b: {  	s20 =	simm.s32 $0x0  }
0x61c: {  	v7 =	vor.u32 s20, v2;
	s21 =	spop (v2sf)  }
0x61d: {  	s17 =	sadd.s32 s17, s21  }
0x61e: {  	v6, _, _ =	vpop (xrf0);
	v5 =	vsub.s32 s17, v5  }
0x61f: {  	v5 =	vadd.s32 v6, v5  }
0x620: {  	[tilespmem:s19+$0x8000] =	vst v5  }
0x621: {  	v5 =	vld.idx.msk [tilespmem:v7+s31+$0x0], $0xffff;
	_ =	sdelay $0x4  }
0x622: {  	v8 =	vshrl.u32 v5, $0x14  }
0x623: {  	(v2sf) =	vpush v6, $0xF;
	v6 =	vand.u32 $0xFF0, v8  }
0x624: {  	v8 =	vor.u32 v1, v6;
	_ =	sdelay $0x4  }
0x625: {  	v6 =	vld.idx.msk [tilespmem:v8+s30+$0x0], $0xffff;
	_ =	sdelay $0x5  }
0x626: {  	v9 =	vadd.s32 $0x1, v6  }
0x627: {  	[tilespmem:v8+s30+$0x0] =	vst.idx.msk $0xffff, v9  }
0x628: {  	[tilespmem:v6+s29+$0x0] =	vst.idx.msk $0xffff, v5  }
0x629: {  	s22 =	simm.s32 $0x1;
	v7 =	vld.idx.msk [tilespmem:v7+s4+$0x0], $0xffff  }
0x62a: {  	s17 =	simm.s32 $0x2;
	s23 =	spop (v2sf);
	v5 =	vor.u32 s22, v2  }
.LBB2_134:
0x62b: {  	_ =	sdelay $0x2  }
0x62c: {  	p0 =	sne.s32 s17, $0x1FF;
	s19 =	smov.u32 s17;
	s17 =	sadd.s32 $0x1, s17;
	[tilespmem:v6+s1+$0x0] =	vst.idx.msk $0xffff, v7  }
0x62d: {  	v7 =	vld.idx.msk [tilespmem:v5+s31+$0x0], $0xffff;
	_ =	sdelay $0x5  }
0x62e: {  	v6 =	vshrl.u32 v7, $0x14  }
0x62f: {  	v6 =	vand.u32 $0xFF0, v6  }
0x630: {  	v8 =	vor.u32 v1, v6;
	_ =	sdelay $0x4  }
0x631: {  	v6 =	vld.idx.msk [tilespmem:v8+s30+$0x0], $0xffff;
	_ =	sdelay $0x5  }
0x632: {  	v9 =	vadd.s32 $0x1, v6  }
.Ltmp66:
0x633: {  	[tilespmem:v8+s30+$0x0] =	vst.idx.msk $0xffff, v9;
	(pc) =	sbr.rel @p0 .LBB2_134-.Ltmp66, $3  }
0x634: {  	[tilespmem:v6+s29+$0x0] =	vst.idx.msk $0xffff, v7  }
0x635: {  	v7 =	vld.idx.msk [tilespmem:v5+s4+$0x0], $0xffff;
	_ =	sdelay $0x1  }
0x636: {  	v5 =	vor.u32 s19, v2  }
0x637: {  	_ =	sdelay $0x3  }
0x638: {  	[tilespmem:v6+s1+$0x0] =	vst.idx.msk $0xffff, v7  }
0x639: {  	v6 =	vld.idx.msk [tilespmem:v5+s31+$0x0], $0xffff;
	_ =	sdelay $0x4  }
0x63a: {  	v7 =	vshrl.u32 v6, $0x14  }
0x63b: {  	v7 =	vand.u32 $0xFF0, v7  }
0x63c: {  	v7 =	vor.u32 v1, v7;
	_ =	sdelay $0x4  }
0x63d: {  	v8 =	vld.idx.msk [tilespmem:v7+s30+$0x0], $0xffff;
	_ =	sdelay $0x5  }
0x63e: {  	v9 =	vadd.s32 $0x1, v8  }
0x63f: {  	[tilespmem:v7+s30+$0x0] =	vst.idx.msk $0xffff, v9  }
0x640: {  	[tilespmem:v8+s29+$0x0] =	vst.idx.msk $0xffff, v6  }
0x641: {  	v5 =	vld.idx.msk [tilespmem:v5+s4+$0x0], $0xffff;
	_ =	sdelay $0x4  }
0x642: {  	s17 =	simm.s32 $0x0;
	[tilespmem:v8+s1+$0x0] =	vst.idx.msk $0xffff, v5  }
0x643: {  	s19 =	simm.s32 $0x40;
	v5 =	vld [tilespmem:s17+$0x2000]  }
.LBB2_136:
0x644: {  	_ =	sdelay $0x1  }
0x645: {  	p0 =	sne.s32 s19, $0x7FC0  }
.Ltmp67:
0x646: {  	_ = 	snop;
	(pc) =	sbr.rel @p0 .LBB2_136-.Ltmp67, $4  }
0x647: {  	vm0 =	vgt.s32 v5, $0xFFFFFFFF  }
0x648: {  	v6 =	vmov v5;
	v7 =	vsel vm0, $0xFFFFFFFF, v4  }
0x649: {  	s20 =	sshra.s32 s19, $0x2;
	v6 =	vxor.u32 v6, v7  }
0x64a: {  	s19 =	sadd.s32 $0x40, s19;
	v5 =	vld [tilespmem:s20+$0x2000];
	[tilespmem:s17+$0x0] =	vst v6;
	s17 =	smov.u32 s20  }
0x64b: {  	_ =	sdelay $0x3  }
0x64c: {  	vm0 =	vgt.s32 v5, $0xFFFFFFFF  }
0x64d: {  	v6 =	vsel vm0, $0xFFFFFFFF, v4  }
0x64e: {  	v5 =	vxor.u32 v5, v6  }
0x64f: {  	s19 =	rddreg [dreg:$0x10];
	[tilespmem:s17+$0x0] =	vst v5;
	s17 =	simm.s32 $0x0  }
0x650: {  	[hbm4b:s19+s25] =	stream.strided.scatter [tilespmem:s17], [sflag:$0x5], $0x2000, s26, s25, $0x38;
	[tilespmem:$0x1B000] =	vst v63  }
0x651: {  	_ =	swait.ge [sflag:s28], $0x2000  }
0x652: {  	[sflag:s28] =	ssyncset.done $0x0  }
0x653: {  	s22 =	rddreg [dreg:$0x13];
	[sflag:s28] =	ssyncadd.s32 $0xFFFFE000  }
0x654: {  	[tilespmem:s7], [sflag:$0x1] =	stream.strided.gather [hbm4b:s22+s6], $0x4000, s26, s6, $0x38;
	[tilespmem:$0x1B000] =	vst v63  }
0x655: {  	s23 =	rddreg [dreg:$0x19]  }
0x656: {  	[tilespmem:s8], [sflag:$0x2] =	stream.strided.gather [hbm4b:s23+s6], $0x4000, s26, s6, $0x38;
	[tilespmem:$0x1B000] =	vst v63  }
0x657: {  	_ =	swait.ge [sflag:s10], $0x4000  }
0x658: {  	[sflag:s10] =	ssyncset.done $0x0  }
0x659: {  	s19 =	simm.s32 $0x9000;
	[sflag:s10] =	ssyncadd.s32 $0xFFFFC000  }
0x65a: {  	s20 =	simm.s32 $0x10;
	v5 =	vld [tilespmem:s19+$0x0]  }
.LBB2_138:
0x65b: {  	p0 =	sne.s32 s20, $0x1FF0;
	_ =	sdelay $0x3  }
0x65c: {  	v6 =	vshll.u32 v5, $0x1  }
0x65d: {  	v5 =	vand.u32 $0x7F, v5;
	v6 =	vand.u32 $0xFFFFFF00, v6  }
0x65e: {  	v5 =	vor.u32 v5, v6;
	_ =	sdelay $0x2  }
0x65f: {  	v6 =	vmov s17  }
0x660: {  	v7 =	vor.u32 s17, v1;
	s17 =	smov.u32 s20;
	v6 =	vshll.u32 v6, $0x1  }
0x661: {  	v7 =	vand.u32 $0x7F, v7;
	v6 =	vand.u32 $0x3F00, v6;
	v8 =	vld.idx.msk [tilespmem:v5+s7+$0x0], $0xffff  }
0x662: {  	v6 =	vor.u32 v7, v6  }
0x663: {  	v5 =	vor.u32 $0x80, v5;
	_ =	sdelay $0x3  }
0x664: {  	[tilespmem:v6+s11+$0x0] =	vst.idx.msk $0xffff, v8  }
0x665: {  	v5 =	vld.idx.msk [tilespmem:v5+s7+$0x0], $0xffff  }
0x666: {  	v6 =	vor.u32 $0x80, v6;
	_ =	sdelay $0x1  }
.Ltmp68:
0x667: {  	(pc) =	sbr.rel @p0 .LBB2_138-.Ltmp68, $3  }
0x668: {  	_ =	sdelay $0x1  }
0x669: {  	s19 =	sadd.s32 $0x10, s19;
	[tilespmem:v6+s11+$0x0] =	vst.idx.msk $0xffff, v5  }
0x66a: {  	s20 =	sadd.s32 $0x10, s20;
	v5 =	vld [tilespmem:s19+$0x0]  }
0x66b: {  	_ =	sdelay $0x3  }
0x66c: {  	v6 =	vshll.u32 v5, $0x1  }
0x66d: {  	v5 =	vand.u32 $0x7F, v5;
	v6 =	vand.u32 $0xFFFFFF00, v6  }
0x66e: {  	v5 =	vor.u32 v5, v6;
	_ =	sdelay $0x1  }
0x66f: {  	v6 =	vmov s17  }
0x670: {  	v7 =	vor.u32 s17, v1;
	v6 =	vshll.u32 v6, $0x1  }
0x671: {  	v7 =	vand.u32 $0x7F, v7;
	v6 =	vand.u32 $0x3F00, v6  }
0x672: {  	v6 =	vor.u32 v7, v6;
	v8 =	vld.idx.msk [tilespmem:v5+s7+$0x0], $0xffff  }
0x673: {  	v5 =	vor.u32 $0x80, v5;
	_ =	sdelay $0x3  }
0x674: {  	[tilespmem:v6+s11+$0x0] =	vst.idx.msk $0xffff, v8  }
0x675: {  	v6 =	vor.u32 $0x80, v6;
	v5 =	vld.idx.msk [tilespmem:v5+s7+$0x0], $0xffff;
	_ =	sdelay $0x4  }
0x676: {  	s22 =	rddreg [dreg:$0x14];
	[tilespmem:v6+s11+$0x0] =	vst.idx.msk $0xffff, v5  }
0x677: {  	[hbm4b:s22+s6] =	stream.strided.scatter [tilespmem:s11], [sflag:$0x3], $0x4000, s26, s6, $0x38;
	[tilespmem:$0x1B000] =	vst v63  }
0x678: {  	s23 =	rddreg [dreg:$0x16]  }
0x679: {  	[tilespmem:s7], [sflag:$0x1] =	stream.strided.gather [hbm4b:s23+s6], $0x4000, s26, s6, $0x38;
	[tilespmem:$0x1B000] =	vst v63  }
0x67a: {  	_ =	swait.ge [sflag:s12], $0x4000  }
0x67b: {  	[sflag:s12] =	ssyncset.done $0x0  }
0x67c: {  	s19 =	simm.s32 $0x9000;
	[sflag:s12] =	ssyncadd.s32 $0xFFFFC000  }
0x67d: {  	s20 =	simm.s32 $0x10;
	s17 =	simm.s32 $0x0;
	v5 =	vld [tilespmem:s19+$0x0]  }
.LBB2_140:
0x67e: {  	p0 =	sne.s32 s20, $0x1FF0;
	_ =	sdelay $0x3  }
0x67f: {  	v6 =	vshll.u32 v5, $0x1  }
0x680: {  	v5 =	vand.u32 $0x7F, v5;
	v6 =	vand.u32 $0xFFFFFF00, v6  }
0x681: {  	v5 =	vor.u32 v5, v6;
	_ =	sdelay $0x2  }
0x682: {  	v6 =	vmov s17  }
0x683: {  	v7 =	vor.u32 s17, v1;
	s17 =	smov.u32 s20;
	v6 =	vshll.u32 v6, $0x1  }
0x684: {  	v7 =	vand.u32 $0x7F, v7;
	v6 =	vand.u32 $0x3F00, v6;
	v8 =	vld.idx.msk [tilespmem:v5+s8+$0x0], $0xffff  }
0x685: {  	v6 =	vor.u32 v7, v6  }
0x686: {  	v5 =	vor.u32 $0x80, v5;
	_ =	sdelay $0x3  }
0x687: {  	[tilespmem:v6+s13+$0x0] =	vst.idx.msk $0xffff, v8  }
0x688: {  	v5 =	vld.idx.msk [tilespmem:v5+s8+$0x0], $0xffff  }
0x689: {  	v6 =	vor.u32 $0x80, v6;
	_ =	sdelay $0x1  }
.Ltmp69:
0x68a: {  	(pc) =	sbr.rel @p0 .LBB2_140-.Ltmp69, $3  }
0x68b: {  	_ =	sdelay $0x1  }
0x68c: {  	s19 =	sadd.s32 $0x10, s19;
	[tilespmem:v6+s13+$0x0] =	vst.idx.msk $0xffff, v5  }
0x68d: {  	s20 =	sadd.s32 $0x10, s20;
	v5 =	vld [tilespmem:s19+$0x0]  }
0x68e: {  	_ =	sdelay $0x3  }
0x68f: {  	v6 =	vshll.u32 v5, $0x1  }
0x690: {  	v5 =	vand.u32 $0x7F, v5;
	v6 =	vand.u32 $0xFFFFFF00, v6  }
0x691: {  	v5 =	vor.u32 v5, v6;
	_ =	sdelay $0x1  }
0x692: {  	v6 =	vmov s17  }
0x693: {  	v7 =	vor.u32 s17, v1;
	v6 =	vshll.u32 v6, $0x1  }
0x694: {  	v7 =	vand.u32 $0x7F, v7;
	v6 =	vand.u32 $0x3F00, v6  }
0x695: {  	v6 =	vor.u32 v7, v6;
	v8 =	vld.idx.msk [tilespmem:v5+s8+$0x0], $0xffff  }
0x696: {  	v5 =	vor.u32 $0x80, v5;
	_ =	sdelay $0x3  }
0x697: {  	[tilespmem:v6+s13+$0x0] =	vst.idx.msk $0xffff, v8  }
0x698: {  	v6 =	vor.u32 $0x80, v6;
	v5 =	vld.idx.msk [tilespmem:v5+s8+$0x0], $0xffff;
	_ =	sdelay $0x4  }
0x699: {  	s22 =	rddreg [dreg:$0x1a];
	[tilespmem:v6+s13+$0x0] =	vst.idx.msk $0xffff, v5  }
0x69a: {  	[hbm4b:s22+s6] =	stream.strided.scatter [tilespmem:s13], [sflag:$0x4], $0x4000, s26, s6, $0x38;
	[tilespmem:$0x1B000] =	vst v63  }
0x69b: {  	s23 =	rddreg [dreg:$0x1c];
	s17 =	simm.s32 $0x1  }
0x69c: {  	[tilespmem:s8], [sflag:$0x2] =	stream.strided.gather [hbm4b:s23+s6], $0x4000, s26, s6, $0x38;
	[tilespmem:$0x1B000] =	vst v63  }
.LBB2_142:
0x69d: {  	_ =	swait.ge [sflag:s14], $0x4000  }
0x69e: {  	[sflag:s14] =	ssyncset.done $0x0  }
0x69f: {  	[sflag:s14] =	ssyncadd.s32 $0xFFFFC000  }
0x6a0: {  	_ =	swait.ge [sflag:s10], $0x4000  }
0x6a1: {  	[sflag:s10] =	ssyncset.done $0x0  }
0x6a2: {  	s20 =	simm.s32 $0x9000;
	[sflag:s10] =	ssyncadd.s32 $0xFFFFC000  }
0x6a3: {  	s19 =	simm.s32 $0x0;
	s21 =	simm.s32 $0x10;
	v5 =	vld [tilespmem:s20+$0x0]  }
.LBB2_143:
0x6a4: {  	p0 =	sne.s32 s21, $0x1FF0;
	_ =	sdelay $0x3  }
0x6a5: {  	v6 =	vshll.u32 v5, $0x1  }
0x6a6: {  	v5 =	vand.u32 $0x7F, v5;
	v6 =	vand.u32 $0xFFFFFF00, v6  }
0x6a7: {  	v5 =	vor.u32 v5, v6;
	_ =	sdelay $0x2  }
0x6a8: {  	v6 =	vmov s19  }
0x6a9: {  	v7 =	vor.u32 s19, v1;
	s19 =	smov.u32 s21;
	v6 =	vshll.u32 v6, $0x1  }
0x6aa: {  	v7 =	vand.u32 $0x7F, v7;
	v6 =	vand.u32 $0x3F00, v6;
	v8 =	vld.idx.msk [tilespmem:v5+s7+$0x0], $0xffff  }
0x6ab: {  	v6 =	vor.u32 v7, v6  }
0x6ac: {  	v5 =	vor.u32 $0x80, v5;
	_ =	sdelay $0x3  }
0x6ad: {  	[tilespmem:v6+s11+$0x0] =	vst.idx.msk $0xffff, v8  }
0x6ae: {  	v5 =	vld.idx.msk [tilespmem:v5+s7+$0x0], $0xffff  }
0x6af: {  	v6 =	vor.u32 $0x80, v6;
	_ =	sdelay $0x1  }
.Ltmp70:
0x6b0: {  	(pc) =	sbr.rel @p0 .LBB2_143-.Ltmp70, $3  }
0x6b1: {  	_ =	sdelay $0x1  }
0x6b2: {  	s20 =	sadd.s32 $0x10, s20;
	[tilespmem:v6+s11+$0x0] =	vst.idx.msk $0xffff, v5  }
0x6b3: {  	s21 =	sadd.s32 $0x10, s21;
	v5 =	vld [tilespmem:s20+$0x0]  }
0x6b4: {  	_ =	sdelay $0x3  }
0x6b5: {  	v6 =	vshll.u32 v5, $0x1  }
0x6b6: {  	v5 =	vand.u32 $0x7F, v5;
	v6 =	vand.u32 $0xFFFFFF00, v6  }
0x6b7: {  	v5 =	vor.u32 v5, v6;
	_ =	sdelay $0x1  }
0x6b8: {  	v6 =	vmov s19  }
0x6b9: {  	v7 =	vor.u32 s19, v1;
	v6 =	vshll.u32 v6, $0x1  }
0x6ba: {  	v7 =	vand.u32 $0x7F, v7;
	v6 =	vand.u32 $0x3F00, v6  }
0x6bb: {  	v6 =	vor.u32 v7, v6;
	v8 =	vld.idx.msk [tilespmem:v5+s7+$0x0], $0xffff  }
0x6bc: {  	v5 =	vor.u32 $0x80, v5;
	_ =	sdelay $0x3  }
0x6bd: {  	[tilespmem:v6+s11+$0x0] =	vst.idx.msk $0xffff, v8  }
0x6be: {  	s22 =	sshll.u32 s17, $0x9;
	s20 =	sshll.u32 s17, $0xF;
	v6 =	vor.u32 $0x80, v6;
	v5 =	vld.idx.msk [tilespmem:v5+s7+$0x0], $0xffff  }
0x6bf: {  	s20 =	sand.u32 $0x70000, s20;
	s19 =	sand.u32 $0x200, s22  }
0x6c0: {  	s19 =	sor.u32 s20, s19  }
0x6c1: {  	s19 =	sor.u32 s9, s19  }
0x6c2: {  	s20 =	sshrl.u32 s19, $0x3;
	s19 =	sshll.u32 s17, $0x2  }
0x6c3: {  	s21 =	sadd.s32 s5, s20;
	s23 =	sadd.s32 $0x4, s19;
	[tilespmem:v6+s11+$0x0] =	vst.idx.msk $0xffff, v5  }
0x6c4: {  	[hbm4b:s21+s6] =	stream.strided.scatter [tilespmem:s11], [sflag:$0x3], $0x4000, s26, s6, $0x38;
	[tilespmem:$0x1B000] =	vst v63  }
0x6c5: {  	s22 =	sshll.u32 s23, $0x7;
	s21 =	sshll.u32 s23, $0xD  }
0x6c6: {  	s22 =	sand.u32 $0x200, s22;
	s21 =	sand.u32 $0xF0000, s21  }
0x6c7: {  	s21 =	sor.u32 s21, s22  }
0x6c8: {  	s21 =	sor.u32 s9, s21  }
0x6c9: {  	s21 =	sshrl.u32 s21, $0x3  }
0x6ca: {  	s21 =	sadd.s32 s2, s21  }
0x6cb: {  	[tilespmem:s7], [sflag:$0x1] =	stream.strided.gather [hbm4b:s21+s6], $0x4000, s26, s6, $0x38;
	[tilespmem:$0x1B000] =	vst v63  }
0x6cc: {  	_ =	swait.ge [sflag:s15], $0x4000  }
0x6cd: {  	[sflag:s15] =	ssyncset.done $0x0  }
0x6ce: {  	[sflag:s15] =	ssyncadd.s32 $0xFFFFC000  }
0x6cf: {  	_ =	swait.ge [sflag:s12], $0x4000  }
0x6d0: {  	[sflag:s12] =	ssyncset.done $0x0  }
0x6d1: {  	s22 =	simm.s32 $0x9000;
	[sflag:s12] =	ssyncadd.s32 $0xFFFFC000  }
0x6d2: {  	s23 =	simm.s32 $0x10;
	s21 =	simm.s32 $0x0;
	v5 =	vld [tilespmem:s22+$0x0]  }
.LBB2_145:
0x6d3: {  	p0 =	sne.s32 s23, $0x1FF0;
	_ =	sdelay $0x3  }
0x6d4: {  	v6 =	vshll.u32 v5, $0x1  }
0x6d5: {  	v5 =	vand.u32 $0x7F, v5;
	v6 =	vand.u32 $0xFFFFFF00, v6  }
0x6d6: {  	v5 =	vor.u32 v5, v6;
	_ =	sdelay $0x2  }
0x6d7: {  	v6 =	vmov s21  }
0x6d8: {  	v7 =	vor.u32 s21, v1;
	s21 =	smov.u32 s23;
	v6 =	vshll.u32 v6, $0x1  }
0x6d9: {  	v7 =	vand.u32 $0x7F, v7;
	v6 =	vand.u32 $0x3F00, v6;
	v8 =	vld.idx.msk [tilespmem:v5+s8+$0x0], $0xffff  }
0x6da: {  	v6 =	vor.u32 v7, v6  }
0x6db: {  	v5 =	vor.u32 $0x80, v5;
	_ =	sdelay $0x3  }
0x6dc: {  	[tilespmem:v6+s13+$0x0] =	vst.idx.msk $0xffff, v8  }
0x6dd: {  	v5 =	vld.idx.msk [tilespmem:v5+s8+$0x0], $0xffff  }
0x6de: {  	v6 =	vor.u32 $0x80, v6;
	_ =	sdelay $0x1  }
.Ltmp71:
0x6df: {  	(pc) =	sbr.rel @p0 .LBB2_145-.Ltmp71, $3  }
0x6e0: {  	_ =	sdelay $0x1  }
0x6e1: {  	s22 =	sadd.s32 $0x10, s22;
	[tilespmem:v6+s13+$0x0] =	vst.idx.msk $0xffff, v5  }
0x6e2: {  	s23 =	sadd.s32 $0x10, s23;
	v5 =	vld [tilespmem:s22+$0x0]  }
0x6e3: {  	_ =	sdelay $0x3  }
0x6e4: {  	v6 =	vshll.u32 v5, $0x1  }
0x6e5: {  	v5 =	vand.u32 $0x7F, v5;
	v6 =	vand.u32 $0xFFFFFF00, v6  }
0x6e6: {  	v5 =	vor.u32 v5, v6;
	_ =	sdelay $0x1  }
0x6e7: {  	v6 =	vmov s21  }
0x6e8: {  	v7 =	vor.u32 s21, v1;
	v6 =	vshll.u32 v6, $0x1  }
0x6e9: {  	v7 =	vand.u32 $0x7F, v7;
	v6 =	vand.u32 $0x3F00, v6  }
0x6ea: {  	v6 =	vor.u32 v7, v6;
	v8 =	vld.idx.msk [tilespmem:v5+s8+$0x0], $0xffff  }
0x6eb: {  	v5 =	vor.u32 $0x80, v5;
	_ =	sdelay $0x3  }
0x6ec: {  	[tilespmem:v6+s13+$0x0] =	vst.idx.msk $0xffff, v8  }
0x6ed: {  	v6 =	vor.u32 $0x80, v6;
	v5 =	vld.idx.msk [tilespmem:v5+s8+$0x0], $0xffff;
	_ =	sdelay $0x3  }
0x6ee: {  	s20 =	sadd.s32 s20, s5;
	s19 =	sadd.s32 $0x6, s19;
	s17 =	sadd.s32 $0x1, s17  }
0x6ef: {  	s20 =	sadd.s32 $0x20, s20;
	s23 =	sshll.u32 s19, $0x7;
	s19 =	sshll.u32 s19, $0xD;
	[tilespmem:v6+s13+$0x0] =	vst.idx.msk $0xffff, v5  }
0x6f0: {  	[hbm4b:s20+s6] =	stream.strided.scatter [tilespmem:s13], [sflag:$0x4], $0x4000, s26, s6, $0x38;
	[tilespmem:$0x1B000] =	vst v63  }
0x6f1: {  	p0 =	sne.s32 s17, $0xF;
	s19 =	sand.u32 $0xF0000, s19;
	s20 =	sand.u32 $0x300, s23  }
.Ltmp72:
0x6f2: {  	s19 =	sor.u32 s19, s20;
	(pc) =	sbr.rel @p0 .LBB2_142-.Ltmp72, $4  }
0x6f3: {  	s19 =	sor.u32 s9, s19  }
0x6f4: {  	s19 =	sshrl.u32 s19, $0x3  }
0x6f5: {  	s19 =	sadd.s32 s2, s19  }
0x6f6: {  	[tilespmem:s8], [sflag:$0x2] =	stream.strided.gather [hbm4b:s19+s6], $0x4000, s26, s6, $0x38;
	[tilespmem:$0x1B000] =	vst v63  }
0x6f7: {  	_ =	swait.ge [sflag:s14], $0x4000  }
0x6f8: {  	[sflag:s14] =	ssyncset.done $0x0  }
0x6f9: {  	[sflag:s14] =	ssyncadd.s32 $0xFFFFC000  }
0x6fa: {  	_ =	swait.ge [sflag:s10], $0x4000  }
0x6fb: {  	[sflag:s10] =	ssyncset.done $0x0  }
0x6fc: {  	s19 =	simm.s32 $0x9000;
	[sflag:s10] =	ssyncadd.s32 $0xFFFFC000  }
0x6fd: {  	s17 =	simm.s32 $0x0;
	s20 =	simm.s32 $0x10;
	v5 =	vld [tilespmem:s19+$0x0]  }
.LBB2_148:
0x6fe: {  	p0 =	sne.s32 s20, $0x1FF0;
	_ =	sdelay $0x3  }
0x6ff: {  	v6 =	vshll.u32 v5, $0x1  }
0x700: {  	v5 =	vand.u32 $0x7F, v5;
	v6 =	vand.u32 $0xFFFFFF00, v6  }
0x701: {  	v5 =	vor.u32 v5, v6;
	_ =	sdelay $0x2  }
0x702: {  	v6 =	vmov s17  }
0x703: {  	v7 =	vor.u32 s17, v1;
	s17 =	smov.u32 s20;
	v6 =	vshll.u32 v6, $0x1  }
0x704: {  	v7 =	vand.u32 $0x7F, v7;
	v6 =	vand.u32 $0x3F00, v6;
	v8 =	vld.idx.msk [tilespmem:v5+s7+$0x0], $0xffff  }
0x705: {  	v6 =	vor.u32 v7, v6  }
0x706: {  	v5 =	vor.u32 $0x80, v5;
	_ =	sdelay $0x3  }
0x707: {  	[tilespmem:v6+s11+$0x0] =	vst.idx.msk $0xffff, v8  }
0x708: {  	v5 =	vld.idx.msk [tilespmem:v5+s7+$0x0], $0xffff  }
0x709: {  	v6 =	vor.u32 $0x80, v6;
	_ =	sdelay $0x1  }
.Ltmp73:
0x70a: {  	(pc) =	sbr.rel @p0 .LBB2_148-.Ltmp73, $3  }
0x70b: {  	_ =	sdelay $0x1  }
0x70c: {  	s19 =	sadd.s32 $0x10, s19;
	[tilespmem:v6+s11+$0x0] =	vst.idx.msk $0xffff, v5  }
0x70d: {  	s20 =	sadd.s32 $0x10, s20;
	v5 =	vld [tilespmem:s19+$0x0]  }
0x70e: {  	_ =	sdelay $0x3  }
0x70f: {  	v6 =	vshll.u32 v5, $0x1  }
0x710: {  	v5 =	vand.u32 $0x7F, v5;
	v6 =	vand.u32 $0xFFFFFF00, v6  }
0x711: {  	v5 =	vor.u32 v5, v6;
	_ =	sdelay $0x1  }
0x712: {  	v6 =	vmov s17  }
0x713: {  	v7 =	vor.u32 s17, v1;
	v6 =	vshll.u32 v6, $0x1  }
0x714: {  	v7 =	vand.u32 $0x7F, v7;
	v6 =	vand.u32 $0x3F00, v6  }
0x715: {  	v6 =	vor.u32 v7, v6;
	v8 =	vld.idx.msk [tilespmem:v5+s7+$0x0], $0xffff  }
0x716: {  	v5 =	vor.u32 $0x80, v5;
	_ =	sdelay $0x3  }
0x717: {  	[tilespmem:v6+s11+$0x0] =	vst.idx.msk $0xffff, v8  }
0x718: {  	v6 =	vor.u32 $0x80, v6;
	v5 =	vld.idx.msk [tilespmem:v5+s7+$0x0], $0xffff;
	_ =	sdelay $0x4  }
0x719: {  	s23 =	rddreg [dreg:$0x1e];
	[tilespmem:v6+s11+$0x0] =	vst.idx.msk $0xffff, v5  }
0x71a: {  	[hbm4b:s23+s6] =	stream.strided.scatter [tilespmem:s11], [sflag:$0x3], $0x4000, s26, s6, $0x38;
	[tilespmem:$0x1B000] =	vst v63  }
0x71b: {  	_ =	swait.ge [sflag:s15], $0x4000  }
0x71c: {  	[sflag:s15] =	ssyncset.done $0x0  }
0x71d: {  	[sflag:s15] =	ssyncadd.s32 $0xFFFFC000  }
0x71e: {  	_ =	swait.ge [sflag:s12], $0x4000  }
0x71f: {  	[sflag:s12] =	ssyncset.done $0x0  }
0x720: {  	s19 =	simm.s32 $0x9000;
	[sflag:s12] =	ssyncadd.s32 $0xFFFFC000  }
0x721: {  	s20 =	simm.s32 $0x10;
	s17 =	simm.s32 $0x0;
	v5 =	vld [tilespmem:s19+$0x0]  }
.LBB2_150:
0x722: {  	p0 =	sne.s32 s20, $0x1FF0;
	_ =	sdelay $0x3  }
0x723: {  	v6 =	vshll.u32 v5, $0x1  }
0x724: {  	v5 =	vand.u32 $0x7F, v5;
	v6 =	vand.u32 $0xFFFFFF00, v6  }
0x725: {  	v5 =	vor.u32 v5, v6;
	_ =	sdelay $0x2  }
0x726: {  	v6 =	vmov s17  }
0x727: {  	v7 =	vor.u32 s17, v1;
	s17 =	smov.u32 s20;
	v6 =	vshll.u32 v6, $0x1  }
0x728: {  	v7 =	vand.u32 $0x7F, v7;
	v6 =	vand.u32 $0x3F00, v6;
	v8 =	vld.idx.msk [tilespmem:v5+s8+$0x0], $0xffff  }
0x729: {  	v6 =	vor.u32 v7, v6  }
0x72a: {  	v5 =	vor.u32 $0x80, v5;
	_ =	sdelay $0x3  }
0x72b: {  	[tilespmem:v6+s13+$0x0] =	vst.idx.msk $0xffff, v8  }
0x72c: {  	v5 =	vld.idx.msk [tilespmem:v5+s8+$0x0], $0xffff  }
0x72d: {  	v6 =	vor.u32 $0x80, v6;
	_ =	sdelay $0x1  }
.Ltmp74:
0x72e: {  	(pc) =	sbr.rel @p0 .LBB2_150-.Ltmp74, $3  }
0x72f: {  	_ =	sdelay $0x1  }
0x730: {  	s19 =	sadd.s32 $0x10, s19;
	[tilespmem:v6+s13+$0x0] =	vst.idx.msk $0xffff, v5  }
0x731: {  	s20 =	sadd.s32 $0x10, s20;
	v5 =	vld [tilespmem:s19+$0x0]  }
0x732: {  	_ =	sdelay $0x3  }
0x733: {  	v6 =	vshll.u32 v5, $0x1  }
0x734: {  	v5 =	vand.u32 $0x7F, v5;
	v6 =	vand.u32 $0xFFFFFF00, v6  }
0x735: {  	v5 =	vor.u32 v5, v6;
	_ =	sdelay $0x1  }
0x736: {  	v6 =	vmov s17  }
0x737: {  	v7 =	vor.u32 s17, v1;
	v6 =	vshll.u32 v6, $0x1  }
0x738: {  	v7 =	vand.u32 $0x7F, v7;
	v6 =	vand.u32 $0x3F00, v6  }
0x739: {  	v6 =	vor.u32 v7, v6;
	v8 =	vld.idx.msk [tilespmem:v5+s8+$0x0], $0xffff  }
0x73a: {  	v5 =	vor.u32 $0x80, v5;
	_ =	sdelay $0x3  }
0x73b: {  	[tilespmem:v6+s13+$0x0] =	vst.idx.msk $0xffff, v8  }
0x73c: {  	v6 =	vor.u32 $0x80, v6;
	v5 =	vld.idx.msk [tilespmem:v5+s8+$0x0], $0xffff;
	_ =	sdelay $0x2  }
0x73d: {  	s22 =	sld [smem:$0x7ED];
	_ =	sdelay $0x1  }
0x73e: {  	[tilespmem:v6+s13+$0x0] =	vst.idx.msk $0xffff, v5  }
0x73f: {  	[hbm4b:s22+s6] =	stream.strided.scatter [tilespmem:s13], [sflag:$0x4], $0x4000, s26, s6, $0x38;
	[tilespmem:$0x1B000] =	vst v63  }
0x740: {  	_ =	swait.ge [sflag:s14], $0x4000  }
0x741: {  	[sflag:s14] =	ssyncset.done $0x0  }
0x742: {  	[sflag:s14] =	ssyncadd.s32 $0xFFFFC000  }
0x743: {  	_ =	swait.ge [sflag:s15], $0x4000  }
0x744: {  	[sflag:s15] =	ssyncset.done $0x0  }
0x745: {  	s23 =	simm.s32 $0x0;
	s19 =	rddreg [dreg:$0x11];
	[sflag:s15] =	ssyncadd.s32 $0xFFFFC000  }
0x746: {  	[tilespmem:s23], [sflag:$0x5] =	stream.strided.gather [hbm4b:s19+s25], $0x2000, s26, s25, $0x38;
	[tilespmem:$0x1B000] =	vst v63  }
0x747: {  	_ =	swait.ge [sflag:s28], $0x2000  }
0x748: {  	[sflag:s28] =	ssyncset.done $0x0  }
0x749: {  	s17 =	simm.s32 $0x0;
	[sflag:s28] =	ssyncadd.s32 $0xFFFFE000  }
0x74a: {  	s19 =	simm.s32 $0x40;
	v5 =	vld [tilespmem:s17+$0x0]  }
.LBB2_152:
0x74b: {  	_ =	sdelay $0x1  }
0x74c: {  	p0 =	sne.s32 s19, $0x7FC0  }
.Ltmp75:
0x74d: {  	_ = 	snop;
	(pc) =	sbr.rel @p0 .LBB2_152-.Ltmp75, $4  }
0x74e: {  	v6 =	vshra.s32 v5, $0x1F  }
0x74f: {  	v7 =	vmov v5;
	v6 =	vor.u32 $0x80000000, v6  }
0x750: {  	s20 =	sshra.s32 s19, $0x2;
	v6 =	vxor.u32 v7, v6  }
0x751: {  	s19 =	sadd.s32 $0x40, s19;
	v5 =	vld [tilespmem:s20+$0x0];
	[tilespmem:s17+$0x2000] =	vst v6;
	s17 =	smov.u32 s20  }
0x752: {  	_ =	sdelay $0x3  }
0x753: {  	v6 =	vshra.s32 v5, $0x1F  }
0x754: {  	v6 =	vor.u32 $0x80000000, v6  }
0x755: {  	v5 =	vxor.u32 v5, v6  }
0x756: {  	s19 =	simm.s32 $0x0;
	[tilespmem:s17+$0x2000] =	vst v5;
	s17 =	simm.s32 $0x40  }
.LBB2_154:
0x757: {  	p0 =	sne.s32 s17, $0x3FC0;
	[tilespmem:s19+$0x8000] =	vst v0;
	s19 =	smov.u32 s17;
	s17 =	sadd.s32 $0x40, s17  }
.Ltmp76:
0x758: {  	(pc) =	sbr.rel @p0 .LBB2_154-.Ltmp76, $2  }
0x759: {  	_ =	sdelay $0x2  }
0x75a: {  	s19 =	sshra.s32 s19, $0x2  }
0x75b: {  	s17 =	simm.s32 $0x0  }
0x75c: {  	v5 =	vor.u32 s17, v2;
	_ =	sdelay $0x3  }
0x75d: {  	[tilespmem:s19+$0x8000] =	vst v0  }
0x75e: {  	v5 =	vld.idx.msk [tilespmem:v5+s29+$0x0], $0xffff;
	_ =	sdelay $0x4  }
0x75f: {  	v5 =	vshll.u32 v5, $0x4  }
0x760: {  	v5 =	vor.u32 v1, v5  }
0x761: {  	s23 =	simm.s32 $0x1;
	v5 =	vand.u32 $0xFFF, v5  }
0x762: {  	s19 =	simm.s32 $0x2;
	v6 =	vor.u32 s23, v2  }
.LBB2_156:
0x763: {  	p0 =	sne.s32 s19, $0x1FF;
	_ =	sdelay $0x2  }
0x764: {  	[tilespmem:v5+s30+$0x0] =	vst.idx.add.s32.msk $0xffff, v3  }
0x765: {  	v5 =	vld.idx.msk [tilespmem:v6+s29+$0x0], $0xffff;
	_ =	sdelay $0x4  }
.Ltmp77:
0x766: {  	(pc) =	sbr.rel @p0 .LBB2_156-.Ltmp77, $4  }
0x767: {  	v5 =	vshll.u32 v5, $0x4  }
0x768: {  	v5 =	vor.u32 v1, v5  }
0x769: {  	v5 =	vand.u32 $0xFFF, v5  }
0x76a: {  	v6 =	vor.u32 s19, v2;
	s19 =	sadd.s32 $0x1, s19  }
0x76b: {  	_ =	sdelay $0x3  }
0x76c: {  	[tilespmem:v5+s30+$0x0] =	vst.idx.add.s32.msk $0xffff, v3  }
0x76d: {  	v5 =	vld.idx.msk [tilespmem:v6+s29+$0x0], $0xffff;
	_ =	sdelay $0x4  }
0x76e: {  	v5 =	vshll.u32 v5, $0x4  }
0x76f: {  	v5 =	vor.u32 v1, v5  }
0x770: {  	v5 =	vand.u32 $0xFFF, v5;
	_ =	sdelay $0x4  }
0x771: {  	s21 =	simm.s32 $0x0;
	[tilespmem:v5+s30+$0x0] =	vst.idx.add.s32.msk $0xffff, v3  }
0x772: {  	v5 =	vld [tilespmem:s21+$0x8000];
	_ =	sdelay $0x4  }
0x773: {  	(xrf0) =	vadd.scan.msk.s32 $0xffff, v5;
	_ =	sdelay $0x5  }
0x774: {  	v6, _, _ =	vpop (xrf0)  }
0x775: {  	(v2sf) =	vpush v6, $0xF  }
0x776: {  	v5 =	vsub.s32 s17, v5  }
0x777: {  	v5 =	vadd.s32 v6, v5  }
0x778: {  	s19 =	simm.s32 $0x10;
	s20 =	simm.s32 $0x80;
	[tilespmem:s21+$0x8000] =	vst v5  }
.LBB2_158:
0x779: {  	p0 =	sne.s32 s20, $0x3FC0;
	v5 =	vld [tilespmem:s19+$0x8000];
	_ =	sdelay $0x4  }
0x77a: {  	(xrf0) =	vadd.scan.msk.s32 $0xffff, v5;
	_ =	sdelay $0x5  }
.Ltmp78:
0x77b: {  	v6, _, _ =	vpop (xrf0);
	s21 =	spop (v2sf);
	(pc) =	sbr.rel @p0 .LBB2_158-.Ltmp78, $4  }
0x77c: {  	(v2sf) =	vpush v6, $0xF;
	s17 =	sadd.s32 s17, s21  }
0x77d: {  	v5 =	vsub.s32 s17, v5  }
0x77e: {  	v5 =	vadd.s32 v6, v5  }
0x77f: {  	[tilespmem:s19+$0x8000] =	vst v5;
	s19 =	sshra.s32 s20, $0x2;
	s20 =	sadd.s32 $0x40, s20  }
0x780: {  	_ =	sdelay $0x1  }
0x781: {  	v6 =	vld [tilespmem:s19+$0x8000];
	_ =	sdelay $0x4  }
0x782: {  	(xrf0) =	vadd.scan.msk.s32 $0xffff, v6;
	_ =	sdelay $0x2  }
0x783: {  	s20 =	simm.s32 $0x0  }
0x784: {  	v5 =	vor.u32 s20, v2;
	s21 =	spop (v2sf)  }
0x785: {  	s17 =	sadd.s32 s17, s21  }
0x786: {  	v7, _, _ =	vpop (xrf0);
	v6 =	vsub.s32 s17, v6  }
0x787: {  	v6 =	vadd.s32 v7, v6  }
0x788: {  	[tilespmem:s19+$0x8000] =	vst v6  }
0x789: {  	v6 =	vld.idx.msk [tilespmem:v5+s29+$0x0], $0xffff;
	_ =	sdelay $0x2  }
0x78a: {  	(v2sf) =	vpush v7, $0xF;
	_ =	sdelay $0x1  }
0x78b: {  	v7 =	vshll.u32 v6, $0x4  }
0x78c: {  	v7 =	vor.u32 v1, v7  }
0x78d: {  	v8 =	vand.u32 $0xFFF, v7;
	_ =	sdelay $0x4  }
0x78e: {  	v9 =	vld.idx.msk [tilespmem:v8+s30+$0x0], $0xffff;
	_ =	sdelay $0x4  }
0x78f: {  	s22 =	simm.s32 $0x1  }
0x790: {  	s17 =	simm.s32 $0x2;
	v7 =	vor.u32 s22, v2;
	s23 =	spop (v2sf);
	v10 =	vadd.s32 $0x1, v9  }
.LBB2_160:
0x791: {  	p0 =	sne.s32 s17, $0x1FF;
	[tilespmem:v8+s30+$0x0] =	vst.idx.msk $0xffff, v10  }
0x792: {  	[tilespmem:v9+s31+$0x0] =	vst.idx.msk $0xffff, v6  }
0x793: {  	[tilespmem:v9+s4+$0x0] =	vst.idx.msk $0xffff, v5;
	v5 =	vmov v7  }
0x794: {  	v6 =	vld.idx.msk [tilespmem:v7+s29+$0x0], $0xffff;
	_ =	sdelay $0x5  }
0x795: {  	v7 =	vshll.u32 v6, $0x4  }
0x796: {  	v7 =	vor.u32 v1, v7  }
0x797: {  	v8 =	vand.u32 $0xFFF, v7;
	_ =	sdelay $0x4  }
0x798: {  	v9 =	vld.idx.msk [tilespmem:v8+s30+$0x0], $0xffff;
	_ =	sdelay $0x1  }
.Ltmp79:
0x799: {  	(pc) =	sbr.rel @p0 .LBB2_160-.Ltmp79, $3  }
0x79a: {  	_ =	sdelay $0x1  }
0x79b: {  	v7 =	vor.u32 s17, v2  }
0x79c: {  	s17 =	sadd.s32 $0x1, s17;
	v10 =	vadd.s32 $0x1, v9  }
0x79d: {  	_ =	sdelay $0x3  }
0x79e: {  	[tilespmem:v8+s30+$0x0] =	vst.idx.msk $0xffff, v10  }
0x79f: {  	[tilespmem:v9+s31+$0x0] =	vst.idx.msk $0xffff, v6  }
0x7a0: {  	[tilespmem:v9+s4+$0x0] =	vst.idx.msk $0xffff, v5  }
0x7a1: {  	v5 =	vld.idx.msk [tilespmem:v7+s29+$0x0], $0xffff;
	_ =	sdelay $0x4  }
0x7a2: {  	v6 =	vshll.u32 v5, $0x4  }
0x7a3: {  	v6 =	vor.u32 v1, v6  }
0x7a4: {  	v6 =	vand.u32 $0xFFF, v6;
	_ =	sdelay $0x4  }
0x7a5: {  	v8 =	vld.idx.msk [tilespmem:v6+s30+$0x0], $0xffff;
	_ =	sdelay $0x5  }
0x7a6: {  	v63 =	vadd.s32 $0x1, v8  }
0x7a7: {  	[tilespmem:v6+s30+$0x0] =	vst.idx.msk $0xffff, v63  }
0x7a8: {  	[tilespmem:v8+s31+$0x0] =	vst.idx.msk $0xffff, v5  }
0x7a9: {  	s17 =	simm.s32 $0x40;
	s19 =	simm.s32 $0x0;
	[tilespmem:v8+s4+$0x0] =	vst.idx.msk $0xffff, v7  }
.LBB2_162:
0x7aa: {  	p0 =	sne.s32 s17, $0x3FC0;
	[tilespmem:s19+$0x8000] =	vst v0;
	s19 =	smov.u32 s17;
	s17 =	sadd.s32 $0x40, s17  }
.Ltmp80:
0x7ab: {  	(pc) =	sbr.rel @p0 .LBB2_162-.Ltmp80, $2  }
0x7ac: {  	_ =	sdelay $0x2  }
0x7ad: {  	s19 =	sshra.s32 s19, $0x2  }
0x7ae: {  	s17 =	simm.s32 $0x0  }
0x7af: {  	v5 =	vor.u32 s17, v2;
	_ =	sdelay $0x3  }
0x7b0: {  	[tilespmem:s19+$0x8000] =	vst v0  }
0x7b1: {  	v5 =	vld.idx.msk [tilespmem:v5+s31+$0x0], $0xffff;
	_ =	sdelay $0x4  }
0x7b2: {  	v5 =	vshrl.u32 v5, $0x4  }
0x7b3: {  	v5 =	vand.u32 $0xFF0, v5  }
0x7b4: {  	s23 =	simm.s32 $0x1;
	v5 =	vor.u32 v1, v5  }
0x7b5: {  	s19 =	simm.s32 $0x2;
	v6 =	vor.u32 s23, v2  }
.LBB2_164:
0x7b6: {  	p0 =	sne.s32 s19, $0x1FF;
	_ =	sdelay $0x2  }
0x7b7: {  	[tilespmem:v5+s30+$0x0] =	vst.idx.add.s32.msk $0xffff, v3  }
0x7b8: {  	v5 =	vld.idx.msk [tilespmem:v6+s31+$0x0], $0xffff;
	_ =	sdelay $0x4  }
.Ltmp81:
0x7b9: {  	(pc) =	sbr.rel @p0 .LBB2_164-.Ltmp81, $4  }
0x7ba: {  	v5 =	vshrl.u32 v5, $0x4  }
0x7bb: {  	v5 =	vand.u32 $0xFF0, v5  }
0x7bc: {  	v5 =	vor.u32 v1, v5  }
0x7bd: {  	v6 =	vor.u32 s19, v2;
	s19 =	sadd.s32 $0x1, s19  }
0x7be: {  	_ =	sdelay $0x3  }
0x7bf: {  	[tilespmem:v5+s30+$0x0] =	vst.idx.add.s32.msk $0xffff, v3  }
0x7c0: {  	v5 =	vld.idx.msk [tilespmem:v6+s31+$0x0], $0xffff;
	_ =	sdelay $0x4  }
0x7c1: {  	v5 =	vshrl.u32 v5, $0x4  }
0x7c2: {  	v5 =	vand.u32 $0xFF0, v5  }
0x7c3: {  	v5 =	vor.u32 v1, v5;
	_ =	sdelay $0x4  }
0x7c4: {  	s21 =	simm.s32 $0x0;
	[tilespmem:v5+s30+$0x0] =	vst.idx.add.s32.msk $0xffff, v3  }
0x7c5: {  	v5 =	vld [tilespmem:s21+$0x8000];
	_ =	sdelay $0x4  }
0x7c6: {  	(xrf0) =	vadd.scan.msk.s32 $0xffff, v5;
	_ =	sdelay $0x5  }
0x7c7: {  	v6, _, _ =	vpop (xrf0)  }
0x7c8: {  	(v2sf) =	vpush v6, $0xF  }
0x7c9: {  	v5 =	vsub.s32 s17, v5  }
0x7ca: {  	v5 =	vadd.s32 v6, v5  }
0x7cb: {  	s19 =	simm.s32 $0x10;
	s20 =	simm.s32 $0x80;
	[tilespmem:s21+$0x8000] =	vst v5  }
.LBB2_166:
0x7cc: {  	p0 =	sne.s32 s20, $0x3FC0;
	v5 =	vld [tilespmem:s19+$0x8000];
	_ =	sdelay $0x4  }
0x7cd: {  	(xrf0) =	vadd.scan.msk.s32 $0xffff, v5;
	_ =	sdelay $0x5  }
.Ltmp82:
0x7ce: {  	v6, _, _ =	vpop (xrf0);
	s21 =	spop (v2sf);
	(pc) =	sbr.rel @p0 .LBB2_166-.Ltmp82, $4  }
0x7cf: {  	(v2sf) =	vpush v6, $0xF;
	s17 =	sadd.s32 s17, s21  }
0x7d0: {  	v5 =	vsub.s32 s17, v5  }
0x7d1: {  	v5 =	vadd.s32 v6, v5  }
0x7d2: {  	[tilespmem:s19+$0x8000] =	vst v5;
	s19 =	sshra.s32 s20, $0x2;
	s20 =	sadd.s32 $0x40, s20  }
0x7d3: {  	_ =	sdelay $0x1  }
0x7d4: {  	v5 =	vld [tilespmem:s19+$0x8000];
	_ =	sdelay $0x4  }
0x7d5: {  	(xrf0) =	vadd.scan.msk.s32 $0xffff, v5;
	_ =	sdelay $0x2  }
0x7d6: {  	s20 =	simm.s32 $0x0  }
0x7d7: {  	v7 =	vor.u32 s20, v2;
	s21 =	spop (v2sf)  }
0x7d8: {  	s17 =	sadd.s32 s17, s21  }
0x7d9: {  	v6, _, _ =	vpop (xrf0);
	v5 =	vsub.s32 s17, v5  }
0x7da: {  	v5 =	vadd.s32 v6, v5  }
0x7db: {  	[tilespmem:s19+$0x8000] =	vst v5  }
0x7dc: {  	v5 =	vld.idx.msk [tilespmem:v7+s31+$0x0], $0xffff;
	_ =	sdelay $0x4  }
0x7dd: {  	v8 =	vshrl.u32 v5, $0x4  }
0x7de: {  	(v2sf) =	vpush v6, $0xF;
	v6 =	vand.u32 $0xFF0, v8  }
0x7df: {  	v8 =	vor.u32 v1, v6;
	_ =	sdelay $0x4  }
0x7e0: {  	v6 =	vld.idx.msk [tilespmem:v8+s30+$0x0], $0xffff;
	_ =	sdelay $0x5  }
0x7e1: {  	v9 =	vadd.s32 $0x1, v6  }
0x7e2: {  	[tilespmem:v8+s30+$0x0] =	vst.idx.msk $0xffff, v9  }
0x7e3: {  	[tilespmem:v6+s29+$0x0] =	vst.idx.msk $0xffff, v5  }
0x7e4: {  	s22 =	simm.s32 $0x1;
	v7 =	vld.idx.msk [tilespmem:v7+s4+$0x0], $0xffff  }
0x7e5: {  	s17 =	simm.s32 $0x2;
	s23 =	spop (v2sf);
	v5 =	vor.u32 s22, v2  }
.LBB2_168:
0x7e6: {  	_ =	sdelay $0x2  }
0x7e7: {  	p0 =	sne.s32 s17, $0x1FF;
	s19 =	smov.u32 s17;
	s17 =	sadd.s32 $0x1, s17;
	[tilespmem:v6+s1+$0x0] =	vst.idx.msk $0xffff, v7  }
0x7e8: {  	v7 =	vld.idx.msk [tilespmem:v5+s31+$0x0], $0xffff;
	_ =	sdelay $0x5  }
0x7e9: {  	v6 =	vshrl.u32 v7, $0x4  }
0x7ea: {  	v6 =	vand.u32 $0xFF0, v6  }
0x7eb: {  	v8 =	vor.u32 v1, v6;
	_ =	sdelay $0x4  }
0x7ec: {  	v6 =	vld.idx.msk [tilespmem:v8+s30+$0x0], $0xffff;
	_ =	sdelay $0x5  }
0x7ed: {  	v9 =	vadd.s32 $0x1, v6  }
.Ltmp83:
0x7ee: {  	[tilespmem:v8+s30+$0x0] =	vst.idx.msk $0xffff, v9;
	(pc) =	sbr.rel @p0 .LBB2_168-.Ltmp83, $3  }
0x7ef: {  	[tilespmem:v6+s29+$0x0] =	vst.idx.msk $0xffff, v7  }
0x7f0: {  	v7 =	vld.idx.msk [tilespmem:v5+s4+$0x0], $0xffff;
	_ =	sdelay $0x1  }
0x7f1: {  	v5 =	vor.u32 s19, v2  }
0x7f2: {  	_ =	sdelay $0x3  }
0x7f3: {  	[tilespmem:v6+s1+$0x0] =	vst.idx.msk $0xffff, v7  }
0x7f4: {  	v6 =	vld.idx.msk [tilespmem:v5+s31+$0x0], $0xffff;
	_ =	sdelay $0x4  }
0x7f5: {  	v7 =	vshrl.u32 v6, $0x4  }
0x7f6: {  	v7 =	vand.u32 $0xFF0, v7  }
0x7f7: {  	v7 =	vor.u32 v1, v7;
	_ =	sdelay $0x4  }
0x7f8: {  	v8 =	vld.idx.msk [tilespmem:v7+s30+$0x0], $0xffff;
	_ =	sdelay $0x5  }
0x7f9: {  	v9 =	vadd.s32 $0x1, v8  }
0x7fa: {  	[tilespmem:v7+s30+$0x0] =	vst.idx.msk $0xffff, v9  }
0x7fb: {  	[tilespmem:v8+s29+$0x0] =	vst.idx.msk $0xffff, v6  }
0x7fc: {  	v5 =	vld.idx.msk [tilespmem:v5+s4+$0x0], $0xffff;
	_ =	sdelay $0x4  }
0x7fd: {  	s17 =	simm.s32 $0x40;
	s19 =	simm.s32 $0x0;
	[tilespmem:v8+s1+$0x0] =	vst.idx.msk $0xffff, v5  }
.LBB2_170:
0x7fe: {  	p0 =	sne.s32 s17, $0x3FC0;
	[tilespmem:s19+$0x8000] =	vst v0;
	s19 =	smov.u32 s17;
	s17 =	sadd.s32 $0x40, s17  }
.Ltmp84:
0x7ff: {  	(pc) =	sbr.rel @p0 .LBB2_170-.Ltmp84, $2  }
0x800: {  	_ =	sdelay $0x2  }
0x801: {  	s19 =	sshra.s32 s19, $0x2  }
0x802: {  	s17 =	simm.s32 $0x0  }
0x803: {  	v5 =	vor.u32 s17, v2;
	_ =	sdelay $0x3  }
0x804: {  	[tilespmem:s19+$0x8000] =	vst v0  }
0x805: {  	v5 =	vld.idx.msk [tilespmem:v5+s29+$0x0], $0xffff;
	_ =	sdelay $0x4  }
0x806: {  	v5 =	vshrl.u32 v5, $0xC  }
0x807: {  	v5 =	vand.u32 $0xFF0, v5  }
0x808: {  	s23 =	simm.s32 $0x1;
	v5 =	vor.u32 v1, v5  }
0x809: {  	s19 =	simm.s32 $0x2;
	v6 =	vor.u32 s23, v2  }
.LBB2_172:
0x80a: {  	p0 =	sne.s32 s19, $0x1FF;
	_ =	sdelay $0x2  }
0x80b: {  	[tilespmem:v5+s30+$0x0] =	vst.idx.add.s32.msk $0xffff, v3  }
0x80c: {  	v5 =	vld.idx.msk [tilespmem:v6+s29+$0x0], $0xffff;
	_ =	sdelay $0x4  }
.Ltmp85:
0x80d: {  	(pc) =	sbr.rel @p0 .LBB2_172-.Ltmp85, $4  }
0x80e: {  	v5 =	vshrl.u32 v5, $0xC  }
0x80f: {  	v5 =	vand.u32 $0xFF0, v5  }
0x810: {  	v5 =	vor.u32 v1, v5  }
0x811: {  	v6 =	vor.u32 s19, v2;
	s19 =	sadd.s32 $0x1, s19  }
0x812: {  	_ =	sdelay $0x3  }
0x813: {  	[tilespmem:v5+s30+$0x0] =	vst.idx.add.s32.msk $0xffff, v3  }
0x814: {  	v5 =	vld.idx.msk [tilespmem:v6+s29+$0x0], $0xffff;
	_ =	sdelay $0x4  }
0x815: {  	v5 =	vshrl.u32 v5, $0xC  }
0x816: {  	v5 =	vand.u32 $0xFF0, v5  }
0x817: {  	v5 =	vor.u32 v1, v5;
	_ =	sdelay $0x4  }
0x818: {  	s21 =	simm.s32 $0x0;
	[tilespmem:v5+s30+$0x0] =	vst.idx.add.s32.msk $0xffff, v3  }
0x819: {  	v5 =	vld [tilespmem:s21+$0x8000];
	_ =	sdelay $0x4  }
0x81a: {  	(xrf0) =	vadd.scan.msk.s32 $0xffff, v5;
	_ =	sdelay $0x5  }
0x81b: {  	v6, _, _ =	vpop (xrf0)  }
0x81c: {  	(v2sf) =	vpush v6, $0xF  }
0x81d: {  	v5 =	vsub.s32 s17, v5  }
0x81e: {  	v5 =	vadd.s32 v6, v5  }
0x81f: {  	s19 =	simm.s32 $0x10;
	s20 =	simm.s32 $0x80;
	[tilespmem:s21+$0x8000] =	vst v5  }
.LBB2_174:
0x820: {  	p0 =	sne.s32 s20, $0x3FC0;
	v5 =	vld [tilespmem:s19+$0x8000];
	_ =	sdelay $0x4  }
0x821: {  	(xrf0) =	vadd.scan.msk.s32 $0xffff, v5;
	_ =	sdelay $0x5  }
.Ltmp86:
0x822: {  	v6, _, _ =	vpop (xrf0);
	s21 =	spop (v2sf);
	(pc) =	sbr.rel @p0 .LBB2_174-.Ltmp86, $4  }
0x823: {  	(v2sf) =	vpush v6, $0xF;
	s17 =	sadd.s32 s17, s21  }
0x824: {  	v5 =	vsub.s32 s17, v5  }
0x825: {  	v5 =	vadd.s32 v6, v5  }
0x826: {  	[tilespmem:s19+$0x8000] =	vst v5;
	s19 =	sshra.s32 s20, $0x2;
	s20 =	sadd.s32 $0x40, s20  }
0x827: {  	_ =	sdelay $0x1  }
0x828: {  	v5 =	vld [tilespmem:s19+$0x8000];
	_ =	sdelay $0x4  }
0x829: {  	(xrf0) =	vadd.scan.msk.s32 $0xffff, v5;
	_ =	sdelay $0x2  }
0x82a: {  	s20 =	simm.s32 $0x0  }
0x82b: {  	v7 =	vor.u32 s20, v2;
	s21 =	spop (v2sf)  }
0x82c: {  	s17 =	sadd.s32 s17, s21  }
0x82d: {  	v6, _, _ =	vpop (xrf0);
	v5 =	vsub.s32 s17, v5  }
0x82e: {  	v5 =	vadd.s32 v6, v5  }
0x82f: {  	[tilespmem:s19+$0x8000] =	vst v5  }
0x830: {  	v5 =	vld.idx.msk [tilespmem:v7+s29+$0x0], $0xffff;
	_ =	sdelay $0x4  }
0x831: {  	v8 =	vshrl.u32 v5, $0xC  }
0x832: {  	(v2sf) =	vpush v6, $0xF;
	v6 =	vand.u32 $0xFF0, v8  }
0x833: {  	v8 =	vor.u32 v1, v6;
	_ =	sdelay $0x4  }
0x834: {  	v6 =	vld.idx.msk [tilespmem:v8+s30+$0x0], $0xffff;
	_ =	sdelay $0x5  }
0x835: {  	v9 =	vadd.s32 $0x1, v6  }
0x836: {  	[tilespmem:v8+s30+$0x0] =	vst.idx.msk $0xffff, v9  }
0x837: {  	[tilespmem:v6+s31+$0x0] =	vst.idx.msk $0xffff, v5  }
0x838: {  	s22 =	simm.s32 $0x1;
	v7 =	vld.idx.msk [tilespmem:v7+s1+$0x0], $0xffff  }
0x839: {  	s17 =	simm.s32 $0x2;
	s23 =	spop (v2sf);
	v5 =	vor.u32 s22, v2  }
.LBB2_176:
0x83a: {  	_ =	sdelay $0x2  }
0x83b: {  	p0 =	sne.s32 s17, $0x1FF;
	s19 =	smov.u32 s17;
	s17 =	sadd.s32 $0x1, s17;
	[tilespmem:v6+s4+$0x0] =	vst.idx.msk $0xffff, v7  }
0x83c: {  	v7 =	vld.idx.msk [tilespmem:v5+s29+$0x0], $0xffff;
	_ =	sdelay $0x5  }
0x83d: {  	v6 =	vshrl.u32 v7, $0xC  }
0x83e: {  	v6 =	vand.u32 $0xFF0, v6  }
0x83f: {  	v8 =	vor.u32 v1, v6;
	_ =	sdelay $0x4  }
0x840: {  	v6 =	vld.idx.msk [tilespmem:v8+s30+$0x0], $0xffff;
	_ =	sdelay $0x5  }
0x841: {  	v9 =	vadd.s32 $0x1, v6  }
.Ltmp87:
0x842: {  	[tilespmem:v8+s30+$0x0] =	vst.idx.msk $0xffff, v9;
	(pc) =	sbr.rel @p0 .LBB2_176-.Ltmp87, $3  }
0x843: {  	[tilespmem:v6+s31+$0x0] =	vst.idx.msk $0xffff, v7  }
0x844: {  	v7 =	vld.idx.msk [tilespmem:v5+s1+$0x0], $0xffff;
	_ =	sdelay $0x1  }
0x845: {  	v5 =	vor.u32 s19, v2  }
0x846: {  	_ =	sdelay $0x3  }
0x847: {  	[tilespmem:v6+s4+$0x0] =	vst.idx.msk $0xffff, v7  }
0x848: {  	v6 =	vld.idx.msk [tilespmem:v5+s29+$0x0], $0xffff;
	_ =	sdelay $0x4  }
0x849: {  	v7 =	vshrl.u32 v6, $0xC  }
0x84a: {  	v7 =	vand.u32 $0xFF0, v7  }
0x84b: {  	v7 =	vor.u32 v1, v7;
	_ =	sdelay $0x4  }
0x84c: {  	v8 =	vld.idx.msk [tilespmem:v7+s30+$0x0], $0xffff;
	_ =	sdelay $0x5  }
0x84d: {  	v9 =	vadd.s32 $0x1, v8  }
0x84e: {  	[tilespmem:v7+s30+$0x0] =	vst.idx.msk $0xffff, v9  }
0x84f: {  	[tilespmem:v8+s31+$0x0] =	vst.idx.msk $0xffff, v6  }
0x850: {  	v5 =	vld.idx.msk [tilespmem:v5+s1+$0x0], $0xffff;
	_ =	sdelay $0x4  }
0x851: {  	s17 =	simm.s32 $0x40;
	s19 =	simm.s32 $0x0;
	[tilespmem:v8+s4+$0x0] =	vst.idx.msk $0xffff, v5  }
.LBB2_178:
0x852: {  	p0 =	sne.s32 s17, $0x3FC0;
	[tilespmem:s19+$0x8000] =	vst v0;
	s19 =	smov.u32 s17;
	s17 =	sadd.s32 $0x40, s17  }
.Ltmp88:
0x853: {  	(pc) =	sbr.rel @p0 .LBB2_178-.Ltmp88, $2  }
0x854: {  	_ =	sdelay $0x2  }
0x855: {  	s19 =	sshra.s32 s19, $0x2  }
0x856: {  	s17 =	simm.s32 $0x0  }
0x857: {  	v5 =	vor.u32 s17, v2;
	_ =	sdelay $0x3  }
0x858: {  	[tilespmem:s19+$0x8000] =	vst v0  }
0x859: {  	v5 =	vld.idx.msk [tilespmem:v5+s31+$0x0], $0xffff;
	_ =	sdelay $0x4  }
0x85a: {  	v5 =	vshrl.u32 v5, $0x14  }
0x85b: {  	v5 =	vand.u32 $0xFF0, v5  }
0x85c: {  	s23 =	simm.s32 $0x1;
	v5 =	vor.u32 v1, v5  }
0x85d: {  	s19 =	simm.s32 $0x2;
	v6 =	vor.u32 s23, v2  }
.LBB2_180:
0x85e: {  	p0 =	sne.s32 s19, $0x1FF;
	_ =	sdelay $0x2  }
0x85f: {  	[tilespmem:v5+s30+$0x0] =	vst.idx.add.s32.msk $0xffff, v3  }
0x860: {  	v5 =	vld.idx.msk [tilespmem:v6+s31+$0x0], $0xffff;
	_ =	sdelay $0x4  }
.Ltmp89:
0x861: {  	(pc) =	sbr.rel @p0 .LBB2_180-.Ltmp89, $4  }
0x862: {  	v5 =	vshrl.u32 v5, $0x14  }
0x863: {  	v5 =	vand.u32 $0xFF0, v5  }
0x864: {  	v5 =	vor.u32 v1, v5  }
0x865: {  	v6 =	vor.u32 s19, v2;
	s19 =	sadd.s32 $0x1, s19  }
0x866: {  	_ =	sdelay $0x3  }
0x867: {  	[tilespmem:v5+s30+$0x0] =	vst.idx.add.s32.msk $0xffff, v3  }
0x868: {  	v5 =	vld.idx.msk [tilespmem:v6+s31+$0x0], $0xffff;
	_ =	sdelay $0x4  }
0x869: {  	v5 =	vshrl.u32 v5, $0x14  }
0x86a: {  	v5 =	vand.u32 $0xFF0, v5  }
0x86b: {  	v5 =	vor.u32 v1, v5;
	_ =	sdelay $0x4  }
0x86c: {  	s21 =	simm.s32 $0x0;
	[tilespmem:v5+s30+$0x0] =	vst.idx.add.s32.msk $0xffff, v3  }
0x86d: {  	v5 =	vld [tilespmem:s21+$0x8000];
	_ =	sdelay $0x4  }
0x86e: {  	(xrf0) =	vadd.scan.msk.s32 $0xffff, v5;
	_ =	sdelay $0x5  }
0x86f: {  	v6, _, _ =	vpop (xrf0)  }
0x870: {  	(v2sf) =	vpush v6, $0xF  }
0x871: {  	v5 =	vsub.s32 s17, v5  }
0x872: {  	v5 =	vadd.s32 v6, v5  }
0x873: {  	s19 =	simm.s32 $0x10;
	s20 =	simm.s32 $0x80;
	[tilespmem:s21+$0x8000] =	vst v5  }
.LBB2_182:
0x874: {  	p0 =	sne.s32 s20, $0x3FC0;
	v5 =	vld [tilespmem:s19+$0x8000];
	_ =	sdelay $0x4  }
0x875: {  	(xrf0) =	vadd.scan.msk.s32 $0xffff, v5;
	_ =	sdelay $0x5  }
.Ltmp90:
0x876: {  	v6, _, _ =	vpop (xrf0);
	s21 =	spop (v2sf);
	(pc) =	sbr.rel @p0 .LBB2_182-.Ltmp90, $4  }
0x877: {  	(v2sf) =	vpush v6, $0xF;
	s17 =	sadd.s32 s17, s21  }
0x878: {  	v5 =	vsub.s32 s17, v5  }
0x879: {  	v5 =	vadd.s32 v6, v5  }
0x87a: {  	[tilespmem:s19+$0x8000] =	vst v5;
	s19 =	sshra.s32 s20, $0x2;
	s20 =	sadd.s32 $0x40, s20  }
0x87b: {  	_ =	sdelay $0x1  }
0x87c: {  	v5 =	vld [tilespmem:s19+$0x8000];
	_ =	sdelay $0x4  }
0x87d: {  	(xrf0) =	vadd.scan.msk.s32 $0xffff, v5;
	_ =	sdelay $0x2  }
0x87e: {  	s20 =	simm.s32 $0x0  }
0x87f: {  	v7 =	vor.u32 s20, v2;
	s21 =	spop (v2sf)  }
0x880: {  	s17 =	sadd.s32 s17, s21  }
0x881: {  	v6, _, _ =	vpop (xrf0);
	v5 =	vsub.s32 s17, v5  }
0x882: {  	v5 =	vadd.s32 v6, v5  }
0x883: {  	[tilespmem:s19+$0x8000] =	vst v5  }
0x884: {  	v5 =	vld.idx.msk [tilespmem:v7+s31+$0x0], $0xffff;
	_ =	sdelay $0x4  }
0x885: {  	v8 =	vshrl.u32 v5, $0x14  }
0x886: {  	(v2sf) =	vpush v6, $0xF;
	v6 =	vand.u32 $0xFF0, v8  }
0x887: {  	v8 =	vor.u32 v1, v6;
	_ =	sdelay $0x4  }
0x888: {  	v6 =	vld.idx.msk [tilespmem:v8+s30+$0x0], $0xffff;
	_ =	sdelay $0x5  }
0x889: {  	v9 =	vadd.s32 $0x1, v6  }
0x88a: {  	[tilespmem:v8+s30+$0x0] =	vst.idx.msk $0xffff, v9  }
0x88b: {  	[tilespmem:v6+s29+$0x0] =	vst.idx.msk $0xffff, v5  }
0x88c: {  	s22 =	simm.s32 $0x1;
	v7 =	vld.idx.msk [tilespmem:v7+s4+$0x0], $0xffff  }
0x88d: {  	s17 =	simm.s32 $0x2;
	s23 =	spop (v2sf);
	v5 =	vor.u32 s22, v2  }
.LBB2_184:
0x88e: {  	_ =	sdelay $0x2  }
0x88f: {  	p0 =	sne.s32 s17, $0x1FF;
	s19 =	smov.u32 s17;
	s17 =	sadd.s32 $0x1, s17;
	[tilespmem:v6+s1+$0x0] =	vst.idx.msk $0xffff, v7  }
0x890: {  	v7 =	vld.idx.msk [tilespmem:v5+s31+$0x0], $0xffff;
	_ =	sdelay $0x5  }
0x891: {  	v6 =	vshrl.u32 v7, $0x14  }
0x892: {  	v6 =	vand.u32 $0xFF0, v6  }
0x893: {  	v8 =	vor.u32 v1, v6;
	_ =	sdelay $0x4  }
0x894: {  	v6 =	vld.idx.msk [tilespmem:v8+s30+$0x0], $0xffff;
	_ =	sdelay $0x5  }
0x895: {  	v9 =	vadd.s32 $0x1, v6  }
.Ltmp91:
0x896: {  	[tilespmem:v8+s30+$0x0] =	vst.idx.msk $0xffff, v9;
	(pc) =	sbr.rel @p0 .LBB2_184-.Ltmp91, $3  }
0x897: {  	[tilespmem:v6+s29+$0x0] =	vst.idx.msk $0xffff, v7  }
0x898: {  	v7 =	vld.idx.msk [tilespmem:v5+s4+$0x0], $0xffff;
	_ =	sdelay $0x1  }
0x899: {  	v5 =	vor.u32 s19, v2  }
0x89a: {  	_ =	sdelay $0x3  }
0x89b: {  	[tilespmem:v6+s1+$0x0] =	vst.idx.msk $0xffff, v7  }
0x89c: {  	v6 =	vld.idx.msk [tilespmem:v5+s31+$0x0], $0xffff;
	_ =	sdelay $0x4  }
0x89d: {  	v7 =	vshrl.u32 v6, $0x14  }
0x89e: {  	v7 =	vand.u32 $0xFF0, v7  }
0x89f: {  	v7 =	vor.u32 v1, v7;
	_ =	sdelay $0x4  }
0x8a0: {  	v8 =	vld.idx.msk [tilespmem:v7+s30+$0x0], $0xffff;
	_ =	sdelay $0x5  }
0x8a1: {  	v9 =	vadd.s32 $0x1, v8  }
0x8a2: {  	[tilespmem:v7+s30+$0x0] =	vst.idx.msk $0xffff, v9  }
0x8a3: {  	[tilespmem:v8+s29+$0x0] =	vst.idx.msk $0xffff, v6  }
0x8a4: {  	v5 =	vld.idx.msk [tilespmem:v5+s4+$0x0], $0xffff;
	_ =	sdelay $0x4  }
0x8a5: {  	s17 =	simm.s32 $0x0;
	[tilespmem:v8+s1+$0x0] =	vst.idx.msk $0xffff, v5  }
0x8a6: {  	s19 =	simm.s32 $0x40;
	v5 =	vld [tilespmem:s17+$0x2000]  }
.LBB2_186:
0x8a7: {  	_ =	sdelay $0x1  }
0x8a8: {  	p0 =	sne.s32 s19, $0x7FC0  }
.Ltmp92:
0x8a9: {  	_ = 	snop;
	(pc) =	sbr.rel @p0 .LBB2_186-.Ltmp92, $4  }
0x8aa: {  	vm0 =	vgt.s32 v5, $0xFFFFFFFF  }
0x8ab: {  	v6 =	vmov v5;
	v7 =	vsel vm0, $0xFFFFFFFF, v4  }
0x8ac: {  	s20 =	sshra.s32 s19, $0x2;
	v6 =	vxor.u32 v6, v7  }
0x8ad: {  	s19 =	sadd.s32 $0x40, s19;
	v5 =	vld [tilespmem:s20+$0x2000];
	[tilespmem:s17+$0x0] =	vst v6;
	s17 =	smov.u32 s20  }
0x8ae: {  	_ =	sdelay $0x3  }
0x8af: {  	vm0 =	vgt.s32 v5, $0xFFFFFFFF  }
0x8b0: {  	v6 =	vsel vm0, $0xFFFFFFFF, v4  }
0x8b1: {  	v5 =	vxor.u32 v5, v6  }
0x8b2: {  	s19 =	rddreg [dreg:$0x12];
	[tilespmem:s17+$0x0] =	vst v5;
	s17 =	simm.s32 $0x0  }
0x8b3: {  	[hbm4b:s19+s25] =	stream.strided.scatter [tilespmem:s17], [sflag:$0x5], $0x2000, s26, s25, $0x38;
	[tilespmem:$0x1B000] =	vst v63  }
0x8b4: {  	_ =	swait.ge [sflag:s28], $0x2000  }
0x8b5: {  	s22 =	sld [smem:$0x7F0]  }
0x8b6: {  	[sflag:s28] =	ssyncset.done $0x0  }
0x8b7: {  	s23 =	sld [smem:$0x7F6];
	[sflag:s28] =	ssyncadd.s32 $0xFFFFE000  }
0x8b8: {  	[tilespmem:s7], [sflag:$0x1] =	stream.strided.gather [hbm4b:s22+s6], $0x4000, s26, s6, $0x38;
	[tilespmem:$0x1B000] =	vst v63  }
0x8b9: {  	_ = 	snop  }
0x8ba: {  	[tilespmem:s8], [sflag:$0x2] =	stream.strided.gather [hbm4b:s23+s6], $0x4000, s26, s6, $0x38;
	[tilespmem:$0x1B000] =	vst v63  }
0x8bb: {  	_ =	swait.ge [sflag:s10], $0x4000  }
0x8bc: {  	[sflag:s10] =	ssyncset.done $0x0  }
0x8bd: {  	s19 =	simm.s32 $0x9000;
	[sflag:s10] =	ssyncadd.s32 $0xFFFFC000  }
0x8be: {  	s20 =	simm.s32 $0x10;
	v5 =	vld [tilespmem:s19+$0x0]  }
.LBB2_188:
0x8bf: {  	p0 =	sne.s32 s20, $0x1FF0;
	_ =	sdelay $0x3  }
0x8c0: {  	v6 =	vshll.u32 v5, $0x1  }
0x8c1: {  	v5 =	vand.u32 $0x7F, v5;
	v6 =	vand.u32 $0xFFFFFF00, v6  }
0x8c2: {  	v5 =	vor.u32 v5, v6;
	_ =	sdelay $0x2  }
0x8c3: {  	v6 =	vmov s17  }
0x8c4: {  	v7 =	vor.u32 s17, v1;
	s17 =	smov.u32 s20;
	v6 =	vshll.u32 v6, $0x1  }
0x8c5: {  	v7 =	vand.u32 $0x7F, v7;
	v6 =	vand.u32 $0x3F00, v6;
	v8 =	vld.idx.msk [tilespmem:v5+s7+$0x0], $0xffff  }
0x8c6: {  	v6 =	vor.u32 v7, v6  }
0x8c7: {  	v5 =	vor.u32 $0x80, v5;
	_ =	sdelay $0x3  }
0x8c8: {  	[tilespmem:v6+s11+$0x0] =	vst.idx.msk $0xffff, v8  }
0x8c9: {  	v5 =	vld.idx.msk [tilespmem:v5+s7+$0x0], $0xffff  }
0x8ca: {  	v6 =	vor.u32 $0x80, v6;
	_ =	sdelay $0x1  }
.Ltmp93:
0x8cb: {  	(pc) =	sbr.rel @p0 .LBB2_188-.Ltmp93, $3  }
0x8cc: {  	_ =	sdelay $0x1  }
0x8cd: {  	s19 =	sadd.s32 $0x10, s19;
	[tilespmem:v6+s11+$0x0] =	vst.idx.msk $0xffff, v5  }
0x8ce: {  	s20 =	sadd.s32 $0x10, s20;
	v5 =	vld [tilespmem:s19+$0x0]  }
0x8cf: {  	_ =	sdelay $0x3  }
0x8d0: {  	v6 =	vshll.u32 v5, $0x1  }
0x8d1: {  	v5 =	vand.u32 $0x7F, v5;
	v6 =	vand.u32 $0xFFFFFF00, v6  }
0x8d2: {  	v5 =	vor.u32 v5, v6;
	_ =	sdelay $0x1  }
0x8d3: {  	v6 =	vmov s17  }
0x8d4: {  	v7 =	vor.u32 s17, v1;
	v6 =	vshll.u32 v6, $0x1  }
0x8d5: {  	v7 =	vand.u32 $0x7F, v7;
	v6 =	vand.u32 $0x3F00, v6  }
0x8d6: {  	v6 =	vor.u32 v7, v6;
	v8 =	vld.idx.msk [tilespmem:v5+s7+$0x0], $0xffff  }
0x8d7: {  	v5 =	vor.u32 $0x80, v5;
	_ =	sdelay $0x3  }
0x8d8: {  	[tilespmem:v6+s11+$0x0] =	vst.idx.msk $0xffff, v8  }
0x8d9: {  	v6 =	vor.u32 $0x80, v6;
	v5 =	vld.idx.msk [tilespmem:v5+s7+$0x0], $0xffff;
	_ =	sdelay $0x2  }
0x8da: {  	s22 =	sld [smem:$0x7F1];
	_ =	sdelay $0x1  }
0x8db: {  	s23 =	sld [smem:$0x7F3];
	[tilespmem:v6+s11+$0x0] =	vst.idx.msk $0xffff, v5  }
0x8dc: {  	[hbm4b:s22+s6] =	stream.strided.scatter [tilespmem:s11], [sflag:$0x3], $0x4000, s26, s6, $0x38;
	[tilespmem:$0x1B000] =	vst v63  }
0x8dd: {  	_ = 	snop  }
0x8de: {  	[tilespmem:s7], [sflag:$0x1] =	stream.strided.gather [hbm4b:s23+s6], $0x4000, s26, s6, $0x38;
	[tilespmem:$0x1B000] =	vst v63  }
0x8df: {  	_ =	swait.ge [sflag:s12], $0x4000  }
0x8e0: {  	[sflag:s12] =	ssyncset.done $0x0  }
0x8e1: {  	s19 =	simm.s32 $0x9000;
	[sflag:s12] =	ssyncadd.s32 $0xFFFFC000  }
0x8e2: {  	s20 =	simm.s32 $0x10;
	s17 =	simm.s32 $0x0;
	v5 =	vld [tilespmem:s19+$0x0]  }
.LBB2_190:
0x8e3: {  	p0 =	sne.s32 s20, $0x1FF0;
	_ =	sdelay $0x3  }
0x8e4: {  	v6 =	vshll.u32 v5, $0x1  }
0x8e5: {  	v5 =	vand.u32 $0x7F, v5;
	v6 =	vand.u32 $0xFFFFFF00, v6  }
0x8e6: {  	v5 =	vor.u32 v5, v6;
	_ =	sdelay $0x2  }
0x8e7: {  	v6 =	vmov s17  }
0x8e8: {  	v7 =	vor.u32 s17, v1;
	s17 =	smov.u32 s20;
	v6 =	vshll.u32 v6, $0x1  }
0x8e9: {  	v7 =	vand.u32 $0x7F, v7;
	v6 =	vand.u32 $0x3F00, v6;
	v8 =	vld.idx.msk [tilespmem:v5+s8+$0x0], $0xffff  }
0x8ea: {  	v6 =	vor.u32 v7, v6  }
0x8eb: {  	v5 =	vor.u32 $0x80, v5;
	_ =	sdelay $0x3  }
0x8ec: {  	[tilespmem:v6+s13+$0x0] =	vst.idx.msk $0xffff, v8  }
0x8ed: {  	v5 =	vld.idx.msk [tilespmem:v5+s8+$0x0], $0xffff  }
0x8ee: {  	v6 =	vor.u32 $0x80, v6;
	_ =	sdelay $0x1  }
.Ltmp94:
0x8ef: {  	(pc) =	sbr.rel @p0 .LBB2_190-.Ltmp94, $3  }
0x8f0: {  	_ =	sdelay $0x1  }
0x8f1: {  	s19 =	sadd.s32 $0x10, s19;
	[tilespmem:v6+s13+$0x0] =	vst.idx.msk $0xffff, v5  }
0x8f2: {  	s20 =	sadd.s32 $0x10, s20;
	v5 =	vld [tilespmem:s19+$0x0]  }
0x8f3: {  	_ =	sdelay $0x3  }
0x8f4: {  	v6 =	vshll.u32 v5, $0x1  }
0x8f5: {  	v5 =	vand.u32 $0x7F, v5;
	v6 =	vand.u32 $0xFFFFFF00, v6  }
0x8f6: {  	v5 =	vor.u32 v5, v6;
	_ =	sdelay $0x1  }
0x8f7: {  	v6 =	vmov s17  }
0x8f8: {  	v7 =	vor.u32 s17, v1;
	v6 =	vshll.u32 v6, $0x1  }
0x8f9: {  	v7 =	vand.u32 $0x7F, v7;
	v6 =	vand.u32 $0x3F00, v6  }
0x8fa: {  	v6 =	vor.u32 v7, v6;
	v8 =	vld.idx.msk [tilespmem:v5+s8+$0x0], $0xffff  }
0x8fb: {  	v5 =	vor.u32 $0x80, v5;
	_ =	sdelay $0x3  }
0x8fc: {  	[tilespmem:v6+s13+$0x0] =	vst.idx.msk $0xffff, v8  }
0x8fd: {  	v6 =	vor.u32 $0x80, v6;
	v5 =	vld.idx.msk [tilespmem:v5+s8+$0x0], $0xffff;
	_ =	sdelay $0x2  }
0x8fe: {  	s22 =	sld [smem:$0x7F7];
	_ =	sdelay $0x1  }
0x8ff: {  	s23 =	sld [smem:$0x7F9];
	[tilespmem:v6+s13+$0x0] =	vst.idx.msk $0xffff, v5  }
0x900: {  	[hbm4b:s22+s6] =	stream.strided.scatter [tilespmem:s13], [sflag:$0x4], $0x4000, s26, s6, $0x38;
	[tilespmem:$0x1B000] =	vst v63  }
0x901: {  	s17 =	simm.s32 $0x1  }
0x902: {  	[tilespmem:s8], [sflag:$0x2] =	stream.strided.gather [hbm4b:s23+s6], $0x4000, s26, s6, $0x38;
	[tilespmem:$0x1B000] =	vst v63  }
.LBB2_192:
0x903: {  	_ =	swait.ge [sflag:s14], $0x4000  }
0x904: {  	[sflag:s14] =	ssyncset.done $0x0  }
0x905: {  	[sflag:s14] =	ssyncadd.s32 $0xFFFFC000  }
0x906: {  	_ =	swait.ge [sflag:s10], $0x4000  }
0x907: {  	[sflag:s10] =	ssyncset.done $0x0  }
0x908: {  	s20 =	simm.s32 $0x9000;
	[sflag:s10] =	ssyncadd.s32 $0xFFFFC000  }
0x909: {  	s19 =	simm.s32 $0x0;
	s21 =	simm.s32 $0x10;
	v5 =	vld [tilespmem:s20+$0x0]  }
.LBB2_193:
0x90a: {  	p0 =	sne.s32 s21, $0x1FF0;
	_ =	sdelay $0x3  }
0x90b: {  	v6 =	vshll.u32 v5, $0x1  }
0x90c: {  	v5 =	vand.u32 $0x7F, v5;
	v6 =	vand.u32 $0xFFFFFF00, v6  }
0x90d: {  	v5 =	vor.u32 v5, v6;
	_ =	sdelay $0x2  }
0x90e: {  	v6 =	vmov s19  }
0x90f: {  	v7 =	vor.u32 s19, v1;
	s19 =	smov.u32 s21;
	v6 =	vshll.u32 v6, $0x1  }
0x910: {  	v7 =	vand.u32 $0x7F, v7;
	v6 =	vand.u32 $0x3F00, v6;
	v8 =	vld.idx.msk [tilespmem:v5+s7+$0x0], $0xffff  }
0x911: {  	v6 =	vor.u32 v7, v6  }
0x912: {  	v5 =	vor.u32 $0x80, v5;
	_ =	sdelay $0x3  }
0x913: {  	[tilespmem:v6+s11+$0x0] =	vst.idx.msk $0xffff, v8  }
0x914: {  	v5 =	vld.idx.msk [tilespmem:v5+s7+$0x0], $0xffff  }
0x915: {  	v6 =	vor.u32 $0x80, v6;
	_ =	sdelay $0x1  }
.Ltmp95:
0x916: {  	(pc) =	sbr.rel @p0 .LBB2_193-.Ltmp95, $3  }
0x917: {  	_ =	sdelay $0x1  }
0x918: {  	s20 =	sadd.s32 $0x10, s20;
	[tilespmem:v6+s11+$0x0] =	vst.idx.msk $0xffff, v5  }
0x919: {  	s21 =	sadd.s32 $0x10, s21;
	v5 =	vld [tilespmem:s20+$0x0]  }
0x91a: {  	_ =	sdelay $0x3  }
0x91b: {  	v6 =	vshll.u32 v5, $0x1  }
0x91c: {  	v5 =	vand.u32 $0x7F, v5;
	v6 =	vand.u32 $0xFFFFFF00, v6  }
0x91d: {  	v5 =	vor.u32 v5, v6;
	_ =	sdelay $0x1  }
0x91e: {  	v6 =	vmov s19  }
0x91f: {  	v7 =	vor.u32 s19, v1;
	v6 =	vshll.u32 v6, $0x1  }
0x920: {  	v7 =	vand.u32 $0x7F, v7;
	v6 =	vand.u32 $0x3F00, v6  }
0x921: {  	v6 =	vor.u32 v7, v6;
	v8 =	vld.idx.msk [tilespmem:v5+s7+$0x0], $0xffff  }
0x922: {  	v5 =	vor.u32 $0x80, v5;
	_ =	sdelay $0x3  }
0x923: {  	s22 =	sshll.u32 s17, $0x9;
	s20 =	sshll.u32 s17, $0xF;
	[tilespmem:v6+s11+$0x0] =	vst.idx.msk $0xffff, v8  }
0x924: {  	s20 =	sand.u32 $0x70000, s20;
	s19 =	sand.u32 $0x200, s22;
	v6 =	vor.u32 $0x80, v6;
	v5 =	vld.idx.msk [tilespmem:v5+s7+$0x0], $0xffff  }
0x925: {  	s19 =	sor.u32 s20, s19  }
0x926: {  	s19 =	sor.u32 s18, s19  }
0x927: {  	s20 =	sshrl.u32 s19, $0x3;
	s19 =	sshll.u32 s17, $0x2  }
0x928: {  	s23 =	sadd.s32 $0x4, s19  }
0x929: {  	s21 =	sadd.s32 s5, s20;
	s22 =	sshll.u32 s23, $0xD;
	[tilespmem:v6+s11+$0x0] =	vst.idx.msk $0xffff, v5  }
0x92a: {  	[hbm4b:s21+s6] =	stream.strided.scatter [tilespmem:s11], [sflag:$0x3], $0x4000, s26, s6, $0x38;
	[tilespmem:$0x1B000] =	vst v63  }
0x92b: {  	s22 =	sand.u32 $0xF0000, s22;
	s21 =	sshll.u32 s23, $0x7  }
0x92c: {  	s22 =	sadd.s32 s18, s22;
	s21 =	sand.u32 $0x200, s21  }
0x92d: {  	s21 =	sor.u32 s21, s22  }
0x92e: {  	s21 =	sshrl.u32 s21, $0x3  }
0x92f: {  	s21 =	sadd.s32 s2, s21  }
0x930: {  	[tilespmem:s7], [sflag:$0x1] =	stream.strided.gather [hbm4b:s21+s6], $0x4000, s26, s6, $0x38;
	[tilespmem:$0x1B000] =	vst v63  }
0x931: {  	_ =	swait.ge [sflag:s15], $0x4000  }
0x932: {  	[sflag:s15] =	ssyncset.done $0x0  }
0x933: {  	[sflag:s15] =	ssyncadd.s32 $0xFFFFC000  }
0x934: {  	_ =	swait.ge [sflag:s12], $0x4000  }
0x935: {  	[sflag:s12] =	ssyncset.done $0x0  }
0x936: {  	s22 =	simm.s32 $0x9000;
	[sflag:s12] =	ssyncadd.s32 $0xFFFFC000  }
0x937: {  	s23 =	simm.s32 $0x10;
	s21 =	simm.s32 $0x0;
	v5 =	vld [tilespmem:s22+$0x0]  }
.LBB2_195:
0x938: {  	p0 =	sne.s32 s23, $0x1FF0;
	_ =	sdelay $0x3  }
0x939: {  	v6 =	vshll.u32 v5, $0x1  }
0x93a: {  	v5 =	vand.u32 $0x7F, v5;
	v6 =	vand.u32 $0xFFFFFF00, v6  }
0x93b: {  	v5 =	vor.u32 v5, v6;
	_ =	sdelay $0x2  }
0x93c: {  	v6 =	vmov s21  }
0x93d: {  	v7 =	vor.u32 s21, v1;
	s21 =	smov.u32 s23;
	v6 =	vshll.u32 v6, $0x1  }
0x93e: {  	v7 =	vand.u32 $0x7F, v7;
	v6 =	vand.u32 $0x3F00, v6;
	v8 =	vld.idx.msk [tilespmem:v5+s8+$0x0], $0xffff  }
0x93f: {  	v6 =	vor.u32 v7, v6  }
0x940: {  	v5 =	vor.u32 $0x80, v5;
	_ =	sdelay $0x3  }
0x941: {  	[tilespmem:v6+s13+$0x0] =	vst.idx.msk $0xffff, v8  }
0x942: {  	v5 =	vld.idx.msk [tilespmem:v5+s8+$0x0], $0xffff  }
0x943: {  	v6 =	vor.u32 $0x80, v6;
	_ =	sdelay $0x1  }
.Ltmp96:
0x944: {  	(pc) =	sbr.rel @p0 .LBB2_195-.Ltmp96, $3  }
0x945: {  	_ =	sdelay $0x1  }
0x946: {  	s22 =	sadd.s32 $0x10, s22;
	[tilespmem:v6+s13+$0x0] =	vst.idx.msk $0xffff, v5  }
0x947: {  	s23 =	sadd.s32 $0x10, s23;
	v5 =	vld [tilespmem:s22+$0x0]  }
0x948: {  	_ =	sdelay $0x3  }
0x949: {  	v6 =	vshll.u32 v5, $0x1  }
0x94a: {  	v5 =	vand.u32 $0x7F, v5;
	v6 =	vand.u32 $0xFFFFFF00, v6  }
0x94b: {  	v5 =	vor.u32 v5, v6;
	_ =	sdelay $0x1  }
0x94c: {  	v6 =	vmov s21  }
0x94d: {  	v7 =	vor.u32 s21, v1;
	v6 =	vshll.u32 v6, $0x1  }
0x94e: {  	v7 =	vand.u32 $0x7F, v7;
	v6 =	vand.u32 $0x3F00, v6  }
0x94f: {  	v6 =	vor.u32 v7, v6;
	v8 =	vld.idx.msk [tilespmem:v5+s8+$0x0], $0xffff  }
0x950: {  	v5 =	vor.u32 $0x80, v5;
	_ =	sdelay $0x3  }
0x951: {  	[tilespmem:v6+s13+$0x0] =	vst.idx.msk $0xffff, v8  }
0x952: {  	v6 =	vor.u32 $0x80, v6;
	v5 =	vld.idx.msk [tilespmem:v5+s8+$0x0], $0xffff;
	_ =	sdelay $0x3  }
0x953: {  	s20 =	sadd.s32 s20, s5;
	s19 =	sadd.s32 $0x6, s19  }
0x954: {  	s17 =	sadd.s32 $0x1, s17;
	s20 =	sadd.s32 $0x20, s20;
	s23 =	sshll.u32 s19, $0xD;
	[tilespmem:v6+s13+$0x0] =	vst.idx.msk $0xffff, v5  }
0x955: {  	[hbm4b:s20+s6] =	stream.strided.scatter [tilespmem:s13], [sflag:$0x4], $0x4000, s26, s6, $0x38;
	[tilespmem:$0x1B000] =	vst v63  }
0x956: {  	s19 =	sshll.u32 s19, $0x7;
	p0 =	sne.s32 s17, $0xF;
	s20 =	sand.u32 $0xF0000, s23  }
.Ltmp97:
0x957: {  	s19 =	sand.u32 $0x300, s19;
	s20 =	sadd.s32 s18, s20;
	(pc) =	sbr.rel @p0 .LBB2_192-.Ltmp97, $4  }
0x958: {  	s19 =	sor.u32 s19, s20  }
0x959: {  	s19 =	sshrl.u32 s19, $0x3  }
0x95a: {  	s19 =	sadd.s32 s2, s19  }
0x95b: {  	[tilespmem:s8], [sflag:$0x2] =	stream.strided.gather [hbm4b:s19+s6], $0x4000, s26, s6, $0x38;
	[tilespmem:$0x1B000] =	vst v63  }
0x95c: {  	_ =	swait.ge [sflag:s14], $0x4000  }
0x95d: {  	[sflag:s14] =	ssyncset.done $0x0  }
0x95e: {  	[sflag:s14] =	ssyncadd.s32 $0xFFFFC000  }
0x95f: {  	_ =	swait.ge [sflag:s10], $0x4000  }
0x960: {  	[sflag:s10] =	ssyncset.done $0x0  }
0x961: {  	s19 =	simm.s32 $0x9000;
	[sflag:s10] =	ssyncadd.s32 $0xFFFFC000  }
0x962: {  	s17 =	simm.s32 $0x0;
	s20 =	simm.s32 $0x10;
	v5 =	vld [tilespmem:s19+$0x0]  }
.LBB2_198:
0x963: {  	p0 =	sne.s32 s20, $0x1FF0;
	_ =	sdelay $0x3  }
0x964: {  	v6 =	vshll.u32 v5, $0x1  }
0x965: {  	v5 =	vand.u32 $0x7F, v5;
	v6 =	vand.u32 $0xFFFFFF00, v6  }
0x966: {  	v5 =	vor.u32 v5, v6;
	_ =	sdelay $0x2  }
0x967: {  	v6 =	vmov s17  }
0x968: {  	v7 =	vor.u32 s17, v1;
	s17 =	smov.u32 s20;
	v6 =	vshll.u32 v6, $0x1  }
0x969: {  	v7 =	vand.u32 $0x7F, v7;
	v6 =	vand.u32 $0x3F00, v6;
	v8 =	vld.idx.msk [tilespmem:v5+s7+$0x0], $0xffff  }
0x96a: {  	v6 =	vor.u32 v7, v6  }
0x96b: {  	v5 =	vor.u32 $0x80, v5;
	_ =	sdelay $0x3  }
0x96c: {  	[tilespmem:v6+s11+$0x0] =	vst.idx.msk $0xffff, v8  }
0x96d: {  	v5 =	vld.idx.msk [tilespmem:v5+s7+$0x0], $0xffff  }
0x96e: {  	v6 =	vor.u32 $0x80, v6;
	_ =	sdelay $0x1  }
.Ltmp98:
0x96f: {  	(pc) =	sbr.rel @p0 .LBB2_198-.Ltmp98, $3  }
0x970: {  	_ =	sdelay $0x1  }
0x971: {  	s19 =	sadd.s32 $0x10, s19;
	[tilespmem:v6+s11+$0x0] =	vst.idx.msk $0xffff, v5  }
0x972: {  	s20 =	sadd.s32 $0x10, s20;
	v5 =	vld [tilespmem:s19+$0x0]  }
0x973: {  	_ =	sdelay $0x3  }
0x974: {  	v6 =	vshll.u32 v5, $0x1  }
0x975: {  	v5 =	vand.u32 $0x7F, v5;
	v6 =	vand.u32 $0xFFFFFF00, v6  }
0x976: {  	v5 =	vor.u32 v5, v6;
	_ =	sdelay $0x1  }
0x977: {  	v6 =	vmov s17  }
0x978: {  	v7 =	vor.u32 s17, v1;
	v6 =	vshll.u32 v6, $0x1  }
0x979: {  	v7 =	vand.u32 $0x7F, v7;
	v6 =	vand.u32 $0x3F00, v6  }
0x97a: {  	v6 =	vor.u32 v7, v6;
	v8 =	vld.idx.msk [tilespmem:v5+s7+$0x0], $0xffff  }
0x97b: {  	v5 =	vor.u32 $0x80, v5;
	_ =	sdelay $0x3  }
0x97c: {  	[tilespmem:v6+s11+$0x0] =	vst.idx.msk $0xffff, v8  }
0x97d: {  	v6 =	vor.u32 $0x80, v6;
	v5 =	vld.idx.msk [tilespmem:v5+s7+$0x0], $0xffff;
	_ =	sdelay $0x2  }
0x97e: {  	s23 =	sld [smem:$0x7FB];
	_ =	sdelay $0x1  }
0x97f: {  	[tilespmem:v6+s11+$0x0] =	vst.idx.msk $0xffff, v5  }
0x980: {  	[hbm4b:s23+s6] =	stream.strided.scatter [tilespmem:s11], [sflag:$0x3], $0x4000, s26, s6, $0x38;
	[tilespmem:$0x1B000] =	vst v63  }
0x981: {  	_ =	swait.ge [sflag:s15], $0x4000  }
0x982: {  	[sflag:s15] =	ssyncset.done $0x0  }
0x983: {  	[sflag:s15] =	ssyncadd.s32 $0xFFFFC000  }
0x984: {  	_ =	swait.ge [sflag:s12], $0x4000  }
0x985: {  	[sflag:s12] =	ssyncset.done $0x0  }
0x986: {  	s19 =	simm.s32 $0x9000;
	[sflag:s12] =	ssyncadd.s32 $0xFFFFC000  }
0x987: {  	s20 =	simm.s32 $0x10;
	s17 =	simm.s32 $0x0;
	v5 =	vld [tilespmem:s19+$0x0]  }
.LBB2_200:
0x988: {  	p0 =	sne.s32 s20, $0x1FF0;
	_ =	sdelay $0x3  }
0x989: {  	v6 =	vshll.u32 v5, $0x1  }
0x98a: {  	v5 =	vand.u32 $0x7F, v5;
	v6 =	vand.u32 $0xFFFFFF00, v6  }
0x98b: {  	v5 =	vor.u32 v5, v6;
	_ =	sdelay $0x2  }
0x98c: {  	v6 =	vmov s17  }
0x98d: {  	v7 =	vor.u32 s17, v1;
	s17 =	smov.u32 s20;
	v6 =	vshll.u32 v6, $0x1  }
0x98e: {  	v7 =	vand.u32 $0x7F, v7;
	v6 =	vand.u32 $0x3F00, v6;
	v8 =	vld.idx.msk [tilespmem:v5+s8+$0x0], $0xffff  }
0x98f: {  	v6 =	vor.u32 v7, v6  }
0x990: {  	v5 =	vor.u32 $0x80, v5;
	_ =	sdelay $0x3  }
0x991: {  	[tilespmem:v6+s13+$0x0] =	vst.idx.msk $0xffff, v8  }
0x992: {  	v5 =	vld.idx.msk [tilespmem:v5+s8+$0x0], $0xffff  }
0x993: {  	v6 =	vor.u32 $0x80, v6;
	_ =	sdelay $0x1  }
.Ltmp99:
0x994: {  	(pc) =	sbr.rel @p0 .LBB2_200-.Ltmp99, $3  }
0x995: {  	_ =	sdelay $0x1  }
0x996: {  	s19 =	sadd.s32 $0x10, s19;
	[tilespmem:v6+s13+$0x0] =	vst.idx.msk $0xffff, v5  }
0x997: {  	s20 =	sadd.s32 $0x10, s20;
	v5 =	vld [tilespmem:s19+$0x0]  }
0x998: {  	_ =	sdelay $0x3  }
0x999: {  	v6 =	vshll.u32 v5, $0x1  }
0x99a: {  	v5 =	vand.u32 $0x7F, v5;
	v6 =	vand.u32 $0xFFFFFF00, v6  }
0x99b: {  	v5 =	vor.u32 v5, v6;
	_ =	sdelay $0x1  }
0x99c: {  	v6 =	vmov s17  }
0x99d: {  	v7 =	vor.u32 s17, v1;
	v6 =	vshll.u32 v6, $0x1  }
0x99e: {  	v7 =	vand.u32 $0x7F, v7;
	v6 =	vand.u32 $0x3F00, v6  }
0x99f: {  	v6 =	vor.u32 v7, v6;
	v8 =	vld.idx.msk [tilespmem:v5+s8+$0x0], $0xffff  }
0x9a0: {  	v5 =	vor.u32 $0x80, v5;
	_ =	sdelay $0x3  }
0x9a1: {  	[tilespmem:v6+s13+$0x0] =	vst.idx.msk $0xffff, v8  }
0x9a2: {  	v6 =	vor.u32 $0x80, v6;
	v5 =	vld.idx.msk [tilespmem:v5+s8+$0x0], $0xffff;
	_ =	sdelay $0x2  }
0x9a3: {  	s23 =	sld [smem:$0x7FD];
	_ =	sdelay $0x1  }
0x9a4: {  	s16 =	sadd.s32 $0x1, s16;
	[tilespmem:v6+s13+$0x0] =	vst.idx.msk $0xffff, v5  }
0x9a5: {  	[hbm4b:s23+s6] =	stream.strided.scatter [tilespmem:s13], [sflag:$0x4], $0x4000, s26, s6, $0x38;
	[tilespmem:$0x1B000] =	vst v63  }
0x9a6: {  	p0 =	sne.s32 s16, s24;
	_ =	swait.ge [sflag:s14], $0x4000  }
.Ltmp100:
0x9a7: {  	[sflag:s14] =	ssyncset.done $0x0;
	(pc) =	sbr.rel @p0 .LBB2_1-.Ltmp100, $4  }
0x9a8: {  	[sflag:s14] =	ssyncadd.s32 $0xFFFFC000  }
0x9a9: {  	_ =	swait.ge [sflag:s15], $0x4000  }
0x9aa: {  	[sflag:s15] =	ssyncset.done $0x0  }
0x9ab: {  	[sflag:s15] =	ssyncadd.s32 $0xFFFFC000  }
0x9ac: {  	_ =	sfence.sel $0x180000  }
0x9ad: {  	[bflag:$0x0] =	sbarrier.arrive $0xFFFF  }
0x9ae: {  	_ =	strace $0x90000047  }
0x9af: {  	s0 =	stileid.u32;
	[bflag:$0x2] =	sbarrier.arrive $0xFFFF  }
0x9b0: {  	p0 =	sne.s32 s0, $0x0;
	s0 =	rddreg [dreg:$0x8]  }
0x9b1: {  	s0 =	sadd.s32 @!p0 $0x100000, s0  }
0x9b2: {  	[sflag:s0] =	ssyncadd.tile.s32 @!p0 $0x1;
	_ =	shalt  }
.Lfunc_end2:
_tile_overlayer_lowered:
.L_overlay_start_2:
0x9b3: {  	(tag) =	ssettag $0x2  }
0x9b4: {  	s0 =	rddreg [dreg:$0x0];
	s2 =	stileid.u32  }
0x9b5: {  	s1 =	rddreg [dreg:$0x1];
	p0 =	sne.s32 s2, $0x0  }
0x9b6: {  	s3 =	rddreg [dreg:$0x2];
	[bflag:$0x3] =	sbarrier.arrive $0xFFFF;
	s2 =	simm.s32 @!p0 $0x1C05  }
0x9b7: {  	[timem:s3], [sflag:s2] =	dma.local @!p0 [hbm:s0], s1  }
0x9b8: {  	s0 =	simm.s32 @!p0 $0x5  }
0x9b9: {  	_ =	swait.ge @!p0 [sflag:s0], s1  }
0x9ba: {  	s1 =	ssub.s32 @!p0 $0x0, s1;
	[sflag:s0] =	ssyncset.done @!p0 $0x0  }
0x9bb: {  	[sflag:s0] =	ssyncadd.s32 @!p0 s1  }
0x9bc: {  	[bflag:$0x3] =	sbarrier.arrive $0xFFFF  }
0x9bd: {  	_ =	shalt  }

</sc_bundles>
